<compile_context>
chip_gen: v7x
topology: tpu7x:2x2x1
jax: 0.10.2.dev20260603
libtpu: 0.0.44.dev20260713+nightly
codegen_flags: <defaults>
</compile_context>

<pallas_src>
import functools
import math

import jax
import jax.numpy as jnp
from jax import lax
from jax.experimental import pallas as pl
from jax.experimental.pallas import tpu as pltpu
from jax.experimental.pallas import tpu_sc as plsc

_R = 256
_NB_ROWS = 1024
_D = 48
_NEG = -1e30



def _gat_table_kern(x_ref, w_ref, as_ref, ad_ref, tab_ref, d_ref):
    h = jnp.dot(x_ref[...], w_ref[...], preferred_element_type=jnp.float32)
    s = jnp.sum(h * as_ref[...], axis=1, keepdims=True)
    d = jnp.sum(h * ad_ref[...], axis=1, keepdims=True)
    pad = jnp.zeros((h.shape[0], _D - h.shape[1] - 1), jnp.float32)
    tab_ref[...] = jnp.concatenate([h, s, pad], axis=1)
    d_ref[...] = d


def _gcn_table_kern(x_ref, w_ref, dinv_ref, tab_ref):
    h = jnp.dot(x_ref[...], w_ref[...], preferred_element_type=jnp.float32)
    pad = jnp.zeros((h.shape[0], _D - h.shape[1] - 1), jnp.float32)
    tab_ref[...] = jnp.concatenate([h, dinv_ref[...], pad], axis=1)


def _onehot(dl, k):
    ids = lax.broadcasted_iota(jnp.int32, (dl.shape[0], _R), 1)
    return dl[:, None] == ids


def _deg_kern(dl_ref, dinv_ref):
    pf = _onehot(dl_ref[0, 0], _R).astype(jnp.float32)
    deg = jnp.sum(pf, axis=0)[:, None]
    dinv_ref[...] = jnp.where(deg > 0, lax.rsqrt(jnp.maximum(deg, 1.0)), 0.0)


def _gat_bucket_kern(g_ref, dl_ref, d_ref, b_ref, out_ref):
    g = g_ref[0]
    h_src = g[:, :40]
    s_src = g[:, 40]
    pb = _onehot(dl_ref[0, 0], _R)
    pf = pb.astype(jnp.float32)
    d_exp = jnp.dot(pf, d_ref[...], preferred_element_type=jnp.float32)[:, 0]
    alpha = s_src + d_exp
    alpha = jnp.where(alpha > 0, alpha, 0.2 * alpha)
    masked = jnp.where(pb, alpha[:, None], _NEG)
    amax = jnp.max(masked, axis=0)
    amax_exp = jnp.dot(pf, amax[:, None],
                       preferred_element_type=jnp.float32)[:, 0]
    ev = jnp.exp(alpha - amax_exp)
    den = jax.lax.dot_general(pf, ev[:, None], (((0,), (0,)), ((), ())),
                              preferred_element_type=jnp.float32)[:, 0]
    den_exp = jnp.dot(pf, den[:, None],
                      preferred_element_type=jnp.float32)[:, 0]
    coef = ev / (den_exp + 1e-16)
    out = jax.lax.dot_general(pf * coef[:, None], h_src,
                              (((0,), (0,)), ((), ())),
                              preferred_element_type=jnp.float32)
    out_ref[...] = jnp.maximum(out + b_ref[...], 0.0)


def _gcn_bucket_kern(g_ref, dl_ref, dinv_ref, b_ref, out_ref):
    g = g_ref[0]
    h_src = g[:, :40]
    dinv_src = g[:, 40]
    pf = _onehot(dl_ref[0, 0], _R).astype(jnp.float32)
    dinv_exp = jnp.dot(pf, dinv_ref[...],
                       preferred_element_type=jnp.float32)[:, 0]
    norm = dinv_src * dinv_exp
    out = jax.lax.dot_general(pf * norm[:, None], h_src,
                              (((0,), (0,)), ((), ())),
                              preferred_element_type=jnp.float32)
    out_ref[...] = jnp.maximum(out + b_ref[...], 0.0)


def _pool_kern(x_ref, batch_ref, out_ref):
    i = pl.program_id(0)

    @pl.when(i == 0)
    def _():
        out_ref[...] = jnp.full(out_ref.shape, _NEG, jnp.float32)

    bcol = batch_ref[...]
    xv = x_ref[...]
    for b in range(64):
        mb = jnp.max(jnp.where(bcol == b, xv, _NEG), axis=0)
        out_ref[b, :] = jnp.maximum(out_ref[b, :], mb)


def _head_kern(g_ref, wf_ref, bf_ref, out_ref):
    logits = jnp.dot(g_ref[...], wf_ref[...],
                     preferred_element_type=jnp.float32) + bf_ref[...]
    m = jnp.max(logits, axis=1, keepdims=True)
    lse = jnp.log(jnp.sum(jnp.exp(logits - m), axis=1, keepdims=True)) + m
    out_ref[...] = logits - lse



def _make_sc_gather(n_rows, e_tot):
    try:
        info = plsc.get_sparse_core_info()
        nc, ns = info.num_cores, info.num_subcores
    except ValueError:
        nc, ns = 2, 16
    nw = nc * ns
    per_w = e_tot // nw
    chunks = per_w // 128
    mesh = plsc.VectorSubcoreMesh(core_axis_name="c", subcore_axis_name="s",
                                  num_cores=nc, num_subcores=ns)

    @functools.partial(
        pl.kernel, mesh=mesh,
        compiler_params=pltpu.CompilerParams(use_tc_tiling_on_sc=False),
        out_type=jax.ShapeDtypeStruct((e_tot, _D), jnp.float32),
        scratch_types=[
            pltpu.VMEM((128,), jnp.int32),
            pltpu.VMEM((128, _D), jnp.float32),
            pltpu.SemaphoreType.DMA,
        ],
    )
    def k(tab_hbm, idx_hbm, out_hbm, idx_v, rows_v, sem):
        wid = lax.axis_index("s") * nc + lax.axis_index("c")

        def body(t, _):
            base = wid * per_w + t * 128
            pltpu.sync_copy(idx_hbm.at[pl.ds(base, 128)], idx_v)
            pltpu.async_copy(tab_hbm.at[idx_v], rows_v, sem).wait()
            pltpu.sync_copy(rows_v, out_hbm.at[pl.ds(base, 128)])
            return _

        lax.fori_loop(0, chunks, body, None)

    return k



def kernel(x, edge_index, batch, W1, a_src1, a_dst1, b1, W2, a_src2, a_dst2,
           b2, W3, b3, W4, b4, W5, b5, W6, b6, Wf, bf):
    n = x.shape[0]
    n_pad = ((n + _R - 1) // _R) * _R
    nb = n_pad // _R

    loop = jnp.arange(n, dtype=edge_index.dtype)
    src = jnp.concatenate([edge_index[0], loop])
    dst = jnp.concatenate([edge_index[1], loop])
    e_all = src.shape[0]
    order = jnp.argsort(dst)
    src_s = src[order]
    dst_s = dst[order]

    mean = e_all * _R / n
    kmax = int(mean + 12.0 * math.sqrt(mean) + 64.0)
    kmax = ((kmax + 127) // 128) * 128

    bucket = dst_s // _R
    bstart = jnp.searchsorted(dst_s, jnp.arange(nb, dtype=dst_s.dtype) * _R)
    rank = jnp.arange(e_all, dtype=jnp.int32) - bstart[bucket].astype(jnp.int32)
    flat_pos = bucket.astype(jnp.int32) * kmax + rank
    e_tot = nb * kmax
    e_tot_pad = ((e_tot + 4095) // 4096) * 4096
    src_pad = jnp.full((e_tot_pad,), n_pad, jnp.int32).at[flat_pos].set(
        src_s.astype(jnp.int32), mode="drop")
    dl_pad = jnp.full((e_tot,), _R, jnp.int32).at[flat_pos].set(
        (dst_s - bucket * _R).astype(jnp.int32), mode="drop")
    dl_pad = dl_pad.reshape(nb, 1, kmax)

    x_pad = jnp.pad(x, ((0, n_pad - n), (0, 0)))
    batch_pad = jnp.pad(batch, (0, n_pad - n),
                        constant_values=64).reshape(n_pad, 1)

    row_blk = _NB_ROWS if n_pad % _NB_ROWS == 0 else _R

    sc_gather = _make_sc_gather(n_pad + 8, e_tot_pad)

    def table_gat(xx, w, a_s, a_d):
        f_in = xx.shape[1]
        return pl.pallas_call(
            _gat_table_kern,
            grid=(n_pad // row_blk,),
            in_specs=[
                pl.BlockSpec((row_blk, f_in), lambda i: (i, 0)),
                pl.BlockSpec((f_in, 40), lambda i: (0, 0)),
                pl.BlockSpec((1, 40), lambda i: (0, 0)),
                pl.BlockSpec((1, 40), lambda i: (0, 0)),
            ],
            out_specs=[
                pl.BlockSpec((row_blk, _D), lambda i: (i, 0)),
                pl.BlockSpec((row_blk, 1), lambda i: (i, 0)),
            ],
            out_shape=[
                jax.ShapeDtypeStruct((n_pad, _D), jnp.float32),
                jax.ShapeDtypeStruct((n_pad, 1), jnp.float32),
            ],
        )(xx, w, a_s.reshape(1, 40), a_d.reshape(1, 40))

    def table_gcn(xx, w, dinv):
        f_in = xx.shape[1]
        return pl.pallas_call(
            _gcn_table_kern,
            grid=(n_pad // row_blk,),
            in_specs=[
                pl.BlockSpec((row_blk, f_in), lambda i: (i, 0)),
                pl.BlockSpec((f_in, 40), lambda i: (0, 0)),
                pl.BlockSpec((row_blk, 1), lambda i: (i, 0)),
            ],
            out_specs=pl.BlockSpec((row_blk, _D), lambda i: (i, 0)),
            out_shape=jax.ShapeDtypeStruct((n_pad, _D), jnp.float32),
        )(xx, w, dinv)

    def gather(tab):
        tab8 = jnp.pad(tab, ((0, 8), (0, 0)))
        g = sc_gather(tab8, src_pad)
        return g[:e_tot].reshape(nb, kmax, _D)

    def bucket_gat(g, d, b):
        return pl.pallas_call(
            _gat_bucket_kern,
            grid=(nb,),
            in_specs=[
                pl.BlockSpec((1, kmax, _D), lambda j: (j, 0, 0)),
                pl.BlockSpec((1, 1, kmax), lambda j: (j, 0, 0)),
                pl.BlockSpec((_R, 1), lambda j: (j, 0)),
                pl.BlockSpec((1, 40), lambda j: (0, 0)),
            ],
            out_specs=pl.BlockSpec((_R, 40), lambda j: (j, 0)),
            out_shape=jax.ShapeDtypeStruct((n_pad, 40), jnp.float32),
        )(g, dl_pad, d, b.reshape(1, 40))

    def bucket_gcn(g, dinv, b):
        return pl.pallas_call(
            _gcn_bucket_kern,
            grid=(nb,),
            in_specs=[
                pl.BlockSpec((1, kmax, _D), lambda j: (j, 0, 0)),
                pl.BlockSpec((1, 1, kmax), lambda j: (j, 0, 0)),
                pl.BlockSpec((_R, 1), lambda j: (j, 0)),
                pl.BlockSpec((1, 40), lambda j: (0, 0)),
            ],
            out_specs=pl.BlockSpec((_R, 40), lambda j: (j, 0)),
            out_shape=jax.ShapeDtypeStruct((n_pad, 40), jnp.float32),
        )(g, dl_pad, dinv, b.reshape(1, 40))

    dinv = pl.pallas_call(
        _deg_kern,
        grid=(nb,),
        in_specs=[pl.BlockSpec((1, 1, kmax), lambda j: (j, 0, 0))],
        out_specs=pl.BlockSpec((_R, 1), lambda j: (j, 0)),
        out_shape=jax.ShapeDtypeStruct((n_pad, 1), jnp.float32),
    )(dl_pad)

    tab, d1 = table_gat(x_pad, W1, a_src1, a_dst1)
    xx = bucket_gat(gather(tab), d1, b1)
    tab, d2 = table_gat(xx, W2, a_src2, a_dst2)
    xx = bucket_gat(gather(tab), d2, b2)
    for w, b in ((W3, b3), (W4, b4), (W5, b5), (W6, b6)):
        tab = table_gcn(xx, w, dinv)
        xx = bucket_gcn(gather(tab), dinv, b)

    g = pl.pallas_call(
        _pool_kern,
        grid=(n_pad // row_blk,),
        in_specs=[
            pl.BlockSpec((row_blk, 40), lambda i: (i, 0)),
            pl.BlockSpec((row_blk, 1), lambda i: (i, 0)),
        ],
        out_specs=pl.BlockSpec((64, 40), lambda i: (0, 0)),
        out_shape=jax.ShapeDtypeStruct((64, 40), jnp.float32),
    )(xx, batch_pad)

    return pl.pallas_call(
        _head_kern,
        in_specs=[
            pl.BlockSpec((64, 40), lambda: (0, 0)),
            pl.BlockSpec((40, 3), lambda: (0, 0)),
            pl.BlockSpec((1, 3), lambda: (0, 0)),
        ],
        out_specs=pl.BlockSpec((64, 3), lambda: (0, 0)),
        out_shape=jax.ShapeDtypeStruct((64, 3), jnp.float32),
    )(g, Wf, bf.reshape(1, 3))

# --- scband reference (transcript-rebuilt; emitter-appended) ---
"""Pipeline reference for scband-net-89455578841457 (READ-ONLY COPY).

The authoritative reference and input builder live on the scoring server;
editing this copy changes nothing except your own understanding.
"""

import jax, jax.numpy as jnp
import numpy as np

N = 100000
E = 1600000
B = 64
F_IN = 24
H = 40
C = 3


def _glorot(k, shape):
    lim = float(np.sqrt(6.0 / (shape[0] + shape[-1])))
    return jax.random.uniform(k, shape, minval=-lim, maxval=lim, dtype=jnp.float32)


def setup_inputs(seed: int = 0):
    key = jax.random.key(seed)
    ks = jax.random.split(key, 24)
    inp = {}
    inp['x'] = jax.random.normal(ks[0], (N, F_IN), dtype=jnp.float32)
    inp['edge_index'] = jax.random.randint(ks[1], (2, E), 0, N, dtype=jnp.int32)
    inp['batch'] = jnp.sort(jax.random.randint(ks[2], (N,), 0, B, dtype=jnp.int32))
    inp['W1'] = _glorot(ks[3], (F_IN, H))
    inp['a_src1'] = _glorot(ks[4], (H,))
    inp['a_dst1'] = _glorot(ks[5], (H,))
    inp['b1'] = jnp.zeros((H,), dtype=jnp.float32)
    inp['W2'] = _glorot(ks[6], (H, H))
    inp['a_src2'] = _glorot(ks[7], (H,))
    inp['a_dst2'] = _glorot(ks[8], (H,))
    inp['b2'] = jnp.zeros((H,), dtype=jnp.float32)
    inp['W3'] = _glorot(ks[9], (H, H))
    inp['b3'] = jnp.zeros((H,), dtype=jnp.float32)
    inp['W4'] = _glorot(ks[10], (H, H))
    inp['b4'] = jnp.zeros((H,), dtype=jnp.float32)
    inp['W5'] = _glorot(ks[11], (H, H))
    inp['b5'] = jnp.zeros((H,), dtype=jnp.float32)
    inp['W6'] = _glorot(ks[12], (H, H))
    inp['b6'] = jnp.zeros((H,), dtype=jnp.float32)
    inp['Wf'] = _glorot(ks[13], (H, C))
    inp['bf'] = jnp.zeros((C,), dtype=jnp.float32)
    return inp


def _add_self_loops(ei, n):
    loop = jnp.arange(n, dtype=ei.dtype)
    return jnp.concatenate([ei, jnp.stack([loop, loop])], axis=1)


def _gat(x, ei, W, a_s, a_d, b, n):
    src, dst = ei[0], ei[1]
    h = x @ W
    alpha = (h * a_s).sum(-1)[src] + (h * a_d).sum(-1)[dst]
    alpha = jax.nn.leaky_relu(alpha, negative_slope=0.2)
    amax = jax.ops.segment_max(alpha, dst, num_segments=n)
    alpha = jnp.exp(alpha - amax[dst])
    den = jax.ops.segment_sum(alpha, dst, num_segments=n)
    alpha = alpha / (den[dst] + 1e-16)
    return jax.ops.segment_sum(h[src] * alpha[:, None], dst, num_segments=n) + b


def _gcn(x, ei, W, b, n):
    src, dst = ei[0], ei[1]
    deg = jax.ops.segment_sum(jnp.ones((ei.shape[1],), jnp.float32), dst, num_segments=n)
    dinv = jnp.where(deg > 0, 1.0 / jnp.sqrt(deg), 0.0)
    norm = dinv[src] * dinv[dst]
    h = x @ W
    return jax.ops.segment_sum(h[src] * norm[:, None], dst, num_segments=n) + b


def _forward(x, edge_index, batch, W1, a_src1, a_dst1, b1, W2, a_src2, a_dst2, b2, W3, b3, W4, b4, W5, b5, W6, b6, Wf, bf):
    ei = _add_self_loops(edge_index, N)
    x = jax.nn.relu(_gat(x, ei, W1, a_src1, a_dst1, b1, N))
    x = jax.nn.relu(_gat(x, ei, W2, a_src2, a_dst2, b2, N))
    x = jax.nn.relu(_gcn(x, ei, W3, b3, N))
    x = jax.nn.relu(_gcn(x, ei, W4, b4, N))
    x = jax.nn.relu(_gcn(x, ei, W5, b5, N))
    x = jax.nn.relu(_gcn(x, ei, W6, b6, N))
    g = jax.ops.segment_max(x, batch, num_segments=B)
    logits = g @ Wf + bf
    return jax.nn.log_softmax(logits, axis=1)


def reference(x, edge_index, batch, W1, a_src1, a_dst1, b1, W2, a_src2, a_dst2, b2, W3, b3, W4, b4, W5, b5, W6, b6, Wf, bf):
    return _forward(x, edge_index, batch, W1, a_src1, a_dst1, b1, W2, a_src2, a_dst2, b2, W3, b3, W4, b4, W5, b5, W6, b6, Wf, bf)

if __name__ == "__main__":
    import jax
    _d = setup_inputs()
    print(jax.jit(kernel)(*tuple(_d.values())))

</pallas_src>

<mosaic_0001>
#map = affine_map<(d0, d1) -> (0, 0)>
#map1 = affine_map<(d0, d1) -> (0)>
module attributes {stable_mosaic.version = 14 : i64} {
  func.func @k(%arg0: i32, %arg1: i32, %arg2: memref<100104x48xf32, #tpu.memory_space<hbm>>, %arg3: memref<2052096xi32, #tpu.memory_space<hbm>>, %arg4: memref<2052096x48xf32, #tpu.memory_space<hbm>>, %arg5: memref<128xi32, #tpu.memory_space<vmem>>, %arg6: memref<128x48xf32, #tpu.memory_space<vmem>>, %arg7: memref<!tpu.dma_semaphore, #tpu.memory_space<semaphore_mem>>) attributes {dimension_semantics = [#tpu.dimension_semantics<core_parallel>, #tpu.dimension_semantics<subcore_parallel>], iteration_bounds = array<i64: 2, 16>, scalar_prefetch = 0 : i64, scratch_operands = 3 : i64, tpu.core_type = #tpu.core_type<sc_vector_subcore>, window_params = [{transform_indices = #map}, {transform_indices = #map1}, {transform_indices = #map}]} {
    %mul3A = arith.constant 2 : i32
    %mul3A_0 = arith.muli %arg1, %mul3A : i32
    %add3A = arith.addi %mul3A_0, %arg0 : i32
    %scan3A = arith.constant 0 : i32
    %scan3A_1 = arith.constant 501 : i32
    %scan3A_2 = arith.addi %scan3A, %scan3A_1 : i32
    %scan3A_3 = arith.constant 1 : i32
    scf.for %scan3A_5 = %scan3A to %scan3A_2 step %scan3A_3  : i32 {
      %mul3A_6 = arith.constant 64128 : i32
      %mul3A_7 = arith.muli %add3A, %mul3A_6 : i32
      %mul3A_8 = arith.constant 128 : i32
      %mul3A_9 = arith.muli %scan3A_5, %mul3A_8 : i32
      %add3A_10 = arith.addi %mul3A_7, %mul3A_9 : i32
      "tpu.region"() ({
        %run_scoped3A = tpu.sem_alloc : memref<!tpu.dma_semaphore, #tpu.memory_space<semaphore_mem>>
        %dma_start3A_15 = tpu.memref_slice %arg3[%add3A_10] : memref<2052096xi32, #tpu.memory_space<hbm>> -> memref<128xi32, #tpu.memory_space<hbm>>
        %dma_start3A_16 = tpu.memref_slice %arg3[%add3A_10] : memref<2052096xi32, #tpu.memory_space<hbm>> -> memref<128xi32, #tpu.memory_space<hbm>>
        tpu.enqueue_dma source(%dma_start3A_16 : memref<128xi32, #tpu.memory_space<hbm>>) target(%arg5 : memref<128xi32, #tpu.memory_space<vmem>>) target_semaphore(%run_scoped3A : memref<!tpu.dma_semaphore, #tpu.memory_space<semaphore_mem>>)
        %dma_wait3A_17 = tpu.memref_slice %arg3[%add3A_10] : memref<2052096xi32, #tpu.memory_space<hbm>> -> memref<128xi32, #tpu.memory_space<hbm>>
        %dma_wait3A_18 = tpu.memref_slice %arg3[%add3A_10] : memref<2052096xi32, #tpu.memory_space<hbm>> -> memref<128xi32, #tpu.memory_space<hbm>>
        tpu.wait_dma2 semaphore(%run_scoped3A : memref<!tpu.dma_semaphore, #tpu.memory_space<semaphore_mem>>) src(%dma_wait3A_18 : memref<128xi32, #tpu.memory_space<hbm>>) dst(%arg5 : memref<128xi32, #tpu.memory_space<vmem>>)
        tpu.yield
      }) : () -> ()
      %dma_start3A = arith.constant 0 : i32
      %dma_start3A_11 = arith.constant 0 : i32
      %dma_start3A_12 = tpu.memref_slice %arg2[%dma_start3A, %dma_start3A_11] : memref<100104x48xf32, #tpu.memory_space<hbm>> -> memref<100104x48xf32, #tpu.memory_space<hbm>>
      tpu.enqueue_indirect_dma source(%dma_start3A_12 : memref<100104x48xf32, #tpu.memory_space<hbm>>) target(%arg6 : memref<128x48xf32, #tpu.memory_space<vmem>>) offsets(%arg5 : memref<128xi32, #tpu.memory_space<vmem>>) semaphore(%arg7 : memref<!tpu.dma_semaphore, #tpu.memory_space<semaphore_mem>>)
      %dma_wait3A = arith.constant 0 : i32
      %dma_wait3A_13 = arith.constant 0 : i32
      %dma_wait3A_14 = tpu.memref_slice %arg2[%dma_wait3A, %dma_wait3A_13] : memref<100104x48xf32, #tpu.memory_space<hbm>> -> memref<100104x48xf32, #tpu.memory_space<hbm>>
      tpu.wait_indirect_dma semaphore(%arg7 : memref<!tpu.dma_semaphore, #tpu.memory_space<semaphore_mem>>) src(%dma_wait3A_14 : memref<100104x48xf32, #tpu.memory_space<hbm>>) dst(%arg6 : memref<128x48xf32, #tpu.memory_space<vmem>>)
      "tpu.region"() ({
        %run_scoped3A = tpu.sem_alloc : memref<!tpu.dma_semaphore, #tpu.memory_space<semaphore_mem>>
        %dma_start3A_15 = arith.constant 0 : i32
        %dma_start3A_16 = tpu.memref_slice %arg4[%add3A_10, %dma_start3A_15] : memref<2052096x48xf32, #tpu.memory_space<hbm>> -> memref<128x48xf32, #tpu.memory_space<hbm>>
        %dma_start3A_17 = arith.constant 0 : i32
        %dma_start3A_18 = tpu.memref_slice %arg4[%add3A_10, %dma_start3A_17] : memref<2052096x48xf32, #tpu.memory_space<hbm>> -> memref<128x48xf32, #tpu.memory_space<hbm>>
        tpu.enqueue_dma source(%arg6 : memref<128x48xf32, #tpu.memory_space<vmem>>) target(%dma_start3A_18 : memref<128x48xf32, #tpu.memory_space<hbm>>) target_semaphore(%run_scoped3A : memref<!tpu.dma_semaphore, #tpu.memory_space<semaphore_mem>>)
        %dma_wait3A_19 = arith.constant 0 : i32
        %dma_wait3A_20 = tpu.memref_slice %arg4[%add3A_10, %dma_wait3A_19] : memref<2052096x48xf32, #tpu.memory_space<hbm>> -> memref<128x48xf32, #tpu.memory_space<hbm>>
        %dma_wait3A_21 = arith.constant 0 : i32
        %dma_wait3A_22 = tpu.memref_slice %arg4[%add3A_10, %dma_wait3A_21] : memref<2052096x48xf32, #tpu.memory_space<hbm>> -> memref<128x48xf32, #tpu.memory_space<hbm>>
        tpu.wait_dma2 semaphore(%run_scoped3A : memref<!tpu.dma_semaphore, #tpu.memory_space<semaphore_mem>>) src(%arg6 : memref<128x48xf32, #tpu.memory_space<vmem>>) dst(%dma_wait3A_22 : memref<128x48xf32, #tpu.memory_space<hbm>>)
        tpu.yield
      }) : () -> ()
    }
    %scan3A_4 = arith.constant 501 : i32
    return
  }
}

#map = affine_map<(d0, d1) -> (0, 0)>
#map1 = affine_map<(d0, d1) -> (0)>
module attributes {stable_mosaic.version = 14 : i64} {
  func.func @k(%arg0: i32, %arg1: i32, %arg2: memref<100104x48xf32, #tpu.memory_space<hbm>>, %arg3: memref<2052096xi32, #tpu.memory_space<hbm>>, %arg4: memref<2052096x48xf32, #tpu.memory_space<hbm>>, %arg5: memref<128xi32, #tpu.memory_space<vmem>>, %arg6: memref<128x48xf32, #tpu.memory_space<vmem>>, %arg7: memref<!tpu.dma_semaphore, #tpu.memory_space<semaphore_mem>>) attributes {dimension_semantics = [#tpu.dimension_semantics<core_parallel>, #tpu.dimension_semantics<subcore_parallel>], iteration_bounds = array<i64: 2, 16>, scalar_prefetch = 0 : i64, scratch_operands = 3 : i64, tpu.core_type = #tpu.core_type<sc_vector_subcore>, window_params = [{transform_indices = #map}, {transform_indices = #map1}, {transform_indices = #map}]} {
    %mul3A = arith.constant 2 : i32
    %mul3A_0 = arith.muli %arg1, %mul3A : i32
    %add3A = arith.addi %mul3A_0, %arg0 : i32
    %scan3A = arith.constant 0 : i32
    %scan3A_1 = arith.constant 501 : i32
    %scan3A_2 = arith.addi %scan3A, %scan3A_1 : i32
    %scan3A_3 = arith.constant 1 : i32
    scf.for %scan3A_5 = %scan3A to %scan3A_2 step %scan3A_3  : i32 {
      %mul3A_6 = arith.constant 64128 : i32
      %mul3A_7 = arith.muli %add3A, %mul3A_6 : i32
      %mul3A_8 = arith.constant 128 : i32
      %mul3A_9 = arith.muli %scan3A_5, %mul3A_8 : i32
      %add3A_10 = arith.addi %mul3A_7, %mul3A_9 : i32
      "tpu.region"() ({
        %run_scoped3A = tpu.sem_alloc : memref<!tpu.dma_semaphore, #tpu.memory_space<semaphore_mem>>
        %dma_start3A_15 = tpu.memref_slice %arg3[%add3A_10] : memref<2052096xi32, #tpu.memory_space<hbm>> -> memref<128xi32, #tpu.memory_space<hbm>>
        %dma_start3A_16 = tpu.memref_slice %arg3[%add3A_10] : memref<2052096xi32, #tpu.memory_space<hbm>> -> memref<128xi32, #tpu.memory_space<hbm>>
        tpu.enqueue_dma source(%dma_start3A_16 : memref<128xi32, #tpu.memory_space<hbm>>) target(%arg5 : memref<128xi32, #tpu.memory_space<vmem>>) target_semaphore(%run_scoped3A : memref<!tpu.dma_semaphore, #tpu.memory_space<semaphore_mem>>)
        %dma_wait3A_17 = tpu.memref_slice %arg3[%add3A_10] : memref<2052096xi32, #tpu.memory_space<hbm>> -> memref<128xi32, #tpu.memory_space<hbm>>
        %dma_wait3A_18 = tpu.memref_slice %arg3[%add3A_10] : memref<2052096xi32, #tpu.memory_space<hbm>> -> memref<128xi32, #tpu.memory_space<hbm>>
        tpu.wait_dma2 semaphore(%run_scoped3A : memref<!tpu.dma_semaphore, #tpu.memory_space<semaphore_mem>>) src(%dma_wait3A_18 : memref<128xi32, #tpu.memory_space<hbm>>) dst(%arg5 : memref<128xi32, #tpu.memory_space<vmem>>)
        tpu.yield
      }) : () -> ()
      %dma_start3A = arith.constant 0 : i32
      %dma_start3A_11 = arith.constant 0 : i32
      %dma_start3A_12 = tpu.memref_slice %arg2[%dma_start3A, %dma_start3A_11] : memref<100104x48xf32, #tpu.memory_space<hbm>> -> memref<100104x48xf32, #tpu.memory_space<hbm>>
      tpu.enqueue_indirect_dma source(%dma_start3A_12 : memref<100104x48xf32, #tpu.memory_space<hbm>>) target(%arg6 : memref<128x48xf32, #tpu.memory_space<vmem>>) offsets(%arg5 : memref<128xi32, #tpu.memory_space<vmem>>) semaphore(%arg7 : memref<!tpu.dma_semaphore, #tpu.memory_space<semaphore_mem>>)
      %dma_wait3A = arith.constant 0 : i32
      %dma_wait3A_13 = arith.constant 0 : i32
      %dma_wait3A_14 = tpu.memref_slice %arg2[%dma_wait3A, %dma_wait3A_13] : memref<100104x48xf32, #tpu.memory_space<hbm>> -> memref<100104x48xf32, #tpu.memory_space<hbm>>
      tpu.wait_indirect_dma semaphore(%arg7 : memref<!tpu.dma_semaphore, #tpu.memory_space<semaphore_mem>>) src(%dma_wait3A_14 : memref<100104x48xf32, #tpu.memory_space<hbm>>) dst(%arg6 : memref<128x48xf32, #tpu.memory_space<vmem>>)
      "tpu.region"() ({
        %run_scoped3A = tpu.sem_alloc : memref<!tpu.dma_semaphore, #tpu.memory_space<semaphore_mem>>
        %dma_start3A_15 = arith.constant 0 : i32
        %dma_start3A_16 = tpu.memref_slice %arg4[%add3A_10, %dma_start3A_15] : memref<2052096x48xf32, #tpu.memory_space<hbm>> -> memref<128x48xf32, #tpu.memory_space<hbm>>
        %dma_start3A_17 = arith.constant 0 : i32
        %dma_start3A_18 = tpu.memref_slice %arg4[%add3A_10, %dma_start3A_17] : memref<2052096x48xf32, #tpu.memory_space<hbm>> -> memref<128x48xf32, #tpu.memory_space<hbm>>
        tpu.enqueue_dma source(%arg6 : memref<128x48xf32, #tpu.memory_space<vmem>>) target(%dma_start3A_18 : memref<128x48xf32, #tpu.memory_space<hbm>>) target_semaphore(%run_scoped3A : memref<!tpu.dma_semaphore, #tpu.memory_space<semaphore_mem>>)
        %dma_wait3A_19 = arith.constant 0 : i32
        %dma_wait3A_20 = tpu.memref_slice %arg4[%add3A_10, %dma_wait3A_19] : memref<2052096x48xf32, #tpu.memory_space<hbm>> -> memref<128x48xf32, #tpu.memory_space<hbm>>
        %dma_wait3A_21 = arith.constant 0 : i32
        %dma_wait3A_22 = tpu.memref_slice %arg4[%add3A_10, %dma_wait3A_21] : memref<2052096x48xf32, #tpu.memory_space<hbm>> -> memref<128x48xf32, #tpu.memory_space<hbm>>
        tpu.wait_dma2 semaphore(%run_scoped3A : memref<!tpu.dma_semaphore, #tpu.memory_space<semaphore_mem>>) src(%arg6 : memref<128x48xf32, #tpu.memory_space<vmem>>) dst(%dma_wait3A_22 : memref<128x48xf32, #tpu.memory_space<hbm>>)
        tpu.yield
      }) : () -> ()
    }
    %scan3A_4 = arith.constant 501 : i32
    return
  }
}

#map = affine_map<(d0, d1) -> (0, 0)>
#map1 = affine_map<(d0, d1) -> (0)>
module attributes {stable_mosaic.version = 14 : i64} {
  func.func @k(%arg0: i32, %arg1: i32, %arg2: memref<100104x48xf32, #tpu.memory_space<hbm>>, %arg3: memref<2052096xi32, #tpu.memory_space<hbm>>, %arg4: memref<2052096x48xf32, #tpu.memory_space<hbm>>, %arg5: memref<128xi32, #tpu.memory_space<vmem>>, %arg6: memref<128x48xf32, #tpu.memory_space<vmem>>, %arg7: memref<!tpu.dma_semaphore, #tpu.memory_space<semaphore_mem>>) attributes {dimension_semantics = [#tpu.dimension_semantics<core_parallel>, #tpu.dimension_semantics<subcore_parallel>], iteration_bounds = array<i64: 2, 16>, scalar_prefetch = 0 : i64, scratch_operands = 3 : i64, tpu.core_type = #tpu.core_type<sc_vector_subcore>, window_params = [{transform_indices = #map}, {transform_indices = #map1}, {transform_indices = #map}]} {
    %mul3A = arith.constant 2 : i32
    %mul3A_0 = arith.muli %arg1, %mul3A : i32
    %add3A = arith.addi %mul3A_0, %arg0 : i32
    %scan3A = arith.constant 0 : i32
    %scan3A_1 = arith.constant 501 : i32
    %scan3A_2 = arith.addi %scan3A, %scan3A_1 : i32
    %scan3A_3 = arith.constant 1 : i32
    scf.for %scan3A_5 = %scan3A to %scan3A_2 step %scan3A_3  : i32 {
      %mul3A_6 = arith.constant 64128 : i32
      %mul3A_7 = arith.muli %add3A, %mul3A_6 : i32
      %mul3A_8 = arith.constant 128 : i32
      %mul3A_9 = arith.muli %scan3A_5, %mul3A_8 : i32
      %add3A_10 = arith.addi %mul3A_7, %mul3A_9 : i32
      "tpu.region"() ({
        %run_scoped3A = tpu.sem_alloc : memref<!tpu.dma_semaphore, #tpu.memory_space<semaphore_mem>>
        %dma_start3A_15 = tpu.memref_slice %arg3[%add3A_10] : memref<2052096xi32, #tpu.memory_space<hbm>> -> memref<128xi32, #tpu.memory_space<hbm>>
        %dma_start3A_16 = tpu.memref_slice %arg3[%add3A_10] : memref<2052096xi32, #tpu.memory_space<hbm>> -> memref<128xi32, #tpu.memory_space<hbm>>
        tpu.enqueue_dma source(%dma_start3A_16 : memref<128xi32, #tpu.memory_space<hbm>>) target(%arg5 : memref<128xi32, #tpu.memory_space<vmem>>) target_semaphore(%run_scoped3A : memref<!tpu.dma_semaphore, #tpu.memory_space<semaphore_mem>>)
        %dma_wait3A_17 = tpu.memref_slice %arg3[%add3A_10] : memref<2052096xi32, #tpu.memory_space<hbm>> -> memref<128xi32, #tpu.memory_space<hbm>>
        %dma_wait3A_18 = tpu.memref_slice %arg3[%add3A_10] : memref<2052096xi32, #tpu.memory_space<hbm>> -> memref<128xi32, #tpu.memory_space<hbm>>
        tpu.wait_dma2 semaphore(%run_scoped3A : memref<!tpu.dma_semaphore, #tpu.memory_space<semaphore_mem>>) src(%dma_wait3A_18 : memref<128xi32, #tpu.memory_space<hbm>>) dst(%arg5 : memref<128xi32, #tpu.memory_space<vmem>>)
        tpu.yield
      }) : () -> ()
      %dma_start3A = arith.constant 0 : i32
      %dma_start3A_11 = arith.constant 0 : i32
      %dma_start3A_12 = tpu.memref_slice %arg2[%dma_start3A, %dma_start3A_11] : memref<100104x48xf32, #tpu.memory_space<hbm>> -> memref<100104x48xf32, #tpu.memory_space<hbm>>
      tpu.enqueue_indirect_dma source(%dma_start3A_12 : memref<100104x48xf32, #tpu.memory_space<hbm>>) target(%arg6 : memref<128x48xf32, #tpu.memory_space<vmem>>) offsets(%arg5 : memref<128xi32, #tpu.memory_space<vmem>>) semaphore(%arg7 : memref<!tpu.dma_semaphore, #tpu.memory_space<semaphore_mem>>)
      %dma_wait3A = arith.constant 0 : i32
      %dma_wait3A_13 = arith.constant 0 : i32
      %dma_wait3A_14 = tpu.memref_slice %arg2[%dma_wait3A, %dma_wait3A_13] : memref<100104x48xf32, #tpu.memory_space<hbm>> -> memref<100104x48xf32, #tpu.memory_space<hbm>>
      tpu.wait_indirect_dma semaphore(%arg7 : memref<!tpu.dma_semaphore, #tpu.memory_space<semaphore_mem>>) src(%dma_wait3A_14 : memref<100104x48xf32, #tpu.memory_space<hbm>>) dst(%arg6 : memref<128x48xf32, #tpu.memory_space<vmem>>)
      "tpu.region"() ({
        %run_scoped3A = tpu.sem_alloc : memref<!tpu.dma_semaphore, #tpu.memory_space<semaphore_mem>>
        %dma_start3A_15 = arith.constant 0 : i32
        %dma_start3A_16 = tpu.memref_slice %arg4[%add3A_10, %dma_start3A_15] : memref<2052096x48xf32, #tpu.memory_space<hbm>> -> memref<128x48xf32, #tpu.memory_space<hbm>>
        %dma_start3A_17 = arith.constant 0 : i32
        %dma_start3A_18 = tpu.memref_slice %arg4[%add3A_10, %dma_start3A_17] : memref<2052096x48xf32, #tpu.memory_space<hbm>> -> memref<128x48xf32, #tpu.memory_space<hbm>>
        tpu.enqueue_dma source(%arg6 : memref<128x48xf32, #tpu.memory_space<vmem>>) target(%dma_start3A_18 : memref<128x48xf32, #tpu.memory_space<hbm>>) target_semaphore(%run_scoped3A : memref<!tpu.dma_semaphore, #tpu.memory_space<semaphore_mem>>)
        %dma_wait3A_19 = arith.constant 0 : i32
        %dma_wait3A_20 = tpu.memref_slice %arg4[%add3A_10, %dma_wait3A_19] : memref<2052096x48xf32, #tpu.memory_space<hbm>> -> memref<128x48xf32, #tpu.memory_space<hbm>>
        %dma_wait3A_21 = arith.constant 0 : i32
        %dma_wait3A_22 = tpu.memref_slice %arg4[%add3A_10, %dma_wait3A_21] : memref<2052096x48xf32, #tpu.memory_space<hbm>> -> memref<128x48xf32, #tpu.memory_space<hbm>>
        tpu.wait_dma2 semaphore(%run_scoped3A : memref<!tpu.dma_semaphore, #tpu.memory_space<semaphore_mem>>) src(%arg6 : memref<128x48xf32, #tpu.memory_space<vmem>>) dst(%dma_wait3A_22 : memref<128x48xf32, #tpu.memory_space<hbm>>)
        tpu.yield
      }) : () -> ()
    }
    %scan3A_4 = arith.constant 501 : i32
    return
  }
}

#map = affine_map<(d0, d1) -> (0, 0)>
#map1 = affine_map<(d0, d1) -> (0)>
module attributes {stable_mosaic.version = 14 : i64} {
  func.func @k(%arg0: i32, %arg1: i32, %arg2: memref<100104x48xf32, #tpu.memory_space<hbm>>, %arg3: memref<2052096xi32, #tpu.memory_space<hbm>>, %arg4: memref<2052096x48xf32, #tpu.memory_space<hbm>>, %arg5: memref<128xi32, #tpu.memory_space<vmem>>, %arg6: memref<128x48xf32, #tpu.memory_space<vmem>>, %arg7: memref<!tpu.dma_semaphore, #tpu.memory_space<semaphore_mem>>) attributes {dimension_semantics = [#tpu.dimension_semantics<core_parallel>, #tpu.dimension_semantics<subcore_parallel>], iteration_bounds = array<i64: 2, 16>, scalar_prefetch = 0 : i64, scratch_operands = 3 : i64, tpu.core_type = #tpu.core_type<sc_vector_subcore>, window_params = [{transform_indices = #map}, {transform_indices = #map1}, {transform_indices = #map}]} {
    %mul3A = arith.constant 2 : i32
    %mul3A_0 = arith.muli %arg1, %mul3A : i32
    %add3A = arith.addi %mul3A_0, %arg0 : i32
    %scan3A = arith.constant 0 : i32
    %scan3A_1 = arith.constant 501 : i32
    %scan3A_2 = arith.addi %scan3A, %scan3A_1 : i32
    %scan3A_3 = arith.constant 1 : i32
    scf.for %scan3A_5 = %scan3A to %scan3A_2 step %scan3A_3  : i32 {
      %mul3A_6 = arith.constant 64128 : i32
      %mul3A_7 = arith.muli %add3A, %mul3A_6 : i32
      %mul3A_8 = arith.constant 128 : i32
      %mul3A_9 = arith.muli %scan3A_5, %mul3A_8 : i32
      %add3A_10 = arith.addi %mul3A_7, %mul3A_9 : i32
      "tpu.region"() ({
        %run_scoped3A = tpu.sem_alloc : memref<!tpu.dma_semaphore, #tpu.memory_space<semaphore_mem>>
        %dma_start3A_15 = tpu.memref_slice %arg3[%add3A_10] : memref<2052096xi32, #tpu.memory_space<hbm>> -> memref<128xi32, #tpu.memory_space<hbm>>
        %dma_start3A_16 = tpu.memref_slice %arg3[%add3A_10] : memref<2052096xi32, #tpu.memory_space<hbm>> -> memref<128xi32, #tpu.memory_space<hbm>>
        tpu.enqueue_dma source(%dma_start3A_16 : memref<128xi32, #tpu.memory_space<hbm>>) target(%arg5 : memref<128xi32, #tpu.memory_space<vmem>>) target_semaphore(%run_scoped3A : memref<!tpu.dma_semaphore, #tpu.memory_space<semaphore_mem>>)
        %dma_wait3A_17 = tpu.memref_slice %arg3[%add3A_10] : memref<2052096xi32, #tpu.memory_space<hbm>> -> memref<128xi32, #tpu.memory_space<hbm>>
        %dma_wait3A_18 = tpu.memref_slice %arg3[%add3A_10] : memref<2052096xi32, #tpu.memory_space<hbm>> -> memref<128xi32, #tpu.memory_space<hbm>>
        tpu.wait_dma2 semaphore(%run_scoped3A : memref<!tpu.dma_semaphore, #tpu.memory_space<semaphore_mem>>) src(%dma_wait3A_18 : memref<128xi32, #tpu.memory_space<hbm>>) dst(%arg5 : memref<128xi32, #tpu.memory_space<vmem>>)
        tpu.yield
      }) : () -> ()
      %dma_start3A = arith.constant 0 : i32
      %dma_start3A_11 = arith.constant 0 : i32
      %dma_start3A_12 = tpu.memref_slice %arg2[%dma_start3A, %dma_start3A_11] : memref<100104x48xf32, #tpu.memory_space<hbm>> -> memref<100104x48xf32, #tpu.memory_space<hbm>>
      tpu.enqueue_indirect_dma source(%dma_start3A_12 : memref<100104x48xf32, #tpu.memory_space<hbm>>) target(%arg6 : memref<128x48xf32, #tpu.memory_space<vmem>>) offsets(%arg5 : memref<128xi32, #tpu.memory_space<vmem>>) semaphore(%arg7 : memref<!tpu.dma_semaphore, #tpu.memory_space<semaphore_mem>>)
      %dma_wait3A = arith.constant 0 : i32
      %dma_wait3A_13 = arith.constant 0 : i32
      %dma_wait3A_14 = tpu.memref_slice %arg2[%dma_wait3A, %dma_wait3A_13] : memref<100104x48xf32, #tpu.memory_space<hbm>> -> memref<100104x48xf32, #tpu.memory_space<hbm>>
      tpu.wait_indirect_dma semaphore(%arg7 : memref<!tpu.dma_semaphore, #tpu.memory_space<semaphore_mem>>) src(%dma_wait3A_14 : memref<100104x48xf32, #tpu.memory_space<hbm>>) dst(%arg6 : memref<128x48xf32, #tpu.memory_space<vmem>>)
      "tpu.region"() ({
        %run_scoped3A = tpu.sem_alloc : memref<!tpu.dma_semaphore, #tpu.memory_space<semaphore_mem>>
        %dma_start3A_15 = arith.constant 0 : i32
        %dma_start3A_16 = tpu.memref_slice %arg4[%add3A_10, %dma_start3A_15] : memref<2052096x48xf32, #tpu.memory_space<hbm>> -> memref<128x48xf32, #tpu.memory_space<hbm>>
        %dma_start3A_17 = arith.constant 0 : i32
        %dma_start3A_18 = tpu.memref_slice %arg4[%add3A_10, %dma_start3A_17] : memref<2052096x48xf32, #tpu.memory_space<hbm>> -> memref<128x48xf32, #tpu.memory_space<hbm>>
        tpu.enqueue_dma source(%arg6 : memref<128x48xf32, #tpu.memory_space<vmem>>) target(%dma_start3A_18 : memref<128x48xf32, #tpu.memory_space<hbm>>) target_semaphore(%run_scoped3A : memref<!tpu.dma_semaphore, #tpu.memory_space<semaphore_mem>>)
        %dma_wait3A_19 = arith.constant 0 : i32
        %dma_wait3A_20 = tpu.memref_slice %arg4[%add3A_10, %dma_wait3A_19] : memref<2052096x48xf32, #tpu.memory_space<hbm>> -> memref<128x48xf32, #tpu.memory_space<hbm>>
        %dma_wait3A_21 = arith.constant 0 : i32
        %dma_wait3A_22 = tpu.memref_slice %arg4[%add3A_10, %dma_wait3A_21] : memref<2052096x48xf32, #tpu.memory_space<hbm>> -> memref<128x48xf32, #tpu.memory_space<hbm>>
        tpu.wait_dma2 semaphore(%run_scoped3A : memref<!tpu.dma_semaphore, #tpu.memory_space<semaphore_mem>>) src(%arg6 : memref<128x48xf32, #tpu.memory_space<vmem>>) dst(%dma_wait3A_22 : memref<128x48xf32, #tpu.memory_space<hbm>>)
        tpu.yield
      }) : () -> ()
    }
    %scan3A_4 = arith.constant 501 : i32
    return
  }
}

#map = affine_map<(d0, d1) -> (0, 0)>
#map1 = affine_map<(d0, d1) -> (0)>
module attributes {stable_mosaic.version = 14 : i64} {
  func.func @k(%arg0: i32, %arg1: i32, %arg2: memref<100104x48xf32, #tpu.memory_space<hbm>>, %arg3: memref<2052096xi32, #tpu.memory_space<hbm>>, %arg4: memref<2052096x48xf32, #tpu.memory_space<hbm>>, %arg5: memref<128xi32, #tpu.memory_space<vmem>>, %arg6: memref<128x48xf32, #tpu.memory_space<vmem>>, %arg7: memref<!tpu.dma_semaphore, #tpu.memory_space<semaphore_mem>>) attributes {dimension_semantics = [#tpu.dimension_semantics<core_parallel>, #tpu.dimension_semantics<subcore_parallel>], iteration_bounds = array<i64: 2, 16>, scalar_prefetch = 0 : i64, scratch_operands = 3 : i64, tpu.core_type = #tpu.core_type<sc_vector_subcore>, window_params = [{transform_indices = #map}, {transform_indices = #map1}, {transform_indices = #map}]} {
    %mul3A = arith.constant 2 : i32
    %mul3A_0 = arith.muli %arg1, %mul3A : i32
    %add3A = arith.addi %mul3A_0, %arg0 : i32
    %scan3A = arith.constant 0 : i32
    %scan3A_1 = arith.constant 501 : i32
    %scan3A_2 = arith.addi %scan3A, %scan3A_1 : i32
    %scan3A_3 = arith.constant 1 : i32
    scf.for %scan3A_5 = %scan3A to %scan3A_2 step %scan3A_3  : i32 {
      %mul3A_6 = arith.constant 64128 : i32
      %mul3A_7 = arith.muli %add3A, %mul3A_6 : i32
      %mul3A_8 = arith.constant 128 : i32
      %mul3A_9 = arith.muli %scan3A_5, %mul3A_8 : i32
      %add3A_10 = arith.addi %mul3A_7, %mul3A_9 : i32
      "tpu.region"() ({
        %run_scoped3A = tpu.sem_alloc : memref<!tpu.dma_semaphore, #tpu.memory_space<semaphore_mem>>
        %dma_start3A_15 = tpu.memref_slice %arg3[%add3A_10] : memref<2052096xi32, #tpu.memory_space<hbm>> -> memref<128xi32, #tpu.memory_space<hbm>>
        %dma_start3A_16 = tpu.memref_slice %arg3[%add3A_10] : memref<2052096xi32, #tpu.memory_space<hbm>> -> memref<128xi32, #tpu.memory_space<hbm>>
        tpu.enqueue_dma source(%dma_start3A_16 : memref<128xi32, #tpu.memory_space<hbm>>) target(%arg5 : memref<128xi32, #tpu.memory_space<vmem>>) target_semaphore(%run_scoped3A : memref<!tpu.dma_semaphore, #tpu.memory_space<semaphore_mem>>)
        %dma_wait3A_17 = tpu.memref_slice %arg3[%add3A_10] : memref<2052096xi32, #tpu.memory_space<hbm>> -> memref<128xi32, #tpu.memory_space<hbm>>
        %dma_wait3A_18 = tpu.memref_slice %arg3[%add3A_10] : memref<2052096xi32, #tpu.memory_space<hbm>> -> memref<128xi32, #tpu.memory_space<hbm>>
        tpu.wait_dma2 semaphore(%run_scoped3A : memref<!tpu.dma_semaphore, #tpu.memory_space<semaphore_mem>>) src(%dma_wait3A_18 : memref<128xi32, #tpu.memory_space<hbm>>) dst(%arg5 : memref<128xi32, #tpu.memory_space<vmem>>)
        tpu.yield
      }) : () -> ()
      %dma_start3A = arith.constant 0 : i32
      %dma_start3A_11 = arith.constant 0 : i32
      %dma_start3A_12 = tpu.memref_slice %arg2[%dma_start3A, %dma_start3A_11] : memref<100104x48xf32, #tpu.memory_space<hbm>> -> memref<100104x48xf32, #tpu.memory_space<hbm>>
      tpu.enqueue_indirect_dma source(%dma_start3A_12 : memref<100104x48xf32, #tpu.memory_space<hbm>>) target(%arg6 : memref<128x48xf32, #tpu.memory_space<vmem>>) offsets(%arg5 : memref<128xi32, #tpu.memory_space<vmem>>) semaphore(%arg7 : memref<!tpu.dma_semaphore, #tpu.memory_space<semaphore_mem>>)
      %dma_wait3A = arith.constant 0 : i32
      %dma_wait3A_13 = arith.constant 0 : i32
      %dma_wait3A_14 = tpu.memref_slice %arg2[%dma_wait3A, %dma_wait3A_13] : memref<100104x48xf32, #tpu.memory_space<hbm>> -> memref<100104x48xf32, #tpu.memory_space<hbm>>
      tpu.wait_indirect_dma semaphore(%arg7 : memref<!tpu.dma_semaphore, #tpu.memory_space<semaphore_mem>>) src(%dma_wait3A_14 : memref<100104x48xf32, #tpu.memory_space<hbm>>) dst(%arg6 : memref<128x48xf32, #tpu.memory_space<vmem>>)
      "tpu.region"() ({
        %run_scoped3A = tpu.sem_alloc : memref<!tpu.dma_semaphore, #tpu.memory_space<semaphore_mem>>
        %dma_start3A_15 = arith.constant 0 : i32
        %dma_start3A_16 = tpu.memref_slice %arg4[%add3A_10, %dma_start3A_15] : memref<2052096x48xf32, #tpu.memory_space<hbm>> -> memref<128x48xf32, #tpu.memory_space<hbm>>
        %dma_start3A_17 = arith.constant 0 : i32
        %dma_start3A_18 = tpu.memref_slice %arg4[%add3A_10, %dma_start3A_17] : memref<2052096x48xf32, #tpu.memory_space<hbm>> -> memref<128x48xf32, #tpu.memory_space<hbm>>
        tpu.enqueue_dma source(%arg6 : memref<128x48xf32, #tpu.memory_space<vmem>>) target(%dma_start3A_18 : memref<128x48xf32, #tpu.memory_space<hbm>>) target_semaphore(%run_scoped3A : memref<!tpu.dma_semaphore, #tpu.memory_space<semaphore_mem>>)
        %dma_wait3A_19 = arith.constant 0 : i32
        %dma_wait3A_20 = tpu.memref_slice %arg4[%add3A_10, %dma_wait3A_19] : memref<2052096x48xf32, #tpu.memory_space<hbm>> -> memref<128x48xf32, #tpu.memory_space<hbm>>
        %dma_wait3A_21 = arith.constant 0 : i32
        %dma_wait3A_22 = tpu.memref_slice %arg4[%add3A_10, %dma_wait3A_21] : memref<2052096x48xf32, #tpu.memory_space<hbm>> -> memref<128x48xf32, #tpu.memory_space<hbm>>
        tpu.wait_dma2 semaphore(%run_scoped3A : memref<!tpu.dma_semaphore, #tpu.memory_space<semaphore_mem>>) src(%arg6 : memref<128x48xf32, #tpu.memory_space<vmem>>) dst(%dma_wait3A_22 : memref<128x48xf32, #tpu.memory_space<hbm>>)
        tpu.yield
      }) : () -> ()
    }
    %scan3A_4 = arith.constant 501 : i32
    return
  }
}

#map = affine_map<(d0, d1) -> (0, 0)>
#map1 = affine_map<(d0, d1) -> (0)>
module attributes {stable_mosaic.version = 14 : i64} {
  func.func @k(%arg0: i32, %arg1: i32, %arg2: memref<100104x48xf32, #tpu.memory_space<hbm>>, %arg3: memref<2052096xi32, #tpu.memory_space<hbm>>, %arg4: memref<2052096x48xf32, #tpu.memory_space<hbm>>, %arg5: memref<128xi32, #tpu.memory_space<vmem>>, %arg6: memref<128x48xf32, #tpu.memory_space<vmem>>, %arg7: memref<!tpu.dma_semaphore, #tpu.memory_space<semaphore_mem>>) attributes {dimension_semantics = [#tpu.dimension_semantics<core_parallel>, #tpu.dimension_semantics<subcore_parallel>], iteration_bounds = array<i64: 2, 16>, scalar_prefetch = 0 : i64, scratch_operands = 3 : i64, tpu.core_type = #tpu.core_type<sc_vector_subcore>, window_params = [{transform_indices = #map}, {transform_indices = #map1}, {transform_indices = #map}]} {
    %mul3A = arith.constant 2 : i32
    %mul3A_0 = arith.muli %arg1, %mul3A : i32
    %add3A = arith.addi %mul3A_0, %arg0 : i32
    %scan3A = arith.constant 0 : i32
    %scan3A_1 = arith.constant 501 : i32
    %scan3A_2 = arith.addi %scan3A, %scan3A_1 : i32
    %scan3A_3 = arith.constant 1 : i32
    scf.for %scan3A_5 = %scan3A to %scan3A_2 step %scan3A_3  : i32 {
      %mul3A_6 = arith.constant 64128 : i32
      %mul3A_7 = arith.muli %add3A, %mul3A_6 : i32
      %mul3A_8 = arith.constant 128 : i32
      %mul3A_9 = arith.muli %scan3A_5, %mul3A_8 : i32
      %add3A_10 = arith.addi %mul3A_7, %mul3A_9 : i32
      "tpu.region"() ({
        %run_scoped3A = tpu.sem_alloc : memref<!tpu.dma_semaphore, #tpu.memory_space<semaphore_mem>>
        %dma_start3A_15 = tpu.memref_slice %arg3[%add3A_10] : memref<2052096xi32, #tpu.memory_space<hbm>> -> memref<128xi32, #tpu.memory_space<hbm>>
        %dma_start3A_16 = tpu.memref_slice %arg3[%add3A_10] : memref<2052096xi32, #tpu.memory_space<hbm>> -> memref<128xi32, #tpu.memory_space<hbm>>
        tpu.enqueue_dma source(%dma_start3A_16 : memref<128xi32, #tpu.memory_space<hbm>>) target(%arg5 : memref<128xi32, #tpu.memory_space<vmem>>) target_semaphore(%run_scoped3A : memref<!tpu.dma_semaphore, #tpu.memory_space<semaphore_mem>>)
        %dma_wait3A_17 = tpu.memref_slice %arg3[%add3A_10] : memref<2052096xi32, #tpu.memory_space<hbm>> -> memref<128xi32, #tpu.memory_space<hbm>>
        %dma_wait3A_18 = tpu.memref_slice %arg3[%add3A_10] : memref<2052096xi32, #tpu.memory_space<hbm>> -> memref<128xi32, #tpu.memory_space<hbm>>
        tpu.wait_dma2 semaphore(%run_scoped3A : memref<!tpu.dma_semaphore, #tpu.memory_space<semaphore_mem>>) src(%dma_wait3A_18 : memref<128xi32, #tpu.memory_space<hbm>>) dst(%arg5 : memref<128xi32, #tpu.memory_space<vmem>>)
        tpu.yield
      }) : () -> ()
      %dma_start3A = arith.constant 0 : i32
      %dma_start3A_11 = arith.constant 0 : i32
      %dma_start3A_12 = tpu.memref_slice %arg2[%dma_start3A, %dma_start3A_11] : memref<100104x48xf32, #tpu.memory_space<hbm>> -> memref<100104x48xf32, #tpu.memory_space<hbm>>
      tpu.enqueue_indirect_dma source(%dma_start3A_12 : memref<100104x48xf32, #tpu.memory_space<hbm>>) target(%arg6 : memref<128x48xf32, #tpu.memory_space<vmem>>) offsets(%arg5 : memref<128xi32, #tpu.memory_space<vmem>>) semaphore(%arg7 : memref<!tpu.dma_semaphore, #tpu.memory_space<semaphore_mem>>)
      %dma_wait3A = arith.constant 0 : i32
      %dma_wait3A_13 = arith.constant 0 : i32
      %dma_wait3A_14 = tpu.memref_slice %arg2[%dma_wait3A, %dma_wait3A_13] : memref<100104x48xf32, #tpu.memory_space<hbm>> -> memref<100104x48xf32, #tpu.memory_space<hbm>>
      tpu.wait_indirect_dma semaphore(%arg7 : memref<!tpu.dma_semaphore, #tpu.memory_space<semaphore_mem>>) src(%dma_wait3A_14 : memref<100104x48xf32, #tpu.memory_space<hbm>>) dst(%arg6 : memref<128x48xf32, #tpu.memory_space<vmem>>)
      "tpu.region"() ({
        %run_scoped3A = tpu.sem_alloc : memref<!tpu.dma_semaphore, #tpu.memory_space<semaphore_mem>>
        %dma_start3A_15 = arith.constant 0 : i32
        %dma_start3A_16 = tpu.memref_slice %arg4[%add3A_10, %dma_start3A_15] : memref<2052096x48xf32, #tpu.memory_space<hbm>> -> memref<128x48xf32, #tpu.memory_space<hbm>>
        %dma_start3A_17 = arith.constant 0 : i32
        %dma_start3A_18 = tpu.memref_slice %arg4[%add3A_10, %dma_start3A_17] : memref<2052096x48xf32, #tpu.memory_space<hbm>> -> memref<128x48xf32, #tpu.memory_space<hbm>>
        tpu.enqueue_dma source(%arg6 : memref<128x48xf32, #tpu.memory_space<vmem>>) target(%dma_start3A_18 : memref<128x48xf32, #tpu.memory_space<hbm>>) target_semaphore(%run_scoped3A : memref<!tpu.dma_semaphore, #tpu.memory_space<semaphore_mem>>)
        %dma_wait3A_19 = arith.constant 0 : i32
        %dma_wait3A_20 = tpu.memref_slice %arg4[%add3A_10, %dma_wait3A_19] : memref<2052096x48xf32, #tpu.memory_space<hbm>> -> memref<128x48xf32, #tpu.memory_space<hbm>>
        %dma_wait3A_21 = arith.constant 0 : i32
        %dma_wait3A_22 = tpu.memref_slice %arg4[%add3A_10, %dma_wait3A_21] : memref<2052096x48xf32, #tpu.memory_space<hbm>> -> memref<128x48xf32, #tpu.memory_space<hbm>>
        tpu.wait_dma2 semaphore(%run_scoped3A : memref<!tpu.dma_semaphore, #tpu.memory_space<semaphore_mem>>) src(%arg6 : memref<128x48xf32, #tpu.memory_space<vmem>>) dst(%dma_wait3A_22 : memref<128x48xf32, #tpu.memory_space<hbm>>)
        tpu.yield
      }) : () -> ()
    }
    %scan3A_4 = arith.constant 501 : i32
    return
  }
}

module attributes {stable_mosaic.version = 14 : i64} {
  func.func @_gat_table_kern(%arg0: i32, %arg1: memref<256x24xf32, #tpu.memory_space<vmem>>, %arg2: memref<24x40xf32, #tpu.memory_space<vmem>>, %arg3: memref<1x40xf32, #tpu.memory_space<vmem>>, %arg4: memref<1x40xf32, #tpu.memory_space<vmem>>, %arg5: memref<256x48xf32, #tpu.memory_space<vmem>>, %arg6: memref<256x1xf32, #tpu.memory_space<vmem>>) attributes {dimension_semantics = [#tpu.dimension_semantics<arbitrary>], iteration_bounds = array<i64: 391>, scalar_prefetch = 0 : i64, scratch_operands = 0 : i64, tpu.core_type = #tpu.core_type<tc>, window_params = [{transform_indices = @transform_0, window_bounds = array<i64: 256, 24>}, {pipeline_mode = #tpu.pipeline_mode<synchronous>, transform_indices = @transform_1, window_bounds = array<i64: 24, 40>}, {pipeline_mode = #tpu.pipeline_mode<synchronous>, transform_indices = @transform_2, window_bounds = array<i64: 1, 40>}, {pipeline_mode = #tpu.pipeline_mode<synchronous>, transform_indices = @transform_3, window_bounds = array<i64: 1, 40>}, {transform_indices = @transform_4, window_bounds = array<i64: 256, 48>}, {transform_indices = @transform_5, window_bounds = array<i64: 256, 1>}]} {
    %get3A = arith.constant 0 : index
    %get3A_0 = arith.constant 0 : index
    %get3A_1 = vector.load %arg1[%get3A, %get3A_0] : memref<256x24xf32, #tpu.memory_space<vmem>>, vector<256x24xf32>
    %get3A_2 = arith.constant 0 : index
    %get3A_3 = arith.constant 0 : index
    %get3A_4 = vector.load %arg2[%get3A_2, %get3A_3] : memref<24x40xf32, #tpu.memory_space<vmem>>, vector<24x40xf32>
    %dot_general3A = arith.constant dense<0.000000e+00> : vector<256x40xf32>
    %dot_general3A_5 = tpu.matmul %get3A_1, %get3A_4, %dot_general3A {dimension_numbers = #tpu.dot_dimension_numbers<[1], [0], [0], [1], [0, 0, 1, 1], [], []>, transpose_lhs_hint = false} : vector<256x24xf32>, vector<24x40xf32>, vector<256x40xf32> -> vector<256x40xf32>
    %get3A_6 = arith.constant 0 : index
    %get3A_7 = arith.constant 0 : index
    %get3A_8 = vector.load %arg3[%get3A_6, %get3A_7] : memref<1x40xf32, #tpu.memory_space<vmem>>, vector<1x40xf32>
    %mul3A = vector.broadcast %get3A_8 : vector<1x40xf32> to vector<256x40xf32>
    %mul3A_9 = arith.mulf %dot_general3A_5, %mul3A : vector<256x40xf32>
    %reduce_sum3A = arith.constant dense<0.000000e+00> : vector<256xf32>
    %reduce_sum3A_10 = vector.multi_reduction <add>, %mul3A_9, %reduce_sum3A [1] : vector<256x40xf32> to vector<256xf32>
    %broadcast_in_dim3A = vector.shape_cast %reduce_sum3A_10 : vector<256xf32> to vector<256x1xf32>
    %get3A_11 = arith.constant 0 : index
    %get3A_12 = arith.constant 0 : index
    %get3A_13 = vector.load %arg4[%get3A_11, %get3A_12] : memref<1x40xf32, #tpu.memory_space<vmem>>, vector<1x40xf32>
    %mul3A_14 = vector.broadcast %get3A_13 : vector<1x40xf32> to vector<256x40xf32>
    %mul3A_15 = arith.mulf %dot_general3A_5, %mul3A_14 : vector<256x40xf32>
    %reduce_sum3A_16 = arith.constant dense<0.000000e+00> : vector<256xf32>
    %reduce_sum3A_17 = vector.multi_reduction <add>, %mul3A_15, %reduce_sum3A_16 [1] : vector<256x40xf32> to vector<256xf32>
    %broadcast_in_dim3A_18 = vector.shape_cast %reduce_sum3A_17 : vector<256xf32> to vector<256x1xf32>
    %broadcast_in_dim3A_19 = arith.constant 0.000000e+00 : f32
    %broadcast_in_dim3A_20 = vector.broadcast %broadcast_in_dim3A_19 : f32 to vector<256x7xf32>
    %concatenate3A = tpu.concatenate %dot_general3A_5, %broadcast_in_dim3A, %broadcast_in_dim3A_20 in 1 : vector<256x40xf32>, vector<256x1xf32>, vector<256x7xf32> -> vector<256x48xf32>
    %swap3A = arith.constant 0 : index
    %swap3A_21 = arith.constant 0 : index
    %swap3A_22 = vector.load %arg5[%swap3A, %swap3A_21] : memref<256x48xf32, #tpu.memory_space<vmem>>, vector<256x48xf32>
    tpu.vector_store %arg5[%swap3A, %swap3A_21], %concatenate3A {strides = array<i32>} : memref<256x48xf32, #tpu.memory_space<vmem>>, vector<256x48xf32>,
    %swap3A_23 = arith.constant 0 : index
    %swap3A_24 = arith.constant 0 : index
    %swap3A_25 = vector.load %arg6[%swap3A_23, %swap3A_24] : memref<256x1xf32, #tpu.memory_space<vmem>>, vector<256x1xf32>
    tpu.vector_store %arg6[%swap3A_23, %swap3A_24], %broadcast_in_dim3A_18 {strides = array<i32>} : memref<256x1xf32, #tpu.memory_space<vmem>>, vector<256x1xf32>,
    return
  }
  func.func @transform_0(%arg0: i32) -> (i32, i32) {
    %c0_i32 = arith.constant 0 : i32
    %c0_i32_0 = arith.constant 0 : i32
    return %arg0, %c0_i32 : i32, i32
  }
  func.func @transform_1(%arg0: i32) -> (i32, i32) {
    %c0_i32 = arith.constant 0 : i32
    %c0_i32_0 = arith.constant 0 : i32
    %c0_i32_1 = arith.constant 0 : i32
    return %c0_i32, %c0_i32_0 : i32, i32
  }
  func.func @transform_2(%arg0: i32) -> (i32, i32) {
    %c0_i32 = arith.constant 0 : i32
    %c0_i32_0 = arith.constant 0 : i32
    %c0_i32_1 = arith.constant 0 : i32
    return %c0_i32, %c0_i32_0 : i32, i32
  }
  func.func @transform_3(%arg0: i32) -> (i32, i32) {
    %c0_i32 = arith.constant 0 : i32
    %c0_i32_0 = arith.constant 0 : i32
    %c0_i32_1 = arith.constant 0 : i32
    return %c0_i32, %c0_i32_0 : i32, i32
  }
  func.func @transform_4(%arg0: i32) -> (i32, i32) {
    %c0_i32 = arith.constant 0 : i32
    %c0_i32_0 = arith.constant 0 : i32
    return %arg0, %c0_i32 : i32, i32
  }
  func.func @transform_5(%arg0: i32) -> (i32, i32) {
    %c0_i32 = arith.constant 0 : i32
    %c0_i32_0 = arith.constant 0 : i32
    return %arg0, %c0_i32 : i32, i32
  }
}

module attributes {stable_mosaic.version = 14 : i64} {
  func.func @_gat_bucket_kern(%arg0: i32, %arg1: memref<1x5248x48xf32, #tpu.memory_space<vmem>>, %arg2: memref<1x1x5248xi32, #tpu.memory_space<vmem>>, %arg3: memref<256x1xf32, #tpu.memory_space<vmem>>, %arg4: memref<1x40xf32, #tpu.memory_space<vmem>>, %arg5: memref<256x40xf32, #tpu.memory_space<vmem>>) attributes {dimension_semantics = [#tpu.dimension_semantics<arbitrary>], iteration_bounds = array<i64: 391>, scalar_prefetch = 0 : i64, scratch_operands = 0 : i64, tpu.core_type = #tpu.core_type<tc>, window_params = [{transform_indices = @transform_0, window_bounds = array<i64: 1, 5248, 48>}, {transform_indices = @transform_1, window_bounds = array<i64: 1, 1, 5248>}, {transform_indices = @transform_2, window_bounds = array<i64: 256, 1>}, {pipeline_mode = #tpu.pipeline_mode<synchronous>, transform_indices = @transform_3, window_bounds = array<i64: 1, 40>}, {transform_indices = @transform_4, window_bounds = array<i64: 256, 40>}]} {
    %get3A = arith.constant 0 : index
    %get3A_0 = arith.constant 0 : index
    %get3A_1 = arith.constant 0 : index
    %get3A_2 = vector.load %arg1[%get3A, %get3A_0, %get3A_1] : memref<1x5248x48xf32, #tpu.memory_space<vmem>>, vector<1x5248x48xf32>
    %get3A_3 = vector.shape_cast %get3A_2 : vector<1x5248x48xf32> to vector<5248x48xf32>
    %slice3A = vector.extract_strided_slice %get3A_3 {offsets = [0, 0], sizes = [5248, 40], strides = [1, 1]} : vector<5248x48xf32> to vector<5248x40xf32>
    %slice3A_4 = vector.extract_strided_slice %get3A_3 {offsets = [0, 40], sizes = [5248, 1], strides = [1, 1]} : vector<5248x48xf32> to vector<5248x1xf32>
    %squeeze3A = vector.shape_cast %slice3A_4 : vector<5248x1xf32> to vector<5248xf32>
    %get3A_5 = arith.constant 0 : index
    %get3A_6 = arith.constant 0 : index
    %get3A_7 = arith.constant 0 : index
    %get3A_8 = vector.load %arg2[%get3A_5, %get3A_6, %get3A_7] : memref<1x1x5248xi32, #tpu.memory_space<vmem>>, vector<1x1x5248xi32>
    %get3A_9 = vector.shape_cast %get3A_8 : vector<1x1x5248xi32> to vector<5248xi32>
    %iota3A = tpu.iota {dimensions = array<i32: 1>} : vector<5248x256xi32>
    %broadcast_in_dim3A = vector.shape_cast %get3A_9 : vector<5248xi32> to vector<5248x1xi32>
    %eq3A = vector.broadcast %broadcast_in_dim3A : vector<5248x1xi32> to vector<5248x256xi32>
    %eq3A_10 = arith.cmpi eq, %eq3A, %iota3A : vector<5248x256xi32>
    %convert_element_type3A = arith.extui %eq3A_10 : vector<5248x256xi1> to vector<5248x256xi32>
    %convert_element_type3A_11 = arith.sitofp %convert_element_type3A : vector<5248x256xi32> to vector<5248x256xf32>
    %get3A_12 = arith.constant 0 : index
    %get3A_13 = arith.constant 0 : index
    %get3A_14 = vector.load %arg3[%get3A_12, %get3A_13] : memref<256x1xf32, #tpu.memory_space<vmem>>, vector<256x1xf32>
    %dot_general3A = arith.constant dense<0.000000e+00> : vector<5248x1xf32>
    %dot_general3A_15 = tpu.matmul %convert_element_type3A_11, %get3A_14, %dot_general3A {dimension_numbers = #tpu.dot_dimension_numbers<[1], [0], [0], [1], [0, 0, 1, 1], [], []>, transpose_lhs_hint = false} : vector<5248x256xf32>, vector<256x1xf32>, vector<5248x1xf32> -> vector<5248x1xf32>
    %squeeze3A_16 = vector.shape_cast %dot_general3A_15 : vector<5248x1xf32> to vector<5248xf32>
    %add3A = arith.addf %squeeze3A, %squeeze3A_16 : vector<5248xf32>
    %gt3A = arith.constant 0.000000e+00 : f32
    %gt3A_17 = vector.broadcast %gt3A : f32 to vector<5248xf32>
    %gt3A_18 = arith.cmpf ogt, %add3A, %gt3A_17 : vector<5248xf32>
    %mul3A = arith.constant 2.000000e-01 : f32
    %mul3A_19 = vector.broadcast %mul3A : f32 to vector<5248xf32>
    %mul3A_20 = arith.mulf %mul3A_19, %add3A : vector<5248xf32>
    %select_n3A = arith.select %gt3A_18, %add3A, %mul3A_20 : vector<5248xi1>, vector<5248xf32>
    %broadcast_in_dim3A_21 = vector.shape_cast %select_n3A : vector<5248xf32> to vector<5248x1xf32>
    %jit3A = arith.constant -1.000000e+30 : f32
    %broadcast_in_dim3A_22 = vector.shape_cast %broadcast_in_dim3A_21 : vector<5248x1xf32> to vector<5248x1xf32>
    %broadcast_in_dim3A_23 = vector.broadcast %broadcast_in_dim3A_22 : vector<5248x1xf32> to vector<5248x256xf32>
    %broadcast_in_dim3A_24 = vector.broadcast %jit3A : f32 to vector<5248x256xf32>
    %select_n3A_25 = arith.select %eq3A_10, %broadcast_in_dim3A_23, %broadcast_in_dim3A_24 : vector<5248x256xi1>, vector<5248x256xf32>
    %reduce_max3A = arith.constant dense<0xFF800000> : vector<256xf32>
    %reduce_max3A_26 = vector.multi_reduction <maximumf>, %select_n3A_25, %reduce_max3A [0] : vector<5248x256xf32> to vector<256xf32>
    %broadcast_in_dim3A_27 = vector.shape_cast %reduce_max3A_26 : vector<256xf32> to vector<256x1xf32>
    %dot_general3A_28 = arith.constant dense<0.000000e+00> : vector<5248x1xf32>
    %dot_general3A_29 = tpu.matmul %convert_element_type3A_11, %broadcast_in_dim3A_27, %dot_general3A_28 {dimension_numbers = #tpu.dot_dimension_numbers<[1], [0], [0], [1], [0, 0, 1, 1], [], []>, transpose_lhs_hint = false} : vector<5248x256xf32>, vector<256x1xf32>, vector<5248x1xf32> -> vector<5248x1xf32>
    %squeeze3A_30 = vector.shape_cast %dot_general3A_29 : vector<5248x1xf32> to vector<5248xf32>
    %sub3A = arith.subf %select_n3A, %squeeze3A_30 : vector<5248xf32>
    %exp3A = math.exp %sub3A : vector<5248xf32>
    %broadcast_in_dim3A_31 = vector.shape_cast %exp3A : vector<5248xf32> to vector<5248x1xf32>
    %dot_general3A_32 = arith.constant dense<0.000000e+00> : vector<256x1xf32>
    %dot_general3A_33 = tpu.matmul %convert_element_type3A_11, %broadcast_in_dim3A_31, %dot_general3A_32 {dimension_numbers = #tpu.dot_dimension_numbers<[0], [0], [1], [1], [0, 1, 1, 1], [], []>, transpose_lhs_hint = false} : vector<5248x256xf32>, vector<5248x1xf32>, vector<256x1xf32> -> vector<256x1xf32>
    %squeeze3A_34 = vector.shape_cast %dot_general3A_33 : vector<256x1xf32> to vector<256xf32>
    %broadcast_in_dim3A_35 = vector.shape_cast %squeeze3A_34 : vector<256xf32> to vector<256x1xf32>
    %dot_general3A_36 = arith.constant dense<0.000000e+00> : vector<5248x1xf32>
    %dot_general3A_37 = tpu.matmul %convert_element_type3A_11, %broadcast_in_dim3A_35, %dot_general3A_36 {dimension_numbers = #tpu.dot_dimension_numbers<[1], [0], [0], [1], [0, 0, 1, 1], [], []>, transpose_lhs_hint = false} : vector<5248x256xf32>, vector<256x1xf32>, vector<5248x1xf32> -> vector<5248x1xf32>
    %squeeze3A_38 = vector.shape_cast %dot_general3A_37 : vector<5248x1xf32> to vector<5248xf32>
    %add3A_39 = arith.constant 1.000000e-16 : f32
    %add3A_40 = vector.broadcast %add3A_39 : f32 to vector<5248xf32>
    %add3A_41 = arith.addf %squeeze3A_38, %add3A_40 : vector<5248xf32>
    %div3A = arith.divf %exp3A, %add3A_41 : vector<5248xf32>
    %broadcast_in_dim3A_42 = vector.shape_cast %div3A : vector<5248xf32> to vector<5248x1xf32>
    %mul3A_43 = vector.broadcast %broadcast_in_dim3A_42 : vector<5248x1xf32> to vector<5248x256xf32>
    %mul3A_44 = arith.mulf %convert_element_type3A_11, %mul3A_43 : vector<5248x256xf32>
    %dot_general3A_45 = arith.constant dense<0.000000e+00> : vector<256x40xf32>
    %dot_general3A_46 = tpu.matmul %mul3A_44, %slice3A, %dot_general3A_45 {dimension_numbers = #tpu.dot_dimension_numbers<[0], [0], [1], [1], [0, 1, 1, 1], [], []>, transpose_lhs_hint = false} : vector<5248x256xf32>, vector<5248x40xf32>, vector<256x40xf32> -> vector<256x40xf32>
    %get3A_47 = arith.constant 0 : index
    %get3A_48 = arith.constant 0 : index
    %get3A_49 = vector.load %arg4[%get3A_47, %get3A_48] : memref<1x40xf32, #tpu.memory_space<vmem>>, vector<1x40xf32>
    %add3A_50 = vector.broadcast %get3A_49 : vector<1x40xf32> to vector<256x40xf32>
    %add3A_51 = arith.addf %dot_general3A_46, %add3A_50 : vector<256x40xf32>
    %max3A = arith.constant 0.000000e+00 : f32
    %max3A_52 = vector.broadcast %max3A : f32 to vector<256x40xf32>
    %max3A_53 = arith.maximumf %add3A_51, %max3A_52 : vector<256x40xf32>
    %swap3A = arith.constant 0 : index
    %swap3A_54 = arith.constant 0 : index
    %swap3A_55 = vector.load %arg5[%swap3A, %swap3A_54] : memref<256x40xf32, #tpu.memory_space<vmem>>, vector<256x40xf32>
    tpu.vector_store %arg5[%swap3A, %swap3A_54], %max3A_53 {strides = array<i32>} : memref<256x40xf32, #tpu.memory_space<vmem>>, vector<256x40xf32>,
    return
  }
  func.func @transform_0(%arg0: i32) -> (i32, i32, i32) {
    %c0_i32 = arith.constant 0 : i32
    %c0_i32_0 = arith.constant 0 : i32
    %c0_i32_1 = arith.constant 0 : i32
    return %arg0, %c0_i32, %c0_i32_0 : i32, i32, i32
  }
  func.func @transform_1(%arg0: i32) -> (i32, i32, i32) {
    %c0_i32 = arith.constant 0 : i32
    %c0_i32_0 = arith.constant 0 : i32
    %c0_i32_1 = arith.constant 0 : i32
    return %arg0, %c0_i32, %c0_i32_0 : i32, i32, i32
  }
  func.func @transform_2(%arg0: i32) -> (i32, i32) {
    %c0_i32 = arith.constant 0 : i32
    %c0_i32_0 = arith.constant 0 : i32
    return %arg0, %c0_i32 : i32, i32
  }
  func.func @transform_3(%arg0: i32) -> (i32, i32) {
    %c0_i32 = arith.constant 0 : i32
    %c0_i32_0 = arith.constant 0 : i32
    %c0_i32_1 = arith.constant 0 : i32
    return %c0_i32, %c0_i32_0 : i32, i32
  }
  func.func @transform_4(%arg0: i32) -> (i32, i32) {
    %c0_i32 = arith.constant 0 : i32
    %c0_i32_0 = arith.constant 0 : i32
    return %arg0, %c0_i32 : i32, i32
  }
}

module attributes {stable_mosaic.version = 14 : i64} {
  func.func @_gat_table_kern(%arg0: i32, %arg1: memref<256x40xf32, #tpu.memory_space<vmem>>, %arg2: memref<40x40xf32, #tpu.memory_space<vmem>>, %arg3: memref<1x40xf32, #tpu.memory_space<vmem>>, %arg4: memref<1x40xf32, #tpu.memory_space<vmem>>, %arg5: memref<256x48xf32, #tpu.memory_space<vmem>>, %arg6: memref<256x1xf32, #tpu.memory_space<vmem>>) attributes {dimension_semantics = [#tpu.dimension_semantics<arbitrary>], iteration_bounds = array<i64: 391>, scalar_prefetch = 0 : i64, scratch_operands = 0 : i64, tpu.core_type = #tpu.core_type<tc>, window_params = [{transform_indices = @transform_0, window_bounds = array<i64: 256, 40>}, {pipeline_mode = #tpu.pipeline_mode<synchronous>, transform_indices = @transform_1, window_bounds = array<i64: 40, 40>}, {pipeline_mode = #tpu.pipeline_mode<synchronous>, transform_indices = @transform_2, window_bounds = array<i64: 1, 40>}, {pipeline_mode = #tpu.pipeline_mode<synchronous>, transform_indices = @transform_3, window_bounds = array<i64: 1, 40>}, {transform_indices = @transform_4, window_bounds = array<i64: 256, 48>}, {transform_indices = @transform_5, window_bounds = array<i64: 256, 1>}]} {
    %get3A = arith.constant 0 : index
    %get3A_0 = arith.constant 0 : index
    %get3A_1 = vector.load %arg1[%get3A, %get3A_0] : memref<256x40xf32, #tpu.memory_space<vmem>>, vector<256x40xf32>
    %get3A_2 = arith.constant 0 : index
    %get3A_3 = arith.constant 0 : index
    %get3A_4 = vector.load %arg2[%get3A_2, %get3A_3] : memref<40x40xf32, #tpu.memory_space<vmem>>, vector<40x40xf32>
    %dot_general3A = arith.constant dense<0.000000e+00> : vector<256x40xf32>
    %dot_general3A_5 = tpu.matmul %get3A_1, %get3A_4, %dot_general3A {dimension_numbers = #tpu.dot_dimension_numbers<[1], [0], [0], [1], [0, 0, 1, 1], [], []>, transpose_lhs_hint = false} : vector<256x40xf32>, vector<40x40xf32>, vector<256x40xf32> -> vector<256x40xf32>
    %get3A_6 = arith.constant 0 : index
    %get3A_7 = arith.constant 0 : index
    %get3A_8 = vector.load %arg3[%get3A_6, %get3A_7] : memref<1x40xf32, #tpu.memory_space<vmem>>, vector<1x40xf32>
    %mul3A = vector.broadcast %get3A_8 : vector<1x40xf32> to vector<256x40xf32>
    %mul3A_9 = arith.mulf %dot_general3A_5, %mul3A : vector<256x40xf32>
    %reduce_sum3A = arith.constant dense<0.000000e+00> : vector<256xf32>
    %reduce_sum3A_10 = vector.multi_reduction <add>, %mul3A_9, %reduce_sum3A [1] : vector<256x40xf32> to vector<256xf32>
    %broadcast_in_dim3A = vector.shape_cast %reduce_sum3A_10 : vector<256xf32> to vector<256x1xf32>
    %get3A_11 = arith.constant 0 : index
    %get3A_12 = arith.constant 0 : index
    %get3A_13 = vector.load %arg4[%get3A_11, %get3A_12] : memref<1x40xf32, #tpu.memory_space<vmem>>, vector<1x40xf32>
    %mul3A_14 = vector.broadcast %get3A_13 : vector<1x40xf32> to vector<256x40xf32>
    %mul3A_15 = arith.mulf %dot_general3A_5, %mul3A_14 : vector<256x40xf32>
    %reduce_sum3A_16 = arith.constant dense<0.000000e+00> : vector<256xf32>
    %reduce_sum3A_17 = vector.multi_reduction <add>, %mul3A_15, %reduce_sum3A_16 [1] : vector<256x40xf32> to vector<256xf32>
    %broadcast_in_dim3A_18 = vector.shape_cast %reduce_sum3A_17 : vector<256xf32> to vector<256x1xf32>
    %broadcast_in_dim3A_19 = arith.constant 0.000000e+00 : f32
    %broadcast_in_dim3A_20 = vector.broadcast %broadcast_in_dim3A_19 : f32 to vector<256x7xf32>
    %concatenate3A = tpu.concatenate %dot_general3A_5, %broadcast_in_dim3A, %broadcast_in_dim3A_20 in 1 : vector<256x40xf32>, vector<256x1xf32>, vector<256x7xf32> -> vector<256x48xf32>
    %swap3A = arith.constant 0 : index
    %swap3A_21 = arith.constant 0 : index
    %swap3A_22 = vector.load %arg5[%swap3A, %swap3A_21] : memref<256x48xf32, #tpu.memory_space<vmem>>, vector<256x48xf32>
    tpu.vector_store %arg5[%swap3A, %swap3A_21], %concatenate3A {strides = array<i32>} : memref<256x48xf32, #tpu.memory_space<vmem>>, vector<256x48xf32>,
    %swap3A_23 = arith.constant 0 : index
    %swap3A_24 = arith.constant 0 : index
    %swap3A_25 = vector.load %arg6[%swap3A_23, %swap3A_24] : memref<256x1xf32, #tpu.memory_space<vmem>>, vector<256x1xf32>
    tpu.vector_store %arg6[%swap3A_23, %swap3A_24], %broadcast_in_dim3A_18 {strides = array<i32>} : memref<256x1xf32, #tpu.memory_space<vmem>>, vector<256x1xf32>,
    return
  }
  func.func @transform_0(%arg0: i32) -> (i32, i32) {
    %c0_i32 = arith.constant 0 : i32
    %c0_i32_0 = arith.constant 0 : i32
    return %arg0, %c0_i32 : i32, i32
  }
  func.func @transform_1(%arg0: i32) -> (i32, i32) {
    %c0_i32 = arith.constant 0 : i32
    %c0_i32_0 = arith.constant 0 : i32
    %c0_i32_1 = arith.constant 0 : i32
    return %c0_i32, %c0_i32_0 : i32, i32
  }
  func.func @transform_2(%arg0: i32) -> (i32, i32) {
    %c0_i32 = arith.constant 0 : i32
    %c0_i32_0 = arith.constant 0 : i32
    %c0_i32_1 = arith.constant 0 : i32
    return %c0_i32, %c0_i32_0 : i32, i32
  }
  func.func @transform_3(%arg0: i32) -> (i32, i32) {
    %c0_i32 = arith.constant 0 : i32
    %c0_i32_0 = arith.constant 0 : i32
    %c0_i32_1 = arith.constant 0 : i32
    return %c0_i32, %c0_i32_0 : i32, i32
  }
  func.func @transform_4(%arg0: i32) -> (i32, i32) {
    %c0_i32 = arith.constant 0 : i32
    %c0_i32_0 = arith.constant 0 : i32
    return %arg0, %c0_i32 : i32, i32
  }
  func.func @transform_5(%arg0: i32) -> (i32, i32) {
    %c0_i32 = arith.constant 0 : i32
    %c0_i32_0 = arith.constant 0 : i32
    return %arg0, %c0_i32 : i32, i32
  }
}

module attributes {stable_mosaic.version = 14 : i64} {
  func.func @_deg_kern(%arg0: i32, %arg1: memref<1x1x5248xi32, #tpu.memory_space<vmem>>, %arg2: memref<256x1xf32, #tpu.memory_space<vmem>>) attributes {dimension_semantics = [#tpu.dimension_semantics<arbitrary>], iteration_bounds = array<i64: 391>, scalar_prefetch = 0 : i64, scratch_operands = 0 : i64, tpu.core_type = #tpu.core_type<tc>, window_params = [{transform_indices = @transform_0, window_bounds = array<i64: 1, 1, 5248>}, {transform_indices = @transform_1, window_bounds = array<i64: 256, 1>}]} {
    %get3A = arith.constant 0 : index
    %get3A_0 = arith.constant 0 : index
    %get3A_1 = arith.constant 0 : index
    %get3A_2 = vector.load %arg1[%get3A, %get3A_0, %get3A_1] : memref<1x1x5248xi32, #tpu.memory_space<vmem>>, vector<1x1x5248xi32>
    %get3A_3 = vector.shape_cast %get3A_2 : vector<1x1x5248xi32> to vector<5248xi32>
    %iota3A = tpu.iota {dimensions = array<i32: 1>} : vector<5248x256xi32>
    %broadcast_in_dim3A = vector.shape_cast %get3A_3 : vector<5248xi32> to vector<5248x1xi32>
    %eq3A = vector.broadcast %broadcast_in_dim3A : vector<5248x1xi32> to vector<5248x256xi32>
    %eq3A_4 = arith.cmpi eq, %eq3A, %iota3A : vector<5248x256xi32>
    %convert_element_type3A = arith.extui %eq3A_4 : vector<5248x256xi1> to vector<5248x256xi32>
    %convert_element_type3A_5 = arith.sitofp %convert_element_type3A : vector<5248x256xi32> to vector<5248x256xf32>
    %reduce_sum3A = arith.constant dense<0.000000e+00> : vector<256xf32>
    %reduce_sum3A_6 = vector.multi_reduction <add>, %convert_element_type3A_5, %reduce_sum3A [0] : vector<5248x256xf32> to vector<256xf32>
    %broadcast_in_dim3A_7 = vector.shape_cast %reduce_sum3A_6 : vector<256xf32> to vector<256x1xf32>
    %gt3A = arith.constant 0.000000e+00 : f32
    %gt3A_8 = vector.broadcast %gt3A : f32 to vector<256x1xf32>
    %gt3A_9 = arith.cmpf ogt, %broadcast_in_dim3A_7, %gt3A_8 : vector<256x1xf32>
    %max3A = arith.constant 1.000000e+00 : f32
    %max3A_10 = vector.broadcast %max3A : f32 to vector<256x1xf32>
    %max3A_11 = arith.maximumf %broadcast_in_dim3A_7, %max3A_10 : vector<256x1xf32>
    %rsqrt3A = math.rsqrt %max3A_11 : vector<256x1xf32>
    %jit3A = arith.constant 0.000000e+00 : f32
    %broadcast_in_dim3A_12 = vector.broadcast %jit3A : f32 to vector<256x1xf32>
    %select_n3A = arith.select %gt3A_9, %rsqrt3A, %broadcast_in_dim3A_12 : vector<256x1xi1>, vector<256x1xf32>
    %swap3A = arith.constant 0 : index
    %swap3A_13 = arith.constant 0 : index
    %swap3A_14 = vector.load %arg2[%swap3A, %swap3A_13] : memref<256x1xf32, #tpu.memory_space<vmem>>, vector<256x1xf32>
    tpu.vector_store %arg2[%swap3A, %swap3A_13], %select_n3A {strides = array<i32>} : memref<256x1xf32, #tpu.memory_space<vmem>>, vector<256x1xf32>,
    return
  }
  func.func @transform_0(%arg0: i32) -> (i32, i32, i32) {
    %c0_i32 = arith.constant 0 : i32
    %c0_i32_0 = arith.constant 0 : i32
    %c0_i32_1 = arith.constant 0 : i32
    return %arg0, %c0_i32, %c0_i32_0 : i32, i32, i32
  }
  func.func @transform_1(%arg0: i32) -> (i32, i32) {
    %c0_i32 = arith.constant 0 : i32
    %c0_i32_0 = arith.constant 0 : i32
    return %arg0, %c0_i32 : i32, i32
  }
}

module attributes {stable_mosaic.version = 14 : i64} {
  func.func @_gcn_table_kern(%arg0: i32, %arg1: memref<256x40xf32, #tpu.memory_space<vmem>>, %arg2: memref<40x40xf32, #tpu.memory_space<vmem>>, %arg3: memref<256x1xf32, #tpu.memory_space<vmem>>, %arg4: memref<256x48xf32, #tpu.memory_space<vmem>>) attributes {dimension_semantics = [#tpu.dimension_semantics<arbitrary>], iteration_bounds = array<i64: 391>, scalar_prefetch = 0 : i64, scratch_operands = 0 : i64, tpu.core_type = #tpu.core_type<tc>, window_params = [{transform_indices = @transform_0, window_bounds = array<i64: 256, 40>}, {pipeline_mode = #tpu.pipeline_mode<synchronous>, transform_indices = @transform_1, window_bounds = array<i64: 40, 40>}, {transform_indices = @transform_2, window_bounds = array<i64: 256, 1>}, {transform_indices = @transform_3, window_bounds = array<i64: 256, 48>}]} {
    %get3A = arith.constant 0 : index
    %get3A_0 = arith.constant 0 : index
    %get3A_1 = vector.load %arg1[%get3A, %get3A_0] : memref<256x40xf32, #tpu.memory_space<vmem>>, vector<256x40xf32>
    %get3A_2 = arith.constant 0 : index
    %get3A_3 = arith.constant 0 : index
    %get3A_4 = vector.load %arg2[%get3A_2, %get3A_3] : memref<40x40xf32, #tpu.memory_space<vmem>>, vector<40x40xf32>
    %dot_general3A = arith.constant dense<0.000000e+00> : vector<256x40xf32>
    %dot_general3A_5 = tpu.matmul %get3A_1, %get3A_4, %dot_general3A {dimension_numbers = #tpu.dot_dimension_numbers<[1], [0], [0], [1], [0, 0, 1, 1], [], []>, transpose_lhs_hint = false} : vector<256x40xf32>, vector<40x40xf32>, vector<256x40xf32> -> vector<256x40xf32>
    %broadcast_in_dim3A = arith.constant 0.000000e+00 : f32
    %broadcast_in_dim3A_6 = vector.broadcast %broadcast_in_dim3A : f32 to vector<256x7xf32>
    %get3A_7 = arith.constant 0 : index
    %get3A_8 = arith.constant 0 : index
    %get3A_9 = vector.load %arg3[%get3A_7, %get3A_8] : memref<256x1xf32, #tpu.memory_space<vmem>>, vector<256x1xf32>
    %concatenate3A = tpu.concatenate %dot_general3A_5, %get3A_9, %broadcast_in_dim3A_6 in 1 : vector<256x40xf32>, vector<256x1xf32>, vector<256x7xf32> -> vector<256x48xf32>
    %swap3A = arith.constant 0 : index
    %swap3A_10 = arith.constant 0 : index
    %swap3A_11 = vector.load %arg4[%swap3A, %swap3A_10] : memref<256x48xf32, #tpu.memory_space<vmem>>, vector<256x48xf32>
    tpu.vector_store %arg4[%swap3A, %swap3A_10], %concatenate3A {strides = array<i32>} : memref<256x48xf32, #tpu.memory_space<vmem>>, vector<256x48xf32>,
    return
  }
  func.func @transform_0(%arg0: i32) -> (i32, i32) {
    %c0_i32 = arith.constant 0 : i32
    %c0_i32_0 = arith.constant 0 : i32
    return %arg0, %c0_i32 : i32, i32
  }
  func.func @transform_1(%arg0: i32) -> (i32, i32) {
    %c0_i32 = arith.constant 0 : i32
    %c0_i32_0 = arith.constant 0 : i32
    %c0_i32_1 = arith.constant 0 : i32
    return %c0_i32, %c0_i32_0 : i32, i32
  }
  func.func @transform_2(%arg0: i32) -> (i32, i32) {
    %c0_i32 = arith.constant 0 : i32
    %c0_i32_0 = arith.constant 0 : i32
    return %arg0, %c0_i32 : i32, i32
  }
  func.func @transform_3(%arg0: i32) -> (i32, i32) {
    %c0_i32 = arith.constant 0 : i32
    %c0_i32_0 = arith.constant 0 : i32
    return %arg0, %c0_i32 : i32, i32
  }
}

module attributes {stable_mosaic.version = 14 : i64} {
  func.func @_gcn_bucket_kern(%arg0: i32, %arg1: memref<1x5248x48xf32, #tpu.memory_space<vmem>>, %arg2: memref<1x1x5248xi32, #tpu.memory_space<vmem>>, %arg3: memref<256x1xf32, #tpu.memory_space<vmem>>, %arg4: memref<1x40xf32, #tpu.memory_space<vmem>>, %arg5: memref<256x40xf32, #tpu.memory_space<vmem>>) attributes {dimension_semantics = [#tpu.dimension_semantics<arbitrary>], iteration_bounds = array<i64: 391>, scalar_prefetch = 0 : i64, scratch_operands = 0 : i64, tpu.core_type = #tpu.core_type<tc>, window_params = [{transform_indices = @transform_0, window_bounds = array<i64: 1, 5248, 48>}, {transform_indices = @transform_1, window_bounds = array<i64: 1, 1, 5248>}, {transform_indices = @transform_2, window_bounds = array<i64: 256, 1>}, {pipeline_mode = #tpu.pipeline_mode<synchronous>, transform_indices = @transform_3, window_bounds = array<i64: 1, 40>}, {transform_indices = @transform_4, window_bounds = array<i64: 256, 40>}]} {
    %get3A = arith.constant 0 : index
    %get3A_0 = arith.constant 0 : index
    %get3A_1 = arith.constant 0 : index
    %get3A_2 = vector.load %arg1[%get3A, %get3A_0, %get3A_1] : memref<1x5248x48xf32, #tpu.memory_space<vmem>>, vector<1x5248x48xf32>
    %get3A_3 = vector.shape_cast %get3A_2 : vector<1x5248x48xf32> to vector<5248x48xf32>
    %slice3A = vector.extract_strided_slice %get3A_3 {offsets = [0, 0], sizes = [5248, 40], strides = [1, 1]} : vector<5248x48xf32> to vector<5248x40xf32>
    %slice3A_4 = vector.extract_strided_slice %get3A_3 {offsets = [0, 40], sizes = [5248, 1], strides = [1, 1]} : vector<5248x48xf32> to vector<5248x1xf32>
    %squeeze3A = vector.shape_cast %slice3A_4 : vector<5248x1xf32> to vector<5248xf32>
    %get3A_5 = arith.constant 0 : index
    %get3A_6 = arith.constant 0 : index
    %get3A_7 = arith.constant 0 : index
    %get3A_8 = vector.load %arg2[%get3A_5, %get3A_6, %get3A_7] : memref<1x1x5248xi32, #tpu.memory_space<vmem>>, vector<1x1x5248xi32>
    %get3A_9 = vector.shape_cast %get3A_8 : vector<1x1x5248xi32> to vector<5248xi32>
    %iota3A = tpu.iota {dimensions = array<i32: 1>} : vector<5248x256xi32>
    %broadcast_in_dim3A = vector.shape_cast %get3A_9 : vector<5248xi32> to vector<5248x1xi32>
    %eq3A = vector.broadcast %broadcast_in_dim3A : vector<5248x1xi32> to vector<5248x256xi32>
    %eq3A_10 = arith.cmpi eq, %eq3A, %iota3A : vector<5248x256xi32>
    %convert_element_type3A = arith.extui %eq3A_10 : vector<5248x256xi1> to vector<5248x256xi32>
    %convert_element_type3A_11 = arith.sitofp %convert_element_type3A : vector<5248x256xi32> to vector<5248x256xf32>
    %get3A_12 = arith.constant 0 : index
    %get3A_13 = arith.constant 0 : index
    %get3A_14 = vector.load %arg3[%get3A_12, %get3A_13] : memref<256x1xf32, #tpu.memory_space<vmem>>, vector<256x1xf32>
    %dot_general3A = arith.constant dense<0.000000e+00> : vector<5248x1xf32>
    %dot_general3A_15 = tpu.matmul %convert_element_type3A_11, %get3A_14, %dot_general3A {dimension_numbers = #tpu.dot_dimension_numbers<[1], [0], [0], [1], [0, 0, 1, 1], [], []>, transpose_lhs_hint = false} : vector<5248x256xf32>, vector<256x1xf32>, vector<5248x1xf32> -> vector<5248x1xf32>
    %squeeze3A_16 = vector.shape_cast %dot_general3A_15 : vector<5248x1xf32> to vector<5248xf32>
    %mul3A = arith.mulf %squeeze3A, %squeeze3A_16 : vector<5248xf32>
    %broadcast_in_dim3A_17 = vector.shape_cast %mul3A : vector<5248xf32> to vector<5248x1xf32>
    %mul3A_18 = vector.broadcast %broadcast_in_dim3A_17 : vector<5248x1xf32> to vector<5248x256xf32>
    %mul3A_19 = arith.mulf %convert_element_type3A_11, %mul3A_18 : vector<5248x256xf32>
    %dot_general3A_20 = arith.constant dense<0.000000e+00> : vector<256x40xf32>
    %dot_general3A_21 = tpu.matmul %mul3A_19, %slice3A, %dot_general3A_20 {dimension_numbers = #tpu.dot_dimension_numbers<[0], [0], [1], [1], [0, 1, 1, 1], [], []>, transpose_lhs_hint = false} : vector<5248x256xf32>, vector<5248x40xf32>, vector<256x40xf32> -> vector<256x40xf32>
    %get3A_22 = arith.constant 0 : index
    %get3A_23 = arith.constant 0 : index
    %get3A_24 = vector.load %arg4[%get3A_22, %get3A_23] : memref<1x40xf32, #tpu.memory_space<vmem>>, vector<1x40xf32>
    %add3A = vector.broadcast %get3A_24 : vector<1x40xf32> to vector<256x40xf32>
    %add3A_25 = arith.addf %dot_general3A_21, %add3A : vector<256x40xf32>
    %max3A = arith.constant 0.000000e+00 : f32
    %max3A_26 = vector.broadcast %max3A : f32 to vector<256x40xf32>
    %max3A_27 = arith.maximumf %add3A_25, %max3A_26 : vector<256x40xf32>
    %swap3A = arith.constant 0 : index
    %swap3A_28 = arith.constant 0 : index
    %swap3A_29 = vector.load %arg5[%swap3A, %swap3A_28] : memref<256x40xf32, #tpu.memory_space<vmem>>, vector<256x40xf32>
    tpu.vector_store %arg5[%swap3A, %swap3A_28], %max3A_27 {strides = array<i32>} : memref<256x40xf32, #tpu.memory_space<vmem>>, vector<256x40xf32>,
    return
  }
  func.func @transform_0(%arg0: i32) -> (i32, i32, i32) {
    %c0_i32 = arith.constant 0 : i32
    %c0_i32_0 = arith.constant 0 : i32
    %c0_i32_1 = arith.constant 0 : i32
    return %arg0, %c0_i32, %c0_i32_0 : i32, i32, i32
  }
  func.func @transform_1(%arg0: i32) -> (i32, i32, i32) {
    %c0_i32 = arith.constant 0 : i32
    %c0_i32_0 = arith.constant 0 : i32
    %c0_i32_1 = arith.constant 0 : i32
    return %arg0, %c0_i32, %c0_i32_0 : i32, i32, i32
  }
  func.func @transform_2(%arg0: i32) -> (i32, i32) {
    %c0_i32 = arith.constant 0 : i32
    %c0_i32_0 = arith.constant 0 : i32
    return %arg0, %c0_i32 : i32, i32
  }
  func.func @transform_3(%arg0: i32) -> (i32, i32) {
    %c0_i32 = arith.constant 0 : i32
    %c0_i32_0 = arith.constant 0 : i32
    %c0_i32_1 = arith.constant 0 : i32
    return %c0_i32, %c0_i32_0 : i32, i32
  }
  func.func @transform_4(%arg0: i32) -> (i32, i32) {
    %c0_i32 = arith.constant 0 : i32
    %c0_i32_0 = arith.constant 0 : i32
    return %arg0, %c0_i32 : i32, i32
  }
}

module attributes {stable_mosaic.version = 14 : i64} {
  func.func @_pool_kern(%arg0: i32, %arg1: memref<256x40xf32, #tpu.memory_space<vmem>>, %arg2: memref<256x1xi32, #tpu.memory_space<vmem>>, %arg3: memref<64x40xf32, #tpu.memory_space<vmem>>) attributes {dimension_semantics = [#tpu.dimension_semantics<arbitrary>], iteration_bounds = array<i64: 391>, scalar_prefetch = 0 : i64, scratch_operands = 0 : i64, tpu.core_type = #tpu.core_type<tc>, window_params = [{transform_indices = @transform_0, window_bounds = array<i64: 256, 40>}, {transform_indices = @transform_1, window_bounds = array<i64: 256, 1>}, {pipeline_mode = #tpu.pipeline_mode<synchronous>, transform_indices = @transform_2, window_bounds = array<i64: 64, 40>}]} {
    %eq3A = arith.constant 0 : i32
    %eq3A_0 = arith.cmpi eq, %arg0, %eq3A : i32
    %convert_element_type3A = arith.extui %eq3A_0 : i1 to i32
    %cond3A = arith.constant 0 : i32
    %cond3A_1 = arith.cmpi ne, %convert_element_type3A, %cond3A : i32
    scf.if %cond3A_1 {
      %broadcast_in_dim3A_1281 = arith.constant -1.000000e+30 : f32
      %broadcast_in_dim3A_1282 = vector.broadcast %broadcast_in_dim3A_1281 : f32 to vector<64x40xf32>
      %swap3A_1283 = arith.constant 0 : index
      %swap3A_1284 = arith.constant 0 : index
      %swap3A_1285 = vector.load %arg3[%swap3A_1283, %swap3A_1284] : memref<64x40xf32, #tpu.memory_space<vmem>>, vector<64x40xf32>
      tpu.vector_store %arg3[%swap3A_1283, %swap3A_1284], %broadcast_in_dim3A_1282 {strides = array<i32>} : memref<64x40xf32, #tpu.memory_space<vmem>>, vector<64x40xf32>,
    } else {
    }
    %get3A = arith.constant 0 : index
    %get3A_2 = arith.constant 0 : index
    %get3A_3 = vector.load %arg2[%get3A, %get3A_2] : memref<256x1xi32, #tpu.memory_space<vmem>>, vector<256x1xi32>
    %get3A_4 = arith.constant 0 : index
    %get3A_5 = arith.constant 0 : index
    %get3A_6 = vector.load %arg1[%get3A_4, %get3A_5] : memref<256x40xf32, #tpu.memory_space<vmem>>, vector<256x40xf32>
    %eq3A_7 = arith.constant 0 : i32
    %eq3A_8 = vector.broadcast %eq3A_7 : i32 to vector<256x1xi32>
    %eq3A_9 = arith.cmpi eq, %get3A_3, %eq3A_8 : vector<256x1xi32>
    %jit3A = arith.constant -1.000000e+30 : f32
    %broadcast_in_dim3A = vector.shape_cast %eq3A_9 : vector<256x1xi1> to vector<256x1xi1>
    %broadcast_in_dim3A_10 = vector.broadcast %broadcast_in_dim3A : vector<256x1xi1> to vector<256x40xi1>
    %broadcast_in_dim3A_11 = vector.broadcast %jit3A : f32 to vector<256x40xf32>
    %select_n3A = arith.select %broadcast_in_dim3A_10, %get3A_6, %broadcast_in_dim3A_11 : vector<256x40xi1>, vector<256x40xf32>
    %reduce_max3A = arith.constant dense<0xFF800000> : vector<40xf32>
    %reduce_max3A_12 = vector.multi_reduction <maximumf>, %select_n3A, %reduce_max3A [0] : vector<256x40xf32> to vector<40xf32>
    %get3A_13 = arith.constant 0 : index
    %get3A_14 = arith.constant 0 : index
    %get3A_15 = vector.load %arg3[%get3A_13, %get3A_14] : memref<64x40xf32, #tpu.memory_space<vmem>>, vector<1x40xf32>
    %get3A_16 = vector.shape_cast %get3A_15 : vector<1x40xf32> to vector<40xf32>
    %max3A = arith.maximumf %get3A_16, %reduce_max3A_12 : vector<40xf32>
    %swap3A = arith.constant 0 : index
    %swap3A_17 = arith.constant 0 : index
    %swap3A_18 = vector.load %arg3[%swap3A, %swap3A_17] : memref<64x40xf32, #tpu.memory_space<vmem>>, vector<1x40xf32>
    %swap3A_19 = vector.shape_cast %swap3A_18 : vector<1x40xf32> to vector<40xf32>
    %swap3A_20 = vector.shape_cast %max3A : vector<40xf32> to vector<1x40xf32>
    tpu.vector_store %arg3[%swap3A, %swap3A_17], %swap3A_20 {strides = array<i32>} : memref<64x40xf32, #tpu.memory_space<vmem>>, vector<1x40xf32>,
    %eq3A_21 = arith.constant 1 : i32
    %eq3A_22 = vector.broadcast %eq3A_21 : i32 to vector<256x1xi32>
    %eq3A_23 = arith.cmpi eq, %get3A_3, %eq3A_22 : vector<256x1xi32>
    %jit3A_24 = arith.constant -1.000000e+30 : f32
    %broadcast_in_dim3A_25 = vector.shape_cast %eq3A_23 : vector<256x1xi1> to vector<256x1xi1>
    %broadcast_in_dim3A_26 = vector.broadcast %broadcast_in_dim3A_25 : vector<256x1xi1> to vector<256x40xi1>
    %broadcast_in_dim3A_27 = vector.broadcast %jit3A_24 : f32 to vector<256x40xf32>
    %select_n3A_28 = arith.select %broadcast_in_dim3A_26, %get3A_6, %broadcast_in_dim3A_27 : vector<256x40xi1>, vector<256x40xf32>
    %reduce_max3A_29 = arith.constant dense<0xFF800000> : vector<40xf32>
    %reduce_max3A_30 = vector.multi_reduction <maximumf>, %select_n3A_28, %reduce_max3A_29 [0] : vector<256x40xf32> to vector<40xf32>
    %get3A_31 = arith.constant 1 : index
    %get3A_32 = arith.constant 0 : index
    %get3A_33 = vector.load %arg3[%get3A_31, %get3A_32] : memref<64x40xf32, #tpu.memory_space<vmem>>, vector<1x40xf32>
    %get3A_34 = vector.shape_cast %get3A_33 : vector<1x40xf32> to vector<40xf32>
    %max3A_35 = arith.maximumf %get3A_34, %reduce_max3A_30 : vector<40xf32>
    %swap3A_36 = arith.constant 1 : index
    %swap3A_37 = arith.constant 0 : index
    %swap3A_38 = vector.load %arg3[%swap3A_36, %swap3A_37] : memref<64x40xf32, #tpu.memory_space<vmem>>, vector<1x40xf32>
    %swap3A_39 = vector.shape_cast %swap3A_38 : vector<1x40xf32> to vector<40xf32>
    %swap3A_40 = vector.shape_cast %max3A_35 : vector<40xf32> to vector<1x40xf32>
    tpu.vector_store %arg3[%swap3A_36, %swap3A_37], %swap3A_40 {strides = array<i32>} : memref<64x40xf32, #tpu.memory_space<vmem>>, vector<1x40xf32>,
    %eq3A_41 = arith.constant 2 : i32
    %eq3A_42 = vector.broadcast %eq3A_41 : i32 to vector<256x1xi32>
    %eq3A_43 = arith.cmpi eq, %get3A_3, %eq3A_42 : vector<256x1xi32>
    %jit3A_44 = arith.constant -1.000000e+30 : f32
    %broadcast_in_dim3A_45 = vector.shape_cast %eq3A_43 : vector<256x1xi1> to vector<256x1xi1>
    %broadcast_in_dim3A_46 = vector.broadcast %broadcast_in_dim3A_45 : vector<256x1xi1> to vector<256x40xi1>
    %broadcast_in_dim3A_47 = vector.broadcast %jit3A_44 : f32 to vector<256x40xf32>
    %select_n3A_48 = arith.select %broadcast_in_dim3A_46, %get3A_6, %broadcast_in_dim3A_47 : vector<256x40xi1>, vector<256x40xf32>
    %reduce_max3A_49 = arith.constant dense<0xFF800000> : vector<40xf32>
    %reduce_max3A_50 = vector.multi_reduction <maximumf>, %select_n3A_48, %reduce_max3A_49 [0] : vector<256x40xf32> to vector<40xf32>
    %get3A_51 = arith.constant 2 : index
    %get3A_52 = arith.constant 0 : index
    %get3A_53 = vector.load %arg3[%get3A_51, %get3A_52] : memref<64x40xf32, #tpu.memory_space<vmem>>, vector<1x40xf32>
    %get3A_54 = vector.shape_cast %get3A_53 : vector<1x40xf32> to vector<40xf32>
    %max3A_55 = arith.maximumf %get3A_54, %reduce_max3A_50 : vector<40xf32>
    %swap3A_56 = arith.constant 2 : index
    %swap3A_57 = arith.constant 0 : index
    %swap3A_58 = vector.load %arg3[%swap3A_56, %swap3A_57] : memref<64x40xf32, #tpu.memory_space<vmem>>, vector<1x40xf32>
    %swap3A_59 = vector.shape_cast %swap3A_58 : vector<1x40xf32> to vector<40xf32>
    %swap3A_60 = vector.shape_cast %max3A_55 : vector<40xf32> to vector<1x40xf32>
    tpu.vector_store %arg3[%swap3A_56, %swap3A_57], %swap3A_60 {strides = array<i32>} : memref<64x40xf32, #tpu.memory_space<vmem>>, vector<1x40xf32>,
    %eq3A_61 = arith.constant 3 : i32
    %eq3A_62 = vector.broadcast %eq3A_61 : i32 to vector<256x1xi32>
    %eq3A_63 = arith.cmpi eq, %get3A_3, %eq3A_62 : vector<256x1xi32>
    %jit3A_64 = arith.constant -1.000000e+30 : f32
    %broadcast_in_dim3A_65 = vector.shape_cast %eq3A_63 : vector<256x1xi1> to vector<256x1xi1>
    %broadcast_in_dim3A_66 = vector.broadcast %broadcast_in_dim3A_65 : vector<256x1xi1> to vector<256x40xi1>
    %broadcast_in_dim3A_67 = vector.broadcast %jit3A_64 : f32 to vector<256x40xf32>
    %select_n3A_68 = arith.select %broadcast_in_dim3A_66, %get3A_6, %broadcast_in_dim3A_67 : vector<256x40xi1>, vector<256x40xf32>
    %reduce_max3A_69 = arith.constant dense<0xFF800000> : vector<40xf32>
    %reduce_max3A_70 = vector.multi_reduction <maximumf>, %select_n3A_68, %reduce_max3A_69 [0] : vector<256x40xf32> to vector<40xf32>
    %get3A_71 = arith.constant 3 : index
    %get3A_72 = arith.constant 0 : index
    %get3A_73 = vector.load %arg3[%get3A_71, %get3A_72] : memref<64x40xf32, #tpu.memory_space<vmem>>, vector<1x40xf32>
    %get3A_74 = vector.shape_cast %get3A_73 : vector<1x40xf32> to vector<40xf32>
    %max3A_75 = arith.maximumf %get3A_74, %reduce_max3A_70 : vector<40xf32>
    %swap3A_76 = arith.constant 3 : index
    %swap3A_77 = arith.constant 0 : index
    %swap3A_78 = vector.load %arg3[%swap3A_76, %swap3A_77] : memref<64x40xf32, #tpu.memory_space<vmem>>, vector<1x40xf32>
    %swap3A_79 = vector.shape_cast %swap3A_78 : vector<1x40xf32> to vector<40xf32>
    %swap3A_80 = vector.shape_cast %max3A_75 : vector<40xf32> to vector<1x40xf32>
    tpu.vector_store %arg3[%swap3A_76, %swap3A_77], %swap3A_80 {strides = array<i32>} : memref<64x40xf32, #tpu.memory_space<vmem>>, vector<1x40xf32>,
    %eq3A_81 = arith.constant 4 : i32
    %eq3A_82 = vector.broadcast %eq3A_81 : i32 to vector<256x1xi32>
    %eq3A_83 = arith.cmpi eq, %get3A_3, %eq3A_82 : vector<256x1xi32>
    %jit3A_84 = arith.constant -1.000000e+30 : f32
    %broadcast_in_dim3A_85 = vector.shape_cast %eq3A_83 : vector<256x1xi1> to vector<256x1xi1>
    %broadcast_in_dim3A_86 = vector.broadcast %broadcast_in_dim3A_85 : vector<256x1xi1> to vector<256x40xi1>
    %broadcast_in_dim3A_87 = vector.broadcast %jit3A_84 : f32 to vector<256x40xf32>
    %select_n3A_88 = arith.select %broadcast_in_dim3A_86, %get3A_6, %broadcast_in_dim3A_87 : vector<256x40xi1>, vector<256x40xf32>
    %reduce_max3A_89 = arith.constant dense<0xFF800000> : vector<40xf32>
    %reduce_max3A_90 = vector.multi_reduction <maximumf>, %select_n3A_88, %reduce_max3A_89 [0] : vector<256x40xf32> to vector<40xf32>
    %get3A_91 = arith.constant 4 : index
    %get3A_92 = arith.constant 0 : index
    %get3A_93 = vector.load %arg3[%get3A_91, %get3A_92] : memref<64x40xf32, #tpu.memory_space<vmem>>, vector<1x40xf32>
    %get3A_94 = vector.shape_cast %get3A_93 : vector<1x40xf32> to vector<40xf32>
    %max3A_95 = arith.maximumf %get3A_94, %reduce_max3A_90 : vector<40xf32>
    %swap3A_96 = arith.constant 4 : index
    %swap3A_97 = arith.constant 0 : index
    %swap3A_98 = vector.load %arg3[%swap3A_96, %swap3A_97] : memref<64x40xf32, #tpu.memory_space<vmem>>, vector<1x40xf32>
    %swap3A_99 = vector.shape_cast %swap3A_98 : vector<1x40xf32> to vector<40xf32>
    %swap3A_100 = vector.shape_cast %max3A_95 : vector<40xf32> to vector<1x40xf32>
    tpu.vector_store %arg3[%swap3A_96, %swap3A_97], %swap3A_100 {strides = array<i32>} : memref<64x40xf32, #tpu.memory_space<vmem>>, vector<1x40xf32>,
    %eq3A_101 = arith.constant 5 : i32
    %eq3A_102 = vector.broadcast %eq3A_101 : i32 to vector<256x1xi32>
    %eq3A_103 = arith.cmpi eq, %get3A_3, %eq3A_102 : vector<256x1xi32>
    %jit3A_104 = arith.constant -1.000000e+30 : f32
    %broadcast_in_dim3A_105 = vector.shape_cast %eq3A_103 : vector<256x1xi1> to vector<256x1xi1>
    %broadcast_in_dim3A_106 = vector.broadcast %broadcast_in_dim3A_105 : vector<256x1xi1> to vector<256x40xi1>
    %broadcast_in_dim3A_107 = vector.broadcast %jit3A_104 : f32 to vector<256x40xf32>
    %select_n3A_108 = arith.select %broadcast_in_dim3A_106, %get3A_6, %broadcast_in_dim3A_107 : vector<256x40xi1>, vector<256x40xf32>
    %reduce_max3A_109 = arith.constant dense<0xFF800000> : vector<40xf32>
    %reduce_max3A_110 = vector.multi_reduction <maximumf>, %select_n3A_108, %reduce_max3A_109 [0] : vector<256x40xf32> to vector<40xf32>
    %get3A_111 = arith.constant 5 : index
    %get3A_112 = arith.constant 0 : index
    %get3A_113 = vector.load %arg3[%get3A_111, %get3A_112] : memref<64x40xf32, #tpu.memory_space<vmem>>, vector<1x40xf32>
    %get3A_114 = vector.shape_cast %get3A_113 : vector<1x40xf32> to vector<40xf32>
    %max3A_115 = arith.maximumf %get3A_114, %reduce_max3A_110 : vector<40xf32>
    %swap3A_116 = arith.constant 5 : index
    %swap3A_117 = arith.constant 0 : index
    %swap3A_118 = vector.load %arg3[%swap3A_116, %swap3A_117] : memref<64x40xf32, #tpu.memory_space<vmem>>, vector<1x40xf32>
    %swap3A_119 = vector.shape_cast %swap3A_118 : vector<1x40xf32> to vector<40xf32>
    %swap3A_120 = vector.shape_cast %max3A_115 : vector<40xf32> to vector<1x40xf32>
    tpu.vector_store %arg3[%swap3A_116, %swap3A_117], %swap3A_120 {strides = array<i32>} : memref<64x40xf32, #tpu.memory_space<vmem>>, vector<1x40xf32>,
    %eq3A_121 = arith.constant 6 : i32
    %eq3A_122 = vector.broadcast %eq3A_121 : i32 to vector<256x1xi32>
    %eq3A_123 = arith.cmpi eq, %get3A_3, %eq3A_122 : vector<256x1xi32>
    %jit3A_124 = arith.constant -1.000000e+30 : f32
    %broadcast_in_dim3A_125 = vector.shape_cast %eq3A_123 : vector<256x1xi1> to vector<256x1xi1>
    %broadcast_in_dim3A_126 = vector.broadcast %broadcast_in_dim3A_125 : vector<256x1xi1> to vector<256x40xi1>
    %broadcast_in_dim3A_127 = vector.broadcast %jit3A_124 : f32 to vector<256x40xf32>
    %select_n3A_128 = arith.select %broadcast_in_dim3A_126, %get3A_6, %broadcast_in_dim3A_127 : vector<256x40xi1>, vector<256x40xf32>
    %reduce_max3A_129 = arith.constant dense<0xFF800000> : vector<40xf32>
    %reduce_max3A_130 = vector.multi_reduction <maximumf>, %select_n3A_128, %reduce_max3A_129 [0] : vector<256x40xf32> to vector<40xf32>
    %get3A_131 = arith.constant 6 : index
    %get3A_132 = arith.constant 0 : index
    %get3A_133 = vector.load %arg3[%get3A_131, %get3A_132] : memref<64x40xf32, #tpu.memory_space<vmem>>, vector<1x40xf32>
    %get3A_134 = vector.shape_cast %get3A_133 : vector<1x40xf32> to vector<40xf32>
    %max3A_135 = arith.maximumf %get3A_134, %reduce_max3A_130 : vector<40xf32>
    %swap3A_136 = arith.constant 6 : index
    %swap3A_137 = arith.constant 0 : index
    %swap3A_138 = vector.load %arg3[%swap3A_136, %swap3A_137] : memref<64x40xf32, #tpu.memory_space<vmem>>, vector<1x40xf32>
    %swap3A_139 = vector.shape_cast %swap3A_138 : vector<1x40xf32> to vector<40xf32>
    %swap3A_140 = vector.shape_cast %max3A_135 : vector<40xf32> to vector<1x40xf32>
    tpu.vector_store %arg3[%swap3A_136, %swap3A_137], %swap3A_140 {strides = array<i32>} : memref<64x40xf32, #tpu.memory_space<vmem>>, vector<1x40xf32>,
    %eq3A_141 = arith.constant 7 : i32
    %eq3A_142 = vector.broadcast %eq3A_141 : i32 to vector<256x1xi32>
    %eq3A_143 = arith.cmpi eq, %get3A_3, %eq3A_142 : vector<256x1xi32>
    %jit3A_144 = arith.constant -1.000000e+30 : f32
    %broadcast_in_dim3A_145 = vector.shape_cast %eq3A_143 : vector<256x1xi1> to vector<256x1xi1>
    %broadcast_in_dim3A_146 = vector.broadcast %broadcast_in_dim3A_145 : vector<256x1xi1> to vector<256x40xi1>
    %broadcast_in_dim3A_147 = vector.broadcast %jit3A_144 : f32 to vector<256x40xf32>
    %select_n3A_148 = arith.select %broadcast_in_dim3A_146, %get3A_6, %broadcast_in_dim3A_147 : vector<256x40xi1>, vector<256x40xf32>
    %reduce_max3A_149 = arith.constant dense<0xFF800000> : vector<40xf32>
    %reduce_max3A_150 = vector.multi_reduction <maximumf>, %select_n3A_148, %reduce_max3A_149 [0] : vector<256x40xf32> to vector<40xf32>
    %get3A_151 = arith.constant 7 : index
    %get3A_152 = arith.constant 0 : index
    %get3A_153 = vector.load %arg3[%get3A_151, %get3A_152] : memref<64x40xf32, #tpu.memory_space<vmem>>, vector<1x40xf32>
    %get3A_154 = vector.shape_cast %get3A_153 : vector<1x40xf32> to vector<40xf32>
    %max3A_155 = arith.maximumf %get3A_154, %reduce_max3A_150 : vector<40xf32>
    %swap3A_156 = arith.constant 7 : index
    %swap3A_157 = arith.constant 0 : index
    %swap3A_158 = vector.load %arg3[%swap3A_156, %swap3A_157] : memref<64x40xf32, #tpu.memory_space<vmem>>, vector<1x40xf32>
    %swap3A_159 = vector.shape_cast %swap3A_158 : vector<1x40xf32> to vector<40xf32>
    %swap3A_160 = vector.shape_cast %max3A_155 : vector<40xf32> to vector<1x40xf32>
    tpu.vector_store %arg3[%swap3A_156, %swap3A_157], %swap3A_160 {strides = array<i32>} : memref<64x40xf32, #tpu.memory_space<vmem>>, vector<1x40xf32>,
    %eq3A_161 = arith.constant 8 : i32
    %eq3A_162 = vector.broadcast %eq3A_161 : i32 to vector<256x1xi32>
    %eq3A_163 = arith.cmpi eq, %get3A_3, %eq3A_162 : vector<256x1xi32>
    %jit3A_164 = arith.constant -1.000000e+30 : f32
    %broadcast_in_dim3A_165 = vector.shape_cast %eq3A_163 : vector<256x1xi1> to vector<256x1xi1>
    %broadcast_in_dim3A_166 = vector.broadcast %broadcast_in_dim3A_165 : vector<256x1xi1> to vector<256x40xi1>
    %broadcast_in_dim3A_167 = vector.broadcast %jit3A_164 : f32 to vector<256x40xf32>
    %select_n3A_168 = arith.select %broadcast_in_dim3A_166, %get3A_6, %broadcast_in_dim3A_167 : vector<256x40xi1>, vector<256x40xf32>
    %reduce_max3A_169 = arith.constant dense<0xFF800000> : vector<40xf32>
    %reduce_max3A_170 = vector.multi_reduction <maximumf>, %select_n3A_168, %reduce_max3A_169 [0] : vector<256x40xf32> to vector<40xf32>
    %get3A_171 = arith.constant 8 : index
    %get3A_172 = arith.constant 0 : index
    %get3A_173 = vector.load %arg3[%get3A_171, %get3A_172] : memref<64x40xf32, #tpu.memory_space<vmem>>, vector<1x40xf32>
    %get3A_174 = vector.shape_cast %get3A_173 : vector<1x40xf32> to vector<40xf32>
    %max3A_175 = arith.maximumf %get3A_174, %reduce_max3A_170 : vector<40xf32>
    %swap3A_176 = arith.constant 8 : index
    %swap3A_177 = arith.constant 0 : index
    %swap3A_178 = vector.load %arg3[%swap3A_176, %swap3A_177] : memref<64x40xf32, #tpu.memory_space<vmem>>, vector<1x40xf32>
    %swap3A_179 = vector.shape_cast %swap3A_178 : vector<1x40xf32> to vector<40xf32>
    %swap3A_180 = vector.shape_cast %max3A_175 : vector<40xf32> to vector<1x40xf32>
    tpu.vector_store %arg3[%swap3A_176, %swap3A_177], %swap3A_180 {strides = array<i32>} : memref<64x40xf32, #tpu.memory_space<vmem>>, vector<1x40xf32>,
    %eq3A_181 = arith.constant 9 : i32
    %eq3A_182 = vector.broadcast %eq3A_181 : i32 to vector<256x1xi32>
    %eq3A_183 = arith.cmpi eq, %get3A_3, %eq3A_182 : vector<256x1xi32>
    %jit3A_184 = arith.constant -1.000000e+30 : f32
    %broadcast_in_dim3A_185 = vector.shape_cast %eq3A_183 : vector<256x1xi1> to vector<256x1xi1>
    %broadcast_in_dim3A_186 = vector.broadcast %broadcast_in_dim3A_185 : vector<256x1xi1> to vector<256x40xi1>
    %broadcast_in_dim3A_187 = vector.broadcast %jit3A_184 : f32 to vector<256x40xf32>
    %select_n3A_188 = arith.select %broadcast_in_dim3A_186, %get3A_6, %broadcast_in_dim3A_187 : vector<256x40xi1>, vector<256x40xf32>
    %reduce_max3A_189 = arith.constant dense<0xFF800000> : vector<40xf32>
    %reduce_max3A_190 = vector.multi_reduction <maximumf>, %select_n3A_188, %reduce_max3A_189 [0] : vector<256x40xf32> to vector<40xf32>
    %get3A_191 = arith.constant 9 : index
    %get3A_192 = arith.constant 0 : index
    %get3A_193 = vector.load %arg3[%get3A_191, %get3A_192] : memref<64x40xf32, #tpu.memory_space<vmem>>, vector<1x40xf32>
    %get3A_194 = vector.shape_cast %get3A_193 : vector<1x40xf32> to vector<40xf32>
    %max3A_195 = arith.maximumf %get3A_194, %reduce_max3A_190 : vector<40xf32>
    %swap3A_196 = arith.constant 9 : index
    %swap3A_197 = arith.constant 0 : index
    %swap3A_198 = vector.load %arg3[%swap3A_196, %swap3A_197] : memref<64x40xf32, #tpu.memory_space<vmem>>, vector<1x40xf32>
    %swap3A_199 = vector.shape_cast %swap3A_198 : vector<1x40xf32> to vector<40xf32>
    %swap3A_200 = vector.shape_cast %max3A_195 : vector<40xf32> to vector<1x40xf32>
    tpu.vector_store %arg3[%swap3A_196, %swap3A_197], %swap3A_200 {strides = array<i32>} : memref<64x40xf32, #tpu.memory_space<vmem>>, vector<1x40xf32>,
    %eq3A_201 = arith.constant 10 : i32
    %eq3A_202 = vector.broadcast %eq3A_201 : i32 to vector<256x1xi32>
    %eq3A_203 = arith.cmpi eq, %get3A_3, %eq3A_202 : vector<256x1xi32>
    %jit3A_204 = arith.constant -1.000000e+30 : f32
    %broadcast_in_dim3A_205 = vector.shape_cast %eq3A_203 : vector<256x1xi1> to vector<256x1xi1>
    %broadcast_in_dim3A_206 = vector.broadcast %broadcast_in_dim3A_205 : vector<256x1xi1> to vector<256x40xi1>
    %broadcast_in_dim3A_207 = vector.broadcast %jit3A_204 : f32 to vector<256x40xf32>
    %select_n3A_208 = arith.select %broadcast_in_dim3A_206, %get3A_6, %broadcast_in_dim3A_207 : vector<256x40xi1>, vector<256x40xf32>
    %reduce_max3A_209 = arith.constant dense<0xFF800000> : vector<40xf32>
    %reduce_max3A_210 = vector.multi_reduction <maximumf>, %select_n3A_208, %reduce_max3A_209 [0] : vector<256x40xf32> to vector<40xf32>
    %get3A_211 = arith.constant 10 : index
    %get3A_212 = arith.constant 0 : index
    %get3A_213 = vector.load %arg3[%get3A_211, %get3A_212] : memref<64x40xf32, #tpu.memory_space<vmem>>, vector<1x40xf32>
    %get3A_214 = vector.shape_cast %get3A_213 : vector<1x40xf32> to vector<40xf32>
    %max3A_215 = arith.maximumf %get3A_214, %reduce_max3A_210 : vector<40xf32>
    %swap3A_216 = arith.constant 10 : index
    %swap3A_217 = arith.constant 0 : index
    %swap3A_218 = vector.load %arg3[%swap3A_216, %swap3A_217] : memref<64x40xf32, #tpu.memory_space<vmem>>, vector<1x40xf32>
    %swap3A_219 = vector.shape_cast %swap3A_218 : vector<1x40xf32> to vector<40xf32>
    %swap3A_220 = vector.shape_cast %max3A_215 : vector<40xf32> to vector<1x40xf32>
    tpu.vector_store %arg3[%swap3A_216, %swap3A_217], %swap3A_220 {strides = array<i32>} : memref<64x40xf32, #tpu.memory_space<vmem>>, vector<1x40xf32>,
    %eq3A_221 = arith.constant 11 : i32
    %eq3A_222 = vector.broadcast %eq3A_221 : i32 to vector<256x1xi32>
    %eq3A_223 = arith.cmpi eq, %get3A_3, %eq3A_222 : vector<256x1xi32>
    %jit3A_224 = arith.constant -1.000000e+30 : f32
    %broadcast_in_dim3A_225 = vector.shape_cast %eq3A_223 : vector<256x1xi1> to vector<256x1xi1>
    %broadcast_in_dim3A_226 = vector.broadcast %broadcast_in_dim3A_225 : vector<256x1xi1> to vector<256x40xi1>
    %broadcast_in_dim3A_227 = vector.broadcast %jit3A_224 : f32 to vector<256x40xf32>
    %select_n3A_228 = arith.select %broadcast_in_dim3A_226, %get3A_6, %broadcast_in_dim3A_227 : vector<256x40xi1>, vector<256x40xf32>
    %reduce_max3A_229 = arith.constant dense<0xFF800000> : vector<40xf32>
    %reduce_max3A_230 = vector.multi_reduction <maximumf>, %select_n3A_228, %reduce_max3A_229 [0] : vector<256x40xf32> to vector<40xf32>
    %get3A_231 = arith.constant 11 : index
    %get3A_232 = arith.constant 0 : index
    %get3A_233 = vector.load %arg3[%get3A_231, %get3A_232] : memref<64x40xf32, #tpu.memory_space<vmem>>, vector<1x40xf32>
    %get3A_234 = vector.shape_cast %get3A_233 : vector<1x40xf32> to vector<40xf32>
    %max3A_235 = arith.maximumf %get3A_234, %reduce_max3A_230 : vector<40xf32>
    %swap3A_236 = arith.constant 11 : index
    %swap3A_237 = arith.constant 0 : index
    %swap3A_238 = vector.load %arg3[%swap3A_236, %swap3A_237] : memref<64x40xf32, #tpu.memory_space<vmem>>, vector<1x40xf32>
    %swap3A_239 = vector.shape_cast %swap3A_238 : vector<1x40xf32> to vector<40xf32>
    %swap3A_240 = vector.shape_cast %max3A_235 : vector<40xf32> to vector<1x40xf32>
    tpu.vector_store %arg3[%swap3A_236, %swap3A_237], %swap3A_240 {strides = array<i32>} : memref<64x40xf32, #tpu.memory_space<vmem>>, vector<1x40xf32>,
    %eq3A_241 = arith.constant 12 : i32
    %eq3A_242 = vector.broadcast %eq3A_241 : i32 to vector<256x1xi32>
    %eq3A_243 = arith.cmpi eq, %get3A_3, %eq3A_242 : vector<256x1xi32>
    %jit3A_244 = arith.constant -1.000000e+30 : f32
    %broadcast_in_dim3A_245 = vector.shape_cast %eq3A_243 : vector<256x1xi1> to vector<256x1xi1>
    %broadcast_in_dim3A_246 = vector.broadcast %broadcast_in_dim3A_245 : vector<256x1xi1> to vector<256x40xi1>
    %broadcast_in_dim3A_247 = vector.broadcast %jit3A_244 : f32 to vector<256x40xf32>
    %select_n3A_248 = arith.select %broadcast_in_dim3A_246, %get3A_6, %broadcast_in_dim3A_247 : vector<256x40xi1>, vector<256x40xf32>
    %reduce_max3A_249 = arith.constant dense<0xFF800000> : vector<40xf32>
    %reduce_max3A_250 = vector.multi_reduction <maximumf>, %select_n3A_248, %reduce_max3A_249 [0] : vector<256x40xf32> to vector<40xf32>
    %get3A_251 = arith.constant 12 : index
    %get3A_252 = arith.constant 0 : index
    %get3A_253 = vector.load %arg3[%get3A_251, %get3A_252] : memref<64x40xf32, #tpu.memory_space<vmem>>, vector<1x40xf32>
    %get3A_254 = vector.shape_cast %get3A_253 : vector<1x40xf32> to vector<40xf32>
    %max3A_255 = arith.maximumf %get3A_254, %reduce_max3A_250 : vector<40xf32>
    %swap3A_256 = arith.constant 12 : index
    %swap3A_257 = arith.constant 0 : index
    %swap3A_258 = vector.load %arg3[%swap3A_256, %swap3A_257] : memref<64x40xf32, #tpu.memory_space<vmem>>, vector<1x40xf32>
    %swap3A_259 = vector.shape_cast %swap3A_258 : vector<1x40xf32> to vector<40xf32>
    %swap3A_260 = vector.shape_cast %max3A_255 : vector<40xf32> to vector<1x40xf32>
    tpu.vector_store %arg3[%swap3A_256, %swap3A_257], %swap3A_260 {strides = array<i32>} : memref<64x40xf32, #tpu.memory_space<vmem>>, vector<1x40xf32>,
    %eq3A_261 = arith.constant 13 : i32
    %eq3A_262 = vector.broadcast %eq3A_261 : i32 to vector<256x1xi32>
    %eq3A_263 = arith.cmpi eq, %get3A_3, %eq3A_262 : vector<256x1xi32>
    %jit3A_264 = arith.constant -1.000000e+30 : f32
    %broadcast_in_dim3A_265 = vector.shape_cast %eq3A_263 : vector<256x1xi1> to vector<256x1xi1>
    %broadcast_in_dim3A_266 = vector.broadcast %broadcast_in_dim3A_265 : vector<256x1xi1> to vector<256x40xi1>
    %broadcast_in_dim3A_267 = vector.broadcast %jit3A_264 : f32 to vector<256x40xf32>
    %select_n3A_268 = arith.select %broadcast_in_dim3A_266, %get3A_6, %broadcast_in_dim3A_267 : vector<256x40xi1>, vector<256x40xf32>
    %reduce_max3A_269 = arith.constant dense<0xFF800000> : vector<40xf32>
    %reduce_max3A_270 = vector.multi_reduction <maximumf>, %select_n3A_268, %reduce_max3A_269 [0] : vector<256x40xf32> to vector<40xf32>
    %get3A_271 = arith.constant 13 : index
    %get3A_272 = arith.constant 0 : index
    %get3A_273 = vector.load %arg3[%get3A_271, %get3A_272] : memref<64x40xf32, #tpu.memory_space<vmem>>, vector<1x40xf32>
    %get3A_274 = vector.shape_cast %get3A_273 : vector<1x40xf32> to vector<40xf32>
    %max3A_275 = arith.maximumf %get3A_274, %reduce_max3A_270 : vector<40xf32>
    %swap3A_276 = arith.constant 13 : index
    %swap3A_277 = arith.constant 0 : index
    %swap3A_278 = vector.load %arg3[%swap3A_276, %swap3A_277] : memref<64x40xf32, #tpu.memory_space<vmem>>, vector<1x40xf32>
    %swap3A_279 = vector.shape_cast %swap3A_278 : vector<1x40xf32> to vector<40xf32>
    %swap3A_280 = vector.shape_cast %max3A_275 : vector<40xf32> to vector<1x40xf32>
    tpu.vector_store %arg3[%swap3A_276, %swap3A_277], %swap3A_280 {strides = array<i32>} : memref<64x40xf32, #tpu.memory_space<vmem>>, vector<1x40xf32>,
    %eq3A_281 = arith.constant 14 : i32
    %eq3A_282 = vector.broadcast %eq3A_281 : i32 to vector<256x1xi32>
    %eq3A_283 = arith.cmpi eq, %get3A_3, %eq3A_282 : vector<256x1xi32>
    %jit3A_284 = arith.constant -1.000000e+30 : f32
    %broadcast_in_dim3A_285 = vector.shape_cast %eq3A_283 : vector<256x1xi1> to vector<256x1xi1>
    %broadcast_in_dim3A_286 = vector.broadcast %broadcast_in_dim3A_285 : vector<256x1xi1> to vector<256x40xi1>
    %broadcast_in_dim3A_287 = vector.broadcast %jit3A_284 : f32 to vector<256x40xf32>
    %select_n3A_288 = arith.select %broadcast_in_dim3A_286, %get3A_6, %broadcast_in_dim3A_287 : vector<256x40xi1>, vector<256x40xf32>
    %reduce_max3A_289 = arith.constant dense<0xFF800000> : vector<40xf32>
    %reduce_max3A_290 = vector.multi_reduction <maximumf>, %select_n3A_288, %reduce_max3A_289 [0] : vector<256x40xf32> to vector<40xf32>
    %get3A_291 = arith.constant 14 : index
    %get3A_292 = arith.constant 0 : index
    %get3A_293 = vector.load %arg3[%get3A_291, %get3A_292] : memref<64x40xf32, #tpu.memory_space<vmem>>, vector<1x40xf32>
    %get3A_294 = vector.shape_cast %get3A_293 : vector<1x40xf32> to vector<40xf32>
    %max3A_295 = arith.maximumf %get3A_294, %reduce_max3A_290 : vector<40xf32>
    %swap3A_296 = arith.constant 14 : index
    %swap3A_297 = arith.constant 0 : index
    %swap3A_298 = vector.load %arg3[%swap3A_296, %swap3A_297] : memref<64x40xf32, #tpu.memory_space<vmem>>, vector<1x40xf32>
    %swap3A_299 = vector.shape_cast %swap3A_298 : vector<1x40xf32> to vector<40xf32>
    %swap3A_300 = vector.shape_cast %max3A_295 : vector<40xf32> to vector<1x40xf32>
    tpu.vector_store %arg3[%swap3A_296, %swap3A_297], %swap3A_300 {strides = array<i32>} : memref<64x40xf32, #tpu.memory_space<vmem>>, vector<1x40xf32>,
    %eq3A_301 = arith.constant 15 : i32
    %eq3A_302 = vector.broadcast %eq3A_301 : i32 to vector<256x1xi32>
    %eq3A_303 = arith.cmpi eq, %get3A_3, %eq3A_302 : vector<256x1xi32>
    %jit3A_304 = arith.constant -1.000000e+30 : f32
    %broadcast_in_dim3A_305 = vector.shape_cast %eq3A_303 : vector<256x1xi1> to vector<256x1xi1>
    %broadcast_in_dim3A_306 = vector.broadcast %broadcast_in_dim3A_305 : vector<256x1xi1> to vector<256x40xi1>
    %broadcast_in_dim3A_307 = vector.broadcast %jit3A_304 : f32 to vector<256x40xf32>
    %select_n3A_308 = arith.select %broadcast_in_dim3A_306, %get3A_6, %broadcast_in_dim3A_307 : vector<256x40xi1>, vector<256x40xf32>
    %reduce_max3A_309 = arith.constant dense<0xFF800000> : vector<40xf32>
    %reduce_max3A_310 = vector.multi_reduction <maximumf>, %select_n3A_308, %reduce_max3A_309 [0] : vector<256x40xf32> to vector<40xf32>
    %get3A_311 = arith.constant 15 : index
    %get3A_312 = arith.constant 0 : index
    %get3A_313 = vector.load %arg3[%get3A_311, %get3A_312] : memref<64x40xf32, #tpu.memory_space<vmem>>, vector<1x40xf32>
    %get3A_314 = vector.shape_cast %get3A_313 : vector<1x40xf32> to vector<40xf32>
    %max3A_315 = arith.maximumf %get3A_314, %reduce_max3A_310 : vector<40xf32>
    %swap3A_316 = arith.constant 15 : index
    %swap3A_317 = arith.constant 0 : index
    %swap3A_318 = vector.load %arg3[%swap3A_316, %swap3A_317] : memref<64x40xf32, #tpu.memory_space<vmem>>, vector<1x40xf32>
    %swap3A_319 = vector.shape_cast %swap3A_318 : vector<1x40xf32> to vector<40xf32>
    %swap3A_320 = vector.shape_cast %max3A_315 : vector<40xf32> to vector<1x40xf32>
    tpu.vector_store %arg3[%swap3A_316, %swap3A_317], %swap3A_320 {strides = array<i32>} : memref<64x40xf32, #tpu.memory_space<vmem>>, vector<1x40xf32>,
    %eq3A_321 = arith.constant 16 : i32
    %eq3A_322 = vector.broadcast %eq3A_321 : i32 to vector<256x1xi32>
    %eq3A_323 = arith.cmpi eq, %get3A_3, %eq3A_322 : vector<256x1xi32>
    %jit3A_324 = arith.constant -1.000000e+30 : f32
    %broadcast_in_dim3A_325 = vector.shape_cast %eq3A_323 : vector<256x1xi1> to vector<256x1xi1>
    %broadcast_in_dim3A_326 = vector.broadcast %broadcast_in_dim3A_325 : vector<256x1xi1> to vector<256x40xi1>
    %broadcast_in_dim3A_327 = vector.broadcast %jit3A_324 : f32 to vector<256x40xf32>
    %select_n3A_328 = arith.select %broadcast_in_dim3A_326, %get3A_6, %broadcast_in_dim3A_327 : vector<256x40xi1>, vector<256x40xf32>
    %reduce_max3A_329 = arith.constant dense<0xFF800000> : vector<40xf32>
    %reduce_max3A_330 = vector.multi_reduction <maximumf>, %select_n3A_328, %reduce_max3A_329 [0] : vector<256x40xf32> to vector<40xf32>
    %get3A_331 = arith.constant 16 : index
    %get3A_332 = arith.constant 0 : index
    %get3A_333 = vector.load %arg3[%get3A_331, %get3A_332] : memref<64x40xf32, #tpu.memory_space<vmem>>, vector<1x40xf32>
    %get3A_334 = vector.shape_cast %get3A_333 : vector<1x40xf32> to vector<40xf32>
    %max3A_335 = arith.maximumf %get3A_334, %reduce_max3A_330 : vector<40xf32>
    %swap3A_336 = arith.constant 16 : index
    %swap3A_337 = arith.constant 0 : index
    %swap3A_338 = vector.load %arg3[%swap3A_336, %swap3A_337] : memref<64x40xf32, #tpu.memory_space<vmem>>, vector<1x40xf32>
    %swap3A_339 = vector.shape_cast %swap3A_338 : vector<1x40xf32> to vector<40xf32>
    %swap3A_340 = vector.shape_cast %max3A_335 : vector<40xf32> to vector<1x40xf32>
    tpu.vector_store %arg3[%swap3A_336, %swap3A_337], %swap3A_340 {strides = array<i32>} : memref<64x40xf32, #tpu.memory_space<vmem>>, vector<1x40xf32>,
    %eq3A_341 = arith.constant 17 : i32
    %eq3A_342 = vector.broadcast %eq3A_341 : i32 to vector<256x1xi32>
    %eq3A_343 = arith.cmpi eq, %get3A_3, %eq3A_342 : vector<256x1xi32>
    %jit3A_344 = arith.constant -1.000000e+30 : f32
    %broadcast_in_dim3A_345 = vector.shape_cast %eq3A_343 : vector<256x1xi1> to vector<256x1xi1>
    %broadcast_in_dim3A_346 = vector.broadcast %broadcast_in_dim3A_345 : vector<256x1xi1> to vector<256x40xi1>
    %broadcast_in_dim3A_347 = vector.broadcast %jit3A_344 : f32 to vector<256x40xf32>
    %select_n3A_348 = arith.select %broadcast_in_dim3A_346, %get3A_6, %broadcast_in_dim3A_347 : vector<256x40xi1>, vector<256x40xf32>
    %reduce_max3A_349 = arith.constant dense<0xFF800000> : vector<40xf32>
    %reduce_max3A_350 = vector.multi_reduction <maximumf>, %select_n3A_348, %reduce_max3A_349 [0] : vector<256x40xf32> to vector<40xf32>
    %get3A_351 = arith.constant 17 : index
    %get3A_352 = arith.constant 0 : index
    %get3A_353 = vector.load %arg3[%get3A_351, %get3A_352] : memref<64x40xf32, #tpu.memory_space<vmem>>, vector<1x40xf32>
    %get3A_354 = vector.shape_cast %get3A_353 : vector<1x40xf32> to vector<40xf32>
    %max3A_355 = arith.maximumf %get3A_354, %reduce_max3A_350 : vector<40xf32>
    %swap3A_356 = arith.constant 17 : index
    %swap3A_357 = arith.constant 0 : index
    %swap3A_358 = vector.load %arg3[%swap3A_356, %swap3A_357] : memref<64x40xf32, #tpu.memory_space<vmem>>, vector<1x40xf32>
    %swap3A_359 = vector.shape_cast %swap3A_358 : vector<1x40xf32> to vector<40xf32>
    %swap3A_360 = vector.shape_cast %max3A_355 : vector<40xf32> to vector<1x40xf32>
    tpu.vector_store %arg3[%swap3A_356, %swap3A_357], %swap3A_360 {strides = array<i32>} : memref<64x40xf32, #tpu.memory_space<vmem>>, vector<1x40xf32>,
    %eq3A_361 = arith.constant 18 : i32
    %eq3A_362 = vector.broadcast %eq3A_361 : i32 to vector<256x1xi32>
    %eq3A_363 = arith.cmpi eq, %get3A_3, %eq3A_362 : vector<256x1xi32>
    %jit3A_364 = arith.constant -1.000000e+30 : f32
    %broadcast_in_dim3A_365 = vector.shape_cast %eq3A_363 : vector<256x1xi1> to vector<256x1xi1>
    %broadcast_in_dim3A_366 = vector.broadcast %broadcast_in_dim3A_365 : vector<256x1xi1> to vector<256x40xi1>
    %broadcast_in_dim3A_367 = vector.broadcast %jit3A_364 : f32 to vector<256x40xf32>
    %select_n3A_368 = arith.select %broadcast_in_dim3A_366, %get3A_6, %broadcast_in_dim3A_367 : vector<256x40xi1>, vector<256x40xf32>
    %reduce_max3A_369 = arith.constant dense<0xFF800000> : vector<40xf32>
    %reduce_max3A_370 = vector.multi_reduction <maximumf>, %select_n3A_368, %reduce_max3A_369 [0] : vector<256x40xf32> to vector<40xf32>
    %get3A_371 = arith.constant 18 : index
    %get3A_372 = arith.constant 0 : index
    %get3A_373 = vector.load %arg3[%get3A_371, %get3A_372] : memref<64x40xf32, #tpu.memory_space<vmem>>, vector<1x40xf32>
    %get3A_374 = vector.shape_cast %get3A_373 : vector<1x40xf32> to vector<40xf32>
    %max3A_375 = arith.maximumf %get3A_374, %reduce_max3A_370 : vector<40xf32>
    %swap3A_376 = arith.constant 18 : index
    %swap3A_377 = arith.constant 0 : index
    %swap3A_378 = vector.load %arg3[%swap3A_376, %swap3A_377] : memref<64x40xf32, #tpu.memory_space<vmem>>, vector<1x40xf32>
    %swap3A_379 = vector.shape_cast %swap3A_378 : vector<1x40xf32> to vector<40xf32>
    %swap3A_380 = vector.shape_cast %max3A_375 : vector<40xf32> to vector<1x40xf32>
    tpu.vector_store %arg3[%swap3A_376, %swap3A_377], %swap3A_380 {strides = array<i32>} : memref<64x40xf32, #tpu.memory_space<vmem>>, vector<1x40xf32>,
    %eq3A_381 = arith.constant 19 : i32
    %eq3A_382 = vector.broadcast %eq3A_381 : i32 to vector<256x1xi32>
    %eq3A_383 = arith.cmpi eq, %get3A_3, %eq3A_382 : vector<256x1xi32>
    %jit3A_384 = arith.constant -1.000000e+30 : f32
    %broadcast_in_dim3A_385 = vector.shape_cast %eq3A_383 : vector<256x1xi1> to vector<256x1xi1>
    %broadcast_in_dim3A_386 = vector.broadcast %broadcast_in_dim3A_385 : vector<256x1xi1> to vector<256x40xi1>
    %broadcast_in_dim3A_387 = vector.broadcast %jit3A_384 : f32 to vector<256x40xf32>
    %select_n3A_388 = arith.select %broadcast_in_dim3A_386, %get3A_6, %broadcast_in_dim3A_387 : vector<256x40xi1>, vector<256x40xf32>
    %reduce_max3A_389 = arith.constant dense<0xFF800000> : vector<40xf32>
    %reduce_max3A_390 = vector.multi_reduction <maximumf>, %select_n3A_388, %reduce_max3A_389 [0] : vector<256x40xf32> to vector<40xf32>
    %get3A_391 = arith.constant 19 : index
    %get3A_392 = arith.constant 0 : index
    %get3A_393 = vector.load %arg3[%get3A_391, %get3A_392] : memref<64x40xf32, #tpu.memory_space<vmem>>, vector<1x40xf32>
    %get3A_394 = vector.shape_cast %get3A_393 : vector<1x40xf32> to vector<40xf32>
    %max3A_395 = arith.maximumf %get3A_394, %reduce_max3A_390 : vector<40xf32>
    %swap3A_396 = arith.constant 19 : index
    %swap3A_397 = arith.constant 0 : index
    %swap3A_398 = vector.load %arg3[%swap3A_396, %swap3A_397] : memref<64x40xf32, #tpu.memory_space<vmem>>, vector<1x40xf32>
    %swap3A_399 = vector.shape_cast %swap3A_398 : vector<1x40xf32> to vector<40xf32>
    %swap3A_400 = vector.shape_cast %max3A_395 : vector<40xf32> to vector<1x40xf32>
    tpu.vector_store %arg3[%swap3A_396, %swap3A_397], %swap3A_400 {strides = array<i32>} : memref<64x40xf32, #tpu.memory_space<vmem>>, vector<1x40xf32>,
    %eq3A_401 = arith.constant 20 : i32
    %eq3A_402 = vector.broadcast %eq3A_401 : i32 to vector<256x1xi32>
    %eq3A_403 = arith.cmpi eq, %get3A_3, %eq3A_402 : vector<256x1xi32>
    %jit3A_404 = arith.constant -1.000000e+30 : f32
    %broadcast_in_dim3A_405 = vector.shape_cast %eq3A_403 : vector<256x1xi1> to vector<256x1xi1>
    %broadcast_in_dim3A_406 = vector.broadcast %broadcast_in_dim3A_405 : vector<256x1xi1> to vector<256x40xi1>
    %broadcast_in_dim3A_407 = vector.broadcast %jit3A_404 : f32 to vector<256x40xf32>
    %select_n3A_408 = arith.select %broadcast_in_dim3A_406, %get3A_6, %broadcast_in_dim3A_407 : vector<256x40xi1>, vector<256x40xf32>
    %reduce_max3A_409 = arith.constant dense<0xFF800000> : vector<40xf32>
    %reduce_max3A_410 = vector.multi_reduction <maximumf>, %select_n3A_408, %reduce_max3A_409 [0] : vector<256x40xf32> to vector<40xf32>
    %get3A_411 = arith.constant 20 : index
    %get3A_412 = arith.constant 0 : index
    %get3A_413 = vector.load %arg3[%get3A_411, %get3A_412] : memref<64x40xf32, #tpu.memory_space<vmem>>, vector<1x40xf32>
    %get3A_414 = vector.shape_cast %get3A_413 : vector<1x40xf32> to vector<40xf32>
    %max3A_415 = arith.maximumf %get3A_414, %reduce_max3A_410 : vector<40xf32>
    %swap3A_416 = arith.constant 20 : index
    %swap3A_417 = arith.constant 0 : index
    %swap3A_418 = vector.load %arg3[%swap3A_416, %swap3A_417] : memref<64x40xf32, #tpu.memory_space<vmem>>, vector<1x40xf32>
    %swap3A_419 = vector.shape_cast %swap3A_418 : vector<1x40xf32> to vector<40xf32>
    %swap3A_420 = vector.shape_cast %max3A_415 : vector<40xf32> to vector<1x40xf32>
    tpu.vector_store %arg3[%swap3A_416, %swap3A_417], %swap3A_420 {strides = array<i32>} : memref<64x40xf32, #tpu.memory_space<vmem>>, vector<1x40xf32>,
    %eq3A_421 = arith.constant 21 : i32
    %eq3A_422 = vector.broadcast %eq3A_421 : i32 to vector<256x1xi32>
    %eq3A_423 = arith.cmpi eq, %get3A_3, %eq3A_422 : vector<256x1xi32>
    %jit3A_424 = arith.constant -1.000000e+30 : f32
    %broadcast_in_dim3A_425 = vector.shape_cast %eq3A_423 : vector<256x1xi1> to vector<256x1xi1>
    %broadcast_in_dim3A_426 = vector.broadcast %broadcast_in_dim3A_425 : vector<256x1xi1> to vector<256x40xi1>
    %broadcast_in_dim3A_427 = vector.broadcast %jit3A_424 : f32 to vector<256x40xf32>
    %select_n3A_428 = arith.select %broadcast_in_dim3A_426, %get3A_6, %broadcast_in_dim3A_427 : vector<256x40xi1>, vector<256x40xf32>
    %reduce_max3A_429 = arith.constant dense<0xFF800000> : vector<40xf32>
    %reduce_max3A_430 = vector.multi_reduction <maximumf>, %select_n3A_428, %reduce_max3A_429 [0] : vector<256x40xf32> to vector<40xf32>
    %get3A_431 = arith.constant 21 : index
    %get3A_432 = arith.constant 0 : index
    %get3A_433 = vector.load %arg3[%get3A_431, %get3A_432] : memref<64x40xf32, #tpu.memory_space<vmem>>, vector<1x40xf32>
    %get3A_434 = vector.shape_cast %get3A_433 : vector<1x40xf32> to vector<40xf32>
    %max3A_435 = arith.maximumf %get3A_434, %reduce_max3A_430 : vector<40xf32>
    %swap3A_436 = arith.constant 21 : index
    %swap3A_437 = arith.constant 0 : index
    %swap3A_438 = vector.load %arg3[%swap3A_436, %swap3A_437] : memref<64x40xf32, #tpu.memory_space<vmem>>, vector<1x40xf32>
    %swap3A_439 = vector.shape_cast %swap3A_438 : vector<1x40xf32> to vector<40xf32>
    %swap3A_440 = vector.shape_cast %max3A_435 : vector<40xf32> to vector<1x40xf32>
    tpu.vector_store %arg3[%swap3A_436, %swap3A_437], %swap3A_440 {strides = array<i32>} : memref<64x40xf32, #tpu.memory_space<vmem>>, vector<1x40xf32>,
    %eq3A_441 = arith.constant 22 : i32
    %eq3A_442 = vector.broadcast %eq3A_441 : i32 to vector<256x1xi32>
    %eq3A_443 = arith.cmpi eq, %get3A_3, %eq3A_442 : vector<256x1xi32>
    %jit3A_444 = arith.constant -1.000000e+30 : f32
    %broadcast_in_dim3A_445 = vector.shape_cast %eq3A_443 : vector<256x1xi1> to vector<256x1xi1>
    %broadcast_in_dim3A_446 = vector.broadcast %broadcast_in_dim3A_445 : vector<256x1xi1> to vector<256x40xi1>
    %broadcast_in_dim3A_447 = vector.broadcast %jit3A_444 : f32 to vector<256x40xf32>
    %select_n3A_448 = arith.select %broadcast_in_dim3A_446, %get3A_6, %broadcast_in_dim3A_447 : vector<256x40xi1>, vector<256x40xf32>
    %reduce_max3A_449 = arith.constant dense<0xFF800000> : vector<40xf32>
    %reduce_max3A_450 = vector.multi_reduction <maximumf>, %select_n3A_448, %reduce_max3A_449 [0] : vector<256x40xf32> to vector<40xf32>
    %get3A_451 = arith.constant 22 : index
    %get3A_452 = arith.constant 0 : index
    %get3A_453 = vector.load %arg3[%get3A_451, %get3A_452] : memref<64x40xf32, #tpu.memory_space<vmem>>, vector<1x40xf32>
    %get3A_454 = vector.shape_cast %get3A_453 : vector<1x40xf32> to vector<40xf32>
    %max3A_455 = arith.maximumf %get3A_454, %reduce_max3A_450 : vector<40xf32>
    %swap3A_456 = arith.constant 22 : index
    %swap3A_457 = arith.constant 0 : index
    %swap3A_458 = vector.load %arg3[%swap3A_456, %swap3A_457] : memref<64x40xf32, #tpu.memory_space<vmem>>, vector<1x40xf32>
    %swap3A_459 = vector.shape_cast %swap3A_458 : vector<1x40xf32> to vector<40xf32>
    %swap3A_460 = vector.shape_cast %max3A_455 : vector<40xf32> to vector<1x40xf32>
    tpu.vector_store %arg3[%swap3A_456, %swap3A_457], %swap3A_460 {strides = array<i32>} : memref<64x40xf32, #tpu.memory_space<vmem>>, vector<1x40xf32>,
    %eq3A_461 = arith.constant 23 : i32
    %eq3A_462 = vector.broadcast %eq3A_461 : i32 to vector<256x1xi32>
    %eq3A_463 = arith.cmpi eq, %get3A_3, %eq3A_462 : vector<256x1xi32>
    %jit3A_464 = arith.constant -1.000000e+30 : f32
    %broadcast_in_dim3A_465 = vector.shape_cast %eq3A_463 : vector<256x1xi1> to vector<256x1xi1>
    %broadcast_in_dim3A_466 = vector.broadcast %broadcast_in_dim3A_465 : vector<256x1xi1> to vector<256x40xi1>
    %broadcast_in_dim3A_467 = vector.broadcast %jit3A_464 : f32 to vector<256x40xf32>
    %select_n3A_468 = arith.select %broadcast_in_dim3A_466, %get3A_6, %broadcast_in_dim3A_467 : vector<256x40xi1>, vector<256x40xf32>
    %reduce_max3A_469 = arith.constant dense<0xFF800000> : vector<40xf32>
    %reduce_max3A_470 = vector.multi_reduction <maximumf>, %select_n3A_468, %reduce_max3A_469 [0] : vector<256x40xf32> to vector<40xf32>
    %get3A_471 = arith.constant 23 : index
    %get3A_472 = arith.constant 0 : index
    %get3A_473 = vector.load %arg3[%get3A_471, %get3A_472] : memref<64x40xf32, #tpu.memory_space<vmem>>, vector<1x40xf32>
    %get3A_474 = vector.shape_cast %get3A_473 : vector<1x40xf32> to vector<40xf32>
    %max3A_475 = arith.maximumf %get3A_474, %reduce_max3A_470 : vector<40xf32>
    %swap3A_476 = arith.constant 23 : index
    %swap3A_477 = arith.constant 0 : index
    %swap3A_478 = vector.load %arg3[%swap3A_476, %swap3A_477] : memref<64x40xf32, #tpu.memory_space<vmem>>, vector<1x40xf32>
    %swap3A_479 = vector.shape_cast %swap3A_478 : vector<1x40xf32> to vector<40xf32>
    %swap3A_480 = vector.shape_cast %max3A_475 : vector<40xf32> to vector<1x40xf32>
    tpu.vector_store %arg3[%swap3A_476, %swap3A_477], %swap3A_480 {strides = array<i32>} : memref<64x40xf32, #tpu.memory_space<vmem>>, vector<1x40xf32>,
    %eq3A_481 = arith.constant 24 : i32
    %eq3A_482 = vector.broadcast %eq3A_481 : i32 to vector<256x1xi32>
    %eq3A_483 = arith.cmpi eq, %get3A_3, %eq3A_482 : vector<256x1xi32>
    %jit3A_484 = arith.constant -1.000000e+30 : f32
    %broadcast_in_dim3A_485 = vector.shape_cast %eq3A_483 : vector<256x1xi1> to vector<256x1xi1>
    %broadcast_in_dim3A_486 = vector.broadcast %broadcast_in_dim3A_485 : vector<256x1xi1> to vector<256x40xi1>
    %broadcast_in_dim3A_487 = vector.broadcast %jit3A_484 : f32 to vector<256x40xf32>
    %select_n3A_488 = arith.select %broadcast_in_dim3A_486, %get3A_6, %broadcast_in_dim3A_487 : vector<256x40xi1>, vector<256x40xf32>
    %reduce_max3A_489 = arith.constant dense<0xFF800000> : vector<40xf32>
    %reduce_max3A_490 = vector.multi_reduction <maximumf>, %select_n3A_488, %reduce_max3A_489 [0] : vector<256x40xf32> to vector<40xf32>
    %get3A_491 = arith.constant 24 : index
    %get3A_492 = arith.constant 0 : index
    %get3A_493 = vector.load %arg3[%get3A_491, %get3A_492] : memref<64x40xf32, #tpu.memory_space<vmem>>, vector<1x40xf32>
    %get3A_494 = vector.shape_cast %get3A_493 : vector<1x40xf32> to vector<40xf32>
    %max3A_495 = arith.maximumf %get3A_494, %reduce_max3A_490 : vector<40xf32>
    %swap3A_496 = arith.constant 24 : index
    %swap3A_497 = arith.constant 0 : index
    %swap3A_498 = vector.load %arg3[%swap3A_496, %swap3A_497] : memref<64x40xf32, #tpu.memory_space<vmem>>, vector<1x40xf32>
    %swap3A_499 = vector.shape_cast %swap3A_498 : vector<1x40xf32> to vector<40xf32>
    %swap3A_500 = vector.shape_cast %max3A_495 : vector<40xf32> to vector<1x40xf32>
    tpu.vector_store %arg3[%swap3A_496, %swap3A_497], %swap3A_500 {strides = array<i32>} : memref<64x40xf32, #tpu.memory_space<vmem>>, vector<1x40xf32>,
    %eq3A_501 = arith.constant 25 : i32
    %eq3A_502 = vector.broadcast %eq3A_501 : i32 to vector<256x1xi32>
    %eq3A_503 = arith.cmpi eq, %get3A_3, %eq3A_502 : vector<256x1xi32>
    %jit3A_504 = arith.constant -1.000000e+30 : f32
    %broadcast_in_dim3A_505 = vector.shape_cast %eq3A_503 : vector<256x1xi1> to vector<256x1xi1>
    %broadcast_in_dim3A_506 = vector.broadcast %broadcast_in_dim3A_505 : vector<256x1xi1> to vector<256x40xi1>
    %broadcast_in_dim3A_507 = vector.broadcast %jit3A_504 : f32 to vector<256x40xf32>
    %select_n3A_508 = arith.select %broadcast_in_dim3A_506, %get3A_6, %broadcast_in_dim3A_507 : vector<256x40xi1>, vector<256x40xf32>
    %reduce_max3A_509 = arith.constant dense<0xFF800000> : vector<40xf32>
    %reduce_max3A_510 = vector.multi_reduction <maximumf>, %select_n3A_508, %reduce_max3A_509 [0] : vector<256x40xf32> to vector<40xf32>
    %get3A_511 = arith.constant 25 : index
    %get3A_512 = arith.constant 0 : index
    %get3A_513 = vector.load %arg3[%get3A_511, %get3A_512] : memref<64x40xf32, #tpu.memory_space<vmem>>, vector<1x40xf32>
    %get3A_514 = vector.shape_cast %get3A_513 : vector<1x40xf32> to vector<40xf32>
    %max3A_515 = arith.maximumf %get3A_514, %reduce_max3A_510 : vector<40xf32>
    %swap3A_516 = arith.constant 25 : index
    %swap3A_517 = arith.constant 0 : index
    %swap3A_518 = vector.load %arg3[%swap3A_516, %swap3A_517] : memref<64x40xf32, #tpu.memory_space<vmem>>, vector<1x40xf32>
    %swap3A_519 = vector.shape_cast %swap3A_518 : vector<1x40xf32> to vector<40xf32>
    %swap3A_520 = vector.shape_cast %max3A_515 : vector<40xf32> to vector<1x40xf32>
    tpu.vector_store %arg3[%swap3A_516, %swap3A_517], %swap3A_520 {strides = array<i32>} : memref<64x40xf32, #tpu.memory_space<vmem>>, vector<1x40xf32>,
    %eq3A_521 = arith.constant 26 : i32
    %eq3A_522 = vector.broadcast %eq3A_521 : i32 to vector<256x1xi32>
    %eq3A_523 = arith.cmpi eq, %get3A_3, %eq3A_522 : vector<256x1xi32>
    %jit3A_524 = arith.constant -1.000000e+30 : f32
    %broadcast_in_dim3A_525 = vector.shape_cast %eq3A_523 : vector<256x1xi1> to vector<256x1xi1>
    %broadcast_in_dim3A_526 = vector.broadcast %broadcast_in_dim3A_525 : vector<256x1xi1> to vector<256x40xi1>
    %broadcast_in_dim3A_527 = vector.broadcast %jit3A_524 : f32 to vector<256x40xf32>
    %select_n3A_528 = arith.select %broadcast_in_dim3A_526, %get3A_6, %broadcast_in_dim3A_527 : vector<256x40xi1>, vector<256x40xf32>
    %reduce_max3A_529 = arith.constant dense<0xFF800000> : vector<40xf32>
    %reduce_max3A_530 = vector.multi_reduction <maximumf>, %select_n3A_528, %reduce_max3A_529 [0] : vector<256x40xf32> to vector<40xf32>
    %get3A_531 = arith.constant 26 : index
    %get3A_532 = arith.constant 0 : index
    %get3A_533 = vector.load %arg3[%get3A_531, %get3A_532] : memref<64x40xf32, #tpu.memory_space<vmem>>, vector<1x40xf32>
    %get3A_534 = vector.shape_cast %get3A_533 : vector<1x40xf32> to vector<40xf32>
    %max3A_535 = arith.maximumf %get3A_534, %reduce_max3A_530 : vector<40xf32>
    %swap3A_536 = arith.constant 26 : index
    %swap3A_537 = arith.constant 0 : index
    %swap3A_538 = vector.load %arg3[%swap3A_536, %swap3A_537] : memref<64x40xf32, #tpu.memory_space<vmem>>, vector<1x40xf32>
    %swap3A_539 = vector.shape_cast %swap3A_538 : vector<1x40xf32> to vector<40xf32>
    %swap3A_540 = vector.shape_cast %max3A_535 : vector<40xf32> to vector<1x40xf32>
    tpu.vector_store %arg3[%swap3A_536, %swap3A_537], %swap3A_540 {strides = array<i32>} : memref<64x40xf32, #tpu.memory_space<vmem>>, vector<1x40xf32>,
    %eq3A_541 = arith.constant 27 : i32
    %eq3A_542 = vector.broadcast %eq3A_541 : i32 to vector<256x1xi32>
    %eq3A_543 = arith.cmpi eq, %get3A_3, %eq3A_542 : vector<256x1xi32>
    %jit3A_544 = arith.constant -1.000000e+30 : f32
    %broadcast_in_dim3A_545 = vector.shape_cast %eq3A_543 : vector<256x1xi1> to vector<256x1xi1>
    %broadcast_in_dim3A_546 = vector.broadcast %broadcast_in_dim3A_545 : vector<256x1xi1> to vector<256x40xi1>
    %broadcast_in_dim3A_547 = vector.broadcast %jit3A_544 : f32 to vector<256x40xf32>
    %select_n3A_548 = arith.select %broadcast_in_dim3A_546, %get3A_6, %broadcast_in_dim3A_547 : vector<256x40xi1>, vector<256x40xf32>
    %reduce_max3A_549 = arith.constant dense<0xFF800000> : vector<40xf32>
    %reduce_max3A_550 = vector.multi_reduction <maximumf>, %select_n3A_548, %reduce_max3A_549 [0] : vector<256x40xf32> to vector<40xf32>
    %get3A_551 = arith.constant 27 : index
    %get3A_552 = arith.constant 0 : index
    %get3A_553 = vector.load %arg3[%get3A_551, %get3A_552] : memref<64x40xf32, #tpu.memory_space<vmem>>, vector<1x40xf32>
    %get3A_554 = vector.shape_cast %get3A_553 : vector<1x40xf32> to vector<40xf32>
    %max3A_555 = arith.maximumf %get3A_554, %reduce_max3A_550 : vector<40xf32>
    %swap3A_556 = arith.constant 27 : index
    %swap3A_557 = arith.constant 0 : index
    %swap3A_558 = vector.load %arg3[%swap3A_556, %swap3A_557] : memref<64x40xf32, #tpu.memory_space<vmem>>, vector<1x40xf32>
    %swap3A_559 = vector.shape_cast %swap3A_558 : vector<1x40xf32> to vector<40xf32>
    %swap3A_560 = vector.shape_cast %max3A_555 : vector<40xf32> to vector<1x40xf32>
    tpu.vector_store %arg3[%swap3A_556, %swap3A_557], %swap3A_560 {strides = array<i32>} : memref<64x40xf32, #tpu.memory_space<vmem>>, vector<1x40xf32>,
    %eq3A_561 = arith.constant 28 : i32
    %eq3A_562 = vector.broadcast %eq3A_561 : i32 to vector<256x1xi32>
    %eq3A_563 = arith.cmpi eq, %get3A_3, %eq3A_562 : vector<256x1xi32>
    %jit3A_564 = arith.constant -1.000000e+30 : f32
    %broadcast_in_dim3A_565 = vector.shape_cast %eq3A_563 : vector<256x1xi1> to vector<256x1xi1>
    %broadcast_in_dim3A_566 = vector.broadcast %broadcast_in_dim3A_565 : vector<256x1xi1> to vector<256x40xi1>
    %broadcast_in_dim3A_567 = vector.broadcast %jit3A_564 : f32 to vector<256x40xf32>
    %select_n3A_568 = arith.select %broadcast_in_dim3A_566, %get3A_6, %broadcast_in_dim3A_567 : vector<256x40xi1>, vector<256x40xf32>
    %reduce_max3A_569 = arith.constant dense<0xFF800000> : vector<40xf32>
    %reduce_max3A_570 = vector.multi_reduction <maximumf>, %select_n3A_568, %reduce_max3A_569 [0] : vector<256x40xf32> to vector<40xf32>
    %get3A_571 = arith.constant 28 : index
    %get3A_572 = arith.constant 0 : index
    %get3A_573 = vector.load %arg3[%get3A_571, %get3A_572] : memref<64x40xf32, #tpu.memory_space<vmem>>, vector<1x40xf32>
    %get3A_574 = vector.shape_cast %get3A_573 : vector<1x40xf32> to vector<40xf32>
    %max3A_575 = arith.maximumf %get3A_574, %reduce_max3A_570 : vector<40xf32>
    %swap3A_576 = arith.constant 28 : index
    %swap3A_577 = arith.constant 0 : index
    %swap3A_578 = vector.load %arg3[%swap3A_576, %swap3A_577] : memref<64x40xf32, #tpu.memory_space<vmem>>, vector<1x40xf32>
    %swap3A_579 = vector.shape_cast %swap3A_578 : vector<1x40xf32> to vector<40xf32>
    %swap3A_580 = vector.shape_cast %max3A_575 : vector<40xf32> to vector<1x40xf32>
    tpu.vector_store %arg3[%swap3A_576, %swap3A_577], %swap3A_580 {strides = array<i32>} : memref<64x40xf32, #tpu.memory_space<vmem>>, vector<1x40xf32>,
    %eq3A_581 = arith.constant 29 : i32
    %eq3A_582 = vector.broadcast %eq3A_581 : i32 to vector<256x1xi32>
    %eq3A_583 = arith.cmpi eq, %get3A_3, %eq3A_582 : vector<256x1xi32>
    %jit3A_584 = arith.constant -1.000000e+30 : f32
    %broadcast_in_dim3A_585 = vector.shape_cast %eq3A_583 : vector<256x1xi1> to vector<256x1xi1>
    %broadcast_in_dim3A_586 = vector.broadcast %broadcast_in_dim3A_585 : vector<256x1xi1> to vector<256x40xi1>
    %broadcast_in_dim3A_587 = vector.broadcast %jit3A_584 : f32 to vector<256x40xf32>
    %select_n3A_588 = arith.select %broadcast_in_dim3A_586, %get3A_6, %broadcast_in_dim3A_587 : vector<256x40xi1>, vector<256x40xf32>
    %reduce_max3A_589 = arith.constant dense<0xFF800000> : vector<40xf32>
    %reduce_max3A_590 = vector.multi_reduction <maximumf>, %select_n3A_588, %reduce_max3A_589 [0] : vector<256x40xf32> to vector<40xf32>
    %get3A_591 = arith.constant 29 : index
    %get3A_592 = arith.constant 0 : index
    %get3A_593 = vector.load %arg3[%get3A_591, %get3A_592] : memref<64x40xf32, #tpu.memory_space<vmem>>, vector<1x40xf32>
    %get3A_594 = vector.shape_cast %get3A_593 : vector<1x40xf32> to vector<40xf32>
    %max3A_595 = arith.maximumf %get3A_594, %reduce_max3A_590 : vector<40xf32>
    %swap3A_596 = arith.constant 29 : index
    %swap3A_597 = arith.constant 0 : index
    %swap3A_598 = vector.load %arg3[%swap3A_596, %swap3A_597] : memref<64x40xf32, #tpu.memory_space<vmem>>, vector<1x40xf32>
    %swap3A_599 = vector.shape_cast %swap3A_598 : vector<1x40xf32> to vector<40xf32>
    %swap3A_600 = vector.shape_cast %max3A_595 : vector<40xf32> to vector<1x40xf32>
    tpu.vector_store %arg3[%swap3A_596, %swap3A_597], %swap3A_600 {strides = array<i32>} : memref<64x40xf32, #tpu.memory_space<vmem>>, vector<1x40xf32>,
    %eq3A_601 = arith.constant 30 : i32
    %eq3A_602 = vector.broadcast %eq3A_601 : i32 to vector<256x1xi32>
    %eq3A_603 = arith.cmpi eq, %get3A_3, %eq3A_602 : vector<256x1xi32>
    %jit3A_604 = arith.constant -1.000000e+30 : f32
    %broadcast_in_dim3A_605 = vector.shape_cast %eq3A_603 : vector<256x1xi1> to vector<256x1xi1>
    %broadcast_in_dim3A_606 = vector.broadcast %broadcast_in_dim3A_605 : vector<256x1xi1> to vector<256x40xi1>
    %broadcast_in_dim3A_607 = vector.broadcast %jit3A_604 : f32 to vector<256x40xf32>
    %select_n3A_608 = arith.select %broadcast_in_dim3A_606, %get3A_6, %broadcast_in_dim3A_607 : vector<256x40xi1>, vector<256x40xf32>
    %reduce_max3A_609 = arith.constant dense<0xFF800000> : vector<40xf32>
    %reduce_max3A_610 = vector.multi_reduction <maximumf>, %select_n3A_608, %reduce_max3A_609 [0] : vector<256x40xf32> to vector<40xf32>
    %get3A_611 = arith.constant 30 : index
    %get3A_612 = arith.constant 0 : index
    %get3A_613 = vector.load %arg3[%get3A_611, %get3A_612] : memref<64x40xf32, #tpu.memory_space<vmem>>, vector<1x40xf32>
    %get3A_614 = vector.shape_cast %get3A_613 : vector<1x40xf32> to vector<40xf32>
    %max3A_615 = arith.maximumf %get3A_614, %reduce_max3A_610 : vector<40xf32>
    %swap3A_616 = arith.constant 30 : index
    %swap3A_617 = arith.constant 0 : index
    %swap3A_618 = vector.load %arg3[%swap3A_616, %swap3A_617] : memref<64x40xf32, #tpu.memory_space<vmem>>, vector<1x40xf32>
    %swap3A_619 = vector.shape_cast %swap3A_618 : vector<1x40xf32> to vector<40xf32>
    %swap3A_620 = vector.shape_cast %max3A_615 : vector<40xf32> to vector<1x40xf32>
    tpu.vector_store %arg3[%swap3A_616, %swap3A_617], %swap3A_620 {strides = array<i32>} : memref<64x40xf32, #tpu.memory_space<vmem>>, vector<1x40xf32>,
    %eq3A_621 = arith.constant 31 : i32
    %eq3A_622 = vector.broadcast %eq3A_621 : i32 to vector<256x1xi32>
    %eq3A_623 = arith.cmpi eq, %get3A_3, %eq3A_622 : vector<256x1xi32>
    %jit3A_624 = arith.constant -1.000000e+30 : f32
    %broadcast_in_dim3A_625 = vector.shape_cast %eq3A_623 : vector<256x1xi1> to vector<256x1xi1>
    %broadcast_in_dim3A_626 = vector.broadcast %broadcast_in_dim3A_625 : vector<256x1xi1> to vector<256x40xi1>
    %broadcast_in_dim3A_627 = vector.broadcast %jit3A_624 : f32 to vector<256x40xf32>
    %select_n3A_628 = arith.select %broadcast_in_dim3A_626, %get3A_6, %broadcast_in_dim3A_627 : vector<256x40xi1>, vector<256x40xf32>
    %reduce_max3A_629 = arith.constant dense<0xFF800000> : vector<40xf32>
    %reduce_max3A_630 = vector.multi_reduction <maximumf>, %select_n3A_628, %reduce_max3A_629 [0] : vector<256x40xf32> to vector<40xf32>
    %get3A_631 = arith.constant 31 : index
    %get3A_632 = arith.constant 0 : index
    %get3A_633 = vector.load %arg3[%get3A_631, %get3A_632] : memref<64x40xf32, #tpu.memory_space<vmem>>, vector<1x40xf32>
    %get3A_634 = vector.shape_cast %get3A_633 : vector<1x40xf32> to vector<40xf32>
    %max3A_635 = arith.maximumf %get3A_634, %reduce_max3A_630 : vector<40xf32>
    %swap3A_636 = arith.constant 31 : index
    %swap3A_637 = arith.constant 0 : index
    %swap3A_638 = vector.load %arg3[%swap3A_636, %swap3A_637] : memref<64x40xf32, #tpu.memory_space<vmem>>, vector<1x40xf32>
    %swap3A_639 = vector.shape_cast %swap3A_638 : vector<1x40xf32> to vector<40xf32>
    %swap3A_640 = vector.shape_cast %max3A_635 : vector<40xf32> to vector<1x40xf32>
    tpu.vector_store %arg3[%swap3A_636, %swap3A_637], %swap3A_640 {strides = array<i32>} : memref<64x40xf32, #tpu.memory_space<vmem>>, vector<1x40xf32>,
    %eq3A_641 = arith.constant 32 : i32
    %eq3A_642 = vector.broadcast %eq3A_641 : i32 to vector<256x1xi32>
    %eq3A_643 = arith.cmpi eq, %get3A_3, %eq3A_642 : vector<256x1xi32>
    %jit3A_644 = arith.constant -1.000000e+30 : f32
    %broadcast_in_dim3A_645 = vector.shape_cast %eq3A_643 : vector<256x1xi1> to vector<256x1xi1>
    %broadcast_in_dim3A_646 = vector.broadcast %broadcast_in_dim3A_645 : vector<256x1xi1> to vector<256x40xi1>
    %broadcast_in_dim3A_647 = vector.broadcast %jit3A_644 : f32 to vector<256x40xf32>
    %select_n3A_648 = arith.select %broadcast_in_dim3A_646, %get3A_6, %broadcast_in_dim3A_647 : vector<256x40xi1>, vector<256x40xf32>
    %reduce_max3A_649 = arith.constant dense<0xFF800000> : vector<40xf32>
    %reduce_max3A_650 = vector.multi_reduction <maximumf>, %select_n3A_648, %reduce_max3A_649 [0] : vector<256x40xf32> to vector<40xf32>
    %get3A_651 = arith.constant 32 : index
    %get3A_652 = arith.constant 0 : index
    %get3A_653 = vector.load %arg3[%get3A_651, %get3A_652] : memref<64x40xf32, #tpu.memory_space<vmem>>, vector<1x40xf32>
    %get3A_654 = vector.shape_cast %get3A_653 : vector<1x40xf32> to vector<40xf32>
    %max3A_655 = arith.maximumf %get3A_654, %reduce_max3A_650 : vector<40xf32>
    %swap3A_656 = arith.constant 32 : index
    %swap3A_657 = arith.constant 0 : index
    %swap3A_658 = vector.load %arg3[%swap3A_656, %swap3A_657] : memref<64x40xf32, #tpu.memory_space<vmem>>, vector<1x40xf32>
    %swap3A_659 = vector.shape_cast %swap3A_658 : vector<1x40xf32> to vector<40xf32>
    %swap3A_660 = vector.shape_cast %max3A_655 : vector<40xf32> to vector<1x40xf32>
    tpu.vector_store %arg3[%swap3A_656, %swap3A_657], %swap3A_660 {strides = array<i32>} : memref<64x40xf32, #tpu.memory_space<vmem>>, vector<1x40xf32>,
    %eq3A_661 = arith.constant 33 : i32
    %eq3A_662 = vector.broadcast %eq3A_661 : i32 to vector<256x1xi32>
    %eq3A_663 = arith.cmpi eq, %get3A_3, %eq3A_662 : vector<256x1xi32>
    %jit3A_664 = arith.constant -1.000000e+30 : f32
    %broadcast_in_dim3A_665 = vector.shape_cast %eq3A_663 : vector<256x1xi1> to vector<256x1xi1>
    %broadcast_in_dim3A_666 = vector.broadcast %broadcast_in_dim3A_665 : vector<256x1xi1> to vector<256x40xi1>
    %broadcast_in_dim3A_667 = vector.broadcast %jit3A_664 : f32 to vector<256x40xf32>
    %select_n3A_668 = arith.select %broadcast_in_dim3A_666, %get3A_6, %broadcast_in_dim3A_667 : vector<256x40xi1>, vector<256x40xf32>
    %reduce_max3A_669 = arith.constant dense<0xFF800000> : vector<40xf32>
    %reduce_max3A_670 = vector.multi_reduction <maximumf>, %select_n3A_668, %reduce_max3A_669 [0] : vector<256x40xf32> to vector<40xf32>
    %get3A_671 = arith.constant 33 : index
    %get3A_672 = arith.constant 0 : index
    %get3A_673 = vector.load %arg3[%get3A_671, %get3A_672] : memref<64x40xf32, #tpu.memory_space<vmem>>, vector<1x40xf32>
    %get3A_674 = vector.shape_cast %get3A_673 : vector<1x40xf32> to vector<40xf32>
    %max3A_675 = arith.maximumf %get3A_674, %reduce_max3A_670 : vector<40xf32>
    %swap3A_676 = arith.constant 33 : index
    %swap3A_677 = arith.constant 0 : index
    %swap3A_678 = vector.load %arg3[%swap3A_676, %swap3A_677] : memref<64x40xf32, #tpu.memory_space<vmem>>, vector<1x40xf32>
    %swap3A_679 = vector.shape_cast %swap3A_678 : vector<1x40xf32> to vector<40xf32>
    %swap3A_680 = vector.shape_cast %max3A_675 : vector<40xf32> to vector<1x40xf32>
    tpu.vector_store %arg3[%swap3A_676, %swap3A_677], %swap3A_680 {strides = array<i32>} : memref<64x40xf32, #tpu.memory_space<vmem>>, vector<1x40xf32>,
    %eq3A_681 = arith.constant 34 : i32
    %eq3A_682 = vector.broadcast %eq3A_681 : i32 to vector<256x1xi32>
    %eq3A_683 = arith.cmpi eq, %get3A_3, %eq3A_682 : vector<256x1xi32>
    %jit3A_684 = arith.constant -1.000000e+30 : f32
    %broadcast_in_dim3A_685 = vector.shape_cast %eq3A_683 : vector<256x1xi1> to vector<256x1xi1>
    %broadcast_in_dim3A_686 = vector.broadcast %broadcast_in_dim3A_685 : vector<256x1xi1> to vector<256x40xi1>
    %broadcast_in_dim3A_687 = vector.broadcast %jit3A_684 : f32 to vector<256x40xf32>
    %select_n3A_688 = arith.select %broadcast_in_dim3A_686, %get3A_6, %broadcast_in_dim3A_687 : vector<256x40xi1>, vector<256x40xf32>
    %reduce_max3A_689 = arith.constant dense<0xFF800000> : vector<40xf32>
    %reduce_max3A_690 = vector.multi_reduction <maximumf>, %select_n3A_688, %reduce_max3A_689 [0] : vector<256x40xf32> to vector<40xf32>
    %get3A_691 = arith.constant 34 : index
    %get3A_692 = arith.constant 0 : index
    %get3A_693 = vector.load %arg3[%get3A_691, %get3A_692] : memref<64x40xf32, #tpu.memory_space<vmem>>, vector<1x40xf32>
    %get3A_694 = vector.shape_cast %get3A_693 : vector<1x40xf32> to vector<40xf32>
    %max3A_695 = arith.maximumf %get3A_694, %reduce_max3A_690 : vector<40xf32>
    %swap3A_696 = arith.constant 34 : index
    %swap3A_697 = arith.constant 0 : index
    %swap3A_698 = vector.load %arg3[%swap3A_696, %swap3A_697] : memref<64x40xf32, #tpu.memory_space<vmem>>, vector<1x40xf32>
    %swap3A_699 = vector.shape_cast %swap3A_698 : vector<1x40xf32> to vector<40xf32>
    %swap3A_700 = vector.shape_cast %max3A_695 : vector<40xf32> to vector<1x40xf32>
    tpu.vector_store %arg3[%swap3A_696, %swap3A_697], %swap3A_700 {strides = array<i32>} : memref<64x40xf32, #tpu.memory_space<vmem>>, vector<1x40xf32>,
    %eq3A_701 = arith.constant 35 : i32
    %eq3A_702 = vector.broadcast %eq3A_701 : i32 to vector<256x1xi32>
    %eq3A_703 = arith.cmpi eq, %get3A_3, %eq3A_702 : vector<256x1xi32>
    %jit3A_704 = arith.constant -1.000000e+30 : f32
    %broadcast_in_dim3A_705 = vector.shape_cast %eq3A_703 : vector<256x1xi1> to vector<256x1xi1>
    %broadcast_in_dim3A_706 = vector.broadcast %broadcast_in_dim3A_705 : vector<256x1xi1> to vector<256x40xi1>
    %broadcast_in_dim3A_707 = vector.broadcast %jit3A_704 : f32 to vector<256x40xf32>
    %select_n3A_708 = arith.select %broadcast_in_dim3A_706, %get3A_6, %broadcast_in_dim3A_707 : vector<256x40xi1>, vector<256x40xf32>
    %reduce_max3A_709 = arith.constant dense<0xFF800000> : vector<40xf32>
    %reduce_max3A_710 = vector.multi_reduction <maximumf>, %select_n3A_708, %reduce_max3A_709 [0] : vector<256x40xf32> to vector<40xf32>
    %get3A_711 = arith.constant 35 : index
    %get3A_712 = arith.constant 0 : index
    %get3A_713 = vector.load %arg3[%get3A_711, %get3A_712] : memref<64x40xf32, #tpu.memory_space<vmem>>, vector<1x40xf32>
    %get3A_714 = vector.shape_cast %get3A_713 : vector<1x40xf32> to vector<40xf32>
    %max3A_715 = arith.maximumf %get3A_714, %reduce_max3A_710 : vector<40xf32>
    %swap3A_716 = arith.constant 35 : index
    %swap3A_717 = arith.constant 0 : index
    %swap3A_718 = vector.load %arg3[%swap3A_716, %swap3A_717] : memref<64x40xf32, #tpu.memory_space<vmem>>, vector<1x40xf32>
    %swap3A_719 = vector.shape_cast %swap3A_718 : vector<1x40xf32> to vector<40xf32>
    %swap3A_720 = vector.shape_cast %max3A_715 : vector<40xf32> to vector<1x40xf32>
    tpu.vector_store %arg3[%swap3A_716, %swap3A_717], %swap3A_720 {strides = array<i32>} : memref<64x40xf32, #tpu.memory_space<vmem>>, vector<1x40xf32>,
    %eq3A_721 = arith.constant 36 : i32
    %eq3A_722 = vector.broadcast %eq3A_721 : i32 to vector<256x1xi32>
    %eq3A_723 = arith.cmpi eq, %get3A_3, %eq3A_722 : vector<256x1xi32>
    %jit3A_724 = arith.constant -1.000000e+30 : f32
    %broadcast_in_dim3A_725 = vector.shape_cast %eq3A_723 : vector<256x1xi1> to vector<256x1xi1>
    %broadcast_in_dim3A_726 = vector.broadcast %broadcast_in_dim3A_725 : vector<256x1xi1> to vector<256x40xi1>
    %broadcast_in_dim3A_727 = vector.broadcast %jit3A_724 : f32 to vector<256x40xf32>
    %select_n3A_728 = arith.select %broadcast_in_dim3A_726, %get3A_6, %broadcast_in_dim3A_727 : vector<256x40xi1>, vector<256x40xf32>
    %reduce_max3A_729 = arith.constant dense<0xFF800000> : vector<40xf32>
    %reduce_max3A_730 = vector.multi_reduction <maximumf>, %select_n3A_728, %reduce_max3A_729 [0] : vector<256x40xf32> to vector<40xf32>
    %get3A_731 = arith.constant 36 : index
    %get3A_732 = arith.constant 0 : index
    %get3A_733 = vector.load %arg3[%get3A_731, %get3A_732] : memref<64x40xf32, #tpu.memory_space<vmem>>, vector<1x40xf32>
    %get3A_734 = vector.shape_cast %get3A_733 : vector<1x40xf32> to vector<40xf32>
    %max3A_735 = arith.maximumf %get3A_734, %reduce_max3A_730 : vector<40xf32>
    %swap3A_736 = arith.constant 36 : index
    %swap3A_737 = arith.constant 0 : index
    %swap3A_738 = vector.load %arg3[%swap3A_736, %swap3A_737] : memref<64x40xf32, #tpu.memory_space<vmem>>, vector<1x40xf32>
    %swap3A_739 = vector.shape_cast %swap3A_738 : vector<1x40xf32> to vector<40xf32>
    %swap3A_740 = vector.shape_cast %max3A_735 : vector<40xf32> to vector<1x40xf32>
    tpu.vector_store %arg3[%swap3A_736, %swap3A_737], %swap3A_740 {strides = array<i32>} : memref<64x40xf32, #tpu.memory_space<vmem>>, vector<1x40xf32>,
    %eq3A_741 = arith.constant 37 : i32
    %eq3A_742 = vector.broadcast %eq3A_741 : i32 to vector<256x1xi32>
    %eq3A_743 = arith.cmpi eq, %get3A_3, %eq3A_742 : vector<256x1xi32>
    %jit3A_744 = arith.constant -1.000000e+30 : f32
    %broadcast_in_dim3A_745 = vector.shape_cast %eq3A_743 : vector<256x1xi1> to vector<256x1xi1>
    %broadcast_in_dim3A_746 = vector.broadcast %broadcast_in_dim3A_745 : vector<256x1xi1> to vector<256x40xi1>
    %broadcast_in_dim3A_747 = vector.broadcast %jit3A_744 : f32 to vector<256x40xf32>
    %select_n3A_748 = arith.select %broadcast_in_dim3A_746, %get3A_6, %broadcast_in_dim3A_747 : vector<256x40xi1>, vector<256x40xf32>
    %reduce_max3A_749 = arith.constant dense<0xFF800000> : vector<40xf32>
    %reduce_max3A_750 = vector.multi_reduction <maximumf>, %select_n3A_748, %reduce_max3A_749 [0] : vector<256x40xf32> to vector<40xf32>
    %get3A_751 = arith.constant 37 : index
    %get3A_752 = arith.constant 0 : index
    %get3A_753 = vector.load %arg3[%get3A_751, %get3A_752] : memref<64x40xf32, #tpu.memory_space<vmem>>, vector<1x40xf32>
    %get3A_754 = vector.shape_cast %get3A_753 : vector<1x40xf32> to vector<40xf32>
    %max3A_755 = arith.maximumf %get3A_754, %reduce_max3A_750 : vector<40xf32>
    %swap3A_756 = arith.constant 37 : index
    %swap3A_757 = arith.constant 0 : index
    %swap3A_758 = vector.load %arg3[%swap3A_756, %swap3A_757] : memref<64x40xf32, #tpu.memory_space<vmem>>, vector<1x40xf32>
    %swap3A_759 = vector.shape_cast %swap3A_758 : vector<1x40xf32> to vector<40xf32>
    %swap3A_760 = vector.shape_cast %max3A_755 : vector<40xf32> to vector<1x40xf32>
    tpu.vector_store %arg3[%swap3A_756, %swap3A_757], %swap3A_760 {strides = array<i32>} : memref<64x40xf32, #tpu.memory_space<vmem>>, vector<1x40xf32>,
    %eq3A_761 = arith.constant 38 : i32
    %eq3A_762 = vector.broadcast %eq3A_761 : i32 to vector<256x1xi32>
    %eq3A_763 = arith.cmpi eq, %get3A_3, %eq3A_762 : vector<256x1xi32>
    %jit3A_764 = arith.constant -1.000000e+30 : f32
    %broadcast_in_dim3A_765 = vector.shape_cast %eq3A_763 : vector<256x1xi1> to vector<256x1xi1>
    %broadcast_in_dim3A_766 = vector.broadcast %broadcast_in_dim3A_765 : vector<256x1xi1> to vector<256x40xi1>
    %broadcast_in_dim3A_767 = vector.broadcast %jit3A_764 : f32 to vector<256x40xf32>
    %select_n3A_768 = arith.select %broadcast_in_dim3A_766, %get3A_6, %broadcast_in_dim3A_767 : vector<256x40xi1>, vector<256x40xf32>
    %reduce_max3A_769 = arith.constant dense<0xFF800000> : vector<40xf32>
    %reduce_max3A_770 = vector.multi_reduction <maximumf>, %select_n3A_768, %reduce_max3A_769 [0] : vector<256x40xf32> to vector<40xf32>
    %get3A_771 = arith.constant 38 : index
    %get3A_772 = arith.constant 0 : index
    %get3A_773 = vector.load %arg3[%get3A_771, %get3A_772] : memref<64x40xf32, #tpu.memory_space<vmem>>, vector<1x40xf32>
    %get3A_774 = vector.shape_cast %get3A_773 : vector<1x40xf32> to vector<40xf32>
    %max3A_775 = arith.maximumf %get3A_774, %reduce_max3A_770 : vector<40xf32>
    %swap3A_776 = arith.constant 38 : index
    %swap3A_777 = arith.constant 0 : index
    %swap3A_778 = vector.load %arg3[%swap3A_776, %swap3A_777] : memref<64x40xf32, #tpu.memory_space<vmem>>, vector<1x40xf32>
    %swap3A_779 = vector.shape_cast %swap3A_778 : vector<1x40xf32> to vector<40xf32>
    %swap3A_780 = vector.shape_cast %max3A_775 : vector<40xf32> to vector<1x40xf32>
    tpu.vector_store %arg3[%swap3A_776, %swap3A_777], %swap3A_780 {strides = array<i32>} : memref<64x40xf32, #tpu.memory_space<vmem>>, vector<1x40xf32>,
    %eq3A_781 = arith.constant 39 : i32
    %eq3A_782 = vector.broadcast %eq3A_781 : i32 to vector<256x1xi32>
    %eq3A_783 = arith.cmpi eq, %get3A_3, %eq3A_782 : vector<256x1xi32>
    %jit3A_784 = arith.constant -1.000000e+30 : f32
    %broadcast_in_dim3A_785 = vector.shape_cast %eq3A_783 : vector<256x1xi1> to vector<256x1xi1>
    %broadcast_in_dim3A_786 = vector.broadcast %broadcast_in_dim3A_785 : vector<256x1xi1> to vector<256x40xi1>
    %broadcast_in_dim3A_787 = vector.broadcast %jit3A_784 : f32 to vector<256x40xf32>
    %select_n3A_788 = arith.select %broadcast_in_dim3A_786, %get3A_6, %broadcast_in_dim3A_787 : vector<256x40xi1>, vector<256x40xf32>
    %reduce_max3A_789 = arith.constant dense<0xFF800000> : vector<40xf32>
    %reduce_max3A_790 = vector.multi_reduction <maximumf>, %select_n3A_788, %reduce_max3A_789 [0] : vector<256x40xf32> to vector<40xf32>
    %get3A_791 = arith.constant 39 : index
    %get3A_792 = arith.constant 0 : index
    %get3A_793 = vector.load %arg3[%get3A_791, %get3A_792] : memref<64x40xf32, #tpu.memory_space<vmem>>, vector<1x40xf32>
    %get3A_794 = vector.shape_cast %get3A_793 : vector<1x40xf32> to vector<40xf32>
    %max3A_795 = arith.maximumf %get3A_794, %reduce_max3A_790 : vector<40xf32>
    %swap3A_796 = arith.constant 39 : index
    %swap3A_797 = arith.constant 0 : index
    %swap3A_798 = vector.load %arg3[%swap3A_796, %swap3A_797] : memref<64x40xf32, #tpu.memory_space<vmem>>, vector<1x40xf32>
    %swap3A_799 = vector.shape_cast %swap3A_798 : vector<1x40xf32> to vector<40xf32>
    %swap3A_800 = vector.shape_cast %max3A_795 : vector<40xf32> to vector<1x40xf32>
    tpu.vector_store %arg3[%swap3A_796, %swap3A_797], %swap3A_800 {strides = array<i32>} : memref<64x40xf32, #tpu.memory_space<vmem>>, vector<1x40xf32>,
    %eq3A_801 = arith.constant 40 : i32
    %eq3A_802 = vector.broadcast %eq3A_801 : i32 to vector<256x1xi32>
    %eq3A_803 = arith.cmpi eq, %get3A_3, %eq3A_802 : vector<256x1xi32>
    %jit3A_804 = arith.constant -1.000000e+30 : f32
    %broadcast_in_dim3A_805 = vector.shape_cast %eq3A_803 : vector<256x1xi1> to vector<256x1xi1>
    %broadcast_in_dim3A_806 = vector.broadcast %broadcast_in_dim3A_805 : vector<256x1xi1> to vector<256x40xi1>
    %broadcast_in_dim3A_807 = vector.broadcast %jit3A_804 : f32 to vector<256x40xf32>
    %select_n3A_808 = arith.select %broadcast_in_dim3A_806, %get3A_6, %broadcast_in_dim3A_807 : vector<256x40xi1>, vector<256x40xf32>
    %reduce_max3A_809 = arith.constant dense<0xFF800000> : vector<40xf32>
    %reduce_max3A_810 = vector.multi_reduction <maximumf>, %select_n3A_808, %reduce_max3A_809 [0] : vector<256x40xf32> to vector<40xf32>
    %get3A_811 = arith.constant 40 : index
    %get3A_812 = arith.constant 0 : index
    %get3A_813 = vector.load %arg3[%get3A_811, %get3A_812] : memref<64x40xf32, #tpu.memory_space<vmem>>, vector<1x40xf32>
    %get3A_814 = vector.shape_cast %get3A_813 : vector<1x40xf32> to vector<40xf32>
    %max3A_815 = arith.maximumf %get3A_814, %reduce_max3A_810 : vector<40xf32>
    %swap3A_816 = arith.constant 40 : index
    %swap3A_817 = arith.constant 0 : index
    %swap3A_818 = vector.load %arg3[%swap3A_816, %swap3A_817] : memref<64x40xf32, #tpu.memory_space<vmem>>, vector<1x40xf32>
    %swap3A_819 = vector.shape_cast %swap3A_818 : vector<1x40xf32> to vector<40xf32>
    %swap3A_820 = vector.shape_cast %max3A_815 : vector<40xf32> to vector<1x40xf32>
    tpu.vector_store %arg3[%swap3A_816, %swap3A_817], %swap3A_820 {strides = array<i32>} : memref<64x40xf32, #tpu.memory_space<vmem>>, vector<1x40xf32>,
    %eq3A_821 = arith.constant 41 : i32
    %eq3A_822 = vector.broadcast %eq3A_821 : i32 to vector<256x1xi32>
    %eq3A_823 = arith.cmpi eq, %get3A_3, %eq3A_822 : vector<256x1xi32>
    %jit3A_824 = arith.constant -1.000000e+30 : f32
    %broadcast_in_dim3A_825 = vector.shape_cast %eq3A_823 : vector<256x1xi1> to vector<256x1xi1>
    %broadcast_in_dim3A_826 = vector.broadcast %broadcast_in_dim3A_825 : vector<256x1xi1> to vector<256x40xi1>
    %broadcast_in_dim3A_827 = vector.broadcast %jit3A_824 : f32 to vector<256x40xf32>
    %select_n3A_828 = arith.select %broadcast_in_dim3A_826, %get3A_6, %broadcast_in_dim3A_827 : vector<256x40xi1>, vector<256x40xf32>
    %reduce_max3A_829 = arith.constant dense<0xFF800000> : vector<40xf32>
    %reduce_max3A_830 = vector.multi_reduction <maximumf>, %select_n3A_828, %reduce_max3A_829 [0] : vector<256x40xf32> to vector<40xf32>
    %get3A_831 = arith.constant 41 : index
    %get3A_832 = arith.constant 0 : index
    %get3A_833 = vector.load %arg3[%get3A_831, %get3A_832] : memref<64x40xf32, #tpu.memory_space<vmem>>, vector<1x40xf32>
    %get3A_834 = vector.shape_cast %get3A_833 : vector<1x40xf32> to vector<40xf32>
    %max3A_835 = arith.maximumf %get3A_834, %reduce_max3A_830 : vector<40xf32>
    %swap3A_836 = arith.constant 41 : index
    %swap3A_837 = arith.constant 0 : index
    %swap3A_838 = vector.load %arg3[%swap3A_836, %swap3A_837] : memref<64x40xf32, #tpu.memory_space<vmem>>, vector<1x40xf32>
    %swap3A_839 = vector.shape_cast %swap3A_838 : vector<1x40xf32> to vector<40xf32>
    %swap3A_840 = vector.shape_cast %max3A_835 : vector<40xf32> to vector<1x40xf32>
    tpu.vector_store %arg3[%swap3A_836, %swap3A_837], %swap3A_840 {strides = array<i32>} : memref<64x40xf32, #tpu.memory_space<vmem>>, vector<1x40xf32>,
    %eq3A_841 = arith.constant 42 : i32
    %eq3A_842 = vector.broadcast %eq3A_841 : i32 to vector<256x1xi32>
    %eq3A_843 = arith.cmpi eq, %get3A_3, %eq3A_842 : vector<256x1xi32>
    %jit3A_844 = arith.constant -1.000000e+30 : f32
    %broadcast_in_dim3A_845 = vector.shape_cast %eq3A_843 : vector<256x1xi1> to vector<256x1xi1>
    %broadcast_in_dim3A_846 = vector.broadcast %broadcast_in_dim3A_845 : vector<256x1xi1> to vector<256x40xi1>
    %broadcast_in_dim3A_847 = vector.broadcast %jit3A_844 : f32 to vector<256x40xf32>
    %select_n3A_848 = arith.select %broadcast_in_dim3A_846, %get3A_6, %broadcast_in_dim3A_847 : vector<256x40xi1>, vector<256x40xf32>
    %reduce_max3A_849 = arith.constant dense<0xFF800000> : vector<40xf32>
    %reduce_max3A_850 = vector.multi_reduction <maximumf>, %select_n3A_848, %reduce_max3A_849 [0] : vector<256x40xf32> to vector<40xf32>
    %get3A_851 = arith.constant 42 : index
    %get3A_852 = arith.constant 0 : index
    %get3A_853 = vector.load %arg3[%get3A_851, %get3A_852] : memref<64x40xf32, #tpu.memory_space<vmem>>, vector<1x40xf32>
    %get3A_854 = vector.shape_cast %get3A_853 : vector<1x40xf32> to vector<40xf32>
    %max3A_855 = arith.maximumf %get3A_854, %reduce_max3A_850 : vector<40xf32>
    %swap3A_856 = arith.constant 42 : index
    %swap3A_857 = arith.constant 0 : index
    %swap3A_858 = vector.load %arg3[%swap3A_856, %swap3A_857] : memref<64x40xf32, #tpu.memory_space<vmem>>, vector<1x40xf32>
    %swap3A_859 = vector.shape_cast %swap3A_858 : vector<1x40xf32> to vector<40xf32>
    %swap3A_860 = vector.shape_cast %max3A_855 : vector<40xf32> to vector<1x40xf32>
    tpu.vector_store %arg3[%swap3A_856, %swap3A_857], %swap3A_860 {strides = array<i32>} : memref<64x40xf32, #tpu.memory_space<vmem>>, vector<1x40xf32>,
    %eq3A_861 = arith.constant 43 : i32
    %eq3A_862 = vector.broadcast %eq3A_861 : i32 to vector<256x1xi32>
    %eq3A_863 = arith.cmpi eq, %get3A_3, %eq3A_862 : vector<256x1xi32>
    %jit3A_864 = arith.constant -1.000000e+30 : f32
    %broadcast_in_dim3A_865 = vector.shape_cast %eq3A_863 : vector<256x1xi1> to vector<256x1xi1>
    %broadcast_in_dim3A_866 = vector.broadcast %broadcast_in_dim3A_865 : vector<256x1xi1> to vector<256x40xi1>
    %broadcast_in_dim3A_867 = vector.broadcast %jit3A_864 : f32 to vector<256x40xf32>
    %select_n3A_868 = arith.select %broadcast_in_dim3A_866, %get3A_6, %broadcast_in_dim3A_867 : vector<256x40xi1>, vector<256x40xf32>
    %reduce_max3A_869 = arith.constant dense<0xFF800000> : vector<40xf32>
    %reduce_max3A_870 = vector.multi_reduction <maximumf>, %select_n3A_868, %reduce_max3A_869 [0] : vector<256x40xf32> to vector<40xf32>
    %get3A_871 = arith.constant 43 : index
    %get3A_872 = arith.constant 0 : index
    %get3A_873 = vector.load %arg3[%get3A_871, %get3A_872] : memref<64x40xf32, #tpu.memory_space<vmem>>, vector<1x40xf32>
    %get3A_874 = vector.shape_cast %get3A_873 : vector<1x40xf32> to vector<40xf32>
    %max3A_875 = arith.maximumf %get3A_874, %reduce_max3A_870 : vector<40xf32>
    %swap3A_876 = arith.constant 43 : index
    %swap3A_877 = arith.constant 0 : index
    %swap3A_878 = vector.load %arg3[%swap3A_876, %swap3A_877] : memref<64x40xf32, #tpu.memory_space<vmem>>, vector<1x40xf32>
    %swap3A_879 = vector.shape_cast %swap3A_878 : vector<1x40xf32> to vector<40xf32>
    %swap3A_880 = vector.shape_cast %max3A_875 : vector<40xf32> to vector<1x40xf32>
    tpu.vector_store %arg3[%swap3A_876, %swap3A_877], %swap3A_880 {strides = array<i32>} : memref<64x40xf32, #tpu.memory_space<vmem>>, vector<1x40xf32>,
    %eq3A_881 = arith.constant 44 : i32
    %eq3A_882 = vector.broadcast %eq3A_881 : i32 to vector<256x1xi32>
    %eq3A_883 = arith.cmpi eq, %get3A_3, %eq3A_882 : vector<256x1xi32>
    %jit3A_884 = arith.constant -1.000000e+30 : f32
    %broadcast_in_dim3A_885 = vector.shape_cast %eq3A_883 : vector<256x1xi1> to vector<256x1xi1>
    %broadcast_in_dim3A_886 = vector.broadcast %broadcast_in_dim3A_885 : vector<256x1xi1> to vector<256x40xi1>
    %broadcast_in_dim3A_887 = vector.broadcast %jit3A_884 : f32 to vector<256x40xf32>
    %select_n3A_888 = arith.select %broadcast_in_dim3A_886, %get3A_6, %broadcast_in_dim3A_887 : vector<256x40xi1>, vector<256x40xf32>
    %reduce_max3A_889 = arith.constant dense<0xFF800000> : vector<40xf32>
    %reduce_max3A_890 = vector.multi_reduction <maximumf>, %select_n3A_888, %reduce_max3A_889 [0] : vector<256x40xf32> to vector<40xf32>
    %get3A_891 = arith.constant 44 : index
    %get3A_892 = arith.constant 0 : index
    %get3A_893 = vector.load %arg3[%get3A_891, %get3A_892] : memref<64x40xf32, #tpu.memory_space<vmem>>, vector<1x40xf32>
    %get3A_894 = vector.shape_cast %get3A_893 : vector<1x40xf32> to vector<40xf32>
    %max3A_895 = arith.maximumf %get3A_894, %reduce_max3A_890 : vector<40xf32>
    %swap3A_896 = arith.constant 44 : index
    %swap3A_897 = arith.constant 0 : index
    %swap3A_898 = vector.load %arg3[%swap3A_896, %swap3A_897] : memref<64x40xf32, #tpu.memory_space<vmem>>, vector<1x40xf32>
    %swap3A_899 = vector.shape_cast %swap3A_898 : vector<1x40xf32> to vector<40xf32>
    %swap3A_900 = vector.shape_cast %max3A_895 : vector<40xf32> to vector<1x40xf32>
    tpu.vector_store %arg3[%swap3A_896, %swap3A_897], %swap3A_900 {strides = array<i32>} : memref<64x40xf32, #tpu.memory_space<vmem>>, vector<1x40xf32>,
    %eq3A_901 = arith.constant 45 : i32
    %eq3A_902 = vector.broadcast %eq3A_901 : i32 to vector<256x1xi32>
    %eq3A_903 = arith.cmpi eq, %get3A_3, %eq3A_902 : vector<256x1xi32>
    %jit3A_904 = arith.constant -1.000000e+30 : f32
    %broadcast_in_dim3A_905 = vector.shape_cast %eq3A_903 : vector<256x1xi1> to vector<256x1xi1>
    %broadcast_in_dim3A_906 = vector.broadcast %broadcast_in_dim3A_905 : vector<256x1xi1> to vector<256x40xi1>
    %broadcast_in_dim3A_907 = vector.broadcast %jit3A_904 : f32 to vector<256x40xf32>
    %select_n3A_908 = arith.select %broadcast_in_dim3A_906, %get3A_6, %broadcast_in_dim3A_907 : vector<256x40xi1>, vector<256x40xf32>
    %reduce_max3A_909 = arith.constant dense<0xFF800000> : vector<40xf32>
    %reduce_max3A_910 = vector.multi_reduction <maximumf>, %select_n3A_908, %reduce_max3A_909 [0] : vector<256x40xf32> to vector<40xf32>
    %get3A_911 = arith.constant 45 : index
    %get3A_912 = arith.constant 0 : index
    %get3A_913 = vector.load %arg3[%get3A_911, %get3A_912] : memref<64x40xf32, #tpu.memory_space<vmem>>, vector<1x40xf32>
    %get3A_914 = vector.shape_cast %get3A_913 : vector<1x40xf32> to vector<40xf32>
    %max3A_915 = arith.maximumf %get3A_914, %reduce_max3A_910 : vector<40xf32>
    %swap3A_916 = arith.constant 45 : index
    %swap3A_917 = arith.constant 0 : index
    %swap3A_918 = vector.load %arg3[%swap3A_916, %swap3A_917] : memref<64x40xf32, #tpu.memory_space<vmem>>, vector<1x40xf32>
    %swap3A_919 = vector.shape_cast %swap3A_918 : vector<1x40xf32> to vector<40xf32>
    %swap3A_920 = vector.shape_cast %max3A_915 : vector<40xf32> to vector<1x40xf32>
    tpu.vector_store %arg3[%swap3A_916, %swap3A_917], %swap3A_920 {strides = array<i32>} : memref<64x40xf32, #tpu.memory_space<vmem>>, vector<1x40xf32>,
    %eq3A_921 = arith.constant 46 : i32
    %eq3A_922 = vector.broadcast %eq3A_921 : i32 to vector<256x1xi32>
    %eq3A_923 = arith.cmpi eq, %get3A_3, %eq3A_922 : vector<256x1xi32>
    %jit3A_924 = arith.constant -1.000000e+30 : f32
    %broadcast_in_dim3A_925 = vector.shape_cast %eq3A_923 : vector<256x1xi1> to vector<256x1xi1>
    %broadcast_in_dim3A_926 = vector.broadcast %broadcast_in_dim3A_925 : vector<256x1xi1> to vector<256x40xi1>
    %broadcast_in_dim3A_927 = vector.broadcast %jit3A_924 : f32 to vector<256x40xf32>
    %select_n3A_928 = arith.select %broadcast_in_dim3A_926, %get3A_6, %broadcast_in_dim3A_927 : vector<256x40xi1>, vector<256x40xf32>
    %reduce_max3A_929 = arith.constant dense<0xFF800000> : vector<40xf32>
    %reduce_max3A_930 = vector.multi_reduction <maximumf>, %select_n3A_928, %reduce_max3A_929 [0] : vector<256x40xf32> to vector<40xf32>
    %get3A_931 = arith.constant 46 : index
    %get3A_932 = arith.constant 0 : index
    %get3A_933 = vector.load %arg3[%get3A_931, %get3A_932] : memref<64x40xf32, #tpu.memory_space<vmem>>, vector<1x40xf32>
    %get3A_934 = vector.shape_cast %get3A_933 : vector<1x40xf32> to vector<40xf32>
    %max3A_935 = arith.maximumf %get3A_934, %reduce_max3A_930 : vector<40xf32>
    %swap3A_936 = arith.constant 46 : index
    %swap3A_937 = arith.constant 0 : index
    %swap3A_938 = vector.load %arg3[%swap3A_936, %swap3A_937] : memref<64x40xf32, #tpu.memory_space<vmem>>, vector<1x40xf32>
    %swap3A_939 = vector.shape_cast %swap3A_938 : vector<1x40xf32> to vector<40xf32>
    %swap3A_940 = vector.shape_cast %max3A_935 : vector<40xf32> to vector<1x40xf32>
    tpu.vector_store %arg3[%swap3A_936, %swap3A_937], %swap3A_940 {strides = array<i32>} : memref<64x40xf32, #tpu.memory_space<vmem>>, vector<1x40xf32>,
    %eq3A_941 = arith.constant 47 : i32
    %eq3A_942 = vector.broadcast %eq3A_941 : i32 to vector<256x1xi32>
    %eq3A_943 = arith.cmpi eq, %get3A_3, %eq3A_942 : vector<256x1xi32>
    %jit3A_944 = arith.constant -1.000000e+30 : f32
    %broadcast_in_dim3A_945 = vector.shape_cast %eq3A_943 : vector<256x1xi1> to vector<256x1xi1>
    %broadcast_in_dim3A_946 = vector.broadcast %broadcast_in_dim3A_945 : vector<256x1xi1> to vector<256x40xi1>
    %broadcast_in_dim3A_947 = vector.broadcast %jit3A_944 : f32 to vector<256x40xf32>
    %select_n3A_948 = arith.select %broadcast_in_dim3A_946, %get3A_6, %broadcast_in_dim3A_947 : vector<256x40xi1>, vector<256x40xf32>
    %reduce_max3A_949 = arith.constant dense<0xFF800000> : vector<40xf32>
    %reduce_max3A_950 = vector.multi_reduction <maximumf>, %select_n3A_948, %reduce_max3A_949 [0] : vector<256x40xf32> to vector<40xf32>
    %get3A_951 = arith.constant 47 : index
    %get3A_952 = arith.constant 0 : index
    %get3A_953 = vector.load %arg3[%get3A_951, %get3A_952] : memref<64x40xf32, #tpu.memory_space<vmem>>, vector<1x40xf32>
    %get3A_954 = vector.shape_cast %get3A_953 : vector<1x40xf32> to vector<40xf32>
    %max3A_955 = arith.maximumf %get3A_954, %reduce_max3A_950 : vector<40xf32>
    %swap3A_956 = arith.constant 47 : index
    %swap3A_957 = arith.constant 0 : index
    %swap3A_958 = vector.load %arg3[%swap3A_956, %swap3A_957] : memref<64x40xf32, #tpu.memory_space<vmem>>, vector<1x40xf32>
    %swap3A_959 = vector.shape_cast %swap3A_958 : vector<1x40xf32> to vector<40xf32>
    %swap3A_960 = vector.shape_cast %max3A_955 : vector<40xf32> to vector<1x40xf32>
    tpu.vector_store %arg3[%swap3A_956, %swap3A_957], %swap3A_960 {strides = array<i32>} : memref<64x40xf32, #tpu.memory_space<vmem>>, vector<1x40xf32>,
    %eq3A_961 = arith.constant 48 : i32
    %eq3A_962 = vector.broadcast %eq3A_961 : i32 to vector<256x1xi32>
    %eq3A_963 = arith.cmpi eq, %get3A_3, %eq3A_962 : vector<256x1xi32>
    %jit3A_964 = arith.constant -1.000000e+30 : f32
    %broadcast_in_dim3A_965 = vector.shape_cast %eq3A_963 : vector<256x1xi1> to vector<256x1xi1>
    %broadcast_in_dim3A_966 = vector.broadcast %broadcast_in_dim3A_965 : vector<256x1xi1> to vector<256x40xi1>
    %broadcast_in_dim3A_967 = vector.broadcast %jit3A_964 : f32 to vector<256x40xf32>
    %select_n3A_968 = arith.select %broadcast_in_dim3A_966, %get3A_6, %broadcast_in_dim3A_967 : vector<256x40xi1>, vector<256x40xf32>
    %reduce_max3A_969 = arith.constant dense<0xFF800000> : vector<40xf32>
    %reduce_max3A_970 = vector.multi_reduction <maximumf>, %select_n3A_968, %reduce_max3A_969 [0] : vector<256x40xf32> to vector<40xf32>
    %get3A_971 = arith.constant 48 : index
    %get3A_972 = arith.constant 0 : index
    %get3A_973 = vector.load %arg3[%get3A_971, %get3A_972] : memref<64x40xf32, #tpu.memory_space<vmem>>, vector<1x40xf32>
    %get3A_974 = vector.shape_cast %get3A_973 : vector<1x40xf32> to vector<40xf32>
    %max3A_975 = arith.maximumf %get3A_974, %reduce_max3A_970 : vector<40xf32>
    %swap3A_976 = arith.constant 48 : index
    %swap3A_977 = arith.constant 0 : index
    %swap3A_978 = vector.load %arg3[%swap3A_976, %swap3A_977] : memref<64x40xf32, #tpu.memory_space<vmem>>, vector<1x40xf32>
    %swap3A_979 = vector.shape_cast %swap3A_978 : vector<1x40xf32> to vector<40xf32>
    %swap3A_980 = vector.shape_cast %max3A_975 : vector<40xf32> to vector<1x40xf32>
    tpu.vector_store %arg3[%swap3A_976, %swap3A_977], %swap3A_980 {strides = array<i32>} : memref<64x40xf32, #tpu.memory_space<vmem>>, vector<1x40xf32>,
    %eq3A_981 = arith.constant 49 : i32
    %eq3A_982 = vector.broadcast %eq3A_981 : i32 to vector<256x1xi32>
    %eq3A_983 = arith.cmpi eq, %get3A_3, %eq3A_982 : vector<256x1xi32>
    %jit3A_984 = arith.constant -1.000000e+30 : f32
    %broadcast_in_dim3A_985 = vector.shape_cast %eq3A_983 : vector<256x1xi1> to vector<256x1xi1>
    %broadcast_in_dim3A_986 = vector.broadcast %broadcast_in_dim3A_985 : vector<256x1xi1> to vector<256x40xi1>
    %broadcast_in_dim3A_987 = vector.broadcast %jit3A_984 : f32 to vector<256x40xf32>
    %select_n3A_988 = arith.select %broadcast_in_dim3A_986, %get3A_6, %broadcast_in_dim3A_987 : vector<256x40xi1>, vector<256x40xf32>
    %reduce_max3A_989 = arith.constant dense<0xFF800000> : vector<40xf32>
    %reduce_max3A_990 = vector.multi_reduction <maximumf>, %select_n3A_988, %reduce_max3A_989 [0] : vector<256x40xf32> to vector<40xf32>
    %get3A_991 = arith.constant 49 : index
    %get3A_992 = arith.constant 0 : index
    %get3A_993 = vector.load %arg3[%get3A_991, %get3A_992] : memref<64x40xf32, #tpu.memory_space<vmem>>, vector<1x40xf32>
    %get3A_994 = vector.shape_cast %get3A_993 : vector<1x40xf32> to vector<40xf32>
    %max3A_995 = arith.maximumf %get3A_994, %reduce_max3A_990 : vector<40xf32>
    %swap3A_996 = arith.constant 49 : index
    %swap3A_997 = arith.constant 0 : index
    %swap3A_998 = vector.load %arg3[%swap3A_996, %swap3A_997] : memref<64x40xf32, #tpu.memory_space<vmem>>, vector<1x40xf32>
    %swap3A_999 = vector.shape_cast %swap3A_998 : vector<1x40xf32> to vector<40xf32>
    %swap3A_1000 = vector.shape_cast %max3A_995 : vector<40xf32> to vector<1x40xf32>
    tpu.vector_store %arg3[%swap3A_996, %swap3A_997], %swap3A_1000 {strides = array<i32>} : memref<64x40xf32, #tpu.memory_space<vmem>>, vector<1x40xf32>,
    %eq3A_1001 = arith.constant 50 : i32
    %eq3A_1002 = vector.broadcast %eq3A_1001 : i32 to vector<256x1xi32>
    %eq3A_1003 = arith.cmpi eq, %get3A_3, %eq3A_1002 : vector<256x1xi32>
    %jit3A_1004 = arith.constant -1.000000e+30 : f32
    %broadcast_in_dim3A_1005 = vector.shape_cast %eq3A_1003 : vector<256x1xi1> to vector<256x1xi1>
    %broadcast_in_dim3A_1006 = vector.broadcast %broadcast_in_dim3A_1005 : vector<256x1xi1> to vector<256x40xi1>
    %broadcast_in_dim3A_1007 = vector.broadcast %jit3A_1004 : f32 to vector<256x40xf32>
    %select_n3A_1008 = arith.select %broadcast_in_dim3A_1006, %get3A_6, %broadcast_in_dim3A_1007 : vector<256x40xi1>, vector<256x40xf32>
    %reduce_max3A_1009 = arith.constant dense<0xFF800000> : vector<40xf32>
    %reduce_max3A_1010 = vector.multi_reduction <maximumf>, %select_n3A_1008, %reduce_max3A_1009 [0] : vector<256x40xf32> to vector<40xf32>
    %get3A_1011 = arith.constant 50 : index
    %get3A_1012 = arith.constant 0 : index
    %get3A_1013 = vector.load %arg3[%get3A_1011, %get3A_1012] : memref<64x40xf32, #tpu.memory_space<vmem>>, vector<1x40xf32>
    %get3A_1014 = vector.shape_cast %get3A_1013 : vector<1x40xf32> to vector<40xf32>
    %max3A_1015 = arith.maximumf %get3A_1014, %reduce_max3A_1010 : vector<40xf32>
    %swap3A_1016 = arith.constant 50 : index
    %swap3A_1017 = arith.constant 0 : index
    %swap3A_1018 = vector.load %arg3[%swap3A_1016, %swap3A_1017] : memref<64x40xf32, #tpu.memory_space<vmem>>, vector<1x40xf32>
    %swap3A_1019 = vector.shape_cast %swap3A_1018 : vector<1x40xf32> to vector<40xf32>
    %swap3A_1020 = vector.shape_cast %max3A_1015 : vector<40xf32> to vector<1x40xf32>
    tpu.vector_store %arg3[%swap3A_1016, %swap3A_1017], %swap3A_1020 {strides = array<i32>} : memref<64x40xf32, #tpu.memory_space<vmem>>, vector<1x40xf32>,
    %eq3A_1021 = arith.constant 51 : i32
    %eq3A_1022 = vector.broadcast %eq3A_1021 : i32 to vector<256x1xi32>
    %eq3A_1023 = arith.cmpi eq, %get3A_3, %eq3A_1022 : vector<256x1xi32>
    %jit3A_1024 = arith.constant -1.000000e+30 : f32
    %broadcast_in_dim3A_1025 = vector.shape_cast %eq3A_1023 : vector<256x1xi1> to vector<256x1xi1>
    %broadcast_in_dim3A_1026 = vector.broadcast %broadcast_in_dim3A_1025 : vector<256x1xi1> to vector<256x40xi1>
    %broadcast_in_dim3A_1027 = vector.broadcast %jit3A_1024 : f32 to vector<256x40xf32>
    %select_n3A_1028 = arith.select %broadcast_in_dim3A_1026, %get3A_6, %broadcast_in_dim3A_1027 : vector<256x40xi1>, vector<256x40xf32>
    %reduce_max3A_1029 = arith.constant dense<0xFF800000> : vector<40xf32>
    %reduce_max3A_1030 = vector.multi_reduction <maximumf>, %select_n3A_1028, %reduce_max3A_1029 [0] : vector<256x40xf32> to vector<40xf32>
    %get3A_1031 = arith.constant 51 : index
    %get3A_1032 = arith.constant 0 : index
    %get3A_1033 = vector.load %arg3[%get3A_1031, %get3A_1032] : memref<64x40xf32, #tpu.memory_space<vmem>>, vector<1x40xf32>
    %get3A_1034 = vector.shape_cast %get3A_1033 : vector<1x40xf32> to vector<40xf32>
    %max3A_1035 = arith.maximumf %get3A_1034, %reduce_max3A_1030 : vector<40xf32>
    %swap3A_1036 = arith.constant 51 : index
    %swap3A_1037 = arith.constant 0 : index
    %swap3A_1038 = vector.load %arg3[%swap3A_1036, %swap3A_1037] : memref<64x40xf32, #tpu.memory_space<vmem>>, vector<1x40xf32>
    %swap3A_1039 = vector.shape_cast %swap3A_1038 : vector<1x40xf32> to vector<40xf32>
    %swap3A_1040 = vector.shape_cast %max3A_1035 : vector<40xf32> to vector<1x40xf32>
    tpu.vector_store %arg3[%swap3A_1036, %swap3A_1037], %swap3A_1040 {strides = array<i32>} : memref<64x40xf32, #tpu.memory_space<vmem>>, vector<1x40xf32>,
    %eq3A_1041 = arith.constant 52 : i32
    %eq3A_1042 = vector.broadcast %eq3A_1041 : i32 to vector<256x1xi32>
    %eq3A_1043 = arith.cmpi eq, %get3A_3, %eq3A_1042 : vector<256x1xi32>
    %jit3A_1044 = arith.constant -1.000000e+30 : f32
    %broadcast_in_dim3A_1045 = vector.shape_cast %eq3A_1043 : vector<256x1xi1> to vector<256x1xi1>
    %broadcast_in_dim3A_1046 = vector.broadcast %broadcast_in_dim3A_1045 : vector<256x1xi1> to vector<256x40xi1>
    %broadcast_in_dim3A_1047 = vector.broadcast %jit3A_1044 : f32 to vector<256x40xf32>
    %select_n3A_1048 = arith.select %broadcast_in_dim3A_1046, %get3A_6, %broadcast_in_dim3A_1047 : vector<256x40xi1>, vector<256x40xf32>
    %reduce_max3A_1049 = arith.constant dense<0xFF800000> : vector<40xf32>
    %reduce_max3A_1050 = vector.multi_reduction <maximumf>, %select_n3A_1048, %reduce_max3A_1049 [0] : vector<256x40xf32> to vector<40xf32>
    %get3A_1051 = arith.constant 52 : index
    %get3A_1052 = arith.constant 0 : index
    %get3A_1053 = vector.load %arg3[%get3A_1051, %get3A_1052] : memref<64x40xf32, #tpu.memory_space<vmem>>, vector<1x40xf32>
    %get3A_1054 = vector.shape_cast %get3A_1053 : vector<1x40xf32> to vector<40xf32>
    %max3A_1055 = arith.maximumf %get3A_1054, %reduce_max3A_1050 : vector<40xf32>
    %swap3A_1056 = arith.constant 52 : index
    %swap3A_1057 = arith.constant 0 : index
    %swap3A_1058 = vector.load %arg3[%swap3A_1056, %swap3A_1057] : memref<64x40xf32, #tpu.memory_space<vmem>>, vector<1x40xf32>
    %swap3A_1059 = vector.shape_cast %swap3A_1058 : vector<1x40xf32> to vector<40xf32>
    %swap3A_1060 = vector.shape_cast %max3A_1055 : vector<40xf32> to vector<1x40xf32>
    tpu.vector_store %arg3[%swap3A_1056, %swap3A_1057], %swap3A_1060 {strides = array<i32>} : memref<64x40xf32, #tpu.memory_space<vmem>>, vector<1x40xf32>,
    %eq3A_1061 = arith.constant 53 : i32
    %eq3A_1062 = vector.broadcast %eq3A_1061 : i32 to vector<256x1xi32>
    %eq3A_1063 = arith.cmpi eq, %get3A_3, %eq3A_1062 : vector<256x1xi32>
    %jit3A_1064 = arith.constant -1.000000e+30 : f32
    %broadcast_in_dim3A_1065 = vector.shape_cast %eq3A_1063 : vector<256x1xi1> to vector<256x1xi1>
    %broadcast_in_dim3A_1066 = vector.broadcast %broadcast_in_dim3A_1065 : vector<256x1xi1> to vector<256x40xi1>
    %broadcast_in_dim3A_1067 = vector.broadcast %jit3A_1064 : f32 to vector<256x40xf32>
    %select_n3A_1068 = arith.select %broadcast_in_dim3A_1066, %get3A_6, %broadcast_in_dim3A_1067 : vector<256x40xi1>, vector<256x40xf32>
    %reduce_max3A_1069 = arith.constant dense<0xFF800000> : vector<40xf32>
    %reduce_max3A_1070 = vector.multi_reduction <maximumf>, %select_n3A_1068, %reduce_max3A_1069 [0] : vector<256x40xf32> to vector<40xf32>
    %get3A_1071 = arith.constant 53 : index
    %get3A_1072 = arith.constant 0 : index
    %get3A_1073 = vector.load %arg3[%get3A_1071, %get3A_1072] : memref<64x40xf32, #tpu.memory_space<vmem>>, vector<1x40xf32>
    %get3A_1074 = vector.shape_cast %get3A_1073 : vector<1x40xf32> to vector<40xf32>
    %max3A_1075 = arith.maximumf %get3A_1074, %reduce_max3A_1070 : vector<40xf32>
    %swap3A_1076 = arith.constant 53 : index
    %swap3A_1077 = arith.constant 0 : index
    %swap3A_1078 = vector.load %arg3[%swap3A_1076, %swap3A_1077] : memref<64x40xf32, #tpu.memory_space<vmem>>, vector<1x40xf32>
    %swap3A_1079 = vector.shape_cast %swap3A_1078 : vector<1x40xf32> to vector<40xf32>
    %swap3A_1080 = vector.shape_cast %max3A_1075 : vector<40xf32> to vector<1x40xf32>
    tpu.vector_store %arg3[%swap3A_1076, %swap3A_1077], %swap3A_1080 {strides = array<i32>} : memref<64x40xf32, #tpu.memory_space<vmem>>, vector<1x40xf32>,
    %eq3A_1081 = arith.constant 54 : i32
    %eq3A_1082 = vector.broadcast %eq3A_1081 : i32 to vector<256x1xi32>
    %eq3A_1083 = arith.cmpi eq, %get3A_3, %eq3A_1082 : vector<256x1xi32>
    %jit3A_1084 = arith.constant -1.000000e+30 : f32
    %broadcast_in_dim3A_1085 = vector.shape_cast %eq3A_1083 : vector<256x1xi1> to vector<256x1xi1>
    %broadcast_in_dim3A_1086 = vector.broadcast %broadcast_in_dim3A_1085 : vector<256x1xi1> to vector<256x40xi1>
    %broadcast_in_dim3A_1087 = vector.broadcast %jit3A_1084 : f32 to vector<256x40xf32>
    %select_n3A_1088 = arith.select %broadcast_in_dim3A_1086, %get3A_6, %broadcast_in_dim3A_1087 : vector<256x40xi1>, vector<256x40xf32>
    %reduce_max3A_1089 = arith.constant dense<0xFF800000> : vector<40xf32>
    %reduce_max3A_1090 = vector.multi_reduction <maximumf>, %select_n3A_1088, %reduce_max3A_1089 [0] : vector<256x40xf32> to vector<40xf32>
    %get3A_1091 = arith.constant 54 : index
    %get3A_1092 = arith.constant 0 : index
    %get3A_1093 = vector.load %arg3[%get3A_1091, %get3A_1092] : memref<64x40xf32, #tpu.memory_space<vmem>>, vector<1x40xf32>
    %get3A_1094 = vector.shape_cast %get3A_1093 : vector<1x40xf32> to vector<40xf32>
    %max3A_1095 = arith.maximumf %get3A_1094, %reduce_max3A_1090 : vector<40xf32>
    %swap3A_1096 = arith.constant 54 : index
    %swap3A_1097 = arith.constant 0 : index
    %swap3A_1098 = vector.load %arg3[%swap3A_1096, %swap3A_1097] : memref<64x40xf32, #tpu.memory_space<vmem>>, vector<1x40xf32>
    %swap3A_1099 = vector.shape_cast %swap3A_1098 : vector<1x40xf32> to vector<40xf32>
    %swap3A_1100 = vector.shape_cast %max3A_1095 : vector<40xf32> to vector<1x40xf32>
    tpu.vector_store %arg3[%swap3A_1096, %swap3A_1097], %swap3A_1100 {strides = array<i32>} : memref<64x40xf32, #tpu.memory_space<vmem>>, vector<1x40xf32>,
    %eq3A_1101 = arith.constant 55 : i32
    %eq3A_1102 = vector.broadcast %eq3A_1101 : i32 to vector<256x1xi32>
    %eq3A_1103 = arith.cmpi eq, %get3A_3, %eq3A_1102 : vector<256x1xi32>
    %jit3A_1104 = arith.constant -1.000000e+30 : f32
    %broadcast_in_dim3A_1105 = vector.shape_cast %eq3A_1103 : vector<256x1xi1> to vector<256x1xi1>
    %broadcast_in_dim3A_1106 = vector.broadcast %broadcast_in_dim3A_1105 : vector<256x1xi1> to vector<256x40xi1>
    %broadcast_in_dim3A_1107 = vector.broadcast %jit3A_1104 : f32 to vector<256x40xf32>
    %select_n3A_1108 = arith.select %broadcast_in_dim3A_1106, %get3A_6, %broadcast_in_dim3A_1107 : vector<256x40xi1>, vector<256x40xf32>
    %reduce_max3A_1109 = arith.constant dense<0xFF800000> : vector<40xf32>
    %reduce_max3A_1110 = vector.multi_reduction <maximumf>, %select_n3A_1108, %reduce_max3A_1109 [0] : vector<256x40xf32> to vector<40xf32>
    %get3A_1111 = arith.constant 55 : index
    %get3A_1112 = arith.constant 0 : index
    %get3A_1113 = vector.load %arg3[%get3A_1111, %get3A_1112] : memref<64x40xf32, #tpu.memory_space<vmem>>, vector<1x40xf32>
    %get3A_1114 = vector.shape_cast %get3A_1113 : vector<1x40xf32> to vector<40xf32>
    %max3A_1115 = arith.maximumf %get3A_1114, %reduce_max3A_1110 : vector<40xf32>
    %swap3A_1116 = arith.constant 55 : index
    %swap3A_1117 = arith.constant 0 : index
    %swap3A_1118 = vector.load %arg3[%swap3A_1116, %swap3A_1117] : memref<64x40xf32, #tpu.memory_space<vmem>>, vector<1x40xf32>
    %swap3A_1119 = vector.shape_cast %swap3A_1118 : vector<1x40xf32> to vector<40xf32>
    %swap3A_1120 = vector.shape_cast %max3A_1115 : vector<40xf32> to vector<1x40xf32>
    tpu.vector_store %arg3[%swap3A_1116, %swap3A_1117], %swap3A_1120 {strides = array<i32>} : memref<64x40xf32, #tpu.memory_space<vmem>>, vector<1x40xf32>,
    %eq3A_1121 = arith.constant 56 : i32
    %eq3A_1122 = vector.broadcast %eq3A_1121 : i32 to vector<256x1xi32>
    %eq3A_1123 = arith.cmpi eq, %get3A_3, %eq3A_1122 : vector<256x1xi32>
    %jit3A_1124 = arith.constant -1.000000e+30 : f32
    %broadcast_in_dim3A_1125 = vector.shape_cast %eq3A_1123 : vector<256x1xi1> to vector<256x1xi1>
    %broadcast_in_dim3A_1126 = vector.broadcast %broadcast_in_dim3A_1125 : vector<256x1xi1> to vector<256x40xi1>
    %broadcast_in_dim3A_1127 = vector.broadcast %jit3A_1124 : f32 to vector<256x40xf32>
    %select_n3A_1128 = arith.select %broadcast_in_dim3A_1126, %get3A_6, %broadcast_in_dim3A_1127 : vector<256x40xi1>, vector<256x40xf32>
    %reduce_max3A_1129 = arith.constant dense<0xFF800000> : vector<40xf32>
    %reduce_max3A_1130 = vector.multi_reduction <maximumf>, %select_n3A_1128, %reduce_max3A_1129 [0] : vector<256x40xf32> to vector<40xf32>
    %get3A_1131 = arith.constant 56 : index
    %get3A_1132 = arith.constant 0 : index
    %get3A_1133 = vector.load %arg3[%get3A_1131, %get3A_1132] : memref<64x40xf32, #tpu.memory_space<vmem>>, vector<1x40xf32>
    %get3A_1134 = vector.shape_cast %get3A_1133 : vector<1x40xf32> to vector<40xf32>
    %max3A_1135 = arith.maximumf %get3A_1134, %reduce_max3A_1130 : vector<40xf32>
    %swap3A_1136 = arith.constant 56 : index
    %swap3A_1137 = arith.constant 0 : index
    %swap3A_1138 = vector.load %arg3[%swap3A_1136, %swap3A_1137] : memref<64x40xf32, #tpu.memory_space<vmem>>, vector<1x40xf32>
    %swap3A_1139 = vector.shape_cast %swap3A_1138 : vector<1x40xf32> to vector<40xf32>
    %swap3A_1140 = vector.shape_cast %max3A_1135 : vector<40xf32> to vector<1x40xf32>
    tpu.vector_store %arg3[%swap3A_1136, %swap3A_1137], %swap3A_1140 {strides = array<i32>} : memref<64x40xf32, #tpu.memory_space<vmem>>, vector<1x40xf32>,
    %eq3A_1141 = arith.constant 57 : i32
    %eq3A_1142 = vector.broadcast %eq3A_1141 : i32 to vector<256x1xi32>
    %eq3A_1143 = arith.cmpi eq, %get3A_3, %eq3A_1142 : vector<256x1xi32>
    %jit3A_1144 = arith.constant -1.000000e+30 : f32
    %broadcast_in_dim3A_1145 = vector.shape_cast %eq3A_1143 : vector<256x1xi1> to vector<256x1xi1>
    %broadcast_in_dim3A_1146 = vector.broadcast %broadcast_in_dim3A_1145 : vector<256x1xi1> to vector<256x40xi1>
    %broadcast_in_dim3A_1147 = vector.broadcast %jit3A_1144 : f32 to vector<256x40xf32>
    %select_n3A_1148 = arith.select %broadcast_in_dim3A_1146, %get3A_6, %broadcast_in_dim3A_1147 : vector<256x40xi1>, vector<256x40xf32>
    %reduce_max3A_1149 = arith.constant dense<0xFF800000> : vector<40xf32>
    %reduce_max3A_1150 = vector.multi_reduction <maximumf>, %select_n3A_1148, %reduce_max3A_1149 [0] : vector<256x40xf32> to vector<40xf32>
    %get3A_1151 = arith.constant 57 : index
    %get3A_1152 = arith.constant 0 : index
    %get3A_1153 = vector.load %arg3[%get3A_1151, %get3A_1152] : memref<64x40xf32, #tpu.memory_space<vmem>>, vector<1x40xf32>
    %get3A_1154 = vector.shape_cast %get3A_1153 : vector<1x40xf32> to vector<40xf32>
    %max3A_1155 = arith.maximumf %get3A_1154, %reduce_max3A_1150 : vector<40xf32>
    %swap3A_1156 = arith.constant 57 : index
    %swap3A_1157 = arith.constant 0 : index
    %swap3A_1158 = vector.load %arg3[%swap3A_1156, %swap3A_1157] : memref<64x40xf32, #tpu.memory_space<vmem>>, vector<1x40xf32>
    %swap3A_1159 = vector.shape_cast %swap3A_1158 : vector<1x40xf32> to vector<40xf32>
    %swap3A_1160 = vector.shape_cast %max3A_1155 : vector<40xf32> to vector<1x40xf32>
    tpu.vector_store %arg3[%swap3A_1156, %swap3A_1157], %swap3A_1160 {strides = array<i32>} : memref<64x40xf32, #tpu.memory_space<vmem>>, vector<1x40xf32>,
    %eq3A_1161 = arith.constant 58 : i32
    %eq3A_1162 = vector.broadcast %eq3A_1161 : i32 to vector<256x1xi32>
    %eq3A_1163 = arith.cmpi eq, %get3A_3, %eq3A_1162 : vector<256x1xi32>
    %jit3A_1164 = arith.constant -1.000000e+30 : f32
    %broadcast_in_dim3A_1165 = vector.shape_cast %eq3A_1163 : vector<256x1xi1> to vector<256x1xi1>
    %broadcast_in_dim3A_1166 = vector.broadcast %broadcast_in_dim3A_1165 : vector<256x1xi1> to vector<256x40xi1>
    %broadcast_in_dim3A_1167 = vector.broadcast %jit3A_1164 : f32 to vector<256x40xf32>
    %select_n3A_1168 = arith.select %broadcast_in_dim3A_1166, %get3A_6, %broadcast_in_dim3A_1167 : vector<256x40xi1>, vector<256x40xf32>
    %reduce_max3A_1169 = arith.constant dense<0xFF800000> : vector<40xf32>
    %reduce_max3A_1170 = vector.multi_reduction <maximumf>, %select_n3A_1168, %reduce_max3A_1169 [0] : vector<256x40xf32> to vector<40xf32>
    %get3A_1171 = arith.constant 58 : index
    %get3A_1172 = arith.constant 0 : index
    %get3A_1173 = vector.load %arg3[%get3A_1171, %get3A_1172] : memref<64x40xf32, #tpu.memory_space<vmem>>, vector<1x40xf32>
    %get3A_1174 = vector.shape_cast %get3A_1173 : vector<1x40xf32> to vector<40xf32>
    %max3A_1175 = arith.maximumf %get3A_1174, %reduce_max3A_1170 : vector<40xf32>
    %swap3A_1176 = arith.constant 58 : index
    %swap3A_1177 = arith.constant 0 : index
    %swap3A_1178 = vector.load %arg3[%swap3A_1176, %swap3A_1177] : memref<64x40xf32, #tpu.memory_space<vmem>>, vector<1x40xf32>
    %swap3A_1179 = vector.shape_cast %swap3A_1178 : vector<1x40xf32> to vector<40xf32>
    %swap3A_1180 = vector.shape_cast %max3A_1175 : vector<40xf32> to vector<1x40xf32>
    tpu.vector_store %arg3[%swap3A_1176, %swap3A_1177], %swap3A_1180 {strides = array<i32>} : memref<64x40xf32, #tpu.memory_space<vmem>>, vector<1x40xf32>,
    %eq3A_1181 = arith.constant 59 : i32
    %eq3A_1182 = vector.broadcast %eq3A_1181 : i32 to vector<256x1xi32>
    %eq3A_1183 = arith.cmpi eq, %get3A_3, %eq3A_1182 : vector<256x1xi32>
    %jit3A_1184 = arith.constant -1.000000e+30 : f32
    %broadcast_in_dim3A_1185 = vector.shape_cast %eq3A_1183 : vector<256x1xi1> to vector<256x1xi1>
    %broadcast_in_dim3A_1186 = vector.broadcast %broadcast_in_dim3A_1185 : vector<256x1xi1> to vector<256x40xi1>
    %broadcast_in_dim3A_1187 = vector.broadcast %jit3A_1184 : f32 to vector<256x40xf32>
    %select_n3A_1188 = arith.select %broadcast_in_dim3A_1186, %get3A_6, %broadcast_in_dim3A_1187 : vector<256x40xi1>, vector<256x40xf32>
    %reduce_max3A_1189 = arith.constant dense<0xFF800000> : vector<40xf32>
    %reduce_max3A_1190 = vector.multi_reduction <maximumf>, %select_n3A_1188, %reduce_max3A_1189 [0] : vector<256x40xf32> to vector<40xf32>
    %get3A_1191 = arith.constant 59 : index
    %get3A_1192 = arith.constant 0 : index
    %get3A_1193 = vector.load %arg3[%get3A_1191, %get3A_1192] : memref<64x40xf32, #tpu.memory_space<vmem>>, vector<1x40xf32>
    %get3A_1194 = vector.shape_cast %get3A_1193 : vector<1x40xf32> to vector<40xf32>
    %max3A_1195 = arith.maximumf %get3A_1194, %reduce_max3A_1190 : vector<40xf32>
    %swap3A_1196 = arith.constant 59 : index
    %swap3A_1197 = arith.constant 0 : index
    %swap3A_1198 = vector.load %arg3[%swap3A_1196, %swap3A_1197] : memref<64x40xf32, #tpu.memory_space<vmem>>, vector<1x40xf32>
    %swap3A_1199 = vector.shape_cast %swap3A_1198 : vector<1x40xf32> to vector<40xf32>
    %swap3A_1200 = vector.shape_cast %max3A_1195 : vector<40xf32> to vector<1x40xf32>
    tpu.vector_store %arg3[%swap3A_1196, %swap3A_1197], %swap3A_1200 {strides = array<i32>} : memref<64x40xf32, #tpu.memory_space<vmem>>, vector<1x40xf32>,
    %eq3A_1201 = arith.constant 60 : i32
    %eq3A_1202 = vector.broadcast %eq3A_1201 : i32 to vector<256x1xi32>
    %eq3A_1203 = arith.cmpi eq, %get3A_3, %eq3A_1202 : vector<256x1xi32>
    %jit3A_1204 = arith.constant -1.000000e+30 : f32
    %broadcast_in_dim3A_1205 = vector.shape_cast %eq3A_1203 : vector<256x1xi1> to vector<256x1xi1>
    %broadcast_in_dim3A_1206 = vector.broadcast %broadcast_in_dim3A_1205 : vector<256x1xi1> to vector<256x40xi1>
    %broadcast_in_dim3A_1207 = vector.broadcast %jit3A_1204 : f32 to vector<256x40xf32>
    %select_n3A_1208 = arith.select %broadcast_in_dim3A_1206, %get3A_6, %broadcast_in_dim3A_1207 : vector<256x40xi1>, vector<256x40xf32>
    %reduce_max3A_1209 = arith.constant dense<0xFF800000> : vector<40xf32>
    %reduce_max3A_1210 = vector.multi_reduction <maximumf>, %select_n3A_1208, %reduce_max3A_1209 [0] : vector<256x40xf32> to vector<40xf32>
    %get3A_1211 = arith.constant 60 : index
    %get3A_1212 = arith.constant 0 : index
    %get3A_1213 = vector.load %arg3[%get3A_1211, %get3A_1212] : memref<64x40xf32, #tpu.memory_space<vmem>>, vector<1x40xf32>
    %get3A_1214 = vector.shape_cast %get3A_1213 : vector<1x40xf32> to vector<40xf32>
    %max3A_1215 = arith.maximumf %get3A_1214, %reduce_max3A_1210 : vector<40xf32>
    %swap3A_1216 = arith.constant 60 : index
    %swap3A_1217 = arith.constant 0 : index
    %swap3A_1218 = vector.load %arg3[%swap3A_1216, %swap3A_1217] : memref<64x40xf32, #tpu.memory_space<vmem>>, vector<1x40xf32>
    %swap3A_1219 = vector.shape_cast %swap3A_1218 : vector<1x40xf32> to vector<40xf32>
    %swap3A_1220 = vector.shape_cast %max3A_1215 : vector<40xf32> to vector<1x40xf32>
    tpu.vector_store %arg3[%swap3A_1216, %swap3A_1217], %swap3A_1220 {strides = array<i32>} : memref<64x40xf32, #tpu.memory_space<vmem>>, vector<1x40xf32>,
    %eq3A_1221 = arith.constant 61 : i32
    %eq3A_1222 = vector.broadcast %eq3A_1221 : i32 to vector<256x1xi32>
    %eq3A_1223 = arith.cmpi eq, %get3A_3, %eq3A_1222 : vector<256x1xi32>
    %jit3A_1224 = arith.constant -1.000000e+30 : f32
    %broadcast_in_dim3A_1225 = vector.shape_cast %eq3A_1223 : vector<256x1xi1> to vector<256x1xi1>
    %broadcast_in_dim3A_1226 = vector.broadcast %broadcast_in_dim3A_1225 : vector<256x1xi1> to vector<256x40xi1>
    %broadcast_in_dim3A_1227 = vector.broadcast %jit3A_1224 : f32 to vector<256x40xf32>
    %select_n3A_1228 = arith.select %broadcast_in_dim3A_1226, %get3A_6, %broadcast_in_dim3A_1227 : vector<256x40xi1>, vector<256x40xf32>
    %reduce_max3A_1229 = arith.constant dense<0xFF800000> : vector<40xf32>
    %reduce_max3A_1230 = vector.multi_reduction <maximumf>, %select_n3A_1228, %reduce_max3A_1229 [0] : vector<256x40xf32> to vector<40xf32>
    %get3A_1231 = arith.constant 61 : index
    %get3A_1232 = arith.constant 0 : index
    %get3A_1233 = vector.load %arg3[%get3A_1231, %get3A_1232] : memref<64x40xf32, #tpu.memory_space<vmem>>, vector<1x40xf32>
    %get3A_1234 = vector.shape_cast %get3A_1233 : vector<1x40xf32> to vector<40xf32>
    %max3A_1235 = arith.maximumf %get3A_1234, %reduce_max3A_1230 : vector<40xf32>
    %swap3A_1236 = arith.constant 61 : index
    %swap3A_1237 = arith.constant 0 : index
    %swap3A_1238 = vector.load %arg3[%swap3A_1236, %swap3A_1237] : memref<64x40xf32, #tpu.memory_space<vmem>>, vector<1x40xf32>
    %swap3A_1239 = vector.shape_cast %swap3A_1238 : vector<1x40xf32> to vector<40xf32>
    %swap3A_1240 = vector.shape_cast %max3A_1235 : vector<40xf32> to vector<1x40xf32>
    tpu.vector_store %arg3[%swap3A_1236, %swap3A_1237], %swap3A_1240 {strides = array<i32>} : memref<64x40xf32, #tpu.memory_space<vmem>>, vector<1x40xf32>,
    %eq3A_1241 = arith.constant 62 : i32
    %eq3A_1242 = vector.broadcast %eq3A_1241 : i32 to vector<256x1xi32>
    %eq3A_1243 = arith.cmpi eq, %get3A_3, %eq3A_1242 : vector<256x1xi32>
    %jit3A_1244 = arith.constant -1.000000e+30 : f32
    %broadcast_in_dim3A_1245 = vector.shape_cast %eq3A_1243 : vector<256x1xi1> to vector<256x1xi1>
    %broadcast_in_dim3A_1246 = vector.broadcast %broadcast_in_dim3A_1245 : vector<256x1xi1> to vector<256x40xi1>
    %broadcast_in_dim3A_1247 = vector.broadcast %jit3A_1244 : f32 to vector<256x40xf32>
    %select_n3A_1248 = arith.select %broadcast_in_dim3A_1246, %get3A_6, %broadcast_in_dim3A_1247 : vector<256x40xi1>, vector<256x40xf32>
    %reduce_max3A_1249 = arith.constant dense<0xFF800000> : vector<40xf32>
    %reduce_max3A_1250 = vector.multi_reduction <maximumf>, %select_n3A_1248, %reduce_max3A_1249 [0] : vector<256x40xf32> to vector<40xf32>
    %get3A_1251 = arith.constant 62 : index
    %get3A_1252 = arith.constant 0 : index
    %get3A_1253 = vector.load %arg3[%get3A_1251, %get3A_1252] : memref<64x40xf32, #tpu.memory_space<vmem>>, vector<1x40xf32>
    %get3A_1254 = vector.shape_cast %get3A_1253 : vector<1x40xf32> to vector<40xf32>
    %max3A_1255 = arith.maximumf %get3A_1254, %reduce_max3A_1250 : vector<40xf32>
    %swap3A_1256 = arith.constant 62 : index
    %swap3A_1257 = arith.constant 0 : index
    %swap3A_1258 = vector.load %arg3[%swap3A_1256, %swap3A_1257] : memref<64x40xf32, #tpu.memory_space<vmem>>, vector<1x40xf32>
    %swap3A_1259 = vector.shape_cast %swap3A_1258 : vector<1x40xf32> to vector<40xf32>
    %swap3A_1260 = vector.shape_cast %max3A_1255 : vector<40xf32> to vector<1x40xf32>
    tpu.vector_store %arg3[%swap3A_1256, %swap3A_1257], %swap3A_1260 {strides = array<i32>} : memref<64x40xf32, #tpu.memory_space<vmem>>, vector<1x40xf32>,
    %eq3A_1261 = arith.constant 63 : i32
    %eq3A_1262 = vector.broadcast %eq3A_1261 : i32 to vector<256x1xi32>
    %eq3A_1263 = arith.cmpi eq, %get3A_3, %eq3A_1262 : vector<256x1xi32>
    %jit3A_1264 = arith.constant -1.000000e+30 : f32
    %broadcast_in_dim3A_1265 = vector.shape_cast %eq3A_1263 : vector<256x1xi1> to vector<256x1xi1>
    %broadcast_in_dim3A_1266 = vector.broadcast %broadcast_in_dim3A_1265 : vector<256x1xi1> to vector<256x40xi1>
    %broadcast_in_dim3A_1267 = vector.broadcast %jit3A_1264 : f32 to vector<256x40xf32>
    %select_n3A_1268 = arith.select %broadcast_in_dim3A_1266, %get3A_6, %broadcast_in_dim3A_1267 : vector<256x40xi1>, vector<256x40xf32>
    %reduce_max3A_1269 = arith.constant dense<0xFF800000> : vector<40xf32>
    %reduce_max3A_1270 = vector.multi_reduction <maximumf>, %select_n3A_1268, %reduce_max3A_1269 [0] : vector<256x40xf32> to vector<40xf32>
    %get3A_1271 = arith.constant 63 : index
    %get3A_1272 = arith.constant 0 : index
    %get3A_1273 = vector.load %arg3[%get3A_1271, %get3A_1272] : memref<64x40xf32, #tpu.memory_space<vmem>>, vector<1x40xf32>
    %get3A_1274 = vector.shape_cast %get3A_1273 : vector<1x40xf32> to vector<40xf32>
    %max3A_1275 = arith.maximumf %get3A_1274, %reduce_max3A_1270 : vector<40xf32>
    %swap3A_1276 = arith.constant 63 : index
    %swap3A_1277 = arith.constant 0 : index
    %swap3A_1278 = vector.load %arg3[%swap3A_1276, %swap3A_1277] : memref<64x40xf32, #tpu.memory_space<vmem>>, vector<1x40xf32>
    %swap3A_1279 = vector.shape_cast %swap3A_1278 : vector<1x40xf32> to vector<40xf32>
    %swap3A_1280 = vector.shape_cast %max3A_1275 : vector<40xf32> to vector<1x40xf32>
    tpu.vector_store %arg3[%swap3A_1276, %swap3A_1277], %swap3A_1280 {strides = array<i32>} : memref<64x40xf32, #tpu.memory_space<vmem>>, vector<1x40xf32>,
    return
  }
  func.func @transform_0(%arg0: i32) -> (i32, i32) {
    %c0_i32 = arith.constant 0 : i32
    %c0_i32_0 = arith.constant 0 : i32
    return %arg0, %c0_i32 : i32, i32
  }
  func.func @transform_1(%arg0: i32) -> (i32, i32) {
    %c0_i32 = arith.constant 0 : i32
    %c0_i32_0 = arith.constant 0 : i32
    return %arg0, %c0_i32 : i32, i32
  }
  func.func @transform_2(%arg0: i32) -> (i32, i32) {
    %c0_i32 = arith.constant 0 : i32
    %c0_i32_0 = arith.constant 0 : i32
    %c0_i32_1 = arith.constant 0 : i32
    return %c0_i32, %c0_i32_0 : i32, i32
  }
}

module attributes {stable_mosaic.version = 14 : i64} {
  func.func @_head_kern(%arg0: memref<64x40xf32, #tpu.memory_space<vmem>>, %arg1: memref<40x3xf32, #tpu.memory_space<vmem>>, %arg2: memref<1x3xf32, #tpu.memory_space<vmem>>, %arg3: memref<64x3xf32, #tpu.memory_space<vmem>>) attributes {dimension_semantics = [], scalar_prefetch = 0 : i64, scratch_operands = 0 : i64, tpu.core_type = #tpu.core_type<tc>} {
    %get3A = arith.constant 0 : index
    %get3A_0 = arith.constant 0 : index
    %get3A_1 = vector.load %arg0[%get3A, %get3A_0] : memref<64x40xf32, #tpu.memory_space<vmem>>, vector<64x40xf32>
    %get3A_2 = arith.constant 0 : index
    %get3A_3 = arith.constant 0 : index
    %get3A_4 = vector.load %arg1[%get3A_2, %get3A_3] : memref<40x3xf32, #tpu.memory_space<vmem>>, vector<40x3xf32>
    %dot_general3A = arith.constant dense<0.000000e+00> : vector<64x3xf32>
    %dot_general3A_5 = tpu.matmul %get3A_1, %get3A_4, %dot_general3A {dimension_numbers = #tpu.dot_dimension_numbers<[1], [0], [0], [1], [0, 0, 1, 1], [], []>, transpose_lhs_hint = false} : vector<64x40xf32>, vector<40x3xf32>, vector<64x3xf32> -> vector<64x3xf32>
    %get3A_6 = arith.constant 0 : index
    %get3A_7 = arith.constant 0 : index
    %get3A_8 = vector.load %arg2[%get3A_6, %get3A_7] : memref<1x3xf32, #tpu.memory_space<vmem>>, vector<1x3xf32>
    %add3A = vector.broadcast %get3A_8 : vector<1x3xf32> to vector<64x3xf32>
    %add3A_9 = arith.addf %dot_general3A_5, %add3A : vector<64x3xf32>
    %reduce_max3A = arith.constant dense<0xFF800000> : vector<64xf32>
    %reduce_max3A_10 = vector.multi_reduction <maximumf>, %add3A_9, %reduce_max3A [1] : vector<64x3xf32> to vector<64xf32>
    %broadcast_in_dim3A = vector.shape_cast %reduce_max3A_10 : vector<64xf32> to vector<64x1xf32>
    %sub3A = vector.broadcast %broadcast_in_dim3A : vector<64x1xf32> to vector<64x3xf32>
    %sub3A_11 = arith.subf %add3A_9, %sub3A : vector<64x3xf32>
    %exp3A = math.exp %sub3A_11 : vector<64x3xf32>
    %reduce_sum3A = arith.constant dense<0.000000e+00> : vector<64xf32>
    %reduce_sum3A_12 = vector.multi_reduction <add>, %exp3A, %reduce_sum3A [1] : vector<64x3xf32> to vector<64xf32>
    %broadcast_in_dim3A_13 = vector.shape_cast %reduce_sum3A_12 : vector<64xf32> to vector<64x1xf32>
    %log3A = math.log %broadcast_in_dim3A_13 : vector<64x1xf32>
    %add3A_14 = arith.addf %log3A, %broadcast_in_dim3A : vector<64x1xf32>
    %sub3A_15 = vector.broadcast %add3A_14 : vector<64x1xf32> to vector<64x3xf32>
    %sub3A_16 = arith.subf %add3A_9, %sub3A_15 : vector<64x3xf32>
    %swap3A = arith.constant 0 : index
    %swap3A_17 = arith.constant 0 : index
    %swap3A_18 = vector.load %arg3[%swap3A, %swap3A_17] : memref<64x3xf32, #tpu.memory_space<vmem>>, vector<64x3xf32>
    tpu.vector_store %arg3[%swap3A, %swap3A_17], %sub3A_16 {strides = array<i32>} : memref<64x3xf32, #tpu.memory_space<vmem>>, vector<64x3xf32>,
    return
  }
}

</mosaic_0001>

<sc_bundles>
// kernel: gather_offload_async_start.1
scs
__scs_entry_jumppad:
0x0: {  	(pc) =	sbr.rel $0x88, $3  }
0x1: {  	(tag) =	ssettag $0x0;
	lr =	simm.s32 $0x1  }
0x2: {  	[smem:$0x3F8C] =	sst lr;
	_ =	strace $0xD0000000  }
0x3: {  	_ = 	snop  }
0x4: {  	_ = 	snop  }
0x5: {  	_ = 	snop  }
0x6: {  	_ = 	snop  }
0x7: {  	_ = 	snop  }
__scs_overlays_trampoline_lowered:
0x8: {  	[smem:$0x3F9B] =	sst s0  }
0x9: {  	[smem:$0x3F9C] =	sst s1  }
0xa: {  	[smem:$0x3F9D] =	sst s2  }
0xb: {  	[smem:$0x3F9E] =	sst s3  }
0xc: {  	[smem:$0x3F9F] =	sst s4  }
0xd: {  	[smem:$0x3FA0] =	sst s5  }
0xe: {  	[smem:$0x3FA1] =	sst s6  }
0xf: {  	[smem:$0x3FA2] =	sst s7  }
0x10: {  	[smem:$0x3FA3] =	sst s8  }
0x11: {  	[smem:$0x3FA4] =	sst s9;
	s0 =	simm.s32 @!p0 $0x0  }
0x12: {  	s1 =	sld [smem:$0x3F8A];
	s0 =	simm.s32 @p0 $0x1  }
0x13: {  	[smem:$0x3FA5] =	sst s0;
	s0 =	simm.s32 @!p1 $0x0  }
0x14: {  	s2 =	sld [smem:$0x3F89];
	s0 =	simm.s32 @p1 $0x1  }
0x15: {  	[smem:$0x3FA6] =	sst s0;
	s0 =	simm.s32 @!p2 $0x0  }
0x16: {  	s3 =	sld [smem:$0x3FDB];
	s0 =	simm.s32 @p2 $0x1  }
0x17: {  	s4 =	simm.s32 $0x1BF5;
	[smem:$0x3FA8] =	sst s0  }
0x18: {  	s0 =	sld [smem:$0x3F8B];
	_ =	swait.ge [sflag:s4], $0x0  }
0x19: {  	s7 =	sld [smem:$0x3F8C]  }
0x1a: {  	s8 =	sadd.s32 $0xFFFFE003, lr  }
0x1b: {  	s9 =	sadd.s32 $0xFFFFFEF7, lr;
	s5 =	simm.s32 $0xFFFFFFFF;
	p2 =	slt.u32 s8, $0xFFFFF086  }
0x1c: {  	p1 =	slt.u32 s9, $0xF7A;
	s5 =	simm.s32 @!p2 $0x0  }
0x1d: {  	s5 =	simm.s32 @p1 $0x1;
	p0 =	seq.s32 s7, s2  }
0x1e: {  	s7 =	smul.u32 @!p0 $0xF7A, s2;
	p2 =	seq.s32 @!p0 s5, $0x0  }
0x1f: {  	s9 =	smul.u32 $0xF7A, s1;
	s8 =	simm.s32 @!p0 $0x1BF5;
	p2 =	por !p2, p0  }
0x20: {  	[sflag:s8] =	ssyncset.s32 @!p0 $0xFFFFF086;
	s6 =	sadd.s32 @!p0 s3, s7;
	s7 =	simm.s32 @!p0 $0x108  }
0x21: {  	s3 =	sadd.s32 s3, s9;
	s6 =	sadd.s32 @!p0 $0x88, s6;
	s7 =	simm.s32 @p2 $0x1082  }
0x22: {  	[simem:s7], [sflag:s8] =	dma.local @!p0 [hbm:s6], $0xF7A  }
0x23: {  	s9 =	sor.u32 $0xD0000000, s2;
	s6 =	simm.s32 $0x108;
	_ =	swait.ge @!p0 [sflag:s8], $0x0  }
0x24: {  	s3 =	sadd.s32 $0x88, s3;
	s6 =	simm.s32 @!p1 $0x1082;
	[sflag:s4] =	ssyncset.s32 $0xFFFFF086  }
0x25: {  	[simem:s6], [sflag:s4] =	dma.local [hbm:s3], $0xF7A  }
0x26: {  	[smem:$0x3F8C] =	sst s1;
	(tag) =	ssettag s2;
	_ =	strace s9  }
0x27: {  	s1 =	sld [smem:$0x3F9C]  }
0x28: {  	s2 =	sld [smem:$0x3F9D]  }
0x29: {  	s4 =	sld [smem:$0x3F9F]  }
0x2a: {  	p0 =	seq.s32 s5, $0x0;
	s5 =	sld [smem:$0x3FA0]  }
0x2b: {  	s6 =	sld [smem:$0x3FA1]  }
0x2c: {  	s7 =	sld [smem:$0x3FA2]  }
0x2d: {  	s3 =	simm.s32 $0x108;
	s8 =	sld [smem:$0x3FA3]  }
0x2e: {  	s3 =	simm.s32 @!p0 $0x1082;
	s9 =	sld [smem:$0x3FA4]  }
0x2f: {  	lr =	sadd.s32 s0, s3;
	s0 =	sld [smem:$0x3F9B]  }
0x30: {  	s3 =	sld [smem:$0x3F9E]  }
0x31: {  	[smem:$0x3FA7] =	sst s10  }
0x32: {  	s10 =	sld [smem:$0x3FA5];
	_ =	sdelay $0x3  }
0x33: {  	p0 =	seq.s32 s10, $0x1;
	s10 =	sld [smem:$0x3FA7];
	_ =	sdelay $0x3  }
0x34: {  	[smem:$0x3FA7] =	sst s10  }
0x35: {  	s10 =	sld [smem:$0x3FA6];
	_ =	sdelay $0x3  }
0x36: {  	p1 =	seq.s32 s10, $0x1;
	s10 =	sld [smem:$0x3FA7];
	_ =	sdelay $0x3  }
0x37: {  	[smem:$0x3FA7] =	sst s10  }
0x38: {  	s10 =	sld [smem:$0x3FA8]  }
0x39: {  	_ = 	snop;
	(pc) =	sbr.ind lr, $3  }
0x3a: {  	_ = 	snop  }
0x3b: {  	_ = 	snop  }
0x3c: {  	p2 =	seq.s32 s10, $0x1;
	s10 =	sld [smem:$0x3FA7]  }
0x3d: {  	_ =	shalt  }
0x3e: {  	_ =	shalt  }
0x3f: {  	_ =	shalt  }
0x40: {  	_ =	shalt  }
0x41: {  	_ =	shalt  }
0x42: {  	_ =	shalt  }
0x43: {  	_ =	shalt  }
0x44: {  	_ =	shalt  }
0x45: {  	_ =	shalt  }
0x46: {  	_ =	shalt  }
0x47: {  	_ =	shalt  }
0x48: {  	_ =	shalt  }
0x49: {  	_ =	shalt  }
0x4a: {  	_ =	shalt  }
0x4b: {  	_ =	shalt  }
0x4c: {  	_ =	shalt  }
0x4d: {  	_ =	shalt  }
0x4e: {  	_ =	shalt  }
0x4f: {  	_ =	shalt  }
0x50: {  	_ =	shalt  }
0x51: {  	_ =	shalt  }
0x52: {  	_ =	shalt  }
0x53: {  	_ =	shalt  }
0x54: {  	_ =	shalt  }
0x55: {  	_ =	shalt  }
0x56: {  	_ =	shalt  }
0x57: {  	_ =	shalt  }
0x58: {  	_ =	shalt  }
0x59: {  	_ =	shalt  }
0x5a: {  	_ =	shalt  }
0x5b: {  	_ =	shalt  }
0x5c: {  	_ =	shalt  }
0x5d: {  	_ =	shalt  }
0x5e: {  	_ =	shalt  }
0x5f: {  	_ =	shalt  }
0x60: {  	_ =	shalt  }
0x61: {  	_ =	shalt  }
0x62: {  	_ =	shalt  }
0x63: {  	_ =	shalt  }
0x64: {  	_ =	shalt  }
0x65: {  	_ =	shalt  }
0x66: {  	_ =	shalt  }
0x67: {  	_ =	shalt  }
0x68: {  	_ =	shalt  }
0x69: {  	_ =	shalt  }
0x6a: {  	_ =	shalt  }
0x6b: {  	_ =	shalt  }
0x6c: {  	_ =	shalt  }
0x6d: {  	_ =	shalt  }
0x6e: {  	_ =	shalt  }
0x6f: {  	_ =	shalt  }
0x70: {  	_ =	shalt  }
0x71: {  	_ =	shalt  }
0x72: {  	_ =	shalt  }
0x73: {  	_ =	shalt  }
0x74: {  	_ =	shalt  }
0x75: {  	_ =	shalt  }
0x76: {  	_ =	shalt  }
0x77: {  	_ =	shalt  }
0x78: {  	_ =	shalt  }
0x79: {  	_ =	shalt  }
0x7a: {  	_ =	shalt  }
0x7b: {  	_ =	shalt  }
0x7c: {  	_ =	shalt  }
0x7d: {  	_ =	shalt  }
0x7e: {  	_ =	shalt  }
0x7f: {  	_ =	shalt  }
0x80: {  	_ =	shalt  }
0x81: {  	_ =	shalt  }
0x82: {  	_ =	shalt  }
0x83: {  	_ =	shalt  }
0x84: {  	_ =	shalt  }
0x85: {  	_ =	shalt  }
0x86: {  	_ =	shalt  }
0x87: {  	_ =	shalt  }
.Lfunc_end0:
.L_simem_size_0:
called_computation.1_lowered:
.L_overlay_start_0:
0x88: {  	s2 =	sld [smem:$0x3FD9]  }
0x89: {  	s3 =	sld [smem:$0x3FFE];
	_ =	sdelay $0x1  }
0x8a: {  	s1 =	srdreg.scid  }
0x8b: {  	s0 =	sand.u32 $0x1, s1  }
0x8c: {  	s16 =	sshll.u32 s0, $0xA;
	s2 =	sadd.s32 s3, s2  }
0x8d: {  	s2 =	sadd.s32 s2, s16  }
0x8e: {  	[smem:$0x3FB3] =	sst s2  }
0x8f: {  	_ = 	snop  }
0x90: {  	(tm) =	ssettm $0x1  }
0x91: {  	s17 =	sld [smem:$0x3FFB];
	_ =	sdelay $0x3  }
0x92: {  	_ =	strace s17  }
0x93: {  	s2 =	sld [smem:$0x3FFC];
	_ =	sdelay $0x3  }
0x94: {  	_ =	strace s2  }
0x95: {  	s2 =	sld [smem:$0x3FFD];
	_ =	sdelay $0x3  }
0x96: {  	_ =	strace s2  }
0x97: {  	_ =	strace $0x8FFFFFFF  }
0x98: {  	s18 =	sld [smem:$0x3FDB];
	_ =	sdelay $0x1  }
0x99: {  	s19 =	simm.s32 $_scs_section_size  }
0x9a: {  	s4 =	simm.s32 $_size__tile_overlayer_lowered;
	s5 =	simm.s32 $_tile_overlayer_lowered  }
0x9b: {  	s22 =	simm.s32 $0x1BFF;
	s21 =	sshll.u32 s5, $0x1;
	s2 =	sadd.s32 s19, s18  }
0x9c: {  	s6 =	simm.s32 $0x0;
	s20 =	sshll.u32 s4, $0x1;
	s4 =	sadd.s32 s21, s2  }
0x9d: {  	[timem:s6], [sflag:s22] =	dma.local [hbm:s4], s20  }
0x9e: {  	_ =	swait.ge [sflag:s22], s20  }
0x9f: {  	s3 =	ssub.s32 $0x0, s20;
	[sflag:s22] =	ssyncset.done $0x0  }
0xa0: {  	[sflag:s22] =	ssyncadd.s32 s3;
	_ =	sdelay $0x1  }
0xa1: {  	s23 =	simm.s32 $0x1B8B  }
0xa2: {  	_ =	swait.ge [sflag:s23], $0x1  }
0xa3: {  	[sflag:s23] =	ssyncset.done $0x0  }
0xa4: {  	s25 =	simm.s32 $0x1B8E;
	s24 =	sld [smem:$0x3FFE];
	[sflag:s23] =	ssyncadd.s32 $0xFFFFFFFF  }
0xa5: {  	s26 =	simm.s32 $execute0_lowered;
	[smem:$0x3FD2] =	sst s25  }
0xa6: {  	s4 =	sshll.u32 s26, $0x1;
	_ =	strace $0x80000046;
	[dreg:$0x1] =	wrdreg $0xFFFFFFFF  }
0xa7: {  	s28 =	simm.s32 $_size_execute0_lowered;
	s2 =	sadd.s32 s2, s4;
	[dreg:$0x0] =	wrdreg $0x0  }
0xa8: {  	s4 =	sshll.u32 s28, $0x1;
	[dreg:$0x2] =	wrdreg s2  }
0xa9: {  	[dreg:$0x3] =	wrdreg s4  }
0xaa: {  	[dreg:$0x4] =	wrdreg $0xC0  }
0xab: {  	_ =	task [dreg:s6], $0x5FFFF  }
0xac: {  	[dreg:$0x1] =	wrdreg $0xFFFFFFFF  }
0xad: {  	[dreg:$0x0] =	wrdreg $0x60  }
0xae: {  	[dreg:$0x2] =	wrdreg s24  }
0xaf: {  	[dreg:$0x3] =	wrdreg $0x9  }
0xb0: {  	_ =	task.clear_ibuf [dreg:s6], $0x4FFFF;
	_ =	strace $0x90000046  }
0xb1: {  	s29 =	simm.s32 $0x9;
	_ =	strace $0x80000048  }
0xb2: {  	_ =	swait.ge [sflag:s29], $0x1  }
0xb3: {  	[sflag:s29] =	ssyncadd.s32 $0xFFFFFFFF  }
0xb4: {  	_ =	strace $0x90000048  }
0xb5: {  	_ =	sfence  }
0xb6: {  	s30 =	sld [smem:$0x0];
	_ =	sdelay $0x2  }
0xb7: {  	s31 =	sshll.u32 s1, $0xD;
	s1 =	sshrl.u32 s1, $0x2  }
0xb8: {  	s3 =	sand.u32 $0x4000, s31;
	s1 =	sadd.s32 s1, s30  }
0xb9: {  	s0 =	sor.u32 s3, s0;
	s1 =	sshll.u32 s1, $0x11  }
0xba: {  	s0 =	sor.u32 s1, s0  }
0xbb: {  	s0 =	sadd.s32 $0x8F2B, s0  }
0xbc: {  	[sflag:s0] =	ssyncadd.remote.s32 $0x1  }
0xbd: {  	_ =	sfence.sel $0xFFFF  }
0xbe: {  	[dreg:$0x0] =	wrdreg $0xFFFFFFFF;
	(pc) =	sbr.abs _section_cstart, $3  }
0xbf: {  	[dreg:$0x1] =	wrdreg $0xFFFFFFFF  }
0xc0: {  	_ =	task.clear_ibuf [dreg:s6], $0x2FFFF;
	_ =	strace $0x9FFFFFFF  }
0xc1: {  	(tm) =	ssettm $0x7FFFFFFF  }
tec
execute0_lowered:
.L_overlay_start_1:
0x0: {  	(tag) =	ssettag $0x1  }
0x1: {  	s0 =	stileid.u32;
	s1 =	srdreg.scid  }
0x2: {  	s1 =	sand.u32 $0x1, s1;
	s2 =	sshll.u32 s0, $0x1  }
0x3: {  	s1 =	sor.u32 s2, s1  }
0x4: {  	s2 =	smul.u32 $0x2710, s1;
	_ =	sdelay $0x1  }
0x5: {  	s6 =	ssub.s32 $0x19F0A0, s2  }
0x6: {  	s31 =	smulhi.u32 $0x1A36E3, s6  }
0x7: {  	s8 =	rddreg [dreg:$0x0];
	s5 =	simm.s32 $0x1;
	s10 =	simm.s32 $0x3  }
0x8: {  	s13 =	simm.s32 $0x0;
	s12 =	simm.s32 $0x0;
	s7 =	sshrl.u32 s31, $0x7  }
0x9: {  	s3 =	sadd.s32 $0x38A00, s8;
	s4 =	sadd.s32 $0x6CA00, s8;
	s9 =	smul.u32 $0x4E200, s7  }
.Ltmp0:
0xa: {  	s8 =	sadd.s32 $0x227E00, s8;
	s1 =	rddreg [dreg:$0x1];
	(pc) =	sbr.rel .LBB2_1-.Ltmp0, $4  }
0xb: {  	_ =	strace $0x80000047;
	p0 =	sne.s32 s6, s9;
	s9 =	simm.s32 $0x1  }
0xc: {  	[sflag:s5] =	ssyncpa.u1 $0x0;
	s6 =	simm.s32 $0x2;
	s9 =	simm.s32 @!p0 $0x0  }
0xd: {  	s11 =	smov.u32 s2;
	[sflag:s6] =	ssyncpa.u1 $0x0;
	s7 =	sadd.s32 s9, s7  }
0xe: {  	vm0 =	vmmov $0xffff;
	[sflag:s10] =	ssyncpa.u1 $0x0;
	s10 =	simm.s32 $0x0;
	s9 =	sadd.s32 $0x1, s7  }
.LBB2_4:
0xf: {  	v2 =	vnsel vm1, $0x0, v2  }
0x10: {  	vm1 =	vgt.s32 v0, $0x0;
	v2 =	vmin.u32 v2, $0x19F09F  }
0x11: {  	v0 =	vnsel vm1, $0x0, v0  }
0x12: {  	v0 =	vmin.u32 v0, $0x19F09F  }
0x13: {  	[tilespmem:s18], [sflag:$0x1] =	stream.indirect_vreg.gather [hbm4b:s3+s10], $0x1, v1, vm0, $0x4038;
	[tilespmem:$0x9C40] =	vst v63  }
0x14: {  	(ifvalue) =	ssetifvalue $0x7FFFFFFF  }
0x15: {  	[tilespmem:s15], [sflag:$0x1] =	stream.indirect_vreg.gather [hbm4b:s3+s10], $0x1, v2, vm0, $0x4038;
	[tilespmem:$0x9C40] =	vst v63  }
0x16: {  	s29 =	sadd.s32 $0x10, s15;
	(ifvalue) =	ssetifvalue $0x7FFFFFFF  }
0x17: {  	[tilespmem:s29], [sflag:$0x1] =	stream.indirect_vreg.gather [hbm4b:s3+s10], $0x1, v0, vm0, $0x4038;
	[tilespmem:$0x9C40] =	vst v63  }
0x18: {  	_ =	swait.ge [sflag:s5], $0x2710  }
0x19: {  	s30 =	sshrl.u32 s13, $0x3;
	[sflag:s5] =	ssyncset.done $0x0  }
0x1a: {  	s31 =	sand.u32 $0x7, s13;
	s15 =	sadd.s32 s8, s30;
	[sflag:s5] =	ssyncadd.s32 $0xFFFFD8F0  }
0x1b: {  	[hbm4b:s15+s31] =	stream.linear.scatter [tilespmem:s14], [sflag:$0x3], $0x2710, $0x38;
	[tilespmem:$0x9C40] =	vst v63  }
.LBB2_5:
0x1c: {  	s15 =	sadd.s32 $0x4E200, s11  }
0x1d: {  	p1 =	sgt.s32 s15, $0x19F09F  }
0x1e: {  	s15 =	smov.u32 @p1 s2;
	p1 =	sne.s32 s12, s9  }
.Ltmp1:
0x1f: {  	p0 =	slt.u32 s12, $0x2;
	(pc) =	sbr.rel @!p1 .LBB2_6-.Ltmp1, $4  }
0x20: {  	s14 =	simm.s32 @!p0 $0x3  }
0x21: {  	_ =	swait.ge @!p0 [sflag:s14], $0x2710  }
0x22: {  	s16 =	sadd.s32 $0x1, s12;
	s13 =	smov.u32 s11;
	[sflag:s14] =	ssyncset.done @!p0 $0x0  }
0x23: {  	s12 =	smov.u32 s16;
	s11 =	smov.u32 s15;
	[sflag:s14] =	ssyncadd.s32 @!p0 $0xFFFFD8F0  }
.LBB2_1:
0x24: {  	p0 =	sge.u32 s12, s7  }
0x25: {  	s14 =	sxor.u32 @!p0 $0xFFFFFFFF, s12  }
0x26: {  	s14 =	sand.u32 @!p0 $0x1, s14  }
0x27: {  	s14 =	smul.u32 @!p0 $0x9C40, s14  }
0x28: {  	s31 =	sadd.s32 $0xFFFFFFFF, s12;
	s15 =	sshrl.u32 @!p0 s11, $0x3  }
0x29: {  	s16 =	sand.u32 @!p0 $0x7, s11;
	s15 =	sadd.s32 @!p0 s4, s15;
	s14 =	sshrl.u32 @!p0 s14, $0x2  }
0x2a: {  	[tilespmem:s14], [sflag:$0x2] =	stream.linear.gather @!p0 [hbm4b:s15+s16], $0x2710, $0x38;
	[tilespmem:$0x9C40] =	vst v63  }
0x2b: {  	p0 =	sge.u32 s31, s7  }
.Ltmp2:
0x2c: {  	_ = 	snop;
	(pc) =	sbr.rel @p0 .LBB2_5-.Ltmp2, $1  }
0x2d: {  	_ =	sdelay $0x3  }
0x2e: {  	s14 =	sand.u32 $0x1, s12  }
0x2f: {  	_ =	swait.ge [sflag:s6], $0x2710;
	p0 =	seq.s32 s14, $0x1;
	s14 =	simm.s32 $0x2710  }
0x30: {  	[sflag:s6] =	ssyncset.done $0x0;
	s14 =	simm.s32 @!p0 $0x0  }
0x31: {  	[sflag:s6] =	ssyncadd.s32 $0xFFFFD8F0;
	(ifvalue) =	ssetifvalue $0x7FFFFFFF;
	v0 =	vld.msk [tilespmem:s14+$0x0 ss:$0x1], $0xffff;
	_ =	sdelay $0x4  }
0x32: {  	s15 =	sadd.s32 $0x10, s14;
	vm1 =	vgt.s32 v0, $0x0  }
0x33: {  	v2 =	vld.msk [tilespmem:s15+$0x0 ss:$0x1], $0xffff;
	v1 =	vnsel vm1, $0x0, v0  }
0x34: {  	v1 =	vmin.u32 v1, $0x19F09F;
	_ =	sdelay $0x2  }
0x35: {  	s17 =	simm.s32 $0x20;
	s14 =	sadd.s32 $0x4E20, s14;
	s16 =	sadd.s32 $0x10, s15  }
0x36: {  	s15 =	sadd.s32 $0x10, s14;
	s18 =	smov.u32 s14;
	v0 =	vld.msk [tilespmem:s16+$0x0 ss:$0x1], $0xffff;
	vm1 =	vgt.s32 v2, $0x0;
	(ifvalue) =	ssetifvalue $0x7FFFFFFF  }
.LBB2_3:
0x37: {  	[tilespmem:s18], [sflag:$0x1] =	stream.indirect_vreg.gather [hbm4b:s3+s10], $0x1, v1, vm0, $0x4038;
	[tilespmem:$0x9C40] =	vst v63  }
0x38: {  	s17 =	sadd.s32 $0x10, s17  }
0x39: {  	v2 =	vnsel vm1, $0x0, v2;
	p0 =	slt.u32 s17, $0x2700  }
.Ltmp3:
0x3a: {  	s18 =	smov.u32 s15;
	v1 =	vmin.u32 v2, $0x19F09F;
	(pc) =	sbr.rel @p0 .LBB2_3-.Ltmp3, $3  }
0x3b: {  	_ =	sdelay $0x1  }
0x3c: {  	s16 =	sadd.s32 $0x10, s16  }
0x3d: {  	vm1 =	vgt.s32 v0, $0x0;
	s15 =	sadd.s32 $0x10, s15;
	v2 =	vmov v0;
	(ifvalue) =	ssetifvalue $0x7FFFFFFF;
	v0 =	vld.msk [tilespmem:s16+$0x0 ss:$0x1], $0xffff  }
.Ltmp4:
0x3e: {  	_ = 	snop;
	(pc) =	sbr.rel .LBB2_4-.Ltmp4, $1  }
0x3f: {  	_ =	sdelay $0x3  }
.LBB2_6:
0x40: {  	_ =	sfence.sel $0x180000  }
0x41: {  	s2 =	simm.s32 $0x2;
	[bflag:$0x0] =	sbarrier.arrive $0xFFFF  }
0x42: {  	s30 =	simm.s32 $0x3;
	[sflag:s2] =	ssyncpa.u1 $0x1  }
0x43: {  	s31 =	simm.s32 $0x1;
	[sflag:s30] =	ssyncpa.u1 $0x1  }
0x44: {  	[sflag:s31] =	ssyncpa.u1 $0x1  }
0x45: {  	p0 =	sne.s32 s0, $0x0;
	_ =	strace $0x90000047  }
0x46: {  	s0 =	sadd.s32 @!p0 $0x100000, s1;
	[bflag:$0x2] =	sbarrier.arrive $0xFFFF  }
0x47: {  	[sflag:s0] =	ssyncadd.tile.s32 @!p0 $0x1;
	_ =	shalt  }
.Lfunc_end2:
_tile_overlayer_lowered:
.L_overlay_start_2:
0x48: {  	(tag) =	ssettag $0x2  }
0x49: {  	s0 =	rddreg [dreg:$0x0];
	s2 =	stileid.u32  }
0x4a: {  	s1 =	rddreg [dreg:$0x1];
	p0 =	sne.s32 s2, $0x0  }
0x4b: {  	s3 =	rddreg [dreg:$0x2];
	[bflag:$0x3] =	sbarrier.arrive $0xFFFF;
	s2 =	simm.s32 @!p0 $0x1C01  }
0x4c: {  	[timem:s3], [sflag:s2] =	dma.local @!p0 [hbm:s0], s1  }
0x4d: {  	s0 =	simm.s32 @!p0 $0x1  }
0x4e: {  	_ =	swait.ge @!p0 [sflag:s0], s1  }
0x4f: {  	s1 =	ssub.s32 @!p0 $0x0, s1;
	[sflag:s0] =	ssyncset.done @!p0 $0x0  }
0x50: {  	[sflag:s0] =	ssyncadd.s32 @!p0 s1  }
0x51: {  	[bflag:$0x3] =	sbarrier.arrive $0xFFFF  }
0x52: {  	_ =	shalt  }

// kernel: gather_offload_async_start
scs
__scs_entry_jumppad:
0x0: {  	(pc) =	sbr.rel $0x88, $3  }
0x1: {  	(tag) =	ssettag $0x0;
	lr =	simm.s32 $0x1  }
0x2: {  	[smem:$0x3F8C] =	sst lr;
	_ =	strace $0xD0000000  }
0x3: {  	_ = 	snop  }
0x4: {  	_ = 	snop  }
0x5: {  	_ = 	snop  }
0x6: {  	_ = 	snop  }
0x7: {  	_ = 	snop  }
__scs_overlays_trampoline_lowered:
0x8: {  	[smem:$0x3F9B] =	sst s0  }
0x9: {  	[smem:$0x3F9C] =	sst s1  }
0xa: {  	[smem:$0x3F9D] =	sst s2  }
0xb: {  	[smem:$0x3F9E] =	sst s3  }
0xc: {  	[smem:$0x3F9F] =	sst s4  }
0xd: {  	[smem:$0x3FA0] =	sst s5  }
0xe: {  	[smem:$0x3FA1] =	sst s6  }
0xf: {  	[smem:$0x3FA2] =	sst s7  }
0x10: {  	[smem:$0x3FA3] =	sst s8  }
0x11: {  	[smem:$0x3FA4] =	sst s9;
	s0 =	simm.s32 @!p0 $0x0  }
0x12: {  	s1 =	sld [smem:$0x3F8A];
	s0 =	simm.s32 @p0 $0x1  }
0x13: {  	[smem:$0x3FA5] =	sst s0;
	s0 =	simm.s32 @!p1 $0x0  }
0x14: {  	s2 =	sld [smem:$0x3F89];
	s0 =	simm.s32 @p1 $0x1  }
0x15: {  	[smem:$0x3FA6] =	sst s0;
	s0 =	simm.s32 @!p2 $0x0  }
0x16: {  	s3 =	sld [smem:$0x3FDB];
	s0 =	simm.s32 @p2 $0x1  }
0x17: {  	s4 =	simm.s32 $0x1BF5;
	[smem:$0x3FA8] =	sst s0  }
0x18: {  	s0 =	sld [smem:$0x3F8B];
	_ =	swait.ge [sflag:s4], $0x0  }
0x19: {  	s7 =	sld [smem:$0x3F8C]  }
0x1a: {  	s8 =	sadd.s32 $0xFFFFE003, lr  }
0x1b: {  	s9 =	sadd.s32 $0xFFFFFEF7, lr;
	s5 =	simm.s32 $0xFFFFFFFF;
	p2 =	slt.u32 s8, $0xFFFFF086  }
0x1c: {  	p1 =	slt.u32 s9, $0xF7A;
	s5 =	simm.s32 @!p2 $0x0  }
0x1d: {  	s5 =	simm.s32 @p1 $0x1;
	p0 =	seq.s32 s7, s2  }
0x1e: {  	s7 =	smul.u32 @!p0 $0xF7A, s2;
	p2 =	seq.s32 @!p0 s5, $0x0  }
0x1f: {  	s9 =	smul.u32 $0xF7A, s1;
	s8 =	simm.s32 @!p0 $0x1BF5;
	p2 =	por !p2, p0  }
0x20: {  	[sflag:s8] =	ssyncset.s32 @!p0 $0xFFFFF086;
	s6 =	sadd.s32 @!p0 s3, s7;
	s7 =	simm.s32 @!p0 $0x108  }
0x21: {  	s3 =	sadd.s32 s3, s9;
	s6 =	sadd.s32 @!p0 $0x88, s6;
	s7 =	simm.s32 @p2 $0x1082  }
0x22: {  	[simem:s7], [sflag:s8] =	dma.local @!p0 [hbm:s6], $0xF7A  }
0x23: {  	s9 =	sor.u32 $0xD0000000, s2;
	s6 =	simm.s32 $0x108;
	_ =	swait.ge @!p0 [sflag:s8], $0x0  }
0x24: {  	s3 =	sadd.s32 $0x88, s3;
	s6 =	simm.s32 @!p1 $0x1082;
	[sflag:s4] =	ssyncset.s32 $0xFFFFF086  }
0x25: {  	[simem:s6], [sflag:s4] =	dma.local [hbm:s3], $0xF7A  }
0x26: {  	[smem:$0x3F8C] =	sst s1;
	(tag) =	ssettag s2;
	_ =	strace s9  }
0x27: {  	s1 =	sld [smem:$0x3F9C]  }
0x28: {  	s2 =	sld [smem:$0x3F9D]  }
0x29: {  	s4 =	sld [smem:$0x3F9F]  }
0x2a: {  	p0 =	seq.s32 s5, $0x0;
	s5 =	sld [smem:$0x3FA0]  }
0x2b: {  	s6 =	sld [smem:$0x3FA1]  }
0x2c: {  	s7 =	sld [smem:$0x3FA2]  }
0x2d: {  	s3 =	simm.s32 $0x108;
	s8 =	sld [smem:$0x3FA3]  }
0x2e: {  	s3 =	simm.s32 @!p0 $0x1082;
	s9 =	sld [smem:$0x3FA4]  }
0x2f: {  	lr =	sadd.s32 s0, s3;
	s0 =	sld [smem:$0x3F9B]  }
0x30: {  	s3 =	sld [smem:$0x3F9E]  }
0x31: {  	[smem:$0x3FA7] =	sst s10  }
0x32: {  	s10 =	sld [smem:$0x3FA5];
	_ =	sdelay $0x3  }
0x33: {  	p0 =	seq.s32 s10, $0x1;
	s10 =	sld [smem:$0x3FA7];
	_ =	sdelay $0x3  }
0x34: {  	[smem:$0x3FA7] =	sst s10  }
0x35: {  	s10 =	sld [smem:$0x3FA6];
	_ =	sdelay $0x3  }
0x36: {  	p1 =	seq.s32 s10, $0x1;
	s10 =	sld [smem:$0x3FA7];
	_ =	sdelay $0x3  }
0x37: {  	[smem:$0x3FA7] =	sst s10  }
0x38: {  	s10 =	sld [smem:$0x3FA8]  }
0x39: {  	_ = 	snop;
	(pc) =	sbr.ind lr, $3  }
0x3a: {  	_ = 	snop  }
0x3b: {  	_ = 	snop  }
0x3c: {  	p2 =	seq.s32 s10, $0x1;
	s10 =	sld [smem:$0x3FA7]  }
0x3d: {  	_ =	shalt  }
0x3e: {  	_ =	shalt  }
0x3f: {  	_ =	shalt  }
0x40: {  	_ =	shalt  }
0x41: {  	_ =	shalt  }
0x42: {  	_ =	shalt  }
0x43: {  	_ =	shalt  }
0x44: {  	_ =	shalt  }
0x45: {  	_ =	shalt  }
0x46: {  	_ =	shalt  }
0x47: {  	_ =	shalt  }
0x48: {  	_ =	shalt  }
0x49: {  	_ =	shalt  }
0x4a: {  	_ =	shalt  }
0x4b: {  	_ =	shalt  }
0x4c: {  	_ =	shalt  }
0x4d: {  	_ =	shalt  }
0x4e: {  	_ =	shalt  }
0x4f: {  	_ =	shalt  }
0x50: {  	_ =	shalt  }
0x51: {  	_ =	shalt  }
0x52: {  	_ =	shalt  }
0x53: {  	_ =	shalt  }
0x54: {  	_ =	shalt  }
0x55: {  	_ =	shalt  }
0x56: {  	_ =	shalt  }
0x57: {  	_ =	shalt  }
0x58: {  	_ =	shalt  }
0x59: {  	_ =	shalt  }
0x5a: {  	_ =	shalt  }
0x5b: {  	_ =	shalt  }
0x5c: {  	_ =	shalt  }
0x5d: {  	_ =	shalt  }
0x5e: {  	_ =	shalt  }
0x5f: {  	_ =	shalt  }
0x60: {  	_ =	shalt  }
0x61: {  	_ =	shalt  }
0x62: {  	_ =	shalt  }
0x63: {  	_ =	shalt  }
0x64: {  	_ =	shalt  }
0x65: {  	_ =	shalt  }
0x66: {  	_ =	shalt  }
0x67: {  	_ =	shalt  }
0x68: {  	_ =	shalt  }
0x69: {  	_ =	shalt  }
0x6a: {  	_ =	shalt  }
0x6b: {  	_ =	shalt  }
0x6c: {  	_ =	shalt  }
0x6d: {  	_ =	shalt  }
0x6e: {  	_ =	shalt  }
0x6f: {  	_ =	shalt  }
0x70: {  	_ =	shalt  }
0x71: {  	_ =	shalt  }
0x72: {  	_ =	shalt  }
0x73: {  	_ =	shalt  }
0x74: {  	_ =	shalt  }
0x75: {  	_ =	shalt  }
0x76: {  	_ =	shalt  }
0x77: {  	_ =	shalt  }
0x78: {  	_ =	shalt  }
0x79: {  	_ =	shalt  }
0x7a: {  	_ =	shalt  }
0x7b: {  	_ =	shalt  }
0x7c: {  	_ =	shalt  }
0x7d: {  	_ =	shalt  }
0x7e: {  	_ =	shalt  }
0x7f: {  	_ =	shalt  }
0x80: {  	_ =	shalt  }
0x81: {  	_ =	shalt  }
0x82: {  	_ =	shalt  }
0x83: {  	_ =	shalt  }
0x84: {  	_ =	shalt  }
0x85: {  	_ =	shalt  }
0x86: {  	_ =	shalt  }
0x87: {  	_ =	shalt  }
.Lfunc_end0:
.L_simem_size_0:
called_computation_lowered:
.L_overlay_start_0:
0x88: {  	s2 =	sld [smem:$0x3FD9]  }
0x89: {  	s3 =	sld [smem:$0x3FFE];
	_ =	sdelay $0x1  }
0x8a: {  	s1 =	srdreg.scid  }
0x8b: {  	s0 =	sand.u32 $0x1, s1  }
0x8c: {  	s16 =	sshll.u32 s0, $0xA;
	s2 =	sadd.s32 s3, s2  }
0x8d: {  	s2 =	sadd.s32 s2, s16  }
0x8e: {  	[smem:$0x3FB3] =	sst s2  }
0x8f: {  	_ = 	snop  }
0x90: {  	(tm) =	ssettm $0x1  }
0x91: {  	s17 =	sld [smem:$0x3FFB];
	_ =	sdelay $0x3  }
0x92: {  	_ =	strace s17  }
0x93: {  	s2 =	sld [smem:$0x3FFC];
	_ =	sdelay $0x3  }
0x94: {  	_ =	strace s2  }
0x95: {  	s2 =	sld [smem:$0x3FFD];
	_ =	sdelay $0x3  }
0x96: {  	_ =	strace s2  }
0x97: {  	_ =	strace $0x8FFFFFFF  }
0x98: {  	s18 =	sld [smem:$0x3FDB];
	_ =	sdelay $0x1  }
0x99: {  	s19 =	simm.s32 $_scs_section_size  }
0x9a: {  	s4 =	simm.s32 $_size__tile_overlayer_lowered;
	s5 =	simm.s32 $_tile_overlayer_lowered  }
0x9b: {  	s22 =	simm.s32 $0x1BFF;
	s21 =	sshll.u32 s5, $0x1;
	s2 =	sadd.s32 s19, s18  }
0x9c: {  	s6 =	simm.s32 $0x0;
	s20 =	sshll.u32 s4, $0x1;
	s4 =	sadd.s32 s21, s2  }
0x9d: {  	[timem:s6], [sflag:s22] =	dma.local [hbm:s4], s20  }
0x9e: {  	_ =	swait.ge [sflag:s22], s20  }
0x9f: {  	s3 =	ssub.s32 $0x0, s20;
	[sflag:s22] =	ssyncset.done $0x0  }
0xa0: {  	[sflag:s22] =	ssyncadd.s32 s3;
	_ =	sdelay $0x1  }
0xa1: {  	s23 =	simm.s32 $0x1B8B  }
0xa2: {  	_ =	swait.ge [sflag:s23], $0x1  }
0xa3: {  	[sflag:s23] =	ssyncset.done $0x0  }
0xa4: {  	s25 =	simm.s32 $0x1B8E;
	s24 =	sld [smem:$0x3FFE];
	[sflag:s23] =	ssyncadd.s32 $0xFFFFFFFF  }
0xa5: {  	s26 =	simm.s32 $execute0_lowered;
	[smem:$0x3FD2] =	sst s25  }
0xa6: {  	s4 =	sshll.u32 s26, $0x1;
	_ =	strace $0x80000049;
	[dreg:$0x1] =	wrdreg $0xFFFFFFFF  }
0xa7: {  	s28 =	simm.s32 $_size_execute0_lowered;
	s2 =	sadd.s32 s2, s4;
	[dreg:$0x0] =	wrdreg $0x0  }
0xa8: {  	s4 =	sshll.u32 s28, $0x1;
	[dreg:$0x2] =	wrdreg s2  }
0xa9: {  	[dreg:$0x3] =	wrdreg s4  }
0xaa: {  	[dreg:$0x4] =	wrdreg $0xC0  }
0xab: {  	_ =	task [dreg:s6], $0x5FFFF  }
0xac: {  	[dreg:$0x1] =	wrdreg $0xFFFFFFFF  }
0xad: {  	[dreg:$0x0] =	wrdreg $0x60  }
0xae: {  	[dreg:$0x2] =	wrdreg s24  }
0xaf: {  	[dreg:$0x3] =	wrdreg $0x9  }
0xb0: {  	_ =	task.clear_ibuf [dreg:s6], $0x4FFFF;
	_ =	strace $0x90000049  }
0xb1: {  	s29 =	simm.s32 $0x9;
	_ =	strace $0x8000004B  }
0xb2: {  	_ =	swait.ge [sflag:s29], $0x1  }
0xb3: {  	[sflag:s29] =	ssyncadd.s32 $0xFFFFFFFF  }
0xb4: {  	_ =	strace $0x9000004B  }
0xb5: {  	_ =	sfence  }
0xb6: {  	s30 =	sld [smem:$0x0];
	_ =	sdelay $0x2  }
0xb7: {  	s31 =	sshll.u32 s1, $0xD;
	s1 =	sshrl.u32 s1, $0x2  }
0xb8: {  	s3 =	sand.u32 $0x4000, s31;
	s1 =	sadd.s32 s1, s30  }
0xb9: {  	s0 =	sor.u32 s3, s0;
	s1 =	sshll.u32 s1, $0x11  }
0xba: {  	s0 =	sor.u32 s1, s0  }
0xbb: {  	s0 =	sadd.s32 $0x8F2B, s0  }
0xbc: {  	[sflag:s0] =	ssyncadd.remote.s32 $0x1  }
0xbd: {  	_ =	sfence.sel $0xFFFF  }
0xbe: {  	[dreg:$0x0] =	wrdreg $0xFFFFFFFF;
	(pc) =	sbr.abs _section_cstart, $3  }
0xbf: {  	[dreg:$0x1] =	wrdreg $0xFFFFFFFF  }
0xc0: {  	_ =	task.clear_ibuf [dreg:s6], $0x2FFFF;
	_ =	strace $0x9FFFFFFF  }
0xc1: {  	(tm) =	ssettm $0x7FFFFFFF  }
tec
execute0_lowered:
.L_overlay_start_1:
0x0: {  	(tag) =	ssettag $0x1  }
0x1: {  	s0 =	stileid.u32;
	s1 =	srdreg.scid  }
0x2: {  	s1 =	sand.u32 $0x1, s1;
	s2 =	sshll.u32 s0, $0x1  }
0x3: {  	s1 =	sor.u32 s2, s1  }
0x4: {  	s2 =	smul.u32 $0x2710, s1;
	_ =	sdelay $0x1  }
0x5: {  	s6 =	ssub.s32 $0x19F0A0, s2  }
0x6: {  	s31 =	smulhi.u32 $0x1A36E3, s6  }
0x7: {  	s8 =	rddreg [dreg:$0x0];
	s5 =	simm.s32 $0x1;
	s10 =	simm.s32 $0x3  }
0x8: {  	s13 =	simm.s32 $0x0;
	s12 =	simm.s32 $0x0;
	s7 =	sshrl.u32 s31, $0x7  }
0x9: {  	s3 =	sadd.s32 $0x4A00, s8;
	s4 =	sadd.s32 $0x6CA00, s8;
	s9 =	smul.u32 $0x4E200, s7  }
.Ltmp0:
0xa: {  	s8 =	sadd.s32 $0xA0A00, s8;
	s1 =	rddreg [dreg:$0x1];
	(pc) =	sbr.rel .LBB2_1-.Ltmp0, $4  }
0xb: {  	_ =	strace $0x8000004A;
	p0 =	sne.s32 s6, s9;
	s9 =	simm.s32 $0x1  }
0xc: {  	[sflag:s5] =	ssyncpa.u1 $0x0;
	s6 =	simm.s32 $0x2;
	s9 =	simm.s32 @!p0 $0x0  }
0xd: {  	s11 =	smov.u32 s2;
	[sflag:s6] =	ssyncpa.u1 $0x0;
	s7 =	sadd.s32 s9, s7  }
0xe: {  	vm0 =	vmmov $0xffff;
	[sflag:s10] =	ssyncpa.u1 $0x0;
	s10 =	simm.s32 $0x0;
	s9 =	sadd.s32 $0x1, s7  }
.LBB2_4:
0xf: {  	v2 =	vnsel vm1, $0x0, v2  }
0x10: {  	vm1 =	vgt.s32 v0, $0x0;
	v2 =	vmin.u32 v2, $0x19F09F  }
0x11: {  	v0 =	vnsel vm1, $0x0, v0  }
0x12: {  	v0 =	vmin.u32 v0, $0x19F09F  }
0x13: {  	[tilespmem:s18], [sflag:$0x1] =	stream.indirect_vreg.gather [hbm4b:s3+s10], $0x1, v1, vm0, $0x4038;
	[tilespmem:$0x9C40] =	vst v63  }
0x14: {  	(ifvalue) =	ssetifvalue $0x7FFFFFFF  }
0x15: {  	[tilespmem:s15], [sflag:$0x1] =	stream.indirect_vreg.gather [hbm4b:s3+s10], $0x1, v2, vm0, $0x4038;
	[tilespmem:$0x9C40] =	vst v63  }
0x16: {  	s29 =	sadd.s32 $0x10, s15;
	(ifvalue) =	ssetifvalue $0x7FFFFFFF  }
0x17: {  	[tilespmem:s29], [sflag:$0x1] =	stream.indirect_vreg.gather [hbm4b:s3+s10], $0x1, v0, vm0, $0x4038;
	[tilespmem:$0x9C40] =	vst v63  }
0x18: {  	_ =	swait.ge [sflag:s5], $0x2710  }
0x19: {  	s30 =	sshrl.u32 s13, $0x3;
	[sflag:s5] =	ssyncset.done $0x0  }
0x1a: {  	s31 =	sand.u32 $0x7, s13;
	s15 =	sadd.s32 s8, s30;
	[sflag:s5] =	ssyncadd.s32 $0xFFFFD8F0  }
0x1b: {  	[hbm4b:s15+s31] =	stream.linear.scatter [tilespmem:s14], [sflag:$0x3], $0x2710, $0x38;
	[tilespmem:$0x9C40] =	vst v63  }
.LBB2_5:
0x1c: {  	s15 =	sadd.s32 $0x4E200, s11  }
0x1d: {  	p1 =	sgt.s32 s15, $0x19F09F  }
0x1e: {  	s15 =	smov.u32 @p1 s2;
	p1 =	sne.s32 s12, s9  }
.Ltmp1:
0x1f: {  	p0 =	slt.u32 s12, $0x2;
	(pc) =	sbr.rel @!p1 .LBB2_6-.Ltmp1, $4  }
0x20: {  	s14 =	simm.s32 @!p0 $0x3  }
0x21: {  	_ =	swait.ge @!p0 [sflag:s14], $0x2710  }
0x22: {  	s16 =	sadd.s32 $0x1, s12;
	s13 =	smov.u32 s11;
	[sflag:s14] =	ssyncset.done @!p0 $0x0  }
0x23: {  	s12 =	smov.u32 s16;
	s11 =	smov.u32 s15;
	[sflag:s14] =	ssyncadd.s32 @!p0 $0xFFFFD8F0  }
.LBB2_1:
0x24: {  	p0 =	sge.u32 s12, s7  }
0x25: {  	s14 =	sxor.u32 @!p0 $0xFFFFFFFF, s12  }
0x26: {  	s14 =	sand.u32 @!p0 $0x1, s14  }
0x27: {  	s14 =	smul.u32 @!p0 $0x9C40, s14  }
0x28: {  	s31 =	sadd.s32 $0xFFFFFFFF, s12;
	s15 =	sshrl.u32 @!p0 s11, $0x3  }
0x29: {  	s16 =	sand.u32 @!p0 $0x7, s11;
	s15 =	sadd.s32 @!p0 s4, s15;
	s14 =	sshrl.u32 @!p0 s14, $0x2  }
0x2a: {  	[tilespmem:s14], [sflag:$0x2] =	stream.linear.gather @!p0 [hbm4b:s15+s16], $0x2710, $0x38;
	[tilespmem:$0x9C40] =	vst v63  }
0x2b: {  	p0 =	sge.u32 s31, s7  }
.Ltmp2:
0x2c: {  	_ = 	snop;
	(pc) =	sbr.rel @p0 .LBB2_5-.Ltmp2, $1  }
0x2d: {  	_ =	sdelay $0x3  }
0x2e: {  	s14 =	sand.u32 $0x1, s12  }
0x2f: {  	_ =	swait.ge [sflag:s6], $0x2710;
	p0 =	seq.s32 s14, $0x1;
	s14 =	simm.s32 $0x2710  }
0x30: {  	[sflag:s6] =	ssyncset.done $0x0;
	s14 =	simm.s32 @!p0 $0x0  }
0x31: {  	[sflag:s6] =	ssyncadd.s32 $0xFFFFD8F0;
	(ifvalue) =	ssetifvalue $0x7FFFFFFF;
	v0 =	vld.msk [tilespmem:s14+$0x0 ss:$0x1], $0xffff;
	_ =	sdelay $0x4  }
0x32: {  	s15 =	sadd.s32 $0x10, s14;
	vm1 =	vgt.s32 v0, $0x0  }
0x33: {  	v2 =	vld.msk [tilespmem:s15+$0x0 ss:$0x1], $0xffff;
	v1 =	vnsel vm1, $0x0, v0  }
0x34: {  	v1 =	vmin.u32 v1, $0x19F09F;
	_ =	sdelay $0x2  }
0x35: {  	s17 =	simm.s32 $0x20;
	s14 =	sadd.s32 $0x4E20, s14;
	s16 =	sadd.s32 $0x10, s15  }
0x36: {  	s15 =	sadd.s32 $0x10, s14;
	s18 =	smov.u32 s14;
	v0 =	vld.msk [tilespmem:s16+$0x0 ss:$0x1], $0xffff;
	vm1 =	vgt.s32 v2, $0x0;
	(ifvalue) =	ssetifvalue $0x7FFFFFFF  }
.LBB2_3:
0x37: {  	[tilespmem:s18], [sflag:$0x1] =	stream.indirect_vreg.gather [hbm4b:s3+s10], $0x1, v1, vm0, $0x4038;
	[tilespmem:$0x9C40] =	vst v63  }
0x38: {  	s17 =	sadd.s32 $0x10, s17  }
0x39: {  	v2 =	vnsel vm1, $0x0, v2;
	p0 =	slt.u32 s17, $0x2700  }
.Ltmp3:
0x3a: {  	s18 =	smov.u32 s15;
	v1 =	vmin.u32 v2, $0x19F09F;
	(pc) =	sbr.rel @p0 .LBB2_3-.Ltmp3, $3  }
0x3b: {  	_ =	sdelay $0x1  }
0x3c: {  	s16 =	sadd.s32 $0x10, s16  }
0x3d: {  	vm1 =	vgt.s32 v0, $0x0;
	s15 =	sadd.s32 $0x10, s15;
	v2 =	vmov v0;
	(ifvalue) =	ssetifvalue $0x7FFFFFFF;
	v0 =	vld.msk [tilespmem:s16+$0x0 ss:$0x1], $0xffff  }
.Ltmp4:
0x3e: {  	_ = 	snop;
	(pc) =	sbr.rel .LBB2_4-.Ltmp4, $1  }
0x3f: {  	_ =	sdelay $0x3  }
.LBB2_6:
0x40: {  	_ =	sfence.sel $0x180000  }
0x41: {  	s2 =	simm.s32 $0x2;
	[bflag:$0x0] =	sbarrier.arrive $0xFFFF  }
0x42: {  	s30 =	simm.s32 $0x3;
	[sflag:s2] =	ssyncpa.u1 $0x1  }
0x43: {  	s31 =	simm.s32 $0x1;
	[sflag:s30] =	ssyncpa.u1 $0x1  }
0x44: {  	[sflag:s31] =	ssyncpa.u1 $0x1  }
0x45: {  	p0 =	sne.s32 s0, $0x0;
	_ =	strace $0x9000004A  }
0x46: {  	s0 =	sadd.s32 @!p0 $0x100000, s1;
	[bflag:$0x2] =	sbarrier.arrive $0xFFFF  }
0x47: {  	[sflag:s0] =	ssyncadd.tile.s32 @!p0 $0x1;
	_ =	shalt  }
.Lfunc_end2:
_tile_overlayer_lowered:
.L_overlay_start_2:
0x48: {  	(tag) =	ssettag $0x2  }
0x49: {  	s0 =	rddreg [dreg:$0x0];
	s2 =	stileid.u32  }
0x4a: {  	s1 =	rddreg [dreg:$0x1];
	p0 =	sne.s32 s2, $0x0  }
0x4b: {  	s3 =	rddreg [dreg:$0x2];
	[bflag:$0x3] =	sbarrier.arrive $0xFFFF;
	s2 =	simm.s32 @!p0 $0x1C01  }
0x4c: {  	[timem:s3], [sflag:s2] =	dma.local @!p0 [hbm:s0], s1  }
0x4d: {  	s0 =	simm.s32 @!p0 $0x1  }
0x4e: {  	_ =	swait.ge @!p0 [sflag:s0], s1  }
0x4f: {  	s1 =	ssub.s32 @!p0 $0x0, s1;
	[sflag:s0] =	ssyncset.done @!p0 $0x0  }
0x50: {  	[sflag:s0] =	ssyncadd.s32 @!p0 s1  }
0x51: {  	[bflag:$0x3] =	sbarrier.arrive $0xFFFF  }
0x52: {  	_ =	shalt  }

// kernel: kernel.23.cloned.1.call-start
scs
__scs_entry_jumppad:
0x0: {  	(pc) =	sbr.rel $0x88, $3  }
0x1: {  	(tag) =	ssettag $0x0;
	lr =	simm.s32 $0x1  }
0x2: {  	[smem:$0x3F8C] =	sst lr;
	_ =	strace $0xD0000000  }
0x3: {  	_ = 	snop  }
0x4: {  	_ = 	snop  }
0x5: {  	_ = 	snop  }
0x6: {  	_ = 	snop  }
0x7: {  	_ = 	snop  }
__scs_overlays_trampoline_lowered:
0x8: {  	[smem:$0x3F9B] =	sst s0  }
0x9: {  	[smem:$0x3F9C] =	sst s1  }
0xa: {  	[smem:$0x3F9D] =	sst s2  }
0xb: {  	[smem:$0x3F9E] =	sst s3  }
0xc: {  	[smem:$0x3F9F] =	sst s4  }
0xd: {  	[smem:$0x3FA0] =	sst s5  }
0xe: {  	[smem:$0x3FA1] =	sst s6  }
0xf: {  	[smem:$0x3FA2] =	sst s7  }
0x10: {  	[smem:$0x3FA3] =	sst s8  }
0x11: {  	[smem:$0x3FA4] =	sst s9;
	s0 =	simm.s32 @!p0 $0x0  }
0x12: {  	s1 =	sld [smem:$0x3F8A];
	s0 =	simm.s32 @p0 $0x1  }
0x13: {  	[smem:$0x3FA5] =	sst s0;
	s0 =	simm.s32 @!p1 $0x0  }
0x14: {  	s2 =	sld [smem:$0x3F89];
	s0 =	simm.s32 @p1 $0x1  }
0x15: {  	[smem:$0x3FA6] =	sst s0;
	s0 =	simm.s32 @!p2 $0x0  }
0x16: {  	s3 =	sld [smem:$0x3FDB];
	s0 =	simm.s32 @p2 $0x1  }
0x17: {  	s4 =	simm.s32 $0x1BF5;
	[smem:$0x3FA8] =	sst s0  }
0x18: {  	s0 =	sld [smem:$0x3F8B];
	_ =	swait.ge [sflag:s4], $0x0  }
0x19: {  	s7 =	sld [smem:$0x3F8C]  }
0x1a: {  	s8 =	sadd.s32 $0xFFFFE003, lr  }
0x1b: {  	s9 =	sadd.s32 $0xFFFFFEF7, lr;
	s5 =	simm.s32 $0xFFFFFFFF;
	p2 =	slt.u32 s8, $0xFFFFF086  }
0x1c: {  	p1 =	slt.u32 s9, $0xF7A;
	s5 =	simm.s32 @!p2 $0x0  }
0x1d: {  	s5 =	simm.s32 @p1 $0x1;
	p0 =	seq.s32 s7, s2  }
0x1e: {  	s7 =	smul.u32 @!p0 $0xF7A, s2;
	p2 =	seq.s32 @!p0 s5, $0x0  }
0x1f: {  	s9 =	smul.u32 $0xF7A, s1;
	s8 =	simm.s32 @!p0 $0x1BF5;
	p2 =	por !p2, p0  }
0x20: {  	[sflag:s8] =	ssyncset.s32 @!p0 $0xFFFFF086;
	s6 =	sadd.s32 @!p0 s3, s7;
	s7 =	simm.s32 @!p0 $0x108  }
0x21: {  	s3 =	sadd.s32 s3, s9;
	s6 =	sadd.s32 @!p0 $0x88, s6;
	s7 =	simm.s32 @p2 $0x1082  }
0x22: {  	[simem:s7], [sflag:s8] =	dma.local @!p0 [hbm:s6], $0xF7A  }
0x23: {  	s9 =	sor.u32 $0xD0000000, s2;
	s6 =	simm.s32 $0x108;
	_ =	swait.ge @!p0 [sflag:s8], $0x0  }
0x24: {  	s3 =	sadd.s32 $0x88, s3;
	s6 =	simm.s32 @!p1 $0x1082;
	[sflag:s4] =	ssyncset.s32 $0xFFFFF086  }
0x25: {  	[simem:s6], [sflag:s4] =	dma.local [hbm:s3], $0xF7A  }
0x26: {  	[smem:$0x3F8C] =	sst s1;
	(tag) =	ssettag s2;
	_ =	strace s9  }
0x27: {  	s1 =	sld [smem:$0x3F9C]  }
0x28: {  	s2 =	sld [smem:$0x3F9D]  }
0x29: {  	s4 =	sld [smem:$0x3F9F]  }
0x2a: {  	p0 =	seq.s32 s5, $0x0;
	s5 =	sld [smem:$0x3FA0]  }
0x2b: {  	s6 =	sld [smem:$0x3FA1]  }
0x2c: {  	s7 =	sld [smem:$0x3FA2]  }
0x2d: {  	s3 =	simm.s32 $0x108;
	s8 =	sld [smem:$0x3FA3]  }
0x2e: {  	s3 =	simm.s32 @!p0 $0x1082;
	s9 =	sld [smem:$0x3FA4]  }
0x2f: {  	lr =	sadd.s32 s0, s3;
	s0 =	sld [smem:$0x3F9B]  }
0x30: {  	s3 =	sld [smem:$0x3F9E]  }
0x31: {  	[smem:$0x3FA7] =	sst s10  }
0x32: {  	s10 =	sld [smem:$0x3FA5];
	_ =	sdelay $0x3  }
0x33: {  	p0 =	seq.s32 s10, $0x1;
	s10 =	sld [smem:$0x3FA7];
	_ =	sdelay $0x3  }
0x34: {  	[smem:$0x3FA7] =	sst s10  }
0x35: {  	s10 =	sld [smem:$0x3FA6];
	_ =	sdelay $0x3  }
0x36: {  	p1 =	seq.s32 s10, $0x1;
	s10 =	sld [smem:$0x3FA7];
	_ =	sdelay $0x3  }
0x37: {  	[smem:$0x3FA7] =	sst s10  }
0x38: {  	s10 =	sld [smem:$0x3FA8]  }
0x39: {  	_ = 	snop;
	(pc) =	sbr.ind lr, $3  }
0x3a: {  	_ = 	snop  }
0x3b: {  	_ = 	snop  }
0x3c: {  	p2 =	seq.s32 s10, $0x1;
	s10 =	sld [smem:$0x3FA7]  }
0x3d: {  	_ =	shalt  }
0x3e: {  	_ =	shalt  }
0x3f: {  	_ =	shalt  }
0x40: {  	_ =	shalt  }
0x41: {  	_ =	shalt  }
0x42: {  	_ =	shalt  }
0x43: {  	_ =	shalt  }
0x44: {  	_ =	shalt  }
0x45: {  	_ =	shalt  }
0x46: {  	_ =	shalt  }
0x47: {  	_ =	shalt  }
0x48: {  	_ =	shalt  }
0x49: {  	_ =	shalt  }
0x4a: {  	_ =	shalt  }
0x4b: {  	_ =	shalt  }
0x4c: {  	_ =	shalt  }
0x4d: {  	_ =	shalt  }
0x4e: {  	_ =	shalt  }
0x4f: {  	_ =	shalt  }
0x50: {  	_ =	shalt  }
0x51: {  	_ =	shalt  }
0x52: {  	_ =	shalt  }
0x53: {  	_ =	shalt  }
0x54: {  	_ =	shalt  }
0x55: {  	_ =	shalt  }
0x56: {  	_ =	shalt  }
0x57: {  	_ =	shalt  }
0x58: {  	_ =	shalt  }
0x59: {  	_ =	shalt  }
0x5a: {  	_ =	shalt  }
0x5b: {  	_ =	shalt  }
0x5c: {  	_ =	shalt  }
0x5d: {  	_ =	shalt  }
0x5e: {  	_ =	shalt  }
0x5f: {  	_ =	shalt  }
0x60: {  	_ =	shalt  }
0x61: {  	_ =	shalt  }
0x62: {  	_ =	shalt  }
0x63: {  	_ =	shalt  }
0x64: {  	_ =	shalt  }
0x65: {  	_ =	shalt  }
0x66: {  	_ =	shalt  }
0x67: {  	_ =	shalt  }
0x68: {  	_ =	shalt  }
0x69: {  	_ =	shalt  }
0x6a: {  	_ =	shalt  }
0x6b: {  	_ =	shalt  }
0x6c: {  	_ =	shalt  }
0x6d: {  	_ =	shalt  }
0x6e: {  	_ =	shalt  }
0x6f: {  	_ =	shalt  }
0x70: {  	_ =	shalt  }
0x71: {  	_ =	shalt  }
0x72: {  	_ =	shalt  }
0x73: {  	_ =	shalt  }
0x74: {  	_ =	shalt  }
0x75: {  	_ =	shalt  }
0x76: {  	_ =	shalt  }
0x77: {  	_ =	shalt  }
0x78: {  	_ =	shalt  }
0x79: {  	_ =	shalt  }
0x7a: {  	_ =	shalt  }
0x7b: {  	_ =	shalt  }
0x7c: {  	_ =	shalt  }
0x7d: {  	_ =	shalt  }
0x7e: {  	_ =	shalt  }
0x7f: {  	_ =	shalt  }
0x80: {  	_ =	shalt  }
0x81: {  	_ =	shalt  }
0x82: {  	_ =	shalt  }
0x83: {  	_ =	shalt  }
0x84: {  	_ =	shalt  }
0x85: {  	_ =	shalt  }
0x86: {  	_ =	shalt  }
0x87: {  	_ =	shalt  }
.Lfunc_end0:
.L_simem_size_0:
called_computation.2_lowered:
.L_overlay_start_0:
0x88: {  	s2 =	sld [smem:$0x3FD9]  }
0x89: {  	s3 =	sld [smem:$0x3FFE];
	_ =	sdelay $0x1  }
0x8a: {  	s1 =	srdreg.scid  }
0x8b: {  	s0 =	sand.u32 $0x1, s1  }
0x8c: {  	s16 =	sshll.u32 s0, $0xA;
	s2 =	sadd.s32 s3, s2  }
0x8d: {  	s2 =	sadd.s32 s2, s16  }
0x8e: {  	[smem:$0x3FB3] =	sst s2  }
0x8f: {  	_ = 	snop  }
0x90: {  	(tm) =	ssettm $0x1  }
0x91: {  	s17 =	sld [smem:$0x3FFB];
	_ =	sdelay $0x3  }
0x92: {  	_ =	strace s17  }
0x93: {  	s2 =	sld [smem:$0x3FFC];
	_ =	sdelay $0x3  }
0x94: {  	_ =	strace s2  }
0x95: {  	s2 =	sld [smem:$0x3FFD];
	_ =	sdelay $0x3  }
0x96: {  	_ =	strace s2  }
0x97: {  	_ =	strace $0x8FFFFFFF  }
0x98: {  	s18 =	sld [smem:$0x3FDB];
	_ =	sdelay $0x1  }
0x99: {  	s19 =	simm.s32 $_scs_section_size  }
0x9a: {  	s4 =	simm.s32 $_size__tile_overlayer_lowered;
	s5 =	simm.s32 $_tile_overlayer_lowered  }
0x9b: {  	s22 =	simm.s32 $0x1BFF;
	s21 =	sshll.u32 s5, $0x1;
	s2 =	sadd.s32 s19, s18  }
0x9c: {  	s6 =	simm.s32 $0x0;
	s20 =	sshll.u32 s4, $0x1;
	s4 =	sadd.s32 s21, s2  }
0x9d: {  	[timem:s6], [sflag:s22] =	dma.local [hbm:s4], s20  }
0x9e: {  	_ =	swait.ge [sflag:s22], s20  }
0x9f: {  	s3 =	ssub.s32 $0x0, s20;
	[sflag:s22] =	ssyncset.done $0x0  }
0xa0: {  	[sflag:s22] =	ssyncadd.s32 s3;
	_ =	sdelay $0x1  }
0xa1: {  	s23 =	simm.s32 $0x1B8B  }
0xa2: {  	_ =	swait.ge [sflag:s23], $0x1  }
0xa3: {  	[sflag:s23] =	ssyncset.done $0x0  }
0xa4: {  	s25 =	simm.s32 $0x1B8E;
	s24 =	sld [smem:$0x3FFE];
	[sflag:s23] =	ssyncadd.s32 $0xFFFFFFFF  }
0xa5: {  	s26 =	simm.s32 $execute0_lowered;
	[smem:$0x3FD2] =	sst s25  }
0xa6: {  	s4 =	sshll.u32 s26, $0x1;
	_ =	strace $0x8000004C;
	[dreg:$0x1] =	wrdreg $0xFFFFFFFF  }
0xa7: {  	s28 =	simm.s32 $_size_execute0_lowered;
	s2 =	sadd.s32 s2, s4;
	[dreg:$0x0] =	wrdreg $0x0  }
0xa8: {  	s4 =	sshll.u32 s28, $0x1;
	[dreg:$0x2] =	wrdreg s2  }
0xa9: {  	[dreg:$0x3] =	wrdreg s4  }
0xaa: {  	[dreg:$0x4] =	wrdreg $0xC0  }
0xab: {  	_ =	task [dreg:s6], $0x5FFFF  }
0xac: {  	[dreg:$0x1] =	wrdreg $0xFFFFFFFF  }
0xad: {  	[dreg:$0x0] =	wrdreg $0x60  }
0xae: {  	[dreg:$0x2] =	wrdreg s24  }
0xaf: {  	[dreg:$0x3] =	wrdreg $0x9  }
0xb0: {  	_ =	task.clear_ibuf [dreg:s6], $0x4FFFF;
	_ =	strace $0x9000004C  }
0xb1: {  	s29 =	simm.s32 $0x9;
	_ =	strace $0x8000004E  }
0xb2: {  	_ =	swait.ge [sflag:s29], $0x1  }
0xb3: {  	[sflag:s29] =	ssyncadd.s32 $0xFFFFFFFF  }
0xb4: {  	_ =	strace $0x9000004E  }
0xb5: {  	_ =	sfence  }
0xb6: {  	s30 =	sld [smem:$0x0];
	_ =	sdelay $0x2  }
0xb7: {  	s31 =	sshll.u32 s1, $0xD;
	s1 =	sshrl.u32 s1, $0x2  }
0xb8: {  	s3 =	sand.u32 $0x4000, s31;
	s1 =	sadd.s32 s1, s30  }
0xb9: {  	s0 =	sor.u32 s3, s0;
	s1 =	sshll.u32 s1, $0x11  }
0xba: {  	s0 =	sor.u32 s1, s0  }
0xbb: {  	s0 =	sadd.s32 $0x8F2B, s0  }
0xbc: {  	[sflag:s0] =	ssyncadd.remote.s32 $0x1  }
0xbd: {  	_ =	sfence.sel $0xFFFF  }
0xbe: {  	[dreg:$0x0] =	wrdreg $0xFFFFFFFF;
	(pc) =	sbr.abs _section_cstart, $3  }
0xbf: {  	[dreg:$0x1] =	wrdreg $0xFFFFFFFF  }
0xc0: {  	_ =	task.clear_ibuf [dreg:s6], $0x2FFFF;
	_ =	strace $0x9FFFFFFF  }
0xc1: {  	(tm) =	ssettm $0x7FFFFFFF  }
tec
execute0_lowered:
.L_overlay_start_1:
0x0: {  	(tag) =	ssettag $0x1  }
0x1: {  	s4 =	rddreg [dreg:$0x0]  }
0x2: {  	s0 =	rddreg [dreg:$0x1];
	s2 =	simm.s32 $0x0;
	s1 =	stileid.u32  }
0x3: {  	s3 =	srdreg.scid;
	s10 =	simm.s32 $0x0;
	s6 =	smul.u32 $0x1F500, s1  }
0x4: {  	[smem:$0x7FF] =	sst s2;
	s5 =	sand.u32 $0x1, s3;
	s8 =	smul.u32 $0xBBE00, s1  }
0x5: {  	s3 =	sadd.s32 $0x25BE00, s4;
	s7 =	smul.u32 $0xFA80, s5;
	s9 =	ssub.s32 $0x2, s5  }
0x6: {  	_ =	strace $0x8000004D;
	s5 =	smul.u32 $0x5DF00, s5;
	s31 =	sshrl.u32 s9, $0x1  }
0x7: {  	s8 =	sadd.s32 s8, s4;
	s6 =	sadd.s32 s7, s6;
	s7 =	ssub.s32 s9, s31  }
0x8: {  	s5 =	sadd.s32 s5, s8;
	s8 =	simm.s32 $0x80;
	s6 =	sshrl.u32 s6, $0x3  }
0x9: {  	s9 =	simm.s32 $0x1;
	s5 =	sadd.s32 $0x6BC600, s5;
	s6 =	sadd.s32 s6, s4  }
0xa: {  	s4 =	smax.u32 s7, $0x1;
	s7 =	simm.s32 $0x2;
	s6 =	sadd.s32 $0xD4A00, s6  }
.LBB2_1:
0xb: {  	s11 =	sadd.s32 $0x0, s6  }
0xc: {  	[tilespmem:s2], [sflag:$0x2] =	stream.linear.gather [hbm4b:s11+s2], $0x80, $0x38;
	[tilespmem:$0x1880] =	vst v63  }
0xd: {  	_ =	swait.ge [sflag:s7], $0x80  }
0xe: {  	[sflag:s7] =	ssyncset.done $0x0  }
0xf: {  	[sflag:s7] =	ssyncadd.s32 $0xFFFFFF80  }
0x10: {  	[tilespmem:s8], [sflag:$0x1] =	stream.indirect.gather [hbm4b:s3+s8], $0x30, s2, s8, $0xb8;
	[tilespmem:$0x1880] =	vst v63  }
0x11: {  	_ =	swait.ge [sflag:s9], $0x1800  }
0x12: {  	[sflag:s9] =	ssyncset.done $0x0  }
0x13: {  	[sflag:s9] =	ssyncadd.s32 $0xFFFFE800  }
0x14: {  	[hbm4b:s5+s2] =	stream.linear.scatter [tilespmem:s8], [sflag:$0x2], $0x1800, $0x38;
	[tilespmem:$0x1880] =	vst v63  }
0x15: {  	s12 =	simm.s32 $0x10;
	_ =	swait.ge [sflag:s7], $0x1800  }
0x16: {  	s13 =	simm.s32 $0x20;
	s11 =	sadd.s32 $0x300, s5;
	[sflag:s7] =	ssyncset.done $0x0  }
.LBB2_2:
0x17: {  	s14 =	sadd.s32 s12, s6  }
0x18: {  	[sflag:s7] =	ssyncadd.s32 $0xFFFFE800;
	s12 =	smov.u32 s13;
	s15 =	sadd.s32 $0x10, s13  }
0x19: {  	[tilespmem:s2], [sflag:$0x2] =	stream.linear.gather [hbm4b:s14+s2], $0x80, $0x38;
	[tilespmem:$0x1880] =	vst v63  }
0x1a: {  	p0 =	sne.s32 s13, $0x1F40;
	_ =	swait.ge [sflag:s7], $0x80  }
0x1b: {  	[sflag:s7] =	ssyncset.done $0x0  }
0x1c: {  	[sflag:s7] =	ssyncadd.s32 $0xFFFFFF80  }
0x1d: {  	[tilespmem:s8], [sflag:$0x1] =	stream.indirect.gather [hbm4b:s3+s8], $0x30, s2, s8, $0xb8;
	[tilespmem:$0x1880] =	vst v63  }
0x1e: {  	_ =	swait.ge [sflag:s9], $0x1800  }
.Ltmp0:
0x1f: {  	[sflag:s9] =	ssyncset.done $0x0;
	(pc) =	sbr.rel @p0 .LBB2_2-.Ltmp0, $4  }
0x20: {  	[sflag:s9] =	ssyncadd.s32 $0xFFFFE800  }
0x21: {  	[hbm4b:s11+s2] =	stream.linear.scatter [tilespmem:s8], [sflag:$0x2], $0x1800, $0x38;
	[tilespmem:$0x1880] =	vst v63  }
0x22: {  	_ =	swait.ge [sflag:s7], $0x1800  }
0x23: {  	s13 =	smov.u32 s15;
	s11 =	sadd.s32 $0x300, s11;
	[sflag:s7] =	ssyncset.done $0x0  }
0x24: {  	s12 =	sadd.s32 s12, s6;
	[sflag:s7] =	ssyncadd.s32 $0xFFFFE800  }
0x25: {  	[tilespmem:s2], [sflag:$0x2] =	stream.linear.gather [hbm4b:s12+s2], $0x80, $0x38;
	[tilespmem:$0x1880] =	vst v63  }
0x26: {  	_ =	swait.ge [sflag:s7], $0x80  }
0x27: {  	[sflag:s7] =	ssyncset.done $0x0  }
0x28: {  	[sflag:s7] =	ssyncadd.s32 $0xFFFFFF80  }
0x29: {  	[tilespmem:s8], [sflag:$0x1] =	stream.indirect.gather [hbm4b:s3+s8], $0x30, s2, s8, $0xb8;
	[tilespmem:$0x1880] =	vst v63  }
0x2a: {  	s10 =	sadd.s32 $0x1, s10;
	_ =	swait.ge [sflag:s9], $0x1800  }
0x2b: {  	p0 =	sne.s32 s10, s4;
	[sflag:s9] =	ssyncset.done $0x0  }
.Ltmp1:
0x2c: {  	[sflag:s9] =	ssyncadd.s32 $0xFFFFE800;
	(pc) =	sbr.rel @p0 .LBB2_1-.Ltmp1, $4  }
0x2d: {  	[hbm4b:s11+s2] =	stream.linear.scatter [tilespmem:s8], [sflag:$0x2], $0x1800, $0x38;
	[tilespmem:$0x1880] =	vst v63  }
0x2e: {  	_ =	swait.ge [sflag:s7], $0x1800  }
0x2f: {  	[sflag:s7] =	ssyncset.done $0x0  }
0x30: {  	[sflag:s7] =	ssyncadd.s32 $0xFFFFE800  }
0x31: {  	_ =	sfence.sel $0x180000  }
0x32: {  	[bflag:$0x0] =	sbarrier.arrive $0xFFFF  }
0x33: {  	p0 =	sne.s32 s1, $0x0;
	_ =	strace $0x9000004D  }
0x34: {  	s0 =	sadd.s32 @!p0 $0x100000, s0;
	[bflag:$0x2] =	sbarrier.arrive $0xFFFF  }
0x35: {  	[sflag:s0] =	ssyncadd.tile.s32 @!p0 $0x1;
	_ =	shalt  }
.Lfunc_end2:
_tile_overlayer_lowered:
.L_overlay_start_2:
0x36: {  	(tag) =	ssettag $0x2  }
0x37: {  	s0 =	rddreg [dreg:$0x0];
	s2 =	stileid.u32  }
0x38: {  	s1 =	rddreg [dreg:$0x1];
	p0 =	sne.s32 s2, $0x0  }
0x39: {  	s3 =	rddreg [dreg:$0x2];
	[bflag:$0x3] =	sbarrier.arrive $0xFFFF;
	s2 =	simm.s32 @!p0 $0x1C02  }
0x3a: {  	[timem:s3], [sflag:s2] =	dma.local @!p0 [hbm:s0], s1  }
0x3b: {  	s0 =	simm.s32 @!p0 $0x2  }
0x3c: {  	_ =	swait.ge @!p0 [sflag:s0], s1  }
0x3d: {  	s1 =	ssub.s32 @!p0 $0x0, s1;
	[sflag:s0] =	ssyncset.done @!p0 $0x0  }
0x3e: {  	[sflag:s0] =	ssyncadd.s32 @!p0 s1  }
0x3f: {  	[bflag:$0x3] =	sbarrier.arrive $0xFFFF  }
0x40: {  	_ =	shalt  }

// kernel: kernel.26.cloned.1.call-start
scs
__scs_entry_jumppad:
0x0: {  	(pc) =	sbr.rel $0x88, $3  }
0x1: {  	(tag) =	ssettag $0x0;
	lr =	simm.s32 $0x1  }
0x2: {  	[smem:$0x3F8C] =	sst lr;
	_ =	strace $0xD0000000  }
0x3: {  	_ = 	snop  }
0x4: {  	_ = 	snop  }
0x5: {  	_ = 	snop  }
0x6: {  	_ = 	snop  }
0x7: {  	_ = 	snop  }
__scs_overlays_trampoline_lowered:
0x8: {  	[smem:$0x3F9B] =	sst s0  }
0x9: {  	[smem:$0x3F9C] =	sst s1  }
0xa: {  	[smem:$0x3F9D] =	sst s2  }
0xb: {  	[smem:$0x3F9E] =	sst s3  }
0xc: {  	[smem:$0x3F9F] =	sst s4  }
0xd: {  	[smem:$0x3FA0] =	sst s5  }
0xe: {  	[smem:$0x3FA1] =	sst s6  }
0xf: {  	[smem:$0x3FA2] =	sst s7  }
0x10: {  	[smem:$0x3FA3] =	sst s8  }
0x11: {  	[smem:$0x3FA4] =	sst s9;
	s0 =	simm.s32 @!p0 $0x0  }
0x12: {  	s1 =	sld [smem:$0x3F8A];
	s0 =	simm.s32 @p0 $0x1  }
0x13: {  	[smem:$0x3FA5] =	sst s0;
	s0 =	simm.s32 @!p1 $0x0  }
0x14: {  	s2 =	sld [smem:$0x3F89];
	s0 =	simm.s32 @p1 $0x1  }
0x15: {  	[smem:$0x3FA6] =	sst s0;
	s0 =	simm.s32 @!p2 $0x0  }
0x16: {  	s3 =	sld [smem:$0x3FDB];
	s0 =	simm.s32 @p2 $0x1  }
0x17: {  	s4 =	simm.s32 $0x1BF5;
	[smem:$0x3FA8] =	sst s0  }
0x18: {  	s0 =	sld [smem:$0x3F8B];
	_ =	swait.ge [sflag:s4], $0x0  }
0x19: {  	s7 =	sld [smem:$0x3F8C]  }
0x1a: {  	s8 =	sadd.s32 $0xFFFFE003, lr  }
0x1b: {  	s9 =	sadd.s32 $0xFFFFFEF7, lr;
	s5 =	simm.s32 $0xFFFFFFFF;
	p2 =	slt.u32 s8, $0xFFFFF086  }
0x1c: {  	p1 =	slt.u32 s9, $0xF7A;
	s5 =	simm.s32 @!p2 $0x0  }
0x1d: {  	s5 =	simm.s32 @p1 $0x1;
	p0 =	seq.s32 s7, s2  }
0x1e: {  	s7 =	smul.u32 @!p0 $0xF7A, s2;
	p2 =	seq.s32 @!p0 s5, $0x0  }
0x1f: {  	s9 =	smul.u32 $0xF7A, s1;
	s8 =	simm.s32 @!p0 $0x1BF5;
	p2 =	por !p2, p0  }
0x20: {  	[sflag:s8] =	ssyncset.s32 @!p0 $0xFFFFF086;
	s6 =	sadd.s32 @!p0 s3, s7;
	s7 =	simm.s32 @!p0 $0x108  }
0x21: {  	s3 =	sadd.s32 s3, s9;
	s6 =	sadd.s32 @!p0 $0x88, s6;
	s7 =	simm.s32 @p2 $0x1082  }
0x22: {  	[simem:s7], [sflag:s8] =	dma.local @!p0 [hbm:s6], $0xF7A  }
0x23: {  	s9 =	sor.u32 $0xD0000000, s2;
	s6 =	simm.s32 $0x108;
	_ =	swait.ge @!p0 [sflag:s8], $0x0  }
0x24: {  	s3 =	sadd.s32 $0x88, s3;
	s6 =	simm.s32 @!p1 $0x1082;
	[sflag:s4] =	ssyncset.s32 $0xFFFFF086  }
0x25: {  	[simem:s6], [sflag:s4] =	dma.local [hbm:s3], $0xF7A  }
0x26: {  	[smem:$0x3F8C] =	sst s1;
	(tag) =	ssettag s2;
	_ =	strace s9  }
0x27: {  	s1 =	sld [smem:$0x3F9C]  }
0x28: {  	s2 =	sld [smem:$0x3F9D]  }
0x29: {  	s4 =	sld [smem:$0x3F9F]  }
0x2a: {  	p0 =	seq.s32 s5, $0x0;
	s5 =	sld [smem:$0x3FA0]  }
0x2b: {  	s6 =	sld [smem:$0x3FA1]  }
0x2c: {  	s7 =	sld [smem:$0x3FA2]  }
0x2d: {  	s3 =	simm.s32 $0x108;
	s8 =	sld [smem:$0x3FA3]  }
0x2e: {  	s3 =	simm.s32 @!p0 $0x1082;
	s9 =	sld [smem:$0x3FA4]  }
0x2f: {  	lr =	sadd.s32 s0, s3;
	s0 =	sld [smem:$0x3F9B]  }
0x30: {  	s3 =	sld [smem:$0x3F9E]  }
0x31: {  	[smem:$0x3FA7] =	sst s10  }
0x32: {  	s10 =	sld [smem:$0x3FA5];
	_ =	sdelay $0x3  }
0x33: {  	p0 =	seq.s32 s10, $0x1;
	s10 =	sld [smem:$0x3FA7];
	_ =	sdelay $0x3  }
0x34: {  	[smem:$0x3FA7] =	sst s10  }
0x35: {  	s10 =	sld [smem:$0x3FA6];
	_ =	sdelay $0x3  }
0x36: {  	p1 =	seq.s32 s10, $0x1;
	s10 =	sld [smem:$0x3FA7];
	_ =	sdelay $0x3  }
0x37: {  	[smem:$0x3FA7] =	sst s10  }
0x38: {  	s10 =	sld [smem:$0x3FA8]  }
0x39: {  	_ = 	snop;
	(pc) =	sbr.ind lr, $3  }
0x3a: {  	_ = 	snop  }
0x3b: {  	_ = 	snop  }
0x3c: {  	p2 =	seq.s32 s10, $0x1;
	s10 =	sld [smem:$0x3FA7]  }
0x3d: {  	_ =	shalt  }
0x3e: {  	_ =	shalt  }
0x3f: {  	_ =	shalt  }
0x40: {  	_ =	shalt  }
0x41: {  	_ =	shalt  }
0x42: {  	_ =	shalt  }
0x43: {  	_ =	shalt  }
0x44: {  	_ =	shalt  }
0x45: {  	_ =	shalt  }
0x46: {  	_ =	shalt  }
0x47: {  	_ =	shalt  }
0x48: {  	_ =	shalt  }
0x49: {  	_ =	shalt  }
0x4a: {  	_ =	shalt  }
0x4b: {  	_ =	shalt  }
0x4c: {  	_ =	shalt  }
0x4d: {  	_ =	shalt  }
0x4e: {  	_ =	shalt  }
0x4f: {  	_ =	shalt  }
0x50: {  	_ =	shalt  }
0x51: {  	_ =	shalt  }
0x52: {  	_ =	shalt  }
0x53: {  	_ =	shalt  }
0x54: {  	_ =	shalt  }
0x55: {  	_ =	shalt  }
0x56: {  	_ =	shalt  }
0x57: {  	_ =	shalt  }
0x58: {  	_ =	shalt  }
0x59: {  	_ =	shalt  }
0x5a: {  	_ =	shalt  }
0x5b: {  	_ =	shalt  }
0x5c: {  	_ =	shalt  }
0x5d: {  	_ =	shalt  }
0x5e: {  	_ =	shalt  }
0x5f: {  	_ =	shalt  }
0x60: {  	_ =	shalt  }
0x61: {  	_ =	shalt  }
0x62: {  	_ =	shalt  }
0x63: {  	_ =	shalt  }
0x64: {  	_ =	shalt  }
0x65: {  	_ =	shalt  }
0x66: {  	_ =	shalt  }
0x67: {  	_ =	shalt  }
0x68: {  	_ =	shalt  }
0x69: {  	_ =	shalt  }
0x6a: {  	_ =	shalt  }
0x6b: {  	_ =	shalt  }
0x6c: {  	_ =	shalt  }
0x6d: {  	_ =	shalt  }
0x6e: {  	_ =	shalt  }
0x6f: {  	_ =	shalt  }
0x70: {  	_ =	shalt  }
0x71: {  	_ =	shalt  }
0x72: {  	_ =	shalt  }
0x73: {  	_ =	shalt  }
0x74: {  	_ =	shalt  }
0x75: {  	_ =	shalt  }
0x76: {  	_ =	shalt  }
0x77: {  	_ =	shalt  }
0x78: {  	_ =	shalt  }
0x79: {  	_ =	shalt  }
0x7a: {  	_ =	shalt  }
0x7b: {  	_ =	shalt  }
0x7c: {  	_ =	shalt  }
0x7d: {  	_ =	shalt  }
0x7e: {  	_ =	shalt  }
0x7f: {  	_ =	shalt  }
0x80: {  	_ =	shalt  }
0x81: {  	_ =	shalt  }
0x82: {  	_ =	shalt  }
0x83: {  	_ =	shalt  }
0x84: {  	_ =	shalt  }
0x85: {  	_ =	shalt  }
0x86: {  	_ =	shalt  }
0x87: {  	_ =	shalt  }
.Lfunc_end0:
.L_simem_size_0:
called_computation.3_lowered:
.L_overlay_start_0:
0x88: {  	s2 =	sld [smem:$0x3FD9]  }
0x89: {  	s3 =	sld [smem:$0x3FFE];
	_ =	sdelay $0x1  }
0x8a: {  	s1 =	srdreg.scid  }
0x8b: {  	s0 =	sand.u32 $0x1, s1  }
0x8c: {  	s16 =	sshll.u32 s0, $0xA;
	s2 =	sadd.s32 s3, s2  }
0x8d: {  	s2 =	sadd.s32 s2, s16  }
0x8e: {  	[smem:$0x3FB3] =	sst s2  }
0x8f: {  	_ = 	snop  }
0x90: {  	(tm) =	ssettm $0x1  }
0x91: {  	s17 =	sld [smem:$0x3FFB];
	_ =	sdelay $0x3  }
0x92: {  	_ =	strace s17  }
0x93: {  	s2 =	sld [smem:$0x3FFC];
	_ =	sdelay $0x3  }
0x94: {  	_ =	strace s2  }
0x95: {  	s2 =	sld [smem:$0x3FFD];
	_ =	sdelay $0x3  }
0x96: {  	_ =	strace s2  }
0x97: {  	_ =	strace $0x8FFFFFFF  }
0x98: {  	s18 =	sld [smem:$0x3FDB];
	_ =	sdelay $0x1  }
0x99: {  	s19 =	simm.s32 $_scs_section_size  }
0x9a: {  	s4 =	simm.s32 $_size__tile_overlayer_lowered;
	s5 =	simm.s32 $_tile_overlayer_lowered  }
0x9b: {  	s22 =	simm.s32 $0x1BFF;
	s21 =	sshll.u32 s5, $0x1;
	s2 =	sadd.s32 s19, s18  }
0x9c: {  	s6 =	simm.s32 $0x0;
	s20 =	sshll.u32 s4, $0x1;
	s4 =	sadd.s32 s21, s2  }
0x9d: {  	[timem:s6], [sflag:s22] =	dma.local [hbm:s4], s20  }
0x9e: {  	_ =	swait.ge [sflag:s22], s20  }
0x9f: {  	s3 =	ssub.s32 $0x0, s20;
	[sflag:s22] =	ssyncset.done $0x0  }
0xa0: {  	[sflag:s22] =	ssyncadd.s32 s3;
	_ =	sdelay $0x1  }
0xa1: {  	s23 =	simm.s32 $0x1B8B  }
0xa2: {  	_ =	swait.ge [sflag:s23], $0x1  }
0xa3: {  	[sflag:s23] =	ssyncset.done $0x0  }
0xa4: {  	s25 =	simm.s32 $0x1B8E;
	s24 =	sld [smem:$0x3FFE];
	[sflag:s23] =	ssyncadd.s32 $0xFFFFFFFF  }
0xa5: {  	s26 =	simm.s32 $execute0_lowered;
	[smem:$0x3FD2] =	sst s25  }
0xa6: {  	s4 =	sshll.u32 s26, $0x1;
	_ =	strace $0x8000004F;
	[dreg:$0x1] =	wrdreg $0xFFFFFFFF  }
0xa7: {  	s28 =	simm.s32 $_size_execute0_lowered;
	s2 =	sadd.s32 s2, s4;
	[dreg:$0x0] =	wrdreg $0x0  }
0xa8: {  	s4 =	sshll.u32 s28, $0x1;
	[dreg:$0x2] =	wrdreg s2  }
0xa9: {  	[dreg:$0x3] =	wrdreg s4  }
0xaa: {  	[dreg:$0x4] =	wrdreg $0xC0  }
0xab: {  	_ =	task [dreg:s6], $0x5FFFF  }
0xac: {  	[dreg:$0x1] =	wrdreg $0xFFFFFFFF  }
0xad: {  	[dreg:$0x0] =	wrdreg $0x60  }
0xae: {  	[dreg:$0x2] =	wrdreg s24  }
0xaf: {  	[dreg:$0x3] =	wrdreg $0x9  }
0xb0: {  	_ =	task.clear_ibuf [dreg:s6], $0x4FFFF;
	_ =	strace $0x9000004F  }
0xb1: {  	s29 =	simm.s32 $0x9;
	_ =	strace $0x80000051  }
0xb2: {  	_ =	swait.ge [sflag:s29], $0x1  }
0xb3: {  	[sflag:s29] =	ssyncadd.s32 $0xFFFFFFFF  }
0xb4: {  	_ =	strace $0x90000051  }
0xb5: {  	_ =	sfence  }
0xb6: {  	s30 =	sld [smem:$0x0];
	_ =	sdelay $0x2  }
0xb7: {  	s31 =	sshll.u32 s1, $0xD;
	s1 =	sshrl.u32 s1, $0x2  }
0xb8: {  	s3 =	sand.u32 $0x4000, s31;
	s1 =	sadd.s32 s1, s30  }
0xb9: {  	s0 =	sor.u32 s3, s0;
	s1 =	sshll.u32 s1, $0x11  }
0xba: {  	s0 =	sor.u32 s1, s0  }
0xbb: {  	s0 =	sadd.s32 $0x8F2B, s0  }
0xbc: {  	[sflag:s0] =	ssyncadd.remote.s32 $0x1  }
0xbd: {  	_ =	sfence.sel $0xFFFF  }
0xbe: {  	[dreg:$0x0] =	wrdreg $0xFFFFFFFF;
	(pc) =	sbr.abs _section_cstart, $3  }
0xbf: {  	[dreg:$0x1] =	wrdreg $0xFFFFFFFF  }
0xc0: {  	_ =	task.clear_ibuf [dreg:s6], $0x2FFFF;
	_ =	strace $0x9FFFFFFF  }
0xc1: {  	(tm) =	ssettm $0x7FFFFFFF  }
tec
execute0_lowered:
.L_overlay_start_1:
0x0: {  	(tag) =	ssettag $0x1  }
0x1: {  	s4 =	rddreg [dreg:$0x0]  }
0x2: {  	s0 =	rddreg [dreg:$0x1];
	s2 =	simm.s32 $0x0;
	s1 =	stileid.u32  }
0x3: {  	s3 =	srdreg.scid;
	s10 =	simm.s32 $0x0;
	s6 =	smul.u32 $0x1F500, s1  }
0x4: {  	[smem:$0x7FF] =	sst s2;
	s5 =	sand.u32 $0x1, s3;
	s8 =	smul.u32 $0xBBE00, s1  }
0x5: {  	s3 =	sadd.s32 $0x113400, s4;
	s7 =	smul.u32 $0xFA80, s5;
	s9 =	ssub.s32 $0x2, s5  }
0x6: {  	_ =	strace $0x80000050;
	s5 =	smul.u32 $0x5DF00, s5;
	s31 =	sshrl.u32 s9, $0x1  }
0x7: {  	s8 =	sadd.s32 s8, s4;
	s6 =	sadd.s32 s7, s6;
	s7 =	ssub.s32 s9, s31  }
0x8: {  	s5 =	sadd.s32 s5, s8;
	s8 =	simm.s32 $0x80;
	s6 =	sshrl.u32 s6, $0x3  }
0x9: {  	s9 =	simm.s32 $0x1;
	s5 =	sadd.s32 $0x5A8400, s5;
	s6 =	sadd.s32 s6, s4  }
0xa: {  	s4 =	smax.u32 s7, $0x1;
	s7 =	simm.s32 $0x2;
	s6 =	sadd.s32 $0xD4A00, s6  }
.LBB2_1:
0xb: {  	s11 =	sadd.s32 $0x0, s6  }
0xc: {  	[tilespmem:s2], [sflag:$0x2] =	stream.linear.gather [hbm4b:s11+s2], $0x80, $0x38;
	[tilespmem:$0x1880] =	vst v63  }
0xd: {  	_ =	swait.ge [sflag:s7], $0x80  }
0xe: {  	[sflag:s7] =	ssyncset.done $0x0  }
0xf: {  	[sflag:s7] =	ssyncadd.s32 $0xFFFFFF80  }
0x10: {  	[tilespmem:s8], [sflag:$0x1] =	stream.indirect.gather [hbm4b:s3+s8], $0x30, s2, s8, $0xb8;
	[tilespmem:$0x1880] =	vst v63  }
0x11: {  	_ =	swait.ge [sflag:s9], $0x1800  }
0x12: {  	[sflag:s9] =	ssyncset.done $0x0  }
0x13: {  	[sflag:s9] =	ssyncadd.s32 $0xFFFFE800  }
0x14: {  	[hbm4b:s5+s2] =	stream.linear.scatter [tilespmem:s8], [sflag:$0x2], $0x1800, $0x38;
	[tilespmem:$0x1880] =	vst v63  }
0x15: {  	s12 =	simm.s32 $0x10;
	_ =	swait.ge [sflag:s7], $0x1800  }
0x16: {  	s13 =	simm.s32 $0x20;
	s11 =	sadd.s32 $0x300, s5;
	[sflag:s7] =	ssyncset.done $0x0  }
.LBB2_2:
0x17: {  	s14 =	sadd.s32 s12, s6  }
0x18: {  	[sflag:s7] =	ssyncadd.s32 $0xFFFFE800;
	s12 =	smov.u32 s13;
	s15 =	sadd.s32 $0x10, s13  }
0x19: {  	[tilespmem:s2], [sflag:$0x2] =	stream.linear.gather [hbm4b:s14+s2], $0x80, $0x38;
	[tilespmem:$0x1880] =	vst v63  }
0x1a: {  	p0 =	sne.s32 s13, $0x1F40;
	_ =	swait.ge [sflag:s7], $0x80  }
0x1b: {  	[sflag:s7] =	ssyncset.done $0x0  }
0x1c: {  	[sflag:s7] =	ssyncadd.s32 $0xFFFFFF80  }
0x1d: {  	[tilespmem:s8], [sflag:$0x1] =	stream.indirect.gather [hbm4b:s3+s8], $0x30, s2, s8, $0xb8;
	[tilespmem:$0x1880] =	vst v63  }
0x1e: {  	_ =	swait.ge [sflag:s9], $0x1800  }
.Ltmp0:
0x1f: {  	[sflag:s9] =	ssyncset.done $0x0;
	(pc) =	sbr.rel @p0 .LBB2_2-.Ltmp0, $4  }
0x20: {  	[sflag:s9] =	ssyncadd.s32 $0xFFFFE800  }
0x21: {  	[hbm4b:s11+s2] =	stream.linear.scatter [tilespmem:s8], [sflag:$0x2], $0x1800, $0x38;
	[tilespmem:$0x1880] =	vst v63  }
0x22: {  	_ =	swait.ge [sflag:s7], $0x1800  }
0x23: {  	s13 =	smov.u32 s15;
	s11 =	sadd.s32 $0x300, s11;
	[sflag:s7] =	ssyncset.done $0x0  }
0x24: {  	s12 =	sadd.s32 s12, s6;
	[sflag:s7] =	ssyncadd.s32 $0xFFFFE800  }
0x25: {  	[tilespmem:s2], [sflag:$0x2] =	stream.linear.gather [hbm4b:s12+s2], $0x80, $0x38;
	[tilespmem:$0x1880] =	vst v63  }
0x26: {  	_ =	swait.ge [sflag:s7], $0x80  }
0x27: {  	[sflag:s7] =	ssyncset.done $0x0  }
0x28: {  	[sflag:s7] =	ssyncadd.s32 $0xFFFFFF80  }
0x29: {  	[tilespmem:s8], [sflag:$0x1] =	stream.indirect.gather [hbm4b:s3+s8], $0x30, s2, s8, $0xb8;
	[tilespmem:$0x1880] =	vst v63  }
0x2a: {  	s10 =	sadd.s32 $0x1, s10;
	_ =	swait.ge [sflag:s9], $0x1800  }
0x2b: {  	p0 =	sne.s32 s10, s4;
	[sflag:s9] =	ssyncset.done $0x0  }
.Ltmp1:
0x2c: {  	[sflag:s9] =	ssyncadd.s32 $0xFFFFE800;
	(pc) =	sbr.rel @p0 .LBB2_1-.Ltmp1, $4  }
0x2d: {  	[hbm4b:s11+s2] =	stream.linear.scatter [tilespmem:s8], [sflag:$0x2], $0x1800, $0x38;
	[tilespmem:$0x1880] =	vst v63  }
0x2e: {  	_ =	swait.ge [sflag:s7], $0x1800  }
0x2f: {  	[sflag:s7] =	ssyncset.done $0x0  }
0x30: {  	[sflag:s7] =	ssyncadd.s32 $0xFFFFE800  }
0x31: {  	_ =	sfence.sel $0x180000  }
0x32: {  	[bflag:$0x0] =	sbarrier.arrive $0xFFFF  }
0x33: {  	p0 =	sne.s32 s1, $0x0;
	_ =	strace $0x90000050  }
0x34: {  	s0 =	sadd.s32 @!p0 $0x100000, s0;
	[bflag:$0x2] =	sbarrier.arrive $0xFFFF  }
0x35: {  	[sflag:s0] =	ssyncadd.tile.s32 @!p0 $0x1;
	_ =	shalt  }
.Lfunc_end2:
_tile_overlayer_lowered:
.L_overlay_start_2:
0x36: {  	(tag) =	ssettag $0x2  }
0x37: {  	s0 =	rddreg [dreg:$0x0];
	s2 =	stileid.u32  }
0x38: {  	s1 =	rddreg [dreg:$0x1];
	p0 =	sne.s32 s2, $0x0  }
0x39: {  	s3 =	rddreg [dreg:$0x2];
	[bflag:$0x3] =	sbarrier.arrive $0xFFFF;
	s2 =	simm.s32 @!p0 $0x1C02  }
0x3a: {  	[timem:s3], [sflag:s2] =	dma.local @!p0 [hbm:s0], s1  }
0x3b: {  	s0 =	simm.s32 @!p0 $0x2  }
0x3c: {  	_ =	swait.ge @!p0 [sflag:s0], s1  }
0x3d: {  	s1 =	ssub.s32 @!p0 $0x0, s1;
	[sflag:s0] =	ssyncset.done @!p0 $0x0  }
0x3e: {  	[sflag:s0] =	ssyncadd.s32 @!p0 s1  }
0x3f: {  	[bflag:$0x3] =	sbarrier.arrive $0xFFFF  }
0x40: {  	_ =	shalt  }

// kernel: kernel.29.cloned.1.call-start
scs
__scs_entry_jumppad:
0x0: {  	(pc) =	sbr.rel $0x88, $3  }
0x1: {  	(tag) =	ssettag $0x0;
	lr =	simm.s32 $0x1  }
0x2: {  	[smem:$0x3F8C] =	sst lr;
	_ =	strace $0xD0000000  }
0x3: {  	_ = 	snop  }
0x4: {  	_ = 	snop  }
0x5: {  	_ = 	snop  }
0x6: {  	_ = 	snop  }
0x7: {  	_ = 	snop  }
__scs_overlays_trampoline_lowered:
0x8: {  	[smem:$0x3F9B] =	sst s0  }
0x9: {  	[smem:$0x3F9C] =	sst s1  }
0xa: {  	[smem:$0x3F9D] =	sst s2  }
0xb: {  	[smem:$0x3F9E] =	sst s3  }
0xc: {  	[smem:$0x3F9F] =	sst s4  }
0xd: {  	[smem:$0x3FA0] =	sst s5  }
0xe: {  	[smem:$0x3FA1] =	sst s6  }
0xf: {  	[smem:$0x3FA2] =	sst s7  }
0x10: {  	[smem:$0x3FA3] =	sst s8  }
0x11: {  	[smem:$0x3FA4] =	sst s9;
	s0 =	simm.s32 @!p0 $0x0  }
0x12: {  	s1 =	sld [smem:$0x3F8A];
	s0 =	simm.s32 @p0 $0x1  }
0x13: {  	[smem:$0x3FA5] =	sst s0;
	s0 =	simm.s32 @!p1 $0x0  }
0x14: {  	s2 =	sld [smem:$0x3F89];
	s0 =	simm.s32 @p1 $0x1  }
0x15: {  	[smem:$0x3FA6] =	sst s0;
	s0 =	simm.s32 @!p2 $0x0  }
0x16: {  	s3 =	sld [smem:$0x3FDB];
	s0 =	simm.s32 @p2 $0x1  }
0x17: {  	s4 =	simm.s32 $0x1BF5;
	[smem:$0x3FA8] =	sst s0  }
0x18: {  	s0 =	sld [smem:$0x3F8B];
	_ =	swait.ge [sflag:s4], $0x0  }
0x19: {  	s7 =	sld [smem:$0x3F8C]  }
0x1a: {  	s8 =	sadd.s32 $0xFFFFE003, lr  }
0x1b: {  	s9 =	sadd.s32 $0xFFFFFEF7, lr;
	s5 =	simm.s32 $0xFFFFFFFF;
	p2 =	slt.u32 s8, $0xFFFFF086  }
0x1c: {  	p1 =	slt.u32 s9, $0xF7A;
	s5 =	simm.s32 @!p2 $0x0  }
0x1d: {  	s5 =	simm.s32 @p1 $0x1;
	p0 =	seq.s32 s7, s2  }
0x1e: {  	s7 =	smul.u32 @!p0 $0xF7A, s2;
	p2 =	seq.s32 @!p0 s5, $0x0  }
0x1f: {  	s9 =	smul.u32 $0xF7A, s1;
	s8 =	simm.s32 @!p0 $0x1BF5;
	p2 =	por !p2, p0  }
0x20: {  	[sflag:s8] =	ssyncset.s32 @!p0 $0xFFFFF086;
	s6 =	sadd.s32 @!p0 s3, s7;
	s7 =	simm.s32 @!p0 $0x108  }
0x21: {  	s3 =	sadd.s32 s3, s9;
	s6 =	sadd.s32 @!p0 $0x88, s6;
	s7 =	simm.s32 @p2 $0x1082  }
0x22: {  	[simem:s7], [sflag:s8] =	dma.local @!p0 [hbm:s6], $0xF7A  }
0x23: {  	s9 =	sor.u32 $0xD0000000, s2;
	s6 =	simm.s32 $0x108;
	_ =	swait.ge @!p0 [sflag:s8], $0x0  }
0x24: {  	s3 =	sadd.s32 $0x88, s3;
	s6 =	simm.s32 @!p1 $0x1082;
	[sflag:s4] =	ssyncset.s32 $0xFFFFF086  }
0x25: {  	[simem:s6], [sflag:s4] =	dma.local [hbm:s3], $0xF7A  }
0x26: {  	[smem:$0x3F8C] =	sst s1;
	(tag) =	ssettag s2;
	_ =	strace s9  }
0x27: {  	s1 =	sld [smem:$0x3F9C]  }
0x28: {  	s2 =	sld [smem:$0x3F9D]  }
0x29: {  	s4 =	sld [smem:$0x3F9F]  }
0x2a: {  	p0 =	seq.s32 s5, $0x0;
	s5 =	sld [smem:$0x3FA0]  }
0x2b: {  	s6 =	sld [smem:$0x3FA1]  }
0x2c: {  	s7 =	sld [smem:$0x3FA2]  }
0x2d: {  	s3 =	simm.s32 $0x108;
	s8 =	sld [smem:$0x3FA3]  }
0x2e: {  	s3 =	simm.s32 @!p0 $0x1082;
	s9 =	sld [smem:$0x3FA4]  }
0x2f: {  	lr =	sadd.s32 s0, s3;
	s0 =	sld [smem:$0x3F9B]  }
0x30: {  	s3 =	sld [smem:$0x3F9E]  }
0x31: {  	[smem:$0x3FA7] =	sst s10  }
0x32: {  	s10 =	sld [smem:$0x3FA5];
	_ =	sdelay $0x3  }
0x33: {  	p0 =	seq.s32 s10, $0x1;
	s10 =	sld [smem:$0x3FA7];
	_ =	sdelay $0x3  }
0x34: {  	[smem:$0x3FA7] =	sst s10  }
0x35: {  	s10 =	sld [smem:$0x3FA6];
	_ =	sdelay $0x3  }
0x36: {  	p1 =	seq.s32 s10, $0x1;
	s10 =	sld [smem:$0x3FA7];
	_ =	sdelay $0x3  }
0x37: {  	[smem:$0x3FA7] =	sst s10  }
0x38: {  	s10 =	sld [smem:$0x3FA8]  }
0x39: {  	_ = 	snop;
	(pc) =	sbr.ind lr, $3  }
0x3a: {  	_ = 	snop  }
0x3b: {  	_ = 	snop  }
0x3c: {  	p2 =	seq.s32 s10, $0x1;
	s10 =	sld [smem:$0x3FA7]  }
0x3d: {  	_ =	shalt  }
0x3e: {  	_ =	shalt  }
0x3f: {  	_ =	shalt  }
0x40: {  	_ =	shalt  }
0x41: {  	_ =	shalt  }
0x42: {  	_ =	shalt  }
0x43: {  	_ =	shalt  }
0x44: {  	_ =	shalt  }
0x45: {  	_ =	shalt  }
0x46: {  	_ =	shalt  }
0x47: {  	_ =	shalt  }
0x48: {  	_ =	shalt  }
0x49: {  	_ =	shalt  }
0x4a: {  	_ =	shalt  }
0x4b: {  	_ =	shalt  }
0x4c: {  	_ =	shalt  }
0x4d: {  	_ =	shalt  }
0x4e: {  	_ =	shalt  }
0x4f: {  	_ =	shalt  }
0x50: {  	_ =	shalt  }
0x51: {  	_ =	shalt  }
0x52: {  	_ =	shalt  }
0x53: {  	_ =	shalt  }
0x54: {  	_ =	shalt  }
0x55: {  	_ =	shalt  }
0x56: {  	_ =	shalt  }
0x57: {  	_ =	shalt  }
0x58: {  	_ =	shalt  }
0x59: {  	_ =	shalt  }
0x5a: {  	_ =	shalt  }
0x5b: {  	_ =	shalt  }
0x5c: {  	_ =	shalt  }
0x5d: {  	_ =	shalt  }
0x5e: {  	_ =	shalt  }
0x5f: {  	_ =	shalt  }
0x60: {  	_ =	shalt  }
0x61: {  	_ =	shalt  }
0x62: {  	_ =	shalt  }
0x63: {  	_ =	shalt  }
0x64: {  	_ =	shalt  }
0x65: {  	_ =	shalt  }
0x66: {  	_ =	shalt  }
0x67: {  	_ =	shalt  }
0x68: {  	_ =	shalt  }
0x69: {  	_ =	shalt  }
0x6a: {  	_ =	shalt  }
0x6b: {  	_ =	shalt  }
0x6c: {  	_ =	shalt  }
0x6d: {  	_ =	shalt  }
0x6e: {  	_ =	shalt  }
0x6f: {  	_ =	shalt  }
0x70: {  	_ =	shalt  }
0x71: {  	_ =	shalt  }
0x72: {  	_ =	shalt  }
0x73: {  	_ =	shalt  }
0x74: {  	_ =	shalt  }
0x75: {  	_ =	shalt  }
0x76: {  	_ =	shalt  }
0x77: {  	_ =	shalt  }
0x78: {  	_ =	shalt  }
0x79: {  	_ =	shalt  }
0x7a: {  	_ =	shalt  }
0x7b: {  	_ =	shalt  }
0x7c: {  	_ =	shalt  }
0x7d: {  	_ =	shalt  }
0x7e: {  	_ =	shalt  }
0x7f: {  	_ =	shalt  }
0x80: {  	_ =	shalt  }
0x81: {  	_ =	shalt  }
0x82: {  	_ =	shalt  }
0x83: {  	_ =	shalt  }
0x84: {  	_ =	shalt  }
0x85: {  	_ =	shalt  }
0x86: {  	_ =	shalt  }
0x87: {  	_ =	shalt  }
.Lfunc_end0:
.L_simem_size_0:
called_computation.4_lowered:
.L_overlay_start_0:
0x88: {  	s2 =	sld [smem:$0x3FD9]  }
0x89: {  	s3 =	sld [smem:$0x3FFE];
	_ =	sdelay $0x1  }
0x8a: {  	s1 =	srdreg.scid  }
0x8b: {  	s0 =	sand.u32 $0x1, s1  }
0x8c: {  	s16 =	sshll.u32 s0, $0xA;
	s2 =	sadd.s32 s3, s2  }
0x8d: {  	s2 =	sadd.s32 s2, s16  }
0x8e: {  	[smem:$0x3FB3] =	sst s2  }
0x8f: {  	_ = 	snop  }
0x90: {  	(tm) =	ssettm $0x1  }
0x91: {  	s17 =	sld [smem:$0x3FFB];
	_ =	sdelay $0x3  }
0x92: {  	_ =	strace s17  }
0x93: {  	s2 =	sld [smem:$0x3FFC];
	_ =	sdelay $0x3  }
0x94: {  	_ =	strace s2  }
0x95: {  	s2 =	sld [smem:$0x3FFD];
	_ =	sdelay $0x3  }
0x96: {  	_ =	strace s2  }
0x97: {  	_ =	strace $0x8FFFFFFF  }
0x98: {  	s18 =	sld [smem:$0x3FDB];
	_ =	sdelay $0x1  }
0x99: {  	s19 =	simm.s32 $_scs_section_size  }
0x9a: {  	s4 =	simm.s32 $_size__tile_overlayer_lowered;
	s5 =	simm.s32 $_tile_overlayer_lowered  }
0x9b: {  	s22 =	simm.s32 $0x1BFF;
	s21 =	sshll.u32 s5, $0x1;
	s2 =	sadd.s32 s19, s18  }
0x9c: {  	s6 =	simm.s32 $0x0;
	s20 =	sshll.u32 s4, $0x1;
	s4 =	sadd.s32 s21, s2  }
0x9d: {  	[timem:s6], [sflag:s22] =	dma.local [hbm:s4], s20  }
0x9e: {  	_ =	swait.ge [sflag:s22], s20  }
0x9f: {  	s3 =	ssub.s32 $0x0, s20;
	[sflag:s22] =	ssyncset.done $0x0  }
0xa0: {  	[sflag:s22] =	ssyncadd.s32 s3;
	_ =	sdelay $0x1  }
0xa1: {  	s23 =	simm.s32 $0x1B8B  }
0xa2: {  	_ =	swait.ge [sflag:s23], $0x1  }
0xa3: {  	[sflag:s23] =	ssyncset.done $0x0  }
0xa4: {  	s25 =	simm.s32 $0x1B8E;
	s24 =	sld [smem:$0x3FFE];
	[sflag:s23] =	ssyncadd.s32 $0xFFFFFFFF  }
0xa5: {  	s26 =	simm.s32 $execute0_lowered;
	[smem:$0x3FD2] =	sst s25  }
0xa6: {  	s4 =	sshll.u32 s26, $0x1;
	_ =	strace $0x80000052;
	[dreg:$0x1] =	wrdreg $0xFFFFFFFF  }
0xa7: {  	s28 =	simm.s32 $_size_execute0_lowered;
	s2 =	sadd.s32 s2, s4;
	[dreg:$0x0] =	wrdreg $0x0  }
0xa8: {  	s4 =	sshll.u32 s28, $0x1;
	[dreg:$0x2] =	wrdreg s2  }
0xa9: {  	[dreg:$0x3] =	wrdreg s4  }
0xaa: {  	[dreg:$0x4] =	wrdreg $0xC0  }
0xab: {  	_ =	task [dreg:s6], $0x5FFFF  }
0xac: {  	[dreg:$0x1] =	wrdreg $0xFFFFFFFF  }
0xad: {  	[dreg:$0x0] =	wrdreg $0x60  }
0xae: {  	[dreg:$0x2] =	wrdreg s24  }
0xaf: {  	[dreg:$0x3] =	wrdreg $0x9  }
0xb0: {  	_ =	task.clear_ibuf [dreg:s6], $0x4FFFF;
	_ =	strace $0x90000052  }
0xb1: {  	s29 =	simm.s32 $0x9;
	_ =	strace $0x80000054  }
0xb2: {  	_ =	swait.ge [sflag:s29], $0x1  }
0xb3: {  	[sflag:s29] =	ssyncadd.s32 $0xFFFFFFFF  }
0xb4: {  	_ =	strace $0x90000054  }
0xb5: {  	_ =	sfence  }
0xb6: {  	s30 =	sld [smem:$0x0];
	_ =	sdelay $0x2  }
0xb7: {  	s31 =	sshll.u32 s1, $0xD;
	s1 =	sshrl.u32 s1, $0x2  }
0xb8: {  	s3 =	sand.u32 $0x4000, s31;
	s1 =	sadd.s32 s1, s30  }
0xb9: {  	s0 =	sor.u32 s3, s0;
	s1 =	sshll.u32 s1, $0x11  }
0xba: {  	s0 =	sor.u32 s1, s0  }
0xbb: {  	s0 =	sadd.s32 $0x8F2B, s0  }
0xbc: {  	[sflag:s0] =	ssyncadd.remote.s32 $0x1  }
0xbd: {  	_ =	sfence.sel $0xFFFF  }
0xbe: {  	[dreg:$0x0] =	wrdreg $0xFFFFFFFF;
	(pc) =	sbr.abs _section_cstart, $3  }
0xbf: {  	[dreg:$0x1] =	wrdreg $0xFFFFFFFF  }
0xc0: {  	_ =	task.clear_ibuf [dreg:s6], $0x2FFFF;
	_ =	strace $0x9FFFFFFF  }
0xc1: {  	(tm) =	ssettm $0x7FFFFFFF  }
tec
execute0_lowered:
.L_overlay_start_1:
0x0: {  	(tag) =	ssettag $0x1  }
0x1: {  	s4 =	rddreg [dreg:$0x0]  }
0x2: {  	s0 =	rddreg [dreg:$0x1];
	s2 =	simm.s32 $0x0;
	s1 =	stileid.u32  }
0x3: {  	s3 =	srdreg.scid;
	s10 =	simm.s32 $0x0;
	s6 =	smul.u32 $0x1F500, s1  }
0x4: {  	[smem:$0x7FF] =	sst s2;
	s5 =	sand.u32 $0x1, s3;
	s8 =	smul.u32 $0xBBE00, s1  }
0x5: {  	s3 =	sadd.s32 $0x113400, s4;
	s7 =	smul.u32 $0xFA80, s5;
	s9 =	ssub.s32 $0x2, s5  }
0x6: {  	_ =	strace $0x80000053;
	s5 =	smul.u32 $0x5DF00, s5;
	s31 =	sshrl.u32 s9, $0x1  }
0x7: {  	s8 =	sadd.s32 s8, s4;
	s6 =	sadd.s32 s7, s6;
	s7 =	ssub.s32 s9, s31  }
0x8: {  	s5 =	sadd.s32 s5, s8;
	s8 =	simm.s32 $0x80;
	s6 =	sshrl.u32 s6, $0x3  }
0x9: {  	s9 =	simm.s32 $0x1;
	s5 =	sadd.s32 $0x32D000, s5;
	s6 =	sadd.s32 s6, s4  }
0xa: {  	s4 =	smax.u32 s7, $0x1;
	s7 =	simm.s32 $0x2;
	s6 =	sadd.s32 $0xD4A00, s6  }
.LBB2_1:
0xb: {  	s11 =	sadd.s32 $0x0, s6  }
0xc: {  	[tilespmem:s2], [sflag:$0x2] =	stream.linear.gather [hbm4b:s11+s2], $0x80, $0x38;
	[tilespmem:$0x1880] =	vst v63  }
0xd: {  	_ =	swait.ge [sflag:s7], $0x80  }
0xe: {  	[sflag:s7] =	ssyncset.done $0x0  }
0xf: {  	[sflag:s7] =	ssyncadd.s32 $0xFFFFFF80  }
0x10: {  	[tilespmem:s8], [sflag:$0x1] =	stream.indirect.gather [hbm4b:s3+s8], $0x30, s2, s8, $0xb8;
	[tilespmem:$0x1880] =	vst v63  }
0x11: {  	_ =	swait.ge [sflag:s9], $0x1800  }
0x12: {  	[sflag:s9] =	ssyncset.done $0x0  }
0x13: {  	[sflag:s9] =	ssyncadd.s32 $0xFFFFE800  }
0x14: {  	[hbm4b:s5+s2] =	stream.linear.scatter [tilespmem:s8], [sflag:$0x2], $0x1800, $0x38;
	[tilespmem:$0x1880] =	vst v63  }
0x15: {  	s12 =	simm.s32 $0x10;
	_ =	swait.ge [sflag:s7], $0x1800  }
0x16: {  	s13 =	simm.s32 $0x20;
	s11 =	sadd.s32 $0x300, s5;
	[sflag:s7] =	ssyncset.done $0x0  }
.LBB2_2:
0x17: {  	s14 =	sadd.s32 s12, s6  }
0x18: {  	[sflag:s7] =	ssyncadd.s32 $0xFFFFE800;
	s12 =	smov.u32 s13;
	s15 =	sadd.s32 $0x10, s13  }
0x19: {  	[tilespmem:s2], [sflag:$0x2] =	stream.linear.gather [hbm4b:s14+s2], $0x80, $0x38;
	[tilespmem:$0x1880] =	vst v63  }
0x1a: {  	p0 =	sne.s32 s13, $0x1F40;
	_ =	swait.ge [sflag:s7], $0x80  }
0x1b: {  	[sflag:s7] =	ssyncset.done $0x0  }
0x1c: {  	[sflag:s7] =	ssyncadd.s32 $0xFFFFFF80  }
0x1d: {  	[tilespmem:s8], [sflag:$0x1] =	stream.indirect.gather [hbm4b:s3+s8], $0x30, s2, s8, $0xb8;
	[tilespmem:$0x1880] =	vst v63  }
0x1e: {  	_ =	swait.ge [sflag:s9], $0x1800  }
.Ltmp0:
0x1f: {  	[sflag:s9] =	ssyncset.done $0x0;
	(pc) =	sbr.rel @p0 .LBB2_2-.Ltmp0, $4  }
0x20: {  	[sflag:s9] =	ssyncadd.s32 $0xFFFFE800  }
0x21: {  	[hbm4b:s11+s2] =	stream.linear.scatter [tilespmem:s8], [sflag:$0x2], $0x1800, $0x38;
	[tilespmem:$0x1880] =	vst v63  }
0x22: {  	_ =	swait.ge [sflag:s7], $0x1800  }
0x23: {  	s13 =	smov.u32 s15;
	s11 =	sadd.s32 $0x300, s11;
	[sflag:s7] =	ssyncset.done $0x0  }
0x24: {  	s12 =	sadd.s32 s12, s6;
	[sflag:s7] =	ssyncadd.s32 $0xFFFFE800  }
0x25: {  	[tilespmem:s2], [sflag:$0x2] =	stream.linear.gather [hbm4b:s12+s2], $0x80, $0x38;
	[tilespmem:$0x1880] =	vst v63  }
0x26: {  	_ =	swait.ge [sflag:s7], $0x80  }
0x27: {  	[sflag:s7] =	ssyncset.done $0x0  }
0x28: {  	[sflag:s7] =	ssyncadd.s32 $0xFFFFFF80  }
0x29: {  	[tilespmem:s8], [sflag:$0x1] =	stream.indirect.gather [hbm4b:s3+s8], $0x30, s2, s8, $0xb8;
	[tilespmem:$0x1880] =	vst v63  }
0x2a: {  	s10 =	sadd.s32 $0x1, s10;
	_ =	swait.ge [sflag:s9], $0x1800  }
0x2b: {  	p0 =	sne.s32 s10, s4;
	[sflag:s9] =	ssyncset.done $0x0  }
.Ltmp1:
0x2c: {  	[sflag:s9] =	ssyncadd.s32 $0xFFFFE800;
	(pc) =	sbr.rel @p0 .LBB2_1-.Ltmp1, $4  }
0x2d: {  	[hbm4b:s11+s2] =	stream.linear.scatter [tilespmem:s8], [sflag:$0x2], $0x1800, $0x38;
	[tilespmem:$0x1880] =	vst v63  }
0x2e: {  	_ =	swait.ge [sflag:s7], $0x1800  }
0x2f: {  	[sflag:s7] =	ssyncset.done $0x0  }
0x30: {  	[sflag:s7] =	ssyncadd.s32 $0xFFFFE800  }
0x31: {  	_ =	sfence.sel $0x180000  }
0x32: {  	[bflag:$0x0] =	sbarrier.arrive $0xFFFF  }
0x33: {  	p0 =	sne.s32 s1, $0x0;
	_ =	strace $0x90000053  }
0x34: {  	s0 =	sadd.s32 @!p0 $0x100000, s0;
	[bflag:$0x2] =	sbarrier.arrive $0xFFFF  }
0x35: {  	[sflag:s0] =	ssyncadd.tile.s32 @!p0 $0x1;
	_ =	shalt  }
.Lfunc_end2:
_tile_overlayer_lowered:
.L_overlay_start_2:
0x36: {  	(tag) =	ssettag $0x2  }
0x37: {  	s0 =	rddreg [dreg:$0x0];
	s2 =	stileid.u32  }
0x38: {  	s1 =	rddreg [dreg:$0x1];
	p0 =	sne.s32 s2, $0x0  }
0x39: {  	s3 =	rddreg [dreg:$0x2];
	[bflag:$0x3] =	sbarrier.arrive $0xFFFF;
	s2 =	simm.s32 @!p0 $0x1C02  }
0x3a: {  	[timem:s3], [sflag:s2] =	dma.local @!p0 [hbm:s0], s1  }
0x3b: {  	s0 =	simm.s32 @!p0 $0x2  }
0x3c: {  	_ =	swait.ge @!p0 [sflag:s0], s1  }
0x3d: {  	s1 =	ssub.s32 @!p0 $0x0, s1;
	[sflag:s0] =	ssyncset.done @!p0 $0x0  }
0x3e: {  	[sflag:s0] =	ssyncadd.s32 @!p0 s1  }
0x3f: {  	[bflag:$0x3] =	sbarrier.arrive $0xFFFF  }
0x40: {  	_ =	shalt  }

// kernel: kernel.32.cloned.1.call-start
scs
__scs_entry_jumppad:
0x0: {  	(pc) =	sbr.rel $0x88, $3  }
0x1: {  	(tag) =	ssettag $0x0;
	lr =	simm.s32 $0x1  }
0x2: {  	[smem:$0x3F8C] =	sst lr;
	_ =	strace $0xD0000000  }
0x3: {  	_ = 	snop  }
0x4: {  	_ = 	snop  }
0x5: {  	_ = 	snop  }
0x6: {  	_ = 	snop  }
0x7: {  	_ = 	snop  }
__scs_overlays_trampoline_lowered:
0x8: {  	[smem:$0x3F9B] =	sst s0  }
0x9: {  	[smem:$0x3F9C] =	sst s1  }
0xa: {  	[smem:$0x3F9D] =	sst s2  }
0xb: {  	[smem:$0x3F9E] =	sst s3  }
0xc: {  	[smem:$0x3F9F] =	sst s4  }
0xd: {  	[smem:$0x3FA0] =	sst s5  }
0xe: {  	[smem:$0x3FA1] =	sst s6  }
0xf: {  	[smem:$0x3FA2] =	sst s7  }
0x10: {  	[smem:$0x3FA3] =	sst s8  }
0x11: {  	[smem:$0x3FA4] =	sst s9;
	s0 =	simm.s32 @!p0 $0x0  }
0x12: {  	s1 =	sld [smem:$0x3F8A];
	s0 =	simm.s32 @p0 $0x1  }
0x13: {  	[smem:$0x3FA5] =	sst s0;
	s0 =	simm.s32 @!p1 $0x0  }
0x14: {  	s2 =	sld [smem:$0x3F89];
	s0 =	simm.s32 @p1 $0x1  }
0x15: {  	[smem:$0x3FA6] =	sst s0;
	s0 =	simm.s32 @!p2 $0x0  }
0x16: {  	s3 =	sld [smem:$0x3FDB];
	s0 =	simm.s32 @p2 $0x1  }
0x17: {  	s4 =	simm.s32 $0x1BF5;
	[smem:$0x3FA8] =	sst s0  }
0x18: {  	s0 =	sld [smem:$0x3F8B];
	_ =	swait.ge [sflag:s4], $0x0  }
0x19: {  	s7 =	sld [smem:$0x3F8C]  }
0x1a: {  	s8 =	sadd.s32 $0xFFFFE003, lr  }
0x1b: {  	s9 =	sadd.s32 $0xFFFFFEF7, lr;
	s5 =	simm.s32 $0xFFFFFFFF;
	p2 =	slt.u32 s8, $0xFFFFF086  }
0x1c: {  	p1 =	slt.u32 s9, $0xF7A;
	s5 =	simm.s32 @!p2 $0x0  }
0x1d: {  	s5 =	simm.s32 @p1 $0x1;
	p0 =	seq.s32 s7, s2  }
0x1e: {  	s7 =	smul.u32 @!p0 $0xF7A, s2;
	p2 =	seq.s32 @!p0 s5, $0x0  }
0x1f: {  	s9 =	smul.u32 $0xF7A, s1;
	s8 =	simm.s32 @!p0 $0x1BF5;
	p2 =	por !p2, p0  }
0x20: {  	[sflag:s8] =	ssyncset.s32 @!p0 $0xFFFFF086;
	s6 =	sadd.s32 @!p0 s3, s7;
	s7 =	simm.s32 @!p0 $0x108  }
0x21: {  	s3 =	sadd.s32 s3, s9;
	s6 =	sadd.s32 @!p0 $0x88, s6;
	s7 =	simm.s32 @p2 $0x1082  }
0x22: {  	[simem:s7], [sflag:s8] =	dma.local @!p0 [hbm:s6], $0xF7A  }
0x23: {  	s9 =	sor.u32 $0xD0000000, s2;
	s6 =	simm.s32 $0x108;
	_ =	swait.ge @!p0 [sflag:s8], $0x0  }
0x24: {  	s3 =	sadd.s32 $0x88, s3;
	s6 =	simm.s32 @!p1 $0x1082;
	[sflag:s4] =	ssyncset.s32 $0xFFFFF086  }
0x25: {  	[simem:s6], [sflag:s4] =	dma.local [hbm:s3], $0xF7A  }
0x26: {  	[smem:$0x3F8C] =	sst s1;
	(tag) =	ssettag s2;
	_ =	strace s9  }
0x27: {  	s1 =	sld [smem:$0x3F9C]  }
0x28: {  	s2 =	sld [smem:$0x3F9D]  }
0x29: {  	s4 =	sld [smem:$0x3F9F]  }
0x2a: {  	p0 =	seq.s32 s5, $0x0;
	s5 =	sld [smem:$0x3FA0]  }
0x2b: {  	s6 =	sld [smem:$0x3FA1]  }
0x2c: {  	s7 =	sld [smem:$0x3FA2]  }
0x2d: {  	s3 =	simm.s32 $0x108;
	s8 =	sld [smem:$0x3FA3]  }
0x2e: {  	s3 =	simm.s32 @!p0 $0x1082;
	s9 =	sld [smem:$0x3FA4]  }
0x2f: {  	lr =	sadd.s32 s0, s3;
	s0 =	sld [smem:$0x3F9B]  }
0x30: {  	s3 =	sld [smem:$0x3F9E]  }
0x31: {  	[smem:$0x3FA7] =	sst s10  }
0x32: {  	s10 =	sld [smem:$0x3FA5];
	_ =	sdelay $0x3  }
0x33: {  	p0 =	seq.s32 s10, $0x1;
	s10 =	sld [smem:$0x3FA7];
	_ =	sdelay $0x3  }
0x34: {  	[smem:$0x3FA7] =	sst s10  }
0x35: {  	s10 =	sld [smem:$0x3FA6];
	_ =	sdelay $0x3  }
0x36: {  	p1 =	seq.s32 s10, $0x1;
	s10 =	sld [smem:$0x3FA7];
	_ =	sdelay $0x3  }
0x37: {  	[smem:$0x3FA7] =	sst s10  }
0x38: {  	s10 =	sld [smem:$0x3FA8]  }
0x39: {  	_ = 	snop;
	(pc) =	sbr.ind lr, $3  }
0x3a: {  	_ = 	snop  }
0x3b: {  	_ = 	snop  }
0x3c: {  	p2 =	seq.s32 s10, $0x1;
	s10 =	sld [smem:$0x3FA7]  }
0x3d: {  	_ =	shalt  }
0x3e: {  	_ =	shalt  }
0x3f: {  	_ =	shalt  }
0x40: {  	_ =	shalt  }
0x41: {  	_ =	shalt  }
0x42: {  	_ =	shalt  }
0x43: {  	_ =	shalt  }
0x44: {  	_ =	shalt  }
0x45: {  	_ =	shalt  }
0x46: {  	_ =	shalt  }
0x47: {  	_ =	shalt  }
0x48: {  	_ =	shalt  }
0x49: {  	_ =	shalt  }
0x4a: {  	_ =	shalt  }
0x4b: {  	_ =	shalt  }
0x4c: {  	_ =	shalt  }
0x4d: {  	_ =	shalt  }
0x4e: {  	_ =	shalt  }
0x4f: {  	_ =	shalt  }
0x50: {  	_ =	shalt  }
0x51: {  	_ =	shalt  }
0x52: {  	_ =	shalt  }
0x53: {  	_ =	shalt  }
0x54: {  	_ =	shalt  }
0x55: {  	_ =	shalt  }
0x56: {  	_ =	shalt  }
0x57: {  	_ =	shalt  }
0x58: {  	_ =	shalt  }
0x59: {  	_ =	shalt  }
0x5a: {  	_ =	shalt  }
0x5b: {  	_ =	shalt  }
0x5c: {  	_ =	shalt  }
0x5d: {  	_ =	shalt  }
0x5e: {  	_ =	shalt  }
0x5f: {  	_ =	shalt  }
0x60: {  	_ =	shalt  }
0x61: {  	_ =	shalt  }
0x62: {  	_ =	shalt  }
0x63: {  	_ =	shalt  }
0x64: {  	_ =	shalt  }
0x65: {  	_ =	shalt  }
0x66: {  	_ =	shalt  }
0x67: {  	_ =	shalt  }
0x68: {  	_ =	shalt  }
0x69: {  	_ =	shalt  }
0x6a: {  	_ =	shalt  }
0x6b: {  	_ =	shalt  }
0x6c: {  	_ =	shalt  }
0x6d: {  	_ =	shalt  }
0x6e: {  	_ =	shalt  }
0x6f: {  	_ =	shalt  }
0x70: {  	_ =	shalt  }
0x71: {  	_ =	shalt  }
0x72: {  	_ =	shalt  }
0x73: {  	_ =	shalt  }
0x74: {  	_ =	shalt  }
0x75: {  	_ =	shalt  }
0x76: {  	_ =	shalt  }
0x77: {  	_ =	shalt  }
0x78: {  	_ =	shalt  }
0x79: {  	_ =	shalt  }
0x7a: {  	_ =	shalt  }
0x7b: {  	_ =	shalt  }
0x7c: {  	_ =	shalt  }
0x7d: {  	_ =	shalt  }
0x7e: {  	_ =	shalt  }
0x7f: {  	_ =	shalt  }
0x80: {  	_ =	shalt  }
0x81: {  	_ =	shalt  }
0x82: {  	_ =	shalt  }
0x83: {  	_ =	shalt  }
0x84: {  	_ =	shalt  }
0x85: {  	_ =	shalt  }
0x86: {  	_ =	shalt  }
0x87: {  	_ =	shalt  }
.Lfunc_end0:
.L_simem_size_0:
called_computation.5_lowered:
.L_overlay_start_0:
0x88: {  	s2 =	sld [smem:$0x3FD9]  }
0x89: {  	s3 =	sld [smem:$0x3FFE];
	_ =	sdelay $0x1  }
0x8a: {  	s1 =	srdreg.scid  }
0x8b: {  	s0 =	sand.u32 $0x1, s1  }
0x8c: {  	s16 =	sshll.u32 s0, $0xA;
	s2 =	sadd.s32 s3, s2  }
0x8d: {  	s2 =	sadd.s32 s2, s16  }
0x8e: {  	[smem:$0x3FB3] =	sst s2  }
0x8f: {  	_ = 	snop  }
0x90: {  	(tm) =	ssettm $0x1  }
0x91: {  	s17 =	sld [smem:$0x3FFB];
	_ =	sdelay $0x3  }
0x92: {  	_ =	strace s17  }
0x93: {  	s2 =	sld [smem:$0x3FFC];
	_ =	sdelay $0x3  }
0x94: {  	_ =	strace s2  }
0x95: {  	s2 =	sld [smem:$0x3FFD];
	_ =	sdelay $0x3  }
0x96: {  	_ =	strace s2  }
0x97: {  	_ =	strace $0x8FFFFFFF  }
0x98: {  	s18 =	sld [smem:$0x3FDB];
	_ =	sdelay $0x1  }
0x99: {  	s19 =	simm.s32 $_scs_section_size  }
0x9a: {  	s4 =	simm.s32 $_size__tile_overlayer_lowered;
	s5 =	simm.s32 $_tile_overlayer_lowered  }
0x9b: {  	s22 =	simm.s32 $0x1BFF;
	s21 =	sshll.u32 s5, $0x1;
	s2 =	sadd.s32 s19, s18  }
0x9c: {  	s6 =	simm.s32 $0x0;
	s20 =	sshll.u32 s4, $0x1;
	s4 =	sadd.s32 s21, s2  }
0x9d: {  	[timem:s6], [sflag:s22] =	dma.local [hbm:s4], s20  }
0x9e: {  	_ =	swait.ge [sflag:s22], s20  }
0x9f: {  	s3 =	ssub.s32 $0x0, s20;
	[sflag:s22] =	ssyncset.done $0x0  }
0xa0: {  	[sflag:s22] =	ssyncadd.s32 s3;
	_ =	sdelay $0x1  }
0xa1: {  	s23 =	simm.s32 $0x1B8B  }
0xa2: {  	_ =	swait.ge [sflag:s23], $0x1  }
0xa3: {  	[sflag:s23] =	ssyncset.done $0x0  }
0xa4: {  	s25 =	simm.s32 $0x1B8E;
	s24 =	sld [smem:$0x3FFE];
	[sflag:s23] =	ssyncadd.s32 $0xFFFFFFFF  }
0xa5: {  	s26 =	simm.s32 $execute0_lowered;
	[smem:$0x3FD2] =	sst s25  }
0xa6: {  	s4 =	sshll.u32 s26, $0x1;
	_ =	strace $0x80000055;
	[dreg:$0x1] =	wrdreg $0xFFFFFFFF  }
0xa7: {  	s28 =	simm.s32 $_size_execute0_lowered;
	s2 =	sadd.s32 s2, s4;
	[dreg:$0x0] =	wrdreg $0x0  }
0xa8: {  	s4 =	sshll.u32 s28, $0x1;
	[dreg:$0x2] =	wrdreg s2  }
0xa9: {  	[dreg:$0x3] =	wrdreg s4  }
0xaa: {  	[dreg:$0x4] =	wrdreg $0xC0  }
0xab: {  	_ =	task [dreg:s6], $0x5FFFF  }
0xac: {  	[dreg:$0x1] =	wrdreg $0xFFFFFFFF  }
0xad: {  	[dreg:$0x0] =	wrdreg $0x60  }
0xae: {  	[dreg:$0x2] =	wrdreg s24  }
0xaf: {  	[dreg:$0x3] =	wrdreg $0x9  }
0xb0: {  	_ =	task.clear_ibuf [dreg:s6], $0x4FFFF;
	_ =	strace $0x90000055  }
0xb1: {  	s29 =	simm.s32 $0x9;
	_ =	strace $0x80000057  }
0xb2: {  	_ =	swait.ge [sflag:s29], $0x1  }
0xb3: {  	[sflag:s29] =	ssyncadd.s32 $0xFFFFFFFF  }
0xb4: {  	_ =	strace $0x90000057  }
0xb5: {  	_ =	sfence  }
0xb6: {  	s30 =	sld [smem:$0x0];
	_ =	sdelay $0x2  }
0xb7: {  	s31 =	sshll.u32 s1, $0xD;
	s1 =	sshrl.u32 s1, $0x2  }
0xb8: {  	s3 =	sand.u32 $0x4000, s31;
	s1 =	sadd.s32 s1, s30  }
0xb9: {  	s0 =	sor.u32 s3, s0;
	s1 =	sshll.u32 s1, $0x11  }
0xba: {  	s0 =	sor.u32 s1, s0  }
0xbb: {  	s0 =	sadd.s32 $0x8F2B, s0  }
0xbc: {  	[sflag:s0] =	ssyncadd.remote.s32 $0x1  }
0xbd: {  	_ =	sfence.sel $0xFFFF  }
0xbe: {  	[dreg:$0x0] =	wrdreg $0xFFFFFFFF;
	(pc) =	sbr.abs _section_cstart, $3  }
0xbf: {  	[dreg:$0x1] =	wrdreg $0xFFFFFFFF  }
0xc0: {  	_ =	task.clear_ibuf [dreg:s6], $0x2FFFF;
	_ =	strace $0x9FFFFFFF  }
0xc1: {  	(tm) =	ssettm $0x7FFFFFFF  }
tec
execute0_lowered:
.L_overlay_start_1:
0x0: {  	(tag) =	ssettag $0x1  }
0x1: {  	s4 =	rddreg [dreg:$0x0]  }
0x2: {  	s0 =	rddreg [dreg:$0x1];
	s2 =	simm.s32 $0x0;
	s1 =	stileid.u32  }
0x3: {  	s3 =	srdreg.scid;
	s10 =	simm.s32 $0x0;
	s6 =	smul.u32 $0x1F500, s1  }
0x4: {  	[smem:$0x7FF] =	sst s2;
	s5 =	sand.u32 $0x1, s3;
	s8 =	smul.u32 $0xBBE00, s1  }
0x5: {  	s3 =	sadd.s32 $0x113400, s4;
	s7 =	smul.u32 $0xFA80, s5;
	s9 =	ssub.s32 $0x2, s5  }
0x6: {  	_ =	strace $0x80000056;
	s5 =	smul.u32 $0x5DF00, s5;
	s31 =	sshrl.u32 s9, $0x1  }
0x7: {  	s8 =	sadd.s32 s8, s4;
	s6 =	sadd.s32 s7, s6;
	s7 =	ssub.s32 s9, s31  }
0x8: {  	s5 =	sadd.s32 s5, s8;
	s8 =	simm.s32 $0x80;
	s6 =	sshrl.u32 s6, $0x3  }
0x9: {  	s9 =	simm.s32 $0x1;
	s5 =	sadd.s32 $0x32D000, s5;
	s6 =	sadd.s32 s6, s4  }
0xa: {  	s4 =	smax.u32 s7, $0x1;
	s7 =	simm.s32 $0x2;
	s6 =	sadd.s32 $0xD4A00, s6  }
.LBB2_1:
0xb: {  	s11 =	sadd.s32 $0x0, s6  }
0xc: {  	[tilespmem:s2], [sflag:$0x2] =	stream.linear.gather [hbm4b:s11+s2], $0x80, $0x38;
	[tilespmem:$0x1880] =	vst v63  }
0xd: {  	_ =	swait.ge [sflag:s7], $0x80  }
0xe: {  	[sflag:s7] =	ssyncset.done $0x0  }
0xf: {  	[sflag:s7] =	ssyncadd.s32 $0xFFFFFF80  }
0x10: {  	[tilespmem:s8], [sflag:$0x1] =	stream.indirect.gather [hbm4b:s3+s8], $0x30, s2, s8, $0xb8;
	[tilespmem:$0x1880] =	vst v63  }
0x11: {  	_ =	swait.ge [sflag:s9], $0x1800  }
0x12: {  	[sflag:s9] =	ssyncset.done $0x0  }
0x13: {  	[sflag:s9] =	ssyncadd.s32 $0xFFFFE800  }
0x14: {  	[hbm4b:s5+s2] =	stream.linear.scatter [tilespmem:s8], [sflag:$0x2], $0x1800, $0x38;
	[tilespmem:$0x1880] =	vst v63  }
0x15: {  	s12 =	simm.s32 $0x10;
	_ =	swait.ge [sflag:s7], $0x1800  }
0x16: {  	s13 =	simm.s32 $0x20;
	s11 =	sadd.s32 $0x300, s5;
	[sflag:s7] =	ssyncset.done $0x0  }
.LBB2_2:
0x17: {  	s14 =	sadd.s32 s12, s6  }
0x18: {  	[sflag:s7] =	ssyncadd.s32 $0xFFFFE800;
	s12 =	smov.u32 s13;
	s15 =	sadd.s32 $0x10, s13  }
0x19: {  	[tilespmem:s2], [sflag:$0x2] =	stream.linear.gather [hbm4b:s14+s2], $0x80, $0x38;
	[tilespmem:$0x1880] =	vst v63  }
0x1a: {  	p0 =	sne.s32 s13, $0x1F40;
	_ =	swait.ge [sflag:s7], $0x80  }
0x1b: {  	[sflag:s7] =	ssyncset.done $0x0  }
0x1c: {  	[sflag:s7] =	ssyncadd.s32 $0xFFFFFF80  }
0x1d: {  	[tilespmem:s8], [sflag:$0x1] =	stream.indirect.gather [hbm4b:s3+s8], $0x30, s2, s8, $0xb8;
	[tilespmem:$0x1880] =	vst v63  }
0x1e: {  	_ =	swait.ge [sflag:s9], $0x1800  }
.Ltmp0:
0x1f: {  	[sflag:s9] =	ssyncset.done $0x0;
	(pc) =	sbr.rel @p0 .LBB2_2-.Ltmp0, $4  }
0x20: {  	[sflag:s9] =	ssyncadd.s32 $0xFFFFE800  }
0x21: {  	[hbm4b:s11+s2] =	stream.linear.scatter [tilespmem:s8], [sflag:$0x2], $0x1800, $0x38;
	[tilespmem:$0x1880] =	vst v63  }
0x22: {  	_ =	swait.ge [sflag:s7], $0x1800  }
0x23: {  	s13 =	smov.u32 s15;
	s11 =	sadd.s32 $0x300, s11;
	[sflag:s7] =	ssyncset.done $0x0  }
0x24: {  	s12 =	sadd.s32 s12, s6;
	[sflag:s7] =	ssyncadd.s32 $0xFFFFE800  }
0x25: {  	[tilespmem:s2], [sflag:$0x2] =	stream.linear.gather [hbm4b:s12+s2], $0x80, $0x38;
	[tilespmem:$0x1880] =	vst v63  }
0x26: {  	_ =	swait.ge [sflag:s7], $0x80  }
0x27: {  	[sflag:s7] =	ssyncset.done $0x0  }
0x28: {  	[sflag:s7] =	ssyncadd.s32 $0xFFFFFF80  }
0x29: {  	[tilespmem:s8], [sflag:$0x1] =	stream.indirect.gather [hbm4b:s3+s8], $0x30, s2, s8, $0xb8;
	[tilespmem:$0x1880] =	vst v63  }
0x2a: {  	s10 =	sadd.s32 $0x1, s10;
	_ =	swait.ge [sflag:s9], $0x1800  }
0x2b: {  	p0 =	sne.s32 s10, s4;
	[sflag:s9] =	ssyncset.done $0x0  }
.Ltmp1:
0x2c: {  	[sflag:s9] =	ssyncadd.s32 $0xFFFFE800;
	(pc) =	sbr.rel @p0 .LBB2_1-.Ltmp1, $4  }
0x2d: {  	[hbm4b:s11+s2] =	stream.linear.scatter [tilespmem:s8], [sflag:$0x2], $0x1800, $0x38;
	[tilespmem:$0x1880] =	vst v63  }
0x2e: {  	_ =	swait.ge [sflag:s7], $0x1800  }
0x2f: {  	[sflag:s7] =	ssyncset.done $0x0  }
0x30: {  	[sflag:s7] =	ssyncadd.s32 $0xFFFFE800  }
0x31: {  	_ =	sfence.sel $0x180000  }
0x32: {  	[bflag:$0x0] =	sbarrier.arrive $0xFFFF  }
0x33: {  	p0 =	sne.s32 s1, $0x0;
	_ =	strace $0x90000056  }
0x34: {  	s0 =	sadd.s32 @!p0 $0x100000, s0;
	[bflag:$0x2] =	sbarrier.arrive $0xFFFF  }
0x35: {  	[sflag:s0] =	ssyncadd.tile.s32 @!p0 $0x1;
	_ =	shalt  }
.Lfunc_end2:
_tile_overlayer_lowered:
.L_overlay_start_2:
0x36: {  	(tag) =	ssettag $0x2  }
0x37: {  	s0 =	rddreg [dreg:$0x0];
	s2 =	stileid.u32  }
0x38: {  	s1 =	rddreg [dreg:$0x1];
	p0 =	sne.s32 s2, $0x0  }
0x39: {  	s3 =	rddreg [dreg:$0x2];
	[bflag:$0x3] =	sbarrier.arrive $0xFFFF;
	s2 =	simm.s32 @!p0 $0x1C02  }
0x3a: {  	[timem:s3], [sflag:s2] =	dma.local @!p0 [hbm:s0], s1  }
0x3b: {  	s0 =	simm.s32 @!p0 $0x2  }
0x3c: {  	_ =	swait.ge @!p0 [sflag:s0], s1  }
0x3d: {  	s1 =	ssub.s32 @!p0 $0x0, s1;
	[sflag:s0] =	ssyncset.done @!p0 $0x0  }
0x3e: {  	[sflag:s0] =	ssyncadd.s32 @!p0 s1  }
0x3f: {  	[bflag:$0x3] =	sbarrier.arrive $0xFFFF  }
0x40: {  	_ =	shalt  }

// kernel: kernel.35.cloned.1.call-start
scs
__scs_entry_jumppad:
0x0: {  	(pc) =	sbr.rel $0x88, $3  }
0x1: {  	(tag) =	ssettag $0x0;
	lr =	simm.s32 $0x1  }
0x2: {  	[smem:$0x3F8C] =	sst lr;
	_ =	strace $0xD0000000  }
0x3: {  	_ = 	snop  }
0x4: {  	_ = 	snop  }
0x5: {  	_ = 	snop  }
0x6: {  	_ = 	snop  }
0x7: {  	_ = 	snop  }
__scs_overlays_trampoline_lowered:
0x8: {  	[smem:$0x3F9B] =	sst s0  }
0x9: {  	[smem:$0x3F9C] =	sst s1  }
0xa: {  	[smem:$0x3F9D] =	sst s2  }
0xb: {  	[smem:$0x3F9E] =	sst s3  }
0xc: {  	[smem:$0x3F9F] =	sst s4  }
0xd: {  	[smem:$0x3FA0] =	sst s5  }
0xe: {  	[smem:$0x3FA1] =	sst s6  }
0xf: {  	[smem:$0x3FA2] =	sst s7  }
0x10: {  	[smem:$0x3FA3] =	sst s8  }
0x11: {  	[smem:$0x3FA4] =	sst s9;
	s0 =	simm.s32 @!p0 $0x0  }
0x12: {  	s1 =	sld [smem:$0x3F8A];
	s0 =	simm.s32 @p0 $0x1  }
0x13: {  	[smem:$0x3FA5] =	sst s0;
	s0 =	simm.s32 @!p1 $0x0  }
0x14: {  	s2 =	sld [smem:$0x3F89];
	s0 =	simm.s32 @p1 $0x1  }
0x15: {  	[smem:$0x3FA6] =	sst s0;
	s0 =	simm.s32 @!p2 $0x0  }
0x16: {  	s3 =	sld [smem:$0x3FDB];
	s0 =	simm.s32 @p2 $0x1  }
0x17: {  	s4 =	simm.s32 $0x1BF5;
	[smem:$0x3FA8] =	sst s0  }
0x18: {  	s0 =	sld [smem:$0x3F8B];
	_ =	swait.ge [sflag:s4], $0x0  }
0x19: {  	s7 =	sld [smem:$0x3F8C]  }
0x1a: {  	s8 =	sadd.s32 $0xFFFFE003, lr  }
0x1b: {  	s9 =	sadd.s32 $0xFFFFFEF7, lr;
	s5 =	simm.s32 $0xFFFFFFFF;
	p2 =	slt.u32 s8, $0xFFFFF086  }
0x1c: {  	p1 =	slt.u32 s9, $0xF7A;
	s5 =	simm.s32 @!p2 $0x0  }
0x1d: {  	s5 =	simm.s32 @p1 $0x1;
	p0 =	seq.s32 s7, s2  }
0x1e: {  	s7 =	smul.u32 @!p0 $0xF7A, s2;
	p2 =	seq.s32 @!p0 s5, $0x0  }
0x1f: {  	s9 =	smul.u32 $0xF7A, s1;
	s8 =	simm.s32 @!p0 $0x1BF5;
	p2 =	por !p2, p0  }
0x20: {  	[sflag:s8] =	ssyncset.s32 @!p0 $0xFFFFF086;
	s6 =	sadd.s32 @!p0 s3, s7;
	s7 =	simm.s32 @!p0 $0x108  }
0x21: {  	s3 =	sadd.s32 s3, s9;
	s6 =	sadd.s32 @!p0 $0x88, s6;
	s7 =	simm.s32 @p2 $0x1082  }
0x22: {  	[simem:s7], [sflag:s8] =	dma.local @!p0 [hbm:s6], $0xF7A  }
0x23: {  	s9 =	sor.u32 $0xD0000000, s2;
	s6 =	simm.s32 $0x108;
	_ =	swait.ge @!p0 [sflag:s8], $0x0  }
0x24: {  	s3 =	sadd.s32 $0x88, s3;
	s6 =	simm.s32 @!p1 $0x1082;
	[sflag:s4] =	ssyncset.s32 $0xFFFFF086  }
0x25: {  	[simem:s6], [sflag:s4] =	dma.local [hbm:s3], $0xF7A  }
0x26: {  	[smem:$0x3F8C] =	sst s1;
	(tag) =	ssettag s2;
	_ =	strace s9  }
0x27: {  	s1 =	sld [smem:$0x3F9C]  }
0x28: {  	s2 =	sld [smem:$0x3F9D]  }
0x29: {  	s4 =	sld [smem:$0x3F9F]  }
0x2a: {  	p0 =	seq.s32 s5, $0x0;
	s5 =	sld [smem:$0x3FA0]  }
0x2b: {  	s6 =	sld [smem:$0x3FA1]  }
0x2c: {  	s7 =	sld [smem:$0x3FA2]  }
0x2d: {  	s3 =	simm.s32 $0x108;
	s8 =	sld [smem:$0x3FA3]  }
0x2e: {  	s3 =	simm.s32 @!p0 $0x1082;
	s9 =	sld [smem:$0x3FA4]  }
0x2f: {  	lr =	sadd.s32 s0, s3;
	s0 =	sld [smem:$0x3F9B]  }
0x30: {  	s3 =	sld [smem:$0x3F9E]  }
0x31: {  	[smem:$0x3FA7] =	sst s10  }
0x32: {  	s10 =	sld [smem:$0x3FA5];
	_ =	sdelay $0x3  }
0x33: {  	p0 =	seq.s32 s10, $0x1;
	s10 =	sld [smem:$0x3FA7];
	_ =	sdelay $0x3  }
0x34: {  	[smem:$0x3FA7] =	sst s10  }
0x35: {  	s10 =	sld [smem:$0x3FA6];
	_ =	sdelay $0x3  }
0x36: {  	p1 =	seq.s32 s10, $0x1;
	s10 =	sld [smem:$0x3FA7];
	_ =	sdelay $0x3  }
0x37: {  	[smem:$0x3FA7] =	sst s10  }
0x38: {  	s10 =	sld [smem:$0x3FA8]  }
0x39: {  	_ = 	snop;
	(pc) =	sbr.ind lr, $3  }
0x3a: {  	_ = 	snop  }
0x3b: {  	_ = 	snop  }
0x3c: {  	p2 =	seq.s32 s10, $0x1;
	s10 =	sld [smem:$0x3FA7]  }
0x3d: {  	_ =	shalt  }
0x3e: {  	_ =	shalt  }
0x3f: {  	_ =	shalt  }
0x40: {  	_ =	shalt  }
0x41: {  	_ =	shalt  }
0x42: {  	_ =	shalt  }
0x43: {  	_ =	shalt  }
0x44: {  	_ =	shalt  }
0x45: {  	_ =	shalt  }
0x46: {  	_ =	shalt  }
0x47: {  	_ =	shalt  }
0x48: {  	_ =	shalt  }
0x49: {  	_ =	shalt  }
0x4a: {  	_ =	shalt  }
0x4b: {  	_ =	shalt  }
0x4c: {  	_ =	shalt  }
0x4d: {  	_ =	shalt  }
0x4e: {  	_ =	shalt  }
0x4f: {  	_ =	shalt  }
0x50: {  	_ =	shalt  }
0x51: {  	_ =	shalt  }
0x52: {  	_ =	shalt  }
0x53: {  	_ =	shalt  }
0x54: {  	_ =	shalt  }
0x55: {  	_ =	shalt  }
0x56: {  	_ =	shalt  }
0x57: {  	_ =	shalt  }
0x58: {  	_ =	shalt  }
0x59: {  	_ =	shalt  }
0x5a: {  	_ =	shalt  }
0x5b: {  	_ =	shalt  }
0x5c: {  	_ =	shalt  }
0x5d: {  	_ =	shalt  }
0x5e: {  	_ =	shalt  }
0x5f: {  	_ =	shalt  }
0x60: {  	_ =	shalt  }
0x61: {  	_ =	shalt  }
0x62: {  	_ =	shalt  }
0x63: {  	_ =	shalt  }
0x64: {  	_ =	shalt  }
0x65: {  	_ =	shalt  }
0x66: {  	_ =	shalt  }
0x67: {  	_ =	shalt  }
0x68: {  	_ =	shalt  }
0x69: {  	_ =	shalt  }
0x6a: {  	_ =	shalt  }
0x6b: {  	_ =	shalt  }
0x6c: {  	_ =	shalt  }
0x6d: {  	_ =	shalt  }
0x6e: {  	_ =	shalt  }
0x6f: {  	_ =	shalt  }
0x70: {  	_ =	shalt  }
0x71: {  	_ =	shalt  }
0x72: {  	_ =	shalt  }
0x73: {  	_ =	shalt  }
0x74: {  	_ =	shalt  }
0x75: {  	_ =	shalt  }
0x76: {  	_ =	shalt  }
0x77: {  	_ =	shalt  }
0x78: {  	_ =	shalt  }
0x79: {  	_ =	shalt  }
0x7a: {  	_ =	shalt  }
0x7b: {  	_ =	shalt  }
0x7c: {  	_ =	shalt  }
0x7d: {  	_ =	shalt  }
0x7e: {  	_ =	shalt  }
0x7f: {  	_ =	shalt  }
0x80: {  	_ =	shalt  }
0x81: {  	_ =	shalt  }
0x82: {  	_ =	shalt  }
0x83: {  	_ =	shalt  }
0x84: {  	_ =	shalt  }
0x85: {  	_ =	shalt  }
0x86: {  	_ =	shalt  }
0x87: {  	_ =	shalt  }
.Lfunc_end0:
.L_simem_size_0:
called_computation.6_lowered:
.L_overlay_start_0:
0x88: {  	s2 =	sld [smem:$0x3FD9]  }
0x89: {  	s3 =	sld [smem:$0x3FFE];
	_ =	sdelay $0x1  }
0x8a: {  	s1 =	srdreg.scid  }
0x8b: {  	s0 =	sand.u32 $0x1, s1  }
0x8c: {  	s16 =	sshll.u32 s0, $0xA;
	s2 =	sadd.s32 s3, s2  }
0x8d: {  	s2 =	sadd.s32 s2, s16  }
0x8e: {  	[smem:$0x3FB3] =	sst s2  }
0x8f: {  	_ = 	snop  }
0x90: {  	(tm) =	ssettm $0x1  }
0x91: {  	s17 =	sld [smem:$0x3FFB];
	_ =	sdelay $0x3  }
0x92: {  	_ =	strace s17  }
0x93: {  	s2 =	sld [smem:$0x3FFC];
	_ =	sdelay $0x3  }
0x94: {  	_ =	strace s2  }
0x95: {  	s2 =	sld [smem:$0x3FFD];
	_ =	sdelay $0x3  }
0x96: {  	_ =	strace s2  }
0x97: {  	_ =	strace $0x8FFFFFFF  }
0x98: {  	s18 =	sld [smem:$0x3FDB];
	_ =	sdelay $0x1  }
0x99: {  	s19 =	simm.s32 $_scs_section_size  }
0x9a: {  	s4 =	simm.s32 $_size__tile_overlayer_lowered;
	s5 =	simm.s32 $_tile_overlayer_lowered  }
0x9b: {  	s22 =	simm.s32 $0x1BFF;
	s21 =	sshll.u32 s5, $0x1;
	s2 =	sadd.s32 s19, s18  }
0x9c: {  	s6 =	simm.s32 $0x0;
	s20 =	sshll.u32 s4, $0x1;
	s4 =	sadd.s32 s21, s2  }
0x9d: {  	[timem:s6], [sflag:s22] =	dma.local [hbm:s4], s20  }
0x9e: {  	_ =	swait.ge [sflag:s22], s20  }
0x9f: {  	s3 =	ssub.s32 $0x0, s20;
	[sflag:s22] =	ssyncset.done $0x0  }
0xa0: {  	[sflag:s22] =	ssyncadd.s32 s3;
	_ =	sdelay $0x1  }
0xa1: {  	s23 =	simm.s32 $0x1B8B  }
0xa2: {  	_ =	swait.ge [sflag:s23], $0x1  }
0xa3: {  	[sflag:s23] =	ssyncset.done $0x0  }
0xa4: {  	s25 =	simm.s32 $0x1B8E;
	s24 =	sld [smem:$0x3FFE];
	[sflag:s23] =	ssyncadd.s32 $0xFFFFFFFF  }
0xa5: {  	s26 =	simm.s32 $execute0_lowered;
	[smem:$0x3FD2] =	sst s25  }
0xa6: {  	s4 =	sshll.u32 s26, $0x1;
	_ =	strace $0x80000058;
	[dreg:$0x1] =	wrdreg $0xFFFFFFFF  }
0xa7: {  	s28 =	simm.s32 $_size_execute0_lowered;
	s2 =	sadd.s32 s2, s4;
	[dreg:$0x0] =	wrdreg $0x0  }
0xa8: {  	s4 =	sshll.u32 s28, $0x1;
	[dreg:$0x2] =	wrdreg s2  }
0xa9: {  	[dreg:$0x3] =	wrdreg s4  }
0xaa: {  	[dreg:$0x4] =	wrdreg $0xC0  }
0xab: {  	_ =	task [dreg:s6], $0x5FFFF  }
0xac: {  	[dreg:$0x1] =	wrdreg $0xFFFFFFFF  }
0xad: {  	[dreg:$0x0] =	wrdreg $0x60  }
0xae: {  	[dreg:$0x2] =	wrdreg s24  }
0xaf: {  	[dreg:$0x3] =	wrdreg $0x9  }
0xb0: {  	_ =	task.clear_ibuf [dreg:s6], $0x4FFFF;
	_ =	strace $0x90000058  }
0xb1: {  	s29 =	simm.s32 $0x9;
	_ =	strace $0x8000005A  }
0xb2: {  	_ =	swait.ge [sflag:s29], $0x1  }
0xb3: {  	[sflag:s29] =	ssyncadd.s32 $0xFFFFFFFF  }
0xb4: {  	_ =	strace $0x9000005A  }
0xb5: {  	_ =	sfence  }
0xb6: {  	s30 =	sld [smem:$0x0];
	_ =	sdelay $0x2  }
0xb7: {  	s31 =	sshll.u32 s1, $0xD;
	s1 =	sshrl.u32 s1, $0x2  }
0xb8: {  	s3 =	sand.u32 $0x4000, s31;
	s1 =	sadd.s32 s1, s30  }
0xb9: {  	s0 =	sor.u32 s3, s0;
	s1 =	sshll.u32 s1, $0x11  }
0xba: {  	s0 =	sor.u32 s1, s0  }
0xbb: {  	s0 =	sadd.s32 $0x8F2B, s0  }
0xbc: {  	[sflag:s0] =	ssyncadd.remote.s32 $0x1  }
0xbd: {  	_ =	sfence.sel $0xFFFF  }
0xbe: {  	[dreg:$0x0] =	wrdreg $0xFFFFFFFF;
	(pc) =	sbr.abs _section_cstart, $3  }
0xbf: {  	[dreg:$0x1] =	wrdreg $0xFFFFFFFF  }
0xc0: {  	_ =	task.clear_ibuf [dreg:s6], $0x2FFFF;
	_ =	strace $0x9FFFFFFF  }
0xc1: {  	(tm) =	ssettm $0x7FFFFFFF  }
tec
execute0_lowered:
.L_overlay_start_1:
0x0: {  	(tag) =	ssettag $0x1  }
0x1: {  	s4 =	rddreg [dreg:$0x0]  }
0x2: {  	s0 =	rddreg [dreg:$0x1];
	s2 =	simm.s32 $0x0;
	s1 =	stileid.u32  }
0x3: {  	s3 =	srdreg.scid;
	s10 =	simm.s32 $0x0;
	s6 =	smul.u32 $0x1F500, s1  }
0x4: {  	[smem:$0x7FF] =	sst s2;
	s5 =	sand.u32 $0x1, s3;
	s8 =	smul.u32 $0xBBE00, s1  }
0x5: {  	s3 =	sadd.s32 $0x113400, s4;
	s7 =	smul.u32 $0xFA80, s5;
	s9 =	ssub.s32 $0x2, s5  }
0x6: {  	_ =	strace $0x80000059;
	s5 =	smul.u32 $0x5DF00, s5;
	s31 =	sshrl.u32 s9, $0x1  }
0x7: {  	s8 =	sadd.s32 s8, s4;
	s6 =	sadd.s32 s7, s6;
	s7 =	ssub.s32 s9, s31  }
0x8: {  	s5 =	sadd.s32 s5, s8;
	s8 =	simm.s32 $0x80;
	s6 =	sshrl.u32 s6, $0x3  }
0x9: {  	s9 =	simm.s32 $0x1;
	s5 =	sadd.s32 $0x32D000, s5;
	s6 =	sadd.s32 s6, s4  }
0xa: {  	s4 =	smax.u32 s7, $0x1;
	s7 =	simm.s32 $0x2;
	s6 =	sadd.s32 $0xD4A00, s6  }
.LBB2_1:
0xb: {  	s11 =	sadd.s32 $0x0, s6  }
0xc: {  	[tilespmem:s2], [sflag:$0x2] =	stream.linear.gather [hbm4b:s11+s2], $0x80, $0x38;
	[tilespmem:$0x1880] =	vst v63  }
0xd: {  	_ =	swait.ge [sflag:s7], $0x80  }
0xe: {  	[sflag:s7] =	ssyncset.done $0x0  }
0xf: {  	[sflag:s7] =	ssyncadd.s32 $0xFFFFFF80  }
0x10: {  	[tilespmem:s8], [sflag:$0x1] =	stream.indirect.gather [hbm4b:s3+s8], $0x30, s2, s8, $0xb8;
	[tilespmem:$0x1880] =	vst v63  }
0x11: {  	_ =	swait.ge [sflag:s9], $0x1800  }
0x12: {  	[sflag:s9] =	ssyncset.done $0x0  }
0x13: {  	[sflag:s9] =	ssyncadd.s32 $0xFFFFE800  }
0x14: {  	[hbm4b:s5+s2] =	stream.linear.scatter [tilespmem:s8], [sflag:$0x2], $0x1800, $0x38;
	[tilespmem:$0x1880] =	vst v63  }
0x15: {  	s12 =	simm.s32 $0x10;
	_ =	swait.ge [sflag:s7], $0x1800  }
0x16: {  	s13 =	simm.s32 $0x20;
	s11 =	sadd.s32 $0x300, s5;
	[sflag:s7] =	ssyncset.done $0x0  }
.LBB2_2:
0x17: {  	s14 =	sadd.s32 s12, s6  }
0x18: {  	[sflag:s7] =	ssyncadd.s32 $0xFFFFE800;
	s12 =	smov.u32 s13;
	s15 =	sadd.s32 $0x10, s13  }
0x19: {  	[tilespmem:s2], [sflag:$0x2] =	stream.linear.gather [hbm4b:s14+s2], $0x80, $0x38;
	[tilespmem:$0x1880] =	vst v63  }
0x1a: {  	p0 =	sne.s32 s13, $0x1F40;
	_ =	swait.ge [sflag:s7], $0x80  }
0x1b: {  	[sflag:s7] =	ssyncset.done $0x0  }
0x1c: {  	[sflag:s7] =	ssyncadd.s32 $0xFFFFFF80  }
0x1d: {  	[tilespmem:s8], [sflag:$0x1] =	stream.indirect.gather [hbm4b:s3+s8], $0x30, s2, s8, $0xb8;
	[tilespmem:$0x1880] =	vst v63  }
0x1e: {  	_ =	swait.ge [sflag:s9], $0x1800  }
.Ltmp0:
0x1f: {  	[sflag:s9] =	ssyncset.done $0x0;
	(pc) =	sbr.rel @p0 .LBB2_2-.Ltmp0, $4  }
0x20: {  	[sflag:s9] =	ssyncadd.s32 $0xFFFFE800  }
0x21: {  	[hbm4b:s11+s2] =	stream.linear.scatter [tilespmem:s8], [sflag:$0x2], $0x1800, $0x38;
	[tilespmem:$0x1880] =	vst v63  }
0x22: {  	_ =	swait.ge [sflag:s7], $0x1800  }
0x23: {  	s13 =	smov.u32 s15;
	s11 =	sadd.s32 $0x300, s11;
	[sflag:s7] =	ssyncset.done $0x0  }
0x24: {  	s12 =	sadd.s32 s12, s6;
	[sflag:s7] =	ssyncadd.s32 $0xFFFFE800  }
0x25: {  	[tilespmem:s2], [sflag:$0x2] =	stream.linear.gather [hbm4b:s12+s2], $0x80, $0x38;
	[tilespmem:$0x1880] =	vst v63  }
0x26: {  	_ =	swait.ge [sflag:s7], $0x80  }
0x27: {  	[sflag:s7] =	ssyncset.done $0x0  }
0x28: {  	[sflag:s7] =	ssyncadd.s32 $0xFFFFFF80  }
0x29: {  	[tilespmem:s8], [sflag:$0x1] =	stream.indirect.gather [hbm4b:s3+s8], $0x30, s2, s8, $0xb8;
	[tilespmem:$0x1880] =	vst v63  }
0x2a: {  	s10 =	sadd.s32 $0x1, s10;
	_ =	swait.ge [sflag:s9], $0x1800  }
0x2b: {  	p0 =	sne.s32 s10, s4;
	[sflag:s9] =	ssyncset.done $0x0  }
.Ltmp1:
0x2c: {  	[sflag:s9] =	ssyncadd.s32 $0xFFFFE800;
	(pc) =	sbr.rel @p0 .LBB2_1-.Ltmp1, $4  }
0x2d: {  	[hbm4b:s11+s2] =	stream.linear.scatter [tilespmem:s8], [sflag:$0x2], $0x1800, $0x38;
	[tilespmem:$0x1880] =	vst v63  }
0x2e: {  	_ =	swait.ge [sflag:s7], $0x1800  }
0x2f: {  	[sflag:s7] =	ssyncset.done $0x0  }
0x30: {  	[sflag:s7] =	ssyncadd.s32 $0xFFFFE800  }
0x31: {  	_ =	sfence.sel $0x180000  }
0x32: {  	[bflag:$0x0] =	sbarrier.arrive $0xFFFF  }
0x33: {  	p0 =	sne.s32 s1, $0x0;
	_ =	strace $0x90000059  }
0x34: {  	s0 =	sadd.s32 @!p0 $0x100000, s0;
	[bflag:$0x2] =	sbarrier.arrive $0xFFFF  }
0x35: {  	[sflag:s0] =	ssyncadd.tile.s32 @!p0 $0x1;
	_ =	shalt  }
.Lfunc_end2:
_tile_overlayer_lowered:
.L_overlay_start_2:
0x36: {  	(tag) =	ssettag $0x2  }
0x37: {  	s0 =	rddreg [dreg:$0x0];
	s2 =	stileid.u32  }
0x38: {  	s1 =	rddreg [dreg:$0x1];
	p0 =	sne.s32 s2, $0x0  }
0x39: {  	s3 =	rddreg [dreg:$0x2];
	[bflag:$0x3] =	sbarrier.arrive $0xFFFF;
	s2 =	simm.s32 @!p0 $0x1C02  }
0x3a: {  	[timem:s3], [sflag:s2] =	dma.local @!p0 [hbm:s0], s1  }
0x3b: {  	s0 =	simm.s32 @!p0 $0x2  }
0x3c: {  	_ =	swait.ge @!p0 [sflag:s0], s1  }
0x3d: {  	s1 =	ssub.s32 @!p0 $0x0, s1;
	[sflag:s0] =	ssyncset.done @!p0 $0x0  }
0x3e: {  	[sflag:s0] =	ssyncadd.s32 @!p0 s1  }
0x3f: {  	[bflag:$0x3] =	sbarrier.arrive $0xFFFF  }
0x40: {  	_ =	shalt  }

// kernel: kernel.38.cloned.1.call-start
scs
__scs_entry_jumppad:
0x0: {  	(pc) =	sbr.rel $0x88, $3  }
0x1: {  	(tag) =	ssettag $0x0;
	lr =	simm.s32 $0x1  }
0x2: {  	[smem:$0x3F8C] =	sst lr;
	_ =	strace $0xD0000000  }
0x3: {  	_ = 	snop  }
0x4: {  	_ = 	snop  }
0x5: {  	_ = 	snop  }
0x6: {  	_ = 	snop  }
0x7: {  	_ = 	snop  }
__scs_overlays_trampoline_lowered:
0x8: {  	[smem:$0x3F9B] =	sst s0  }
0x9: {  	[smem:$0x3F9C] =	sst s1  }
0xa: {  	[smem:$0x3F9D] =	sst s2  }
0xb: {  	[smem:$0x3F9E] =	sst s3  }
0xc: {  	[smem:$0x3F9F] =	sst s4  }
0xd: {  	[smem:$0x3FA0] =	sst s5  }
0xe: {  	[smem:$0x3FA1] =	sst s6  }
0xf: {  	[smem:$0x3FA2] =	sst s7  }
0x10: {  	[smem:$0x3FA3] =	sst s8  }
0x11: {  	[smem:$0x3FA4] =	sst s9;
	s0 =	simm.s32 @!p0 $0x0  }
0x12: {  	s1 =	sld [smem:$0x3F8A];
	s0 =	simm.s32 @p0 $0x1  }
0x13: {  	[smem:$0x3FA5] =	sst s0;
	s0 =	simm.s32 @!p1 $0x0  }
0x14: {  	s2 =	sld [smem:$0x3F89];
	s0 =	simm.s32 @p1 $0x1  }
0x15: {  	[smem:$0x3FA6] =	sst s0;
	s0 =	simm.s32 @!p2 $0x0  }
0x16: {  	s3 =	sld [smem:$0x3FDB];
	s0 =	simm.s32 @p2 $0x1  }
0x17: {  	s4 =	simm.s32 $0x1BF5;
	[smem:$0x3FA8] =	sst s0  }
0x18: {  	s0 =	sld [smem:$0x3F8B];
	_ =	swait.ge [sflag:s4], $0x0  }
0x19: {  	s7 =	sld [smem:$0x3F8C]  }
0x1a: {  	s8 =	sadd.s32 $0xFFFFE003, lr  }
0x1b: {  	s9 =	sadd.s32 $0xFFFFFEF7, lr;
	s5 =	simm.s32 $0xFFFFFFFF;
	p2 =	slt.u32 s8, $0xFFFFF086  }
0x1c: {  	p1 =	slt.u32 s9, $0xF7A;
	s5 =	simm.s32 @!p2 $0x0  }
0x1d: {  	s5 =	simm.s32 @p1 $0x1;
	p0 =	seq.s32 s7, s2  }
0x1e: {  	s7 =	smul.u32 @!p0 $0xF7A, s2;
	p2 =	seq.s32 @!p0 s5, $0x0  }
0x1f: {  	s9 =	smul.u32 $0xF7A, s1;
	s8 =	simm.s32 @!p0 $0x1BF5;
	p2 =	por !p2, p0  }
0x20: {  	[sflag:s8] =	ssyncset.s32 @!p0 $0xFFFFF086;
	s6 =	sadd.s32 @!p0 s3, s7;
	s7 =	simm.s32 @!p0 $0x108  }
0x21: {  	s3 =	sadd.s32 s3, s9;
	s6 =	sadd.s32 @!p0 $0x88, s6;
	s7 =	simm.s32 @p2 $0x1082  }
0x22: {  	[simem:s7], [sflag:s8] =	dma.local @!p0 [hbm:s6], $0xF7A  }
0x23: {  	s9 =	sor.u32 $0xD0000000, s2;
	s6 =	simm.s32 $0x108;
	_ =	swait.ge @!p0 [sflag:s8], $0x0  }
0x24: {  	s3 =	sadd.s32 $0x88, s3;
	s6 =	simm.s32 @!p1 $0x1082;
	[sflag:s4] =	ssyncset.s32 $0xFFFFF086  }
0x25: {  	[simem:s6], [sflag:s4] =	dma.local [hbm:s3], $0xF7A  }
0x26: {  	[smem:$0x3F8C] =	sst s1;
	(tag) =	ssettag s2;
	_ =	strace s9  }
0x27: {  	s1 =	sld [smem:$0x3F9C]  }
0x28: {  	s2 =	sld [smem:$0x3F9D]  }
0x29: {  	s4 =	sld [smem:$0x3F9F]  }
0x2a: {  	p0 =	seq.s32 s5, $0x0;
	s5 =	sld [smem:$0x3FA0]  }
0x2b: {  	s6 =	sld [smem:$0x3FA1]  }
0x2c: {  	s7 =	sld [smem:$0x3FA2]  }
0x2d: {  	s3 =	simm.s32 $0x108;
	s8 =	sld [smem:$0x3FA3]  }
0x2e: {  	s3 =	simm.s32 @!p0 $0x1082;
	s9 =	sld [smem:$0x3FA4]  }
0x2f: {  	lr =	sadd.s32 s0, s3;
	s0 =	sld [smem:$0x3F9B]  }
0x30: {  	s3 =	sld [smem:$0x3F9E]  }
0x31: {  	[smem:$0x3FA7] =	sst s10  }
0x32: {  	s10 =	sld [smem:$0x3FA5];
	_ =	sdelay $0x3  }
0x33: {  	p0 =	seq.s32 s10, $0x1;
	s10 =	sld [smem:$0x3FA7];
	_ =	sdelay $0x3  }
0x34: {  	[smem:$0x3FA7] =	sst s10  }
0x35: {  	s10 =	sld [smem:$0x3FA6];
	_ =	sdelay $0x3  }
0x36: {  	p1 =	seq.s32 s10, $0x1;
	s10 =	sld [smem:$0x3FA7];
	_ =	sdelay $0x3  }
0x37: {  	[smem:$0x3FA7] =	sst s10  }
0x38: {  	s10 =	sld [smem:$0x3FA8]  }
0x39: {  	_ = 	snop;
	(pc) =	sbr.ind lr, $3  }
0x3a: {  	_ = 	snop  }
0x3b: {  	_ = 	snop  }
0x3c: {  	p2 =	seq.s32 s10, $0x1;
	s10 =	sld [smem:$0x3FA7]  }
0x3d: {  	_ =	shalt  }
0x3e: {  	_ =	shalt  }
0x3f: {  	_ =	shalt  }
0x40: {  	_ =	shalt  }
0x41: {  	_ =	shalt  }
0x42: {  	_ =	shalt  }
0x43: {  	_ =	shalt  }
0x44: {  	_ =	shalt  }
0x45: {  	_ =	shalt  }
0x46: {  	_ =	shalt  }
0x47: {  	_ =	shalt  }
0x48: {  	_ =	shalt  }
0x49: {  	_ =	shalt  }
0x4a: {  	_ =	shalt  }
0x4b: {  	_ =	shalt  }
0x4c: {  	_ =	shalt  }
0x4d: {  	_ =	shalt  }
0x4e: {  	_ =	shalt  }
0x4f: {  	_ =	shalt  }
0x50: {  	_ =	shalt  }
0x51: {  	_ =	shalt  }
0x52: {  	_ =	shalt  }
0x53: {  	_ =	shalt  }
0x54: {  	_ =	shalt  }
0x55: {  	_ =	shalt  }
0x56: {  	_ =	shalt  }
0x57: {  	_ =	shalt  }
0x58: {  	_ =	shalt  }
0x59: {  	_ =	shalt  }
0x5a: {  	_ =	shalt  }
0x5b: {  	_ =	shalt  }
0x5c: {  	_ =	shalt  }
0x5d: {  	_ =	shalt  }
0x5e: {  	_ =	shalt  }
0x5f: {  	_ =	shalt  }
0x60: {  	_ =	shalt  }
0x61: {  	_ =	shalt  }
0x62: {  	_ =	shalt  }
0x63: {  	_ =	shalt  }
0x64: {  	_ =	shalt  }
0x65: {  	_ =	shalt  }
0x66: {  	_ =	shalt  }
0x67: {  	_ =	shalt  }
0x68: {  	_ =	shalt  }
0x69: {  	_ =	shalt  }
0x6a: {  	_ =	shalt  }
0x6b: {  	_ =	shalt  }
0x6c: {  	_ =	shalt  }
0x6d: {  	_ =	shalt  }
0x6e: {  	_ =	shalt  }
0x6f: {  	_ =	shalt  }
0x70: {  	_ =	shalt  }
0x71: {  	_ =	shalt  }
0x72: {  	_ =	shalt  }
0x73: {  	_ =	shalt  }
0x74: {  	_ =	shalt  }
0x75: {  	_ =	shalt  }
0x76: {  	_ =	shalt  }
0x77: {  	_ =	shalt  }
0x78: {  	_ =	shalt  }
0x79: {  	_ =	shalt  }
0x7a: {  	_ =	shalt  }
0x7b: {  	_ =	shalt  }
0x7c: {  	_ =	shalt  }
0x7d: {  	_ =	shalt  }
0x7e: {  	_ =	shalt  }
0x7f: {  	_ =	shalt  }
0x80: {  	_ =	shalt  }
0x81: {  	_ =	shalt  }
0x82: {  	_ =	shalt  }
0x83: {  	_ =	shalt  }
0x84: {  	_ =	shalt  }
0x85: {  	_ =	shalt  }
0x86: {  	_ =	shalt  }
0x87: {  	_ =	shalt  }
.Lfunc_end0:
.L_simem_size_0:
called_computation.7_lowered:
.L_overlay_start_0:
0x88: {  	s2 =	sld [smem:$0x3FD9]  }
0x89: {  	s3 =	sld [smem:$0x3FFE];
	_ =	sdelay $0x1  }
0x8a: {  	s1 =	srdreg.scid  }
0x8b: {  	s0 =	sand.u32 $0x1, s1  }
0x8c: {  	s16 =	sshll.u32 s0, $0xA;
	s2 =	sadd.s32 s3, s2  }
0x8d: {  	s2 =	sadd.s32 s2, s16  }
0x8e: {  	[smem:$0x3FB3] =	sst s2  }
0x8f: {  	_ = 	snop  }
0x90: {  	(tm) =	ssettm $0x1  }
0x91: {  	s17 =	sld [smem:$0x3FFB];
	_ =	sdelay $0x3  }
0x92: {  	_ =	strace s17  }
0x93: {  	s2 =	sld [smem:$0x3FFC];
	_ =	sdelay $0x3  }
0x94: {  	_ =	strace s2  }
0x95: {  	s2 =	sld [smem:$0x3FFD];
	_ =	sdelay $0x3  }
0x96: {  	_ =	strace s2  }
0x97: {  	_ =	strace $0x8FFFFFFF  }
0x98: {  	s18 =	sld [smem:$0x3FDB];
	_ =	sdelay $0x1  }
0x99: {  	s19 =	simm.s32 $_scs_section_size  }
0x9a: {  	s4 =	simm.s32 $_size__tile_overlayer_lowered;
	s5 =	simm.s32 $_tile_overlayer_lowered  }
0x9b: {  	s22 =	simm.s32 $0x1BFF;
	s21 =	sshll.u32 s5, $0x1;
	s2 =	sadd.s32 s19, s18  }
0x9c: {  	s6 =	simm.s32 $0x0;
	s20 =	sshll.u32 s4, $0x1;
	s4 =	sadd.s32 s21, s2  }
0x9d: {  	[timem:s6], [sflag:s22] =	dma.local [hbm:s4], s20  }
0x9e: {  	_ =	swait.ge [sflag:s22], s20  }
0x9f: {  	s3 =	ssub.s32 $0x0, s20;
	[sflag:s22] =	ssyncset.done $0x0  }
0xa0: {  	[sflag:s22] =	ssyncadd.s32 s3;
	_ =	sdelay $0x1  }
0xa1: {  	s23 =	simm.s32 $0x1B8B  }
0xa2: {  	_ =	swait.ge [sflag:s23], $0x1  }
0xa3: {  	[sflag:s23] =	ssyncset.done $0x0  }
0xa4: {  	s25 =	simm.s32 $0x1B8E;
	s24 =	sld [smem:$0x3FFE];
	[sflag:s23] =	ssyncadd.s32 $0xFFFFFFFF  }
0xa5: {  	s26 =	simm.s32 $execute0_lowered;
	[smem:$0x3FD2] =	sst s25  }
0xa6: {  	s4 =	sshll.u32 s26, $0x1;
	_ =	strace $0x8000005B;
	[dreg:$0x1] =	wrdreg $0xFFFFFFFF  }
0xa7: {  	s28 =	simm.s32 $_size_execute0_lowered;
	s2 =	sadd.s32 s2, s4;
	[dreg:$0x0] =	wrdreg $0x0  }
0xa8: {  	s4 =	sshll.u32 s28, $0x1;
	[dreg:$0x2] =	wrdreg s2  }
0xa9: {  	[dreg:$0x3] =	wrdreg s4  }
0xaa: {  	[dreg:$0x4] =	wrdreg $0xC0  }
0xab: {  	_ =	task [dreg:s6], $0x5FFFF  }
0xac: {  	[dreg:$0x1] =	wrdreg $0xFFFFFFFF  }
0xad: {  	[dreg:$0x0] =	wrdreg $0x60  }
0xae: {  	[dreg:$0x2] =	wrdreg s24  }
0xaf: {  	[dreg:$0x3] =	wrdreg $0x9  }
0xb0: {  	_ =	task.clear_ibuf [dreg:s6], $0x4FFFF;
	_ =	strace $0x9000005B  }
0xb1: {  	s29 =	simm.s32 $0x9;
	_ =	strace $0x8000005D  }
0xb2: {  	_ =	swait.ge [sflag:s29], $0x1  }
0xb3: {  	[sflag:s29] =	ssyncadd.s32 $0xFFFFFFFF  }
0xb4: {  	_ =	strace $0x9000005D  }
0xb5: {  	_ =	sfence  }
0xb6: {  	s30 =	sld [smem:$0x0];
	_ =	sdelay $0x2  }
0xb7: {  	s31 =	sshll.u32 s1, $0xD;
	s1 =	sshrl.u32 s1, $0x2  }
0xb8: {  	s3 =	sand.u32 $0x4000, s31;
	s1 =	sadd.s32 s1, s30  }
0xb9: {  	s0 =	sor.u32 s3, s0;
	s1 =	sshll.u32 s1, $0x11  }
0xba: {  	s0 =	sor.u32 s1, s0  }
0xbb: {  	s0 =	sadd.s32 $0x8F2B, s0  }
0xbc: {  	[sflag:s0] =	ssyncadd.remote.s32 $0x1  }
0xbd: {  	_ =	sfence.sel $0xFFFF  }
0xbe: {  	[dreg:$0x0] =	wrdreg $0xFFFFFFFF;
	(pc) =	sbr.abs _section_cstart, $3  }
0xbf: {  	[dreg:$0x1] =	wrdreg $0xFFFFFFFF  }
0xc0: {  	_ =	task.clear_ibuf [dreg:s6], $0x2FFFF;
	_ =	strace $0x9FFFFFFF  }
0xc1: {  	(tm) =	ssettm $0x7FFFFFFF  }
tec
execute0_lowered:
.L_overlay_start_1:
0x0: {  	(tag) =	ssettag $0x1  }
0x1: {  	s4 =	rddreg [dreg:$0x0]  }
0x2: {  	s0 =	rddreg [dreg:$0x1];
	s2 =	simm.s32 $0x0;
	s1 =	stileid.u32  }
0x3: {  	s3 =	srdreg.scid;
	s10 =	simm.s32 $0x0;
	s6 =	smul.u32 $0x1F500, s1  }
0x4: {  	[smem:$0x7FF] =	sst s2;
	s5 =	sand.u32 $0x1, s3;
	s8 =	smul.u32 $0xBBE00, s1  }
0x5: {  	s3 =	sadd.s32 $0x113400, s4;
	s7 =	smul.u32 $0xFA80, s5;
	s9 =	ssub.s32 $0x2, s5  }
0x6: {  	_ =	strace $0x8000005C;
	s5 =	smul.u32 $0x5DF00, s5;
	s31 =	sshrl.u32 s9, $0x1  }
0x7: {  	s8 =	sadd.s32 s8, s4;
	s6 =	sadd.s32 s7, s6;
	s7 =	ssub.s32 s9, s31  }
0x8: {  	s5 =	sadd.s32 s5, s8;
	s8 =	simm.s32 $0x80;
	s6 =	sshrl.u32 s6, $0x3  }
0x9: {  	s9 =	simm.s32 $0x1;
	s5 =	sadd.s32 $0x32D000, s5;
	s6 =	sadd.s32 s6, s4  }
0xa: {  	s4 =	smax.u32 s7, $0x1;
	s7 =	simm.s32 $0x2;
	s6 =	sadd.s32 $0xD4A00, s6  }
.LBB2_1:
0xb: {  	s11 =	sadd.s32 $0x0, s6  }
0xc: {  	[tilespmem:s2], [sflag:$0x2] =	stream.linear.gather [hbm4b:s11+s2], $0x80, $0x38;
	[tilespmem:$0x1880] =	vst v63  }
0xd: {  	_ =	swait.ge [sflag:s7], $0x80  }
0xe: {  	[sflag:s7] =	ssyncset.done $0x0  }
0xf: {  	[sflag:s7] =	ssyncadd.s32 $0xFFFFFF80  }
0x10: {  	[tilespmem:s8], [sflag:$0x1] =	stream.indirect.gather [hbm4b:s3+s8], $0x30, s2, s8, $0xb8;
	[tilespmem:$0x1880] =	vst v63  }
0x11: {  	_ =	swait.ge [sflag:s9], $0x1800  }
0x12: {  	[sflag:s9] =	ssyncset.done $0x0  }
0x13: {  	[sflag:s9] =	ssyncadd.s32 $0xFFFFE800  }
0x14: {  	[hbm4b:s5+s2] =	stream.linear.scatter [tilespmem:s8], [sflag:$0x2], $0x1800, $0x38;
	[tilespmem:$0x1880] =	vst v63  }
0x15: {  	s12 =	simm.s32 $0x10;
	_ =	swait.ge [sflag:s7], $0x1800  }
0x16: {  	s13 =	simm.s32 $0x20;
	s11 =	sadd.s32 $0x300, s5;
	[sflag:s7] =	ssyncset.done $0x0  }
.LBB2_2:
0x17: {  	s14 =	sadd.s32 s12, s6  }
0x18: {  	[sflag:s7] =	ssyncadd.s32 $0xFFFFE800;
	s12 =	smov.u32 s13;
	s15 =	sadd.s32 $0x10, s13  }
0x19: {  	[tilespmem:s2], [sflag:$0x2] =	stream.linear.gather [hbm4b:s14+s2], $0x80, $0x38;
	[tilespmem:$0x1880] =	vst v63  }
0x1a: {  	p0 =	sne.s32 s13, $0x1F40;
	_ =	swait.ge [sflag:s7], $0x80  }
0x1b: {  	[sflag:s7] =	ssyncset.done $0x0  }
0x1c: {  	[sflag:s7] =	ssyncadd.s32 $0xFFFFFF80  }
0x1d: {  	[tilespmem:s8], [sflag:$0x1] =	stream.indirect.gather [hbm4b:s3+s8], $0x30, s2, s8, $0xb8;
	[tilespmem:$0x1880] =	vst v63  }
0x1e: {  	_ =	swait.ge [sflag:s9], $0x1800  }
.Ltmp0:
0x1f: {  	[sflag:s9] =	ssyncset.done $0x0;
	(pc) =	sbr.rel @p0 .LBB2_2-.Ltmp0, $4  }
0x20: {  	[sflag:s9] =	ssyncadd.s32 $0xFFFFE800  }
0x21: {  	[hbm4b:s11+s2] =	stream.linear.scatter [tilespmem:s8], [sflag:$0x2], $0x1800, $0x38;
	[tilespmem:$0x1880] =	vst v63  }
0x22: {  	_ =	swait.ge [sflag:s7], $0x1800  }
0x23: {  	s13 =	smov.u32 s15;
	s11 =	sadd.s32 $0x300, s11;
	[sflag:s7] =	ssyncset.done $0x0  }
0x24: {  	s12 =	sadd.s32 s12, s6;
	[sflag:s7] =	ssyncadd.s32 $0xFFFFE800  }
0x25: {  	[tilespmem:s2], [sflag:$0x2] =	stream.linear.gather [hbm4b:s12+s2], $0x80, $0x38;
	[tilespmem:$0x1880] =	vst v63  }
0x26: {  	_ =	swait.ge [sflag:s7], $0x80  }
0x27: {  	[sflag:s7] =	ssyncset.done $0x0  }
0x28: {  	[sflag:s7] =	ssyncadd.s32 $0xFFFFFF80  }
0x29: {  	[tilespmem:s8], [sflag:$0x1] =	stream.indirect.gather [hbm4b:s3+s8], $0x30, s2, s8, $0xb8;
	[tilespmem:$0x1880] =	vst v63  }
0x2a: {  	s10 =	sadd.s32 $0x1, s10;
	_ =	swait.ge [sflag:s9], $0x1800  }
0x2b: {  	p0 =	sne.s32 s10, s4;
	[sflag:s9] =	ssyncset.done $0x0  }
.Ltmp1:
0x2c: {  	[sflag:s9] =	ssyncadd.s32 $0xFFFFE800;
	(pc) =	sbr.rel @p0 .LBB2_1-.Ltmp1, $4  }
0x2d: {  	[hbm4b:s11+s2] =	stream.linear.scatter [tilespmem:s8], [sflag:$0x2], $0x1800, $0x38;
	[tilespmem:$0x1880] =	vst v63  }
0x2e: {  	_ =	swait.ge [sflag:s7], $0x1800  }
0x2f: {  	[sflag:s7] =	ssyncset.done $0x0  }
0x30: {  	[sflag:s7] =	ssyncadd.s32 $0xFFFFE800  }
0x31: {  	_ =	sfence.sel $0x180000  }
0x32: {  	[bflag:$0x0] =	sbarrier.arrive $0xFFFF  }
0x33: {  	p0 =	sne.s32 s1, $0x0;
	_ =	strace $0x9000005C  }
0x34: {  	s0 =	sadd.s32 @!p0 $0x100000, s0;
	[bflag:$0x2] =	sbarrier.arrive $0xFFFF  }
0x35: {  	[sflag:s0] =	ssyncadd.tile.s32 @!p0 $0x1;
	_ =	shalt  }
.Lfunc_end2:
_tile_overlayer_lowered:
.L_overlay_start_2:
0x36: {  	(tag) =	ssettag $0x2  }
0x37: {  	s0 =	rddreg [dreg:$0x0];
	s2 =	stileid.u32  }
0x38: {  	s1 =	rddreg [dreg:$0x1];
	p0 =	sne.s32 s2, $0x0  }
0x39: {  	s3 =	rddreg [dreg:$0x2];
	[bflag:$0x3] =	sbarrier.arrive $0xFFFF;
	s2 =	simm.s32 @!p0 $0x1C02  }
0x3a: {  	[timem:s3], [sflag:s2] =	dma.local @!p0 [hbm:s0], s1  }
0x3b: {  	s0 =	simm.s32 @!p0 $0x2  }
0x3c: {  	_ =	swait.ge @!p0 [sflag:s0], s1  }
0x3d: {  	s1 =	ssub.s32 @!p0 $0x0, s1;
	[sflag:s0] =	ssyncset.done @!p0 $0x0  }
0x3e: {  	[sflag:s0] =	ssyncadd.s32 @!p0 s1  }
0x3f: {  	[bflag:$0x3] =	sbarrier.arrive $0xFFFF  }
0x40: {  	_ =	shalt  }

</sc_bundles>
